<compile_context>
chip_gen: v7x
topology: tpu7x:2x2x1
jax: 0.10.2.dev20260603
libtpu: 0.0.44.dev20260713+nightly
codegen_flags: <defaults>
</compile_context>

<pallas_src>
import functools

import jax
import jax.numpy as jnp
from jax import lax
from jax.experimental import pallas as pl
from jax.experimental.pallas import tpu as pltpu
from jax.experimental.pallas import tpu_sc as plsc

_B, _N, _C = 8, 8192, 64
_S, _K = 1024, 32
_R2 = 0.2 * 0.2
_COUT = 128



_NCH = _N // 128


def _fps_body(xyz_ref, cx_ref, cy_ref, cz_ref, dists_ref):
    iota_l = lax.broadcasted_iota(jnp.int32, (_B, 128), 1)
    big = jnp.full((_B, 128), 1e10, jnp.float32)
    for j in range(_NCH):
        dists_ref[:, j * 128:(j + 1) * 128] = big

    def blk_body(blk, carry):

        def it_body(i2, carry2):
            far, a128x, a128y, a128z = carry2
            zc = jnp.zeros((_B, 128), jnp.float32)
            ax = [zc] * 4
            ay = [zc] * 4
            az = [zc] * 4
            for j in range(_NCH):
                sl = slice(j * 128, (j + 1) * 128)
                k = j % 4
                eq = iota_l == (far - j * 128)
                ax[k] = ax[k] + jnp.where(eq, xyz_ref[0, :, sl], 0.0)
                ay[k] = ay[k] + jnp.where(eq, xyz_ref[1, :, sl], 0.0)
                az[k] = az[k] + jnp.where(eq, xyz_ref[2, :, sl], 0.0)
            cx = jnp.sum((ax[0] + ax[1]) + (ax[2] + ax[3]), axis=1, keepdims=True)
            cy = jnp.sum((ay[0] + ay[1]) + (ay[2] + ay[3]), axis=1, keepdims=True)
            cz = jnp.sum((az[0] + az[1]) + (az[2] + az[3]), axis=1, keepdims=True)
            eql = iota_l == i2
            a128x = jnp.where(eql, cx, a128x)
            a128y = jnp.where(eql, cy, a128y)
            a128z = jnp.where(eql, cz, a128z)
            rm = [jnp.full((_B, 128), -1.0, jnp.float32)] * 4
            ridx = [jnp.zeros((_B, 128), jnp.int32)] * 4
            for j in range(_NCH):
                sl = slice(j * 128, (j + 1) * 128)
                k = j % 4
                dx = xyz_ref[0, :, sl] - cx
                dy = xyz_ref[1, :, sl] - cy
                dz = xyz_ref[2, :, sl] - cz
                d = (dx * dx + dz * dz) + dy * dy
                dj = jnp.minimum(dists_ref[:, sl], d)
                dists_ref[:, sl] = dj
                upd = dj > rm[k]
                ridx[k] = jnp.where(upd, iota_l + j * 128, ridx[k])
                rm[k] = jnp.maximum(rm[k], dj)
            finv = jnp.maximum(
                jnp.maximum(rm[0], rm[1]), jnp.maximum(rm[2], rm[3])
            )
            fin = jnp.max(finv, axis=1, keepdims=True)
            cands = [
                jnp.where(rm[k] == fin, ridx[k], _N) for k in range(4)
            ]
            cand = jnp.minimum(
                jnp.minimum(cands[0], cands[1]), jnp.minimum(cands[2], cands[3])
            )
            far = jnp.min(cand, axis=1, keepdims=True)
            return far, a128x, a128y, a128z

        far, a128x, a128y, a128z = lax.fori_loop(0, 128, it_body, carry)
        base = pl.multiple_of(blk * 128, 128)
        cx_ref[:, pl.ds(base, 128)] = a128x
        cy_ref[:, pl.ds(base, 128)] = a128y
        cz_ref[:, pl.ds(base, 128)] = a128z
        return far, a128x, a128y, a128z

    z128 = jnp.zeros((_B, 128), jnp.float32)
    lax.fori_loop(
        0,
        _S // 128,
        blk_body,
        (jnp.zeros((_B, 1), jnp.int32), z128, z128, z128),
    )


def _fps(xyz_t):
    out = jax.ShapeDtypeStruct((_B, _S), jnp.float32)
    return pl.pallas_call(
        _fps_body,
        out_shape=[out, out, out],
        scratch_shapes=[pltpu.VMEM((_B, _N), jnp.float32)],
    )(xyz_t)



_NW = 32
_CPW = _B * _S // _NW
_QPB = _NW // _B
_NCHUNK = _N // 16


_UNROLL = 4
_NGRP = _N // (16 * _UNROLL)


def _bq_body(
    x_hbm, y_hbm, z_hbm, cx_hbm, cy_hbm, cz_hbm, feats_hbm,
    gf_hbm,
    xv, yv, zv, cxv, cyv, czv, idxbuf,
    idxf0, idxf1, rows0, rows1,
    gsem0, gsem1, gfsem0, gfsem1,
):
    wid = lax.axis_index("s") * 2 + lax.axis_index("c")
    b = wid // _QPB
    q = wid % _QPB
    pltpu.sync_copy(x_hbm.at[pl.ds(b * _N, _N)], xv)
    pltpu.sync_copy(y_hbm.at[pl.ds(b * _N, _N)], yv)
    pltpu.sync_copy(z_hbm.at[pl.ds(b * _N, _N)], zv)
    pltpu.sync_copy(cx_hbm.at[pl.ds(b * _S, _S)], cxv)
    pltpu.sync_copy(cy_hbm.at[pl.ds(b * _S, _S)], cyv)
    pltpu.sync_copy(cz_hbm.at[pl.ds(b * _S, _S)], czv)

    lanes = lax.iota(jnp.int32, 16)
    zeros_i = jnp.zeros((16,), jnp.int32)
    r2 = jnp.float32(_R2)

    sets = (
        (idxf0, rows0, gsem0, gfsem0),
        (idxf1, rows1, gsem1, gfsem1),
    )

    def gc_of(g):
        return b * _S + g * _QPB + q

    def finish(g_prev, st):
        idxf, rows, gsem, gfsem = st
        pltpu.make_async_copy(feats_hbm.at[idxf], rows, gsem).wait()
        sidx = g_prev * _QPB + q
        gi = jnp.full((16,), sidx, jnp.int32)
        ccx = plsc.load_gather(cxv, [gi])
        ccy = plsc.load_gather(cyv, [gi])
        ccz = plsc.load_gather(czv, [gi])
        for s in range(_K // 16):
            pos = lanes + s * 16
            sel = idxf[s * 16:(s + 1) * 16] - b * _N
            relx = plsc.load_gather(xv, [sel]) - ccx
            rely = plsc.load_gather(yv, [sel]) - ccy
            relz = plsc.load_gather(zv, [sel]) - ccz
            c0 = jnp.zeros((16,), jnp.int32)
            plsc.store_scatter(rows, [pos, c0], relx)
            plsc.store_scatter(rows, [pos, c0 + 1], rely)
            plsc.store_scatter(rows, [pos, c0 + 2], relz)
        gc = gc_of(g_prev)
        pltpu.async_copy(rows, gf_hbm.at[pl.ds(gc * _K, _K)], gfsem)

    def phase(g, cur, prv):
        idxf, rows, gsem, gfsem = cur
        sidx = g * _QPB + q
        gi = jnp.full((16,), sidx, jnp.int32)
        ccx = plsc.load_gather(cxv, [gi])
        ccy = plsc.load_gather(cyv, [gi])
        ccz = plsc.load_gather(czv, [gi])
        idxbuf[0:16] = zeros_i

        def cond(st):
            cnt, j = st
            return (cnt < _K) & (j < _NGRP)

        def scan_body(st):
            cnt, j = st
            off = j * (16 * _UNROLL)
            ms = []
            for u in range(_UNROLL):
                o2 = off + u * 16
                px = xv[pl.ds(o2, 16)]
                py = yv[pl.ds(o2, 16)]
                pz = zv[pl.ds(o2, 16)]
                dx = px - ccx
                dy = py - ccy
                dz = pz - ccz
                d2 = (dx * dx + dz * dz) + dy * dy
                ms.append((o2, d2 <= r2))
            c0 = cnt
            for o2, m in ms:
                plsc.store_compressed(idxbuf.at[pl.ds(c0, 16)], o2 + lanes, mask=m)
                c0 = c0 + jnp.sum(jnp.where(m, jnp.int32(1), jnp.int32(0)))
            return c0, j + jnp.int32(1)

        cnt, _ = lax.while_loop(cond, scan_body, (jnp.int32(0), jnp.int32(0)))

        @pl.when(g >= 2)
        def _():
            gc2 = gc_of(g - 2)
            pltpu.make_async_copy(
                rows, gf_hbm.at[pl.ds(gc2 * _K, _K)], gfsem
            ).wait()

        first = plsc.load_gather(idxbuf, [zeros_i])
        cntv = jnp.full((16,), cnt, jnp.int32)
        for s in range(_K // 16):
            pos = lanes + s * 16
            cur_idx = idxbuf[s * 16:(s + 1) * 16]
            sel = jnp.where(pos < cntv, cur_idx, first)
            idxf[s * 16:(s + 1) * 16] = sel + b * _N
        pltpu.async_copy(feats_hbm.at[idxf], rows, gsem)

        @pl.when(g >= 1)
        def _():
            finish(g - 1, prv)

    def outer_body(o, carry):
        phase(o * 2, sets[0], sets[1])
        phase(o * 2 + 1, sets[1], sets[0])
        return carry

    lax.fori_loop(0, _CPW // 2, outer_body, jnp.int32(0))

    last = _CPW - 1
    finish(last, sets[1])
    for g_done, st in ((last - 1, sets[0]), (last, sets[1])):
        idxf, rows, gsem, gfsem = st
        gc = gc_of(g_done)
        pltpu.make_async_copy(rows, gf_hbm.at[pl.ds(gc * _K, _K)], gfsem).wait()


def _ball_group(x, y, z, cx, cy, cz, table):
    mesh = plsc.VectorSubcoreMesh(core_axis_name="c", subcore_axis_name="s")
    kfn = functools.partial(
        pl.kernel,
        mesh=mesh,
        out_type=jax.ShapeDtypeStruct((_B * _S * _K, 128), jnp.float32),
        scratch_types=[
            pltpu.VMEM((_N,), jnp.float32),
            pltpu.VMEM((_N,), jnp.float32),
            pltpu.VMEM((_N,), jnp.float32),
            pltpu.VMEM((_S,), jnp.float32),
            pltpu.VMEM((_S,), jnp.float32),
            pltpu.VMEM((_S,), jnp.float32),
            pltpu.VMEM((128,), jnp.int32),
            pltpu.VMEM((_K,), jnp.int32),
            pltpu.VMEM((_K,), jnp.int32),
            pltpu.VMEM((_K, 128), jnp.float32),
            pltpu.VMEM((_K, 128), jnp.float32),
            pltpu.SemaphoreType.DMA,
            pltpu.SemaphoreType.DMA,
            pltpu.SemaphoreType.DMA,
            pltpu.SemaphoreType.DMA,
        ],
        compiler_params=pltpu.CompilerParams(needs_layout_passes=False),
    )(_bq_body)
    return kfn(x, y, z, cx, cy, cz, table)



_TS = 128


def _mlp_body(gf_ref, w0_ref, b0_ref, w1_ref, b1_ref, out_ref):
    h = jnp.dot(gf_ref[...], w0_ref[...], preferred_element_type=jnp.float32)
    h = jnp.maximum(h + b0_ref[...], 0.0)
    h2 = jnp.dot(h, w1_ref[...], preferred_element_type=jnp.float32)
    h2 = jnp.maximum(h2 + b1_ref[...], 0.0)
    p = jnp.max(h2.reshape(_TS, _K, _COUT), axis=1)
    out_ref[0] = p.T


def _mlp(gf, w0, b0, w1, b1):
    nsi = _S // _TS
    grid = (_B, nsi)
    return pl.pallas_call(
        _mlp_body,
        grid=grid,
        in_specs=[
            pl.BlockSpec((_TS * _K, 128), lambda bi, si: (bi * nsi + si, 0)),
            pl.BlockSpec((128, _C), lambda bi, si: (0, 0)),
            pl.BlockSpec((1, _C), lambda bi, si: (0, 0)),
            pl.BlockSpec((_C, _COUT), lambda bi, si: (0, 0)),
            pl.BlockSpec((1, _COUT), lambda bi, si: (0, 0)),
        ],
        out_specs=pl.BlockSpec((1, _COUT, _TS), lambda bi, si: (bi, 0, si)),
        out_shape=jax.ShapeDtypeStruct((_B, _COUT, _S), jnp.float32),
    )(gf, w0, b0, w1, b1)




def kernel(xyz, features, W0, b0, W1, b1):
    xyz_t = jnp.transpose(xyz, (2, 0, 1))
    cx, cy, cz = _fps(xyz_t)
    new_xyz = jnp.stack([cx, cy, cz], axis=-1)

    feats_t = jnp.transpose(features, (0, 2, 1)).reshape(_B * _N, _C)
    table = (
        jnp.zeros((_B * _N, 128), jnp.float32).at[:, 64:].set(feats_t)
    )
    x = xyz_t[0].reshape(_B * _N)
    y = xyz_t[1].reshape(_B * _N)
    z = xyz_t[2].reshape(_B * _N)
    gf = _ball_group(
        x, y, z, cx.reshape(-1), cy.reshape(-1), cz.reshape(-1), table
    )

    w0 = (
        jnp.zeros((128, _C), jnp.float32)
        .at[:3, :].set(W0[:, :3].T)
        .at[64:, :].set(W0[:, 3:].T)
    )
    w1 = W1.T
    new_features = _mlp(gf, w0, b0.reshape(1, _C), w1, b1.reshape(1, _COUT))
    return new_xyz, new_features

# --- scband reference (transcript-rebuilt; emitter-appended) ---
"""Pipeline reference for scband-pointnet-samodule-base-55327768708591 (READ-ONLY COPY).

The authoritative reference and input builder live on the scoring server;
editing this copy changes nothing except your own understanding.
"""

import jax, jax.numpy as jnp
import numpy as np

B, N, C_IN = 8, 8192, 64
NPOINT, NSAMPLE, RADIUS = 1024, 32, 0.2
MLP_DIMS = [C_IN + 3, 64, 128]


def setup_inputs(seed: int = 0):
    key = jax.random.key(seed)
    k1, k2, k3, k4 = jax.random.split(key, 4)
    xyz = jax.random.uniform(k1, (B, N, 3), dtype=jnp.float32)
    features = jax.random.normal(k2, (B, C_IN, N), dtype=jnp.float32)
    W0 = jax.random.normal(k3, (MLP_DIMS[1], MLP_DIMS[0]), dtype=jnp.float32) * 0.05
    b0 = jnp.zeros((MLP_DIMS[1],), dtype=jnp.float32)
    W1 = jax.random.normal(k4, (MLP_DIMS[2], MLP_DIMS[1]), dtype=jnp.float32) * 0.05
    b1 = jnp.zeros((MLP_DIMS[2],), dtype=jnp.float32)
    return {"xyz": xyz, "features": features, "W0": W0, "b0": b0, "W1": W1, "b1": b1}


def farthest_point_sample(xyz, npoint):
    b, n, _ = xyz.shape

    def body(i, state):
        inds, dists, farthest = state
        inds = inds.at[:, i].set(farthest)
        centroid = jnp.take_along_axis(xyz, farthest[:, None, None], axis=1)
        d = jnp.sum((xyz - centroid) ** 2, axis=-1)
        dists = jnp.minimum(dists, d)
        farthest = jnp.argmax(dists, axis=-1).astype(jnp.int32)
        return inds, dists, farthest

    inds0 = jnp.zeros((b, npoint), dtype=jnp.int32)
    d0 = jnp.full((b, n), 1e10, dtype=jnp.float32)
    f0 = jnp.zeros((b,), dtype=jnp.int32)
    inds, _, _ = jax.lax.fori_loop(0, npoint, body, (inds0, d0, f0))
    return inds


def ball_query(xyz, new_xyz, radius, nsample):
    n = xyz.shape[1]
    sqr = jnp.sum((new_xyz[:, :, None, :] - xyz[:, None, :, :]) ** 2, axis=-1)
    mask = sqr <= radius * radius
    cand = jnp.where(mask, jnp.arange(n, dtype=jnp.int32)[None, None, :], n)
    cand = jnp.sort(cand, axis=-1)[:, :, :nsample]
    first = cand[:, :, :1]
    cand = jnp.where(cand == n, jnp.broadcast_to(first, cand.shape), cand)
    cand = jnp.where(cand == n, 0, cand)
    return cand


def reference(xyz, features, W0, b0, W1, b1):
    # furthest point sampling -> new_inds (int, non-differentiable in torch too)
    fps_idx = farthest_point_sample(xyz, NPOINT)
    # gather_nd(xyz_flipped, new_inds, t=True).transpose -> new_xyz [B, npoint, 3]
    new_xyz = jnp.take_along_axis(xyz, fps_idx[:, :, None].astype(jnp.int32), axis=1)
    # grouper: ball query + grouping (QueryAndGroup with use_xyz=True)
    grp_idx = ball_query(xyz, new_xyz, RADIUS, NSAMPLE)  # [B, S, K]
    grouped_xyz = jax.vmap(lambda p, i: p[i])(xyz, grp_idx)  # [B, S, K, 3]
    grouped_xyz = grouped_xyz - new_xyz[:, :, None, :]
    feats_t = jnp.transpose(features, (0, 2, 1))  # [B, N, C]
    grouped_feats = jax.vmap(lambda p, i: p[i])(feats_t, grp_idx)  # [B, S, K, C]
    g = jnp.concatenate([grouped_xyz, grouped_feats], axis=-1)  # [B, S, K, 3+C]
    # shared MLP (1x1 conv2d equivalents) + ReLU
    h = jax.nn.relu(jnp.einsum('bskc,oc->bsko', g, W0) + b0)
    h = jax.nn.relu(jnp.einsum('bskc,oc->bsko', h, W1) + b1)
    # max_pool2d over the nsample dimension, squeeze
    pooled = jnp.max(h, axis=2)  # [B, S, Cout]
    new_features = jnp.transpose(pooled, (0, 2, 1))  # [B, Cout, npoint]
    return new_xyz, new_features

if __name__ == "__main__":
    import jax
    _d = setup_inputs()
    print(jax.jit(kernel)(*tuple(_d.values())))

</pallas_src>

<mosaic_0001>
#map = affine_map<(d0, d1) -> (0)>
#map1 = affine_map<(d0, d1) -> (0, 0)>
module attributes {stable_mosaic.version = 14 : i64} {
  func.func @_bq_body(%arg0: i32, %arg1: i32, %arg2: memref<65536xf32, #tpu.memory_space<hbm>>, %arg3: memref<65536xf32, #tpu.memory_space<hbm>>, %arg4: memref<65536xf32, #tpu.memory_space<hbm>>, %arg5: memref<8192xf32, #tpu.memory_space<hbm>>, %arg6: memref<8192xf32, #tpu.memory_space<hbm>>, %arg7: memref<8192xf32, #tpu.memory_space<hbm>>, %arg8: memref<65536x128xf32, #tpu.memory_space<hbm>>, %arg9: memref<262144x128xf32, #tpu.memory_space<hbm>>, %arg10: memref<8192xf32, #tpu.memory_space<vmem>>, %arg11: memref<8192xf32, #tpu.memory_space<vmem>>, %arg12: memref<8192xf32, #tpu.memory_space<vmem>>, %arg13: memref<1024xf32, #tpu.memory_space<vmem>>, %arg14: memref<1024xf32, #tpu.memory_space<vmem>>, %arg15: memref<1024xf32, #tpu.memory_space<vmem>>, %arg16: memref<128xi32, #tpu.memory_space<vmem>>, %arg17: memref<32xi32, #tpu.memory_space<vmem>>, %arg18: memref<32xi32, #tpu.memory_space<vmem>>, %arg19: memref<32x128xf32, #tpu.memory_space<vmem>>, %arg20: memref<32x128xf32, #tpu.memory_space<vmem>>, %arg21: memref<!tpu.dma_semaphore, #tpu.memory_space<semaphore_mem>>, %arg22: memref<!tpu.dma_semaphore, #tpu.memory_space<semaphore_mem>>, %arg23: memref<!tpu.dma_semaphore, #tpu.memory_space<semaphore_mem>>, %arg24: memref<!tpu.dma_semaphore, #tpu.memory_space<semaphore_mem>>) attributes {dimension_semantics = [#tpu.dimension_semantics<core_parallel>, #tpu.dimension_semantics<subcore_parallel>], iteration_bounds = array<i64: 2, 16>, scalar_prefetch = 0 : i64, scratch_operands = 15 : i64, tpu.core_type = #tpu.core_type<sc_vector_subcore>, window_params = [{transform_indices = #map}, {transform_indices = #map}, {transform_indices = #map}, {transform_indices = #map}, {transform_indices = #map}, {transform_indices = #map}, {transform_indices = #map1}, {transform_indices = #map1}]} {
    %mul3A = arith.constant 2 : i32
    %mul3A_0 = arith.muli %arg1, %mul3A : i32
    %add3A = arith.addi %mul3A_0, %arg0 : i32
    %jit3A = arith.constant 4 : i32
    %div3A = arith.divsi %add3A, %jit3A : i32
    %sign3A = arith.constant 0 : i32
    %sign3A_1 = arith.cmpi sgt, %add3A, %sign3A : i32
    %sign3A_2 = arith.extui %sign3A_1 : i1 to i32
    %sign3A_3 = arith.constant 0 : i32
    %sign3A_4 = arith.cmpi slt, %add3A, %sign3A_3 : i32
    %sign3A_5 = arith.extui %sign3A_4 : i1 to i32
    %sign3A_6 = arith.subi %sign3A_2, %sign3A_5 : i32
    %sign3A_7 = arith.constant 0 : i32
    %sign3A_8 = arith.cmpi sgt, %jit3A, %sign3A_7 : i32
    %sign3A_9 = arith.extui %sign3A_8 : i1 to i32
    %sign3A_10 = arith.constant 0 : i32
    %sign3A_11 = arith.cmpi slt, %jit3A, %sign3A_10 : i32
    %sign3A_12 = arith.extui %sign3A_11 : i1 to i32
    %sign3A_13 = arith.subi %sign3A_9, %sign3A_12 : i32
    %ne3A = arith.cmpi ne, %sign3A_6, %sign3A_13 : i32
    %rem3A = arith.remsi %add3A, %jit3A : i32
    %ne3A_14 = arith.constant 0 : i32
    %ne3A_15 = arith.cmpi ne, %rem3A, %ne3A_14 : i32
    %and3A = arith.andi %ne3A, %ne3A_15 : i1
    %sub3A = arith.constant 1 : i32
    %sub3A_16 = arith.subi %div3A, %sub3A : i32
    %select_n3A = arith.select %and3A, %sub3A_16, %div3A : i32
    %jit3A_17 = arith.constant 4 : i32
    %eq3A = arith.constant 0 : i32
    %eq3A_18 = arith.cmpi eq, %jit3A_17, %eq3A : i32
    %jit3A_19 = arith.constant 1 : i32
    %select_n3A_20 = arith.select %eq3A_18, %jit3A_19, %jit3A_17 : i32
    %rem3A_21 = arith.remsi %add3A, %select_n3A_20 : i32
    %ne3A_22 = arith.constant 0 : i32
    %ne3A_23 = arith.cmpi ne, %rem3A_21, %ne3A_22 : i32
    %lt3A = arith.constant 0 : i32
    %lt3A_24 = arith.cmpi slt, %rem3A_21, %lt3A : i32
    %lt3A_25 = arith.constant 0 : i32
    %lt3A_26 = arith.cmpi slt, %select_n3A_20, %lt3A_25 : i32
    %ne3A_27 = arith.xori %lt3A_24, %lt3A_26 : i1
    %and3A_28 = arith.andi %ne3A_27, %ne3A_23 : i1
    %add3A_29 = arith.addi %rem3A_21, %select_n3A_20 : i32
    %select_n3A_30 = arith.select %and3A_28, %add3A_29, %rem3A_21 : i32
    %mul3A_31 = arith.constant 8192 : i32
    %mul3A_32 = arith.muli %select_n3A, %mul3A_31 : i32
    "tpu.region"() ({
      %run_scoped3A = tpu.sem_alloc : memref<!tpu.dma_semaphore, #tpu.memory_space<semaphore_mem>>
      %dma_start3A_134 = tpu.memref_slice %arg2[%mul3A_32] : memref<65536xf32, #tpu.memory_space<hbm>> -> memref<8192xf32, #tpu.memory_space<hbm>>
      %dma_start3A_135 = tpu.memref_slice %arg2[%mul3A_32] : memref<65536xf32, #tpu.memory_space<hbm>> -> memref<8192xf32, #tpu.memory_space<hbm>>
      tpu.enqueue_dma source(%dma_start3A_135 : memref<8192xf32, #tpu.memory_space<hbm>>) target(%arg10 : memref<8192xf32, #tpu.memory_space<vmem>>) target_semaphore(%run_scoped3A : memref<!tpu.dma_semaphore, #tpu.memory_space<semaphore_mem>>)
      %dma_wait3A_136 = tpu.memref_slice %arg2[%mul3A_32] : memref<65536xf32, #tpu.memory_space<hbm>> -> memref<8192xf32, #tpu.memory_space<hbm>>
      %dma_wait3A_137 = tpu.memref_slice %arg2[%mul3A_32] : memref<65536xf32, #tpu.memory_space<hbm>> -> memref<8192xf32, #tpu.memory_space<hbm>>
      tpu.wait_dma2 semaphore(%run_scoped3A : memref<!tpu.dma_semaphore, #tpu.memory_space<semaphore_mem>>) src(%dma_wait3A_137 : memref<8192xf32, #tpu.memory_space<hbm>>) dst(%arg10 : memref<8192xf32, #tpu.memory_space<vmem>>)
      tpu.yield
    }) : () -> ()
    %mul3A_33 = arith.constant 8192 : i32
    %mul3A_34 = arith.muli %select_n3A, %mul3A_33 : i32
    "tpu.region"() ({
      %run_scoped3A = tpu.sem_alloc : memref<!tpu.dma_semaphore, #tpu.memory_space<semaphore_mem>>
      %dma_start3A_134 = tpu.memref_slice %arg3[%mul3A_34] : memref<65536xf32, #tpu.memory_space<hbm>> -> memref<8192xf32, #tpu.memory_space<hbm>>
      %dma_start3A_135 = tpu.memref_slice %arg3[%mul3A_34] : memref<65536xf32, #tpu.memory_space<hbm>> -> memref<8192xf32, #tpu.memory_space<hbm>>
      tpu.enqueue_dma source(%dma_start3A_135 : memref<8192xf32, #tpu.memory_space<hbm>>) target(%arg11 : memref<8192xf32, #tpu.memory_space<vmem>>) target_semaphore(%run_scoped3A : memref<!tpu.dma_semaphore, #tpu.memory_space<semaphore_mem>>)
      %dma_wait3A_136 = tpu.memref_slice %arg3[%mul3A_34] : memref<65536xf32, #tpu.memory_space<hbm>> -> memref<8192xf32, #tpu.memory_space<hbm>>
      %dma_wait3A_137 = tpu.memref_slice %arg3[%mul3A_34] : memref<65536xf32, #tpu.memory_space<hbm>> -> memref<8192xf32, #tpu.memory_space<hbm>>
      tpu.wait_dma2 semaphore(%run_scoped3A : memref<!tpu.dma_semaphore, #tpu.memory_space<semaphore_mem>>) src(%dma_wait3A_137 : memref<8192xf32, #tpu.memory_space<hbm>>) dst(%arg11 : memref<8192xf32, #tpu.memory_space<vmem>>)
      tpu.yield
    }) : () -> ()
    %mul3A_35 = arith.constant 8192 : i32
    %mul3A_36 = arith.muli %select_n3A, %mul3A_35 : i32
    "tpu.region"() ({
      %run_scoped3A = tpu.sem_alloc : memref<!tpu.dma_semaphore, #tpu.memory_space<semaphore_mem>>
      %dma_start3A_134 = tpu.memref_slice %arg4[%mul3A_36] : memref<65536xf32, #tpu.memory_space<hbm>> -> memref<8192xf32, #tpu.memory_space<hbm>>
      %dma_start3A_135 = tpu.memref_slice %arg4[%mul3A_36] : memref<65536xf32, #tpu.memory_space<hbm>> -> memref<8192xf32, #tpu.memory_space<hbm>>
      tpu.enqueue_dma source(%dma_start3A_135 : memref<8192xf32, #tpu.memory_space<hbm>>) target(%arg12 : memref<8192xf32, #tpu.memory_space<vmem>>) target_semaphore(%run_scoped3A : memref<!tpu.dma_semaphore, #tpu.memory_space<semaphore_mem>>)
      %dma_wait3A_136 = tpu.memref_slice %arg4[%mul3A_36] : memref<65536xf32, #tpu.memory_space<hbm>> -> memref<8192xf32, #tpu.memory_space<hbm>>
      %dma_wait3A_137 = tpu.memref_slice %arg4[%mul3A_36] : memref<65536xf32, #tpu.memory_space<hbm>> -> memref<8192xf32, #tpu.memory_space<hbm>>
      tpu.wait_dma2 semaphore(%run_scoped3A : memref<!tpu.dma_semaphore, #tpu.memory_space<semaphore_mem>>) src(%dma_wait3A_137 : memref<8192xf32, #tpu.memory_space<hbm>>) dst(%arg12 : memref<8192xf32, #tpu.memory_space<vmem>>)
      tpu.yield
    }) : () -> ()
    %mul3A_37 = arith.constant 1024 : i32
    %mul3A_38 = arith.muli %select_n3A, %mul3A_37 : i32
    "tpu.region"() ({
      %run_scoped3A = tpu.sem_alloc : memref<!tpu.dma_semaphore, #tpu.memory_space<semaphore_mem>>
      %dma_start3A_134 = tpu.memref_slice %arg5[%mul3A_38] : memref<8192xf32, #tpu.memory_space<hbm>> -> memref<1024xf32, #tpu.memory_space<hbm>>
      %dma_start3A_135 = tpu.memref_slice %arg5[%mul3A_38] : memref<8192xf32, #tpu.memory_space<hbm>> -> memref<1024xf32, #tpu.memory_space<hbm>>
      tpu.enqueue_dma source(%dma_start3A_135 : memref<1024xf32, #tpu.memory_space<hbm>>) target(%arg13 : memref<1024xf32, #tpu.memory_space<vmem>>) target_semaphore(%run_scoped3A : memref<!tpu.dma_semaphore, #tpu.memory_space<semaphore_mem>>)
      %dma_wait3A_136 = tpu.memref_slice %arg5[%mul3A_38] : memref<8192xf32, #tpu.memory_space<hbm>> -> memref<1024xf32, #tpu.memory_space<hbm>>
      %dma_wait3A_137 = tpu.memref_slice %arg5[%mul3A_38] : memref<8192xf32, #tpu.memory_space<hbm>> -> memref<1024xf32, #tpu.memory_space<hbm>>
      tpu.wait_dma2 semaphore(%run_scoped3A : memref<!tpu.dma_semaphore, #tpu.memory_space<semaphore_mem>>) src(%dma_wait3A_137 : memref<1024xf32, #tpu.memory_space<hbm>>) dst(%arg13 : memref<1024xf32, #tpu.memory_space<vmem>>)
      tpu.yield
    }) : () -> ()
    %mul3A_39 = arith.constant 1024 : i32
    %mul3A_40 = arith.muli %select_n3A, %mul3A_39 : i32
    "tpu.region"() ({
      %run_scoped3A = tpu.sem_alloc : memref<!tpu.dma_semaphore, #tpu.memory_space<semaphore_mem>>
      %dma_start3A_134 = tpu.memref_slice %arg6[%mul3A_40] : memref<8192xf32, #tpu.memory_space<hbm>> -> memref<1024xf32, #tpu.memory_space<hbm>>
      %dma_start3A_135 = tpu.memref_slice %arg6[%mul3A_40] : memref<8192xf32, #tpu.memory_space<hbm>> -> memref<1024xf32, #tpu.memory_space<hbm>>
      tpu.enqueue_dma source(%dma_start3A_135 : memref<1024xf32, #tpu.memory_space<hbm>>) target(%arg14 : memref<1024xf32, #tpu.memory_space<vmem>>) target_semaphore(%run_scoped3A : memref<!tpu.dma_semaphore, #tpu.memory_space<semaphore_mem>>)
      %dma_wait3A_136 = tpu.memref_slice %arg6[%mul3A_40] : memref<8192xf32, #tpu.memory_space<hbm>> -> memref<1024xf32, #tpu.memory_space<hbm>>
      %dma_wait3A_137 = tpu.memref_slice %arg6[%mul3A_40] : memref<8192xf32, #tpu.memory_space<hbm>> -> memref<1024xf32, #tpu.memory_space<hbm>>
      tpu.wait_dma2 semaphore(%run_scoped3A : memref<!tpu.dma_semaphore, #tpu.memory_space<semaphore_mem>>) src(%dma_wait3A_137 : memref<1024xf32, #tpu.memory_space<hbm>>) dst(%arg14 : memref<1024xf32, #tpu.memory_space<vmem>>)
      tpu.yield
    }) : () -> ()
    %mul3A_41 = arith.constant 1024 : i32
    %mul3A_42 = arith.muli %select_n3A, %mul3A_41 : i32
    "tpu.region"() ({
      %run_scoped3A = tpu.sem_alloc : memref<!tpu.dma_semaphore, #tpu.memory_space<semaphore_mem>>
      %dma_start3A_134 = tpu.memref_slice %arg7[%mul3A_42] : memref<8192xf32, #tpu.memory_space<hbm>> -> memref<1024xf32, #tpu.memory_space<hbm>>
      %dma_start3A_135 = tpu.memref_slice %arg7[%mul3A_42] : memref<8192xf32, #tpu.memory_space<hbm>> -> memref<1024xf32, #tpu.memory_space<hbm>>
      tpu.enqueue_dma source(%dma_start3A_135 : memref<1024xf32, #tpu.memory_space<hbm>>) target(%arg15 : memref<1024xf32, #tpu.memory_space<vmem>>) target_semaphore(%run_scoped3A : memref<!tpu.dma_semaphore, #tpu.memory_space<semaphore_mem>>)
      %dma_wait3A_136 = tpu.memref_slice %arg7[%mul3A_42] : memref<8192xf32, #tpu.memory_space<hbm>> -> memref<1024xf32, #tpu.memory_space<hbm>>
      %dma_wait3A_137 = tpu.memref_slice %arg7[%mul3A_42] : memref<8192xf32, #tpu.memory_space<hbm>> -> memref<1024xf32, #tpu.memory_space<hbm>>
      tpu.wait_dma2 semaphore(%run_scoped3A : memref<!tpu.dma_semaphore, #tpu.memory_space<semaphore_mem>>) src(%dma_wait3A_137 : memref<1024xf32, #tpu.memory_space<hbm>>) dst(%arg15 : memref<1024xf32, #tpu.memory_space<vmem>>)
      tpu.yield
    }) : () -> ()
    %iota3A = tpu.iota {dimensions = array<i32: 0>} : vector<16xi32>
    %broadcast_in_dim3A = arith.constant 0 : i32
    %broadcast_in_dim3A_43 = vector.broadcast %broadcast_in_dim3A : i32 to vector<16xi32>
    %scan3A = arith.constant 0 : i32
    %scan3A_44 = arith.constant 4.000000e-02 : f32
    %scan3A_45 = arith.constant 0 : i32
    %scan3A_46 = arith.constant 128 : i32
    %scan3A_47 = arith.addi %scan3A_45, %scan3A_46 : i32
    %scan3A_48 = arith.constant 1 : i32
    scf.for %scan3A_134 = %scan3A_45 to %scan3A_47 step %scan3A_48  : i32 {
      %mul3A_135 = arith.constant 2 : i32
      %mul3A_136 = arith.muli %scan3A_134, %mul3A_135 : i32
      %mul3A_137 = arith.constant 4 : i32
      %mul3A_138 = arith.muli %mul3A_136, %mul3A_137 : i32
      %add3A_139 = arith.addi %mul3A_138, %select_n3A_30 : i32
      %broadcast_in_dim3A_140 = vector.broadcast %add3A_139 : i32 to vector<16xi32>
      %gather3A_141 = tpu.vector_load_idx %arg13[%broadcast_in_dim3A_140] : memref<1024xf32, #tpu.memory_space<vmem>>[vector<16xi32>], vector<16xf32>,
      %gather3A_142 = tpu.vector_load_idx %arg14[%broadcast_in_dim3A_140] : memref<1024xf32, #tpu.memory_space<vmem>>[vector<16xi32>], vector<16xf32>,
      %gather3A_143 = tpu.vector_load_idx %arg15[%broadcast_in_dim3A_140] : memref<1024xf32, #tpu.memory_space<vmem>>[vector<16xi32>], vector<16xf32>,
      %swap3A = arith.constant 0 : index
      %swap3A_144 = tpu.vector_load %arg16[%swap3A] {strides = array<i32>} : memref<128xi32, #tpu.memory_space<vmem>>, vector<16xi32>,
      tpu.vector_store %arg16[%swap3A], %broadcast_in_dim3A_43 {strides = array<i32>} : memref<128xi32, #tpu.memory_space<vmem>>, vector<16xi32>,
      %while3A = arith.constant 0 : i32
      %while3A_145 = arith.constant 0 : i32
      %while3A_146:2 = scf.while (%while3A_242 = %while3A, %while3A_243 = %while3A_145) : (i32, i32) -> (i32, i32) {
        %lt3A_244 = arith.constant 32 : i32
        %lt3A_245 = arith.cmpi slt, %while3A_242, %lt3A_244 : i32
        %lt3A_246 = arith.constant 128 : i32
        %lt3A_247 = arith.cmpi slt, %while3A_243, %lt3A_246 : i32
        %and3A_248 = arith.andi %lt3A_245, %lt3A_247 : i1
        scf.condition(%and3A_248) %while3A_242, %while3A_243 : i32, i32
      } do {
      ^bb0(%while3A_242: i32, %while3A_243: i32):
        %mul3A_244 = arith.constant 64 : i32
        %mul3A_245 = arith.muli %while3A_243, %mul3A_244 : i32
        %add3A_246 = arith.constant 0 : i32
        %add3A_247 = arith.addi %mul3A_245, %add3A_246 : i32
        %get3A_248 = arith.index_cast %add3A_247 : i32 to index
        %get3A_249 = tpu.vector_load %arg10[%get3A_248] {strides = array<i32>} : memref<8192xf32, #tpu.memory_space<vmem>>, vector<16xf32>,
        %get3A_250 = arith.index_cast %add3A_247 : i32 to index
        %get3A_251 = tpu.vector_load %arg11[%get3A_250] {strides = array<i32>} : memref<8192xf32, #tpu.memory_space<vmem>>, vector<16xf32>,
        %get3A_252 = arith.index_cast %add3A_247 : i32 to index
        %get3A_253 = tpu.vector_load %arg12[%get3A_252] {strides = array<i32>} : memref<8192xf32, #tpu.memory_space<vmem>>, vector<16xf32>,
        %sub3A_254 = arith.subf %get3A_249, %gather3A_141 : vector<16xf32>
        %sub3A_255 = arith.subf %get3A_251, %gather3A_142 : vector<16xf32>
        %sub3A_256 = arith.subf %get3A_253, %gather3A_143 : vector<16xf32>
        %mul3A_257 = arith.mulf %sub3A_254, %sub3A_254 : vector<16xf32>
        %mul3A_258 = arith.mulf %sub3A_256, %sub3A_256 : vector<16xf32>
        %add3A_259 = arith.addf %mul3A_257, %mul3A_258 : vector<16xf32>
        %mul3A_260 = arith.mulf %sub3A_255, %sub3A_255 : vector<16xf32>
        %add3A_261 = arith.addf %add3A_259, %mul3A_260 : vector<16xf32>
        %le3A = vector.broadcast %scan3A_44 : f32 to vector<16xf32>
        %le3A_262 = arith.cmpf ole, %add3A_261, %le3A : vector<16xf32>
        %add3A_263 = arith.constant 16 : i32
        %add3A_264 = arith.addi %mul3A_245, %add3A_263 : i32
        %get3A_265 = arith.index_cast %add3A_264 : i32 to index
        %get3A_266 = tpu.vector_load %arg10[%get3A_265] {strides = array<i32>} : memref<8192xf32, #tpu.memory_space<vmem>>, vector<16xf32>,
        %get3A_267 = arith.index_cast %add3A_264 : i32 to index
        %get3A_268 = tpu.vector_load %arg11[%get3A_267] {strides = array<i32>} : memref<8192xf32, #tpu.memory_space<vmem>>, vector<16xf32>,
        %get3A_269 = arith.index_cast %add3A_264 : i32 to index
        %get3A_270 = tpu.vector_load %arg12[%get3A_269] {strides = array<i32>} : memref<8192xf32, #tpu.memory_space<vmem>>, vector<16xf32>,
        %sub3A_271 = arith.subf %get3A_266, %gather3A_141 : vector<16xf32>
        %sub3A_272 = arith.subf %get3A_268, %gather3A_142 : vector<16xf32>
        %sub3A_273 = arith.subf %get3A_270, %gather3A_143 : vector<16xf32>
        %mul3A_274 = arith.mulf %sub3A_271, %sub3A_271 : vector<16xf32>
        %mul3A_275 = arith.mulf %sub3A_273, %sub3A_273 : vector<16xf32>
        %add3A_276 = arith.addf %mul3A_274, %mul3A_275 : vector<16xf32>
        %mul3A_277 = arith.mulf %sub3A_272, %sub3A_272 : vector<16xf32>
        %add3A_278 = arith.addf %add3A_276, %mul3A_277 : vector<16xf32>
        %le3A_279 = vector.broadcast %scan3A_44 : f32 to vector<16xf32>
        %le3A_280 = arith.cmpf ole, %add3A_278, %le3A_279 : vector<16xf32>
        %add3A_281 = arith.constant 32 : i32
        %add3A_282 = arith.addi %mul3A_245, %add3A_281 : i32
        %get3A_283 = arith.index_cast %add3A_282 : i32 to index
        %get3A_284 = tpu.vector_load %arg10[%get3A_283] {strides = array<i32>} : memref<8192xf32, #tpu.memory_space<vmem>>, vector<16xf32>,
        %get3A_285 = arith.index_cast %add3A_282 : i32 to index
        %get3A_286 = tpu.vector_load %arg11[%get3A_285] {strides = array<i32>} : memref<8192xf32, #tpu.memory_space<vmem>>, vector<16xf32>,
        %get3A_287 = arith.index_cast %add3A_282 : i32 to index
        %get3A_288 = tpu.vector_load %arg12[%get3A_287] {strides = array<i32>} : memref<8192xf32, #tpu.memory_space<vmem>>, vector<16xf32>,
        %sub3A_289 = arith.subf %get3A_284, %gather3A_141 : vector<16xf32>
        %sub3A_290 = arith.subf %get3A_286, %gather3A_142 : vector<16xf32>
        %sub3A_291 = arith.subf %get3A_288, %gather3A_143 : vector<16xf32>
        %mul3A_292 = arith.mulf %sub3A_289, %sub3A_289 : vector<16xf32>
        %mul3A_293 = arith.mulf %sub3A_291, %sub3A_291 : vector<16xf32>
        %add3A_294 = arith.addf %mul3A_292, %mul3A_293 : vector<16xf32>
        %mul3A_295 = arith.mulf %sub3A_290, %sub3A_290 : vector<16xf32>
        %add3A_296 = arith.addf %add3A_294, %mul3A_295 : vector<16xf32>
        %le3A_297 = vector.broadcast %scan3A_44 : f32 to vector<16xf32>
        %le3A_298 = arith.cmpf ole, %add3A_296, %le3A_297 : vector<16xf32>
        %add3A_299 = arith.constant 48 : i32
        %add3A_300 = arith.addi %mul3A_245, %add3A_299 : i32
        %get3A_301 = arith.index_cast %add3A_300 : i32 to index
        %get3A_302 = tpu.vector_load %arg10[%get3A_301] {strides = array<i32>} : memref<8192xf32, #tpu.memory_space<vmem>>, vector<16xf32>,
        %get3A_303 = arith.index_cast %add3A_300 : i32 to index
        %get3A_304 = tpu.vector_load %arg11[%get3A_303] {strides = array<i32>} : memref<8192xf32, #tpu.memory_space<vmem>>, vector<16xf32>,
        %get3A_305 = arith.index_cast %add3A_300 : i32 to index
        %get3A_306 = tpu.vector_load %arg12[%get3A_305] {strides = array<i32>} : memref<8192xf32, #tpu.memory_space<vmem>>, vector<16xf32>,
        %sub3A_307 = arith.subf %get3A_302, %gather3A_141 : vector<16xf32>
        %sub3A_308 = arith.subf %get3A_304, %gather3A_142 : vector<16xf32>
        %sub3A_309 = arith.subf %get3A_306, %gather3A_143 : vector<16xf32>
        %mul3A_310 = arith.mulf %sub3A_307, %sub3A_307 : vector<16xf32>
        %mul3A_311 = arith.mulf %sub3A_309, %sub3A_309 : vector<16xf32>
        %add3A_312 = arith.addf %mul3A_310, %mul3A_311 : vector<16xf32>
        %mul3A_313 = arith.mulf %sub3A_308, %sub3A_308 : vector<16xf32>
        %add3A_314 = arith.addf %add3A_312, %mul3A_313 : vector<16xf32>
        %le3A_315 = vector.broadcast %scan3A_44 : f32 to vector<16xf32>
        %le3A_316 = arith.cmpf ole, %add3A_314, %le3A_315 : vector<16xf32>
        %add3A_317 = vector.broadcast %add3A_247 : i32 to vector<16xi32>
        %add3A_318 = arith.addi %add3A_317, %iota3A : vector<16xi32>
        %swap3A_319 = arith.index_cast %while3A_242 : i32 to index
        %swap3A_320 = tpu.vector_load %arg16[%swap3A_319] masked %le3A_262 {strides = array<i32>} : memref<128xi32, #tpu.memory_space<vmem>>, vector<16xi32>, vector<16xi1>
        tpu.vector_store %arg16[%swap3A_319], %add3A_318 masked %le3A_262 {strides = array<i32>} : memref<128xi32, #tpu.memory_space<vmem>>, vector<16xi32>, vector<16xi1>
        %jit3A_321 = arith.constant 1 : i32
        %jit3A_322 = arith.constant 0 : i32
        %broadcast_in_dim3A_323 = vector.broadcast %jit3A_321 : i32 to vector<16xi32>
        %broadcast_in_dim3A_324 = vector.broadcast %jit3A_322 : i32 to vector<16xi32>
        %select_n3A_325 = arith.select %le3A_262, %broadcast_in_dim3A_323, %broadcast_in_dim3A_324 : vector<16xi1>, vector<16xi32>
        %reduce_sum3A = arith.constant true
        %reduce_sum3A_326 = vector.broadcast %reduce_sum3A : i1 to vector<16xi1>
        %reduce_sum3A_327 = tpu.scan <sum>, %select_n3A_325 masked %reduce_sum3A_326 : vector<16xi32>, vector<16xi1> -> vector<16xi32>
        %reduce_sum3A_328 = vector.extract %reduce_sum3A_327[15] : i32 from vector<16xi32>
        %add3A_329 = arith.addi %while3A_242, %reduce_sum3A_328 : i32
        %add3A_330 = vector.broadcast %add3A_264 : i32 to vector<16xi32>
        %add3A_331 = arith.addi %add3A_330, %iota3A : vector<16xi32>
        %swap3A_332 = arith.index_cast %add3A_329 : i32 to index
        %swap3A_333 = tpu.vector_load %arg16[%swap3A_332] masked %le3A_280 {strides = array<i32>} : memref<128xi32, #tpu.memory_space<vmem>>, vector<16xi32>, vector<16xi1>
        tpu.vector_store %arg16[%swap3A_332], %add3A_331 masked %le3A_280 {strides = array<i32>} : memref<128xi32, #tpu.memory_space<vmem>>, vector<16xi32>, vector<16xi1>
        %jit3A_334 = arith.constant 1 : i32
        %jit3A_335 = arith.constant 0 : i32
        %broadcast_in_dim3A_336 = vector.broadcast %jit3A_334 : i32 to vector<16xi32>
        %broadcast_in_dim3A_337 = vector.broadcast %jit3A_335 : i32 to vector<16xi32>
        %select_n3A_338 = arith.select %le3A_280, %broadcast_in_dim3A_336, %broadcast_in_dim3A_337 : vector<16xi1>, vector<16xi32>
        %reduce_sum3A_339 = arith.constant true
        %reduce_sum3A_340 = vector.broadcast %reduce_sum3A_339 : i1 to vector<16xi1>
        %reduce_sum3A_341 = tpu.scan <sum>, %select_n3A_338 masked %reduce_sum3A_340 : vector<16xi32>, vector<16xi1> -> vector<16xi32>
        %reduce_sum3A_342 = vector.extract %reduce_sum3A_341[15] : i32 from vector<16xi32>
        %add3A_343 = arith.addi %add3A_329, %reduce_sum3A_342 : i32
        %add3A_344 = vector.broadcast %add3A_282 : i32 to vector<16xi32>
        %add3A_345 = arith.addi %add3A_344, %iota3A : vector<16xi32>
        %swap3A_346 = arith.index_cast %add3A_343 : i32 to index
        %swap3A_347 = tpu.vector_load %arg16[%swap3A_346] masked %le3A_298 {strides = array<i32>} : memref<128xi32, #tpu.memory_space<vmem>>, vector<16xi32>, vector<16xi1>
        tpu.vector_store %arg16[%swap3A_346], %add3A_345 masked %le3A_298 {strides = array<i32>} : memref<128xi32, #tpu.memory_space<vmem>>, vector<16xi32>, vector<16xi1>
        %jit3A_348 = arith.constant 1 : i32
        %jit3A_349 = arith.constant 0 : i32
        %broadcast_in_dim3A_350 = vector.broadcast %jit3A_348 : i32 to vector<16xi32>
        %broadcast_in_dim3A_351 = vector.broadcast %jit3A_349 : i32 to vector<16xi32>
        %select_n3A_352 = arith.select %le3A_298, %broadcast_in_dim3A_350, %broadcast_in_dim3A_351 : vector<16xi1>, vector<16xi32>
        %reduce_sum3A_353 = arith.constant true
        %reduce_sum3A_354 = vector.broadcast %reduce_sum3A_353 : i1 to vector<16xi1>
        %reduce_sum3A_355 = tpu.scan <sum>, %select_n3A_352 masked %reduce_sum3A_354 : vector<16xi32>, vector<16xi1> -> vector<16xi32>
        %reduce_sum3A_356 = vector.extract %reduce_sum3A_355[15] : i32 from vector<16xi32>
        %add3A_357 = arith.addi %add3A_343, %reduce_sum3A_356 : i32
        %add3A_358 = vector.broadcast %add3A_300 : i32 to vector<16xi32>
        %add3A_359 = arith.addi %add3A_358, %iota3A : vector<16xi32>
        %swap3A_360 = arith.index_cast %add3A_357 : i32 to index
        %swap3A_361 = tpu.vector_load %arg16[%swap3A_360] masked %le3A_316 {strides = array<i32>} : memref<128xi32, #tpu.memory_space<vmem>>, vector<16xi32>, vector<16xi1>
        tpu.vector_store %arg16[%swap3A_360], %add3A_359 masked %le3A_316 {strides = array<i32>} : memref<128xi32, #tpu.memory_space<vmem>>, vector<16xi32>, vector<16xi1>
        %jit3A_362 = arith.constant 1 : i32
        %jit3A_363 = arith.constant 0 : i32
        %broadcast_in_dim3A_364 = vector.broadcast %jit3A_362 : i32 to vector<16xi32>
        %broadcast_in_dim3A_365 = vector.broadcast %jit3A_363 : i32 to vector<16xi32>
        %select_n3A_366 = arith.select %le3A_316, %broadcast_in_dim3A_364, %broadcast_in_dim3A_365 : vector<16xi1>, vector<16xi32>
        %reduce_sum3A_367 = arith.constant true
        %reduce_sum3A_368 = vector.broadcast %reduce_sum3A_367 : i1 to vector<16xi1>
        %reduce_sum3A_369 = tpu.scan <sum>, %select_n3A_366 masked %reduce_sum3A_368 : vector<16xi32>, vector<16xi1> -> vector<16xi32>
        %reduce_sum3A_370 = vector.extract %reduce_sum3A_369[15] : i32 from vector<16xi32>
        %add3A_371 = arith.addi %add3A_357, %reduce_sum3A_370 : i32
        %add3A_372 = arith.constant 1 : i32
        %add3A_373 = arith.addi %while3A_243, %add3A_372 : i32
        scf.yield %add3A_371, %add3A_373 : i32, i32
      }
      %ge3A = arith.constant 2 : i32
      %ge3A_147 = arith.cmpi sge, %mul3A_136, %ge3A : i32
      %convert_element_type3A = arith.extui %ge3A_147 : i1 to i32
      %cond3A = arith.constant 0 : i32
      %cond3A_148 = arith.cmpi ne, %convert_element_type3A, %cond3A : i32
      scf.if %cond3A_148 {
        %sub3A_242 = arith.constant 2 : i32
        %sub3A_243 = arith.subi %mul3A_136, %sub3A_242 : i32
        %mul3A_244 = arith.constant 1024 : i32
        %mul3A_245 = arith.muli %select_n3A, %mul3A_244 : i32
        %mul3A_246 = arith.constant 4 : i32
        %mul3A_247 = arith.muli %sub3A_243, %mul3A_246 : i32
        %add3A_248 = arith.addi %mul3A_245, %mul3A_247 : i32
        %add3A_249 = arith.addi %add3A_248, %select_n3A_30 : i32
        %mul3A_250 = arith.constant 32 : i32
        %mul3A_251 = arith.muli %add3A_249, %mul3A_250 : i32
        %dma_wait3A_252 = arith.constant 0 : i32
        %dma_wait3A_253 = tpu.memref_slice %arg9[%mul3A_251, %dma_wait3A_252] : memref<262144x128xf32, #tpu.memory_space<hbm>> -> memref<32x128xf32, #tpu.memory_space<hbm>>
        %dma_wait3A_254 = arith.constant 0 : i32
        %dma_wait3A_255 = tpu.memref_slice %arg9[%mul3A_251, %dma_wait3A_254] : memref<262144x128xf32, #tpu.memory_space<hbm>> -> memref<32x128xf32, #tpu.memory_space<hbm>>
        tpu.wait_dma2 semaphore(%arg23 : memref<!tpu.dma_semaphore, #tpu.memory_space<semaphore_mem>>) src(%arg19 : memref<32x128xf32, #tpu.memory_space<vmem>>) dst(%dma_wait3A_255 : memref<32x128xf32, #tpu.memory_space<hbm>>)
      } else {
      }
      %gather3A_149 = tpu.vector_load_idx %arg16[%broadcast_in_dim3A_43] : memref<128xi32, #tpu.memory_space<vmem>>[vector<16xi32>], vector<16xi32>,
      %broadcast_in_dim3A_150 = vector.broadcast %while3A_146#0 : i32 to vector<16xi32>
      %add3A_151 = arith.constant 0 : i32
      %add3A_152 = vector.broadcast %add3A_151 : i32 to vector<16xi32>
      %add3A_153 = arith.addi %iota3A, %add3A_152 : vector<16xi32>
      %get3A_154 = arith.constant 0 : index
      %get3A_155 = tpu.vector_load %arg16[%get3A_154] {strides = array<i32>} : memref<128xi32, #tpu.memory_space<vmem>>, vector<16xi32>,
      %lt3A_156 = arith.cmpi slt, %add3A_153, %broadcast_in_dim3A_150 : vector<16xi32>
      %select_n3A_157 = arith.select %lt3A_156, %get3A_155, %gather3A_149 : vector<16xi1>, vector<16xi32>
      %mul3A_158 = arith.constant 8192 : i32
      %mul3A_159 = arith.muli %select_n3A, %mul3A_158 : i32
      %add3A_160 = vector.broadcast %mul3A_159 : i32 to vector<16xi32>
      %add3A_161 = arith.addi %select_n3A_157, %add3A_160 : vector<16xi32>
      %swap3A_162 = arith.constant 0 : index
      %swap3A_163 = tpu.vector_load %arg17[%swap3A_162] {strides = array<i32>} : memref<32xi32, #tpu.memory_space<vmem>>, vector<16xi32>,
      tpu.vector_store %arg17[%swap3A_162], %add3A_161 {strides = array<i32>} : memref<32xi32, #tpu.memory_space<vmem>>, vector<16xi32>,
      %add3A_164 = arith.constant 16 : i32
      %add3A_165 = vector.broadcast %add3A_164 : i32 to vector<16xi32>
      %add3A_166 = arith.addi %iota3A, %add3A_165 : vector<16xi32>
      %get3A_167 = arith.constant 16 : index
      %get3A_168 = tpu.vector_load %arg16[%get3A_167] {strides = array<i32>} : memref<128xi32, #tpu.memory_space<vmem>>, vector<16xi32>,
      %lt3A_169 = arith.cmpi slt, %add3A_166, %broadcast_in_dim3A_150 : vector<16xi32>
      %select_n3A_170 = arith.select %lt3A_169, %get3A_168, %gather3A_149 : vector<16xi1>, vector<16xi32>
      %mul3A_171 = arith.constant 8192 : i32
      %mul3A_172 = arith.muli %select_n3A, %mul3A_171 : i32
      %add3A_173 = vector.broadcast %mul3A_172 : i32 to vector<16xi32>
      %add3A_174 = arith.addi %select_n3A_170, %add3A_173 : vector<16xi32>
      %swap3A_175 = arith.constant 16 : index
      %swap3A_176 = tpu.vector_load %arg17[%swap3A_175] {strides = array<i32>} : memref<32xi32, #tpu.memory_space<vmem>>, vector<16xi32>,
      tpu.vector_store %arg17[%swap3A_175], %add3A_174 {strides = array<i32>} : memref<32xi32, #tpu.memory_space<vmem>>, vector<16xi32>,
      %dma_start3A_177 = arith.constant 0 : i32
      %dma_start3A_178 = arith.constant 0 : i32
      %dma_start3A_179 = tpu.memref_slice %arg8[%dma_start3A_177, %dma_start3A_178] : memref<65536x128xf32, #tpu.memory_space<hbm>> -> memref<65536x128xf32, #tpu.memory_space<hbm>>
      tpu.enqueue_indirect_dma source(%dma_start3A_179 : memref<65536x128xf32, #tpu.memory_space<hbm>>) target(%arg19 : memref<32x128xf32, #tpu.memory_space<vmem>>) offsets(%arg17 : memref<32xi32, #tpu.memory_space<vmem>>) semaphore(%arg21 : memref<!tpu.dma_semaphore, #tpu.memory_space<semaphore_mem>>)
      %ge3A_180 = arith.constant 1 : i32
      %ge3A_181 = arith.cmpi sge, %mul3A_136, %ge3A_180 : i32
      %convert_element_type3A_182 = arith.extui %ge3A_181 : i1 to i32
      %cond3A_183 = arith.constant 0 : i32
      %cond3A_184 = arith.cmpi ne, %convert_element_type3A_182, %cond3A_183 : i32
      scf.if %cond3A_184 {
        %sub3A_242 = arith.constant 1 : i32
        %sub3A_243 = arith.subi %mul3A_136, %sub3A_242 : i32
        %dma_wait3A_244 = arith.constant 0 : i32
        %dma_wait3A_245 = arith.constant 0 : i32
        %dma_wait3A_246 = tpu.memref_slice %arg8[%dma_wait3A_244, %dma_wait3A_245] : memref<65536x128xf32, #tpu.memory_space<hbm>> -> memref<65536x128xf32, #tpu.memory_space<hbm>>
        tpu.wait_indirect_dma semaphore(%arg22 : memref<!tpu.dma_semaphore, #tpu.memory_space<semaphore_mem>>) src(%dma_wait3A_246 : memref<65536x128xf32, #tpu.memory_space<hbm>>) dst(%arg20 : memref<32x128xf32, #tpu.memory_space<vmem>>)
        %mul3A_247 = arith.constant 4 : i32
        %mul3A_248 = arith.muli %sub3A_243, %mul3A_247 : i32
        %add3A_249 = arith.addi %mul3A_248, %select_n3A_30 : i32
        %broadcast_in_dim3A_250 = vector.broadcast %add3A_249 : i32 to vector<16xi32>
        %gather3A_251 = tpu.vector_load_idx %arg13[%broadcast_in_dim3A_250] : memref<1024xf32, #tpu.memory_space<vmem>>[vector<16xi32>], vector<16xf32>,
        %gather3A_252 = tpu.vector_load_idx %arg14[%broadcast_in_dim3A_250] : memref<1024xf32, #tpu.memory_space<vmem>>[vector<16xi32>], vector<16xf32>,
        %gather3A_253 = tpu.vector_load_idx %arg15[%broadcast_in_dim3A_250] : memref<1024xf32, #tpu.memory_space<vmem>>[vector<16xi32>], vector<16xf32>,
        %add3A_254 = arith.constant 0 : i32
        %add3A_255 = vector.broadcast %add3A_254 : i32 to vector<16xi32>
        %add3A_256 = arith.addi %iota3A, %add3A_255 : vector<16xi32>
        %get3A_257 = arith.constant 0 : index
        %get3A_258 = tpu.vector_load %arg18[%get3A_257] {strides = array<i32>} : memref<32xi32, #tpu.memory_space<vmem>>, vector<16xi32>,
        %mul3A_259 = arith.constant 8192 : i32
        %mul3A_260 = arith.muli %select_n3A, %mul3A_259 : i32
        %sub3A_261 = vector.broadcast %mul3A_260 : i32 to vector<16xi32>
        %sub3A_262 = arith.subi %get3A_258, %sub3A_261 : vector<16xi32>
        %gather3A_263 = tpu.vector_load_idx %arg10[%sub3A_262] : memref<8192xf32, #tpu.memory_space<vmem>>[vector<16xi32>], vector<16xf32>,
        %sub3A_264 = arith.subf %gather3A_263, %gather3A_251 : vector<16xf32>
        %gather3A_265 = tpu.vector_load_idx %arg11[%sub3A_262] : memref<8192xf32, #tpu.memory_space<vmem>>[vector<16xi32>], vector<16xf32>,
        %sub3A_266 = arith.subf %gather3A_265, %gather3A_252 : vector<16xf32>
        %gather3A_267 = tpu.vector_load_idx %arg12[%sub3A_262] : memref<8192xf32, #tpu.memory_space<vmem>>[vector<16xi32>], vector<16xf32>,
        %sub3A_268 = arith.subf %gather3A_267, %gather3A_253 : vector<16xf32>
        %broadcast_in_dim3A_269 = arith.constant 0 : i32
        %broadcast_in_dim3A_270 = vector.broadcast %broadcast_in_dim3A_269 : i32 to vector<16xi32>
        tpu.vector_store_idx %arg20[%add3A_256, %broadcast_in_dim3A_270], %sub3A_264 : memref<32x128xf32, #tpu.memory_space<vmem>>[vector<16xi32>, vector<16xi32>], vector<16xf32>,
        %add3A_271 = arith.constant 1 : i32
        %add3A_272 = vector.broadcast %add3A_271 : i32 to vector<16xi32>
        %add3A_273 = arith.addi %broadcast_in_dim3A_270, %add3A_272 : vector<16xi32>
        tpu.vector_store_idx %arg20[%add3A_256, %add3A_273], %sub3A_266 : memref<32x128xf32, #tpu.memory_space<vmem>>[vector<16xi32>, vector<16xi32>], vector<16xf32>,
        %add3A_274 = arith.constant 2 : i32
        %add3A_275 = vector.broadcast %add3A_274 : i32 to vector<16xi32>
        %add3A_276 = arith.addi %broadcast_in_dim3A_270, %add3A_275 : vector<16xi32>
        tpu.vector_store_idx %arg20[%add3A_256, %add3A_276], %sub3A_268 : memref<32x128xf32, #tpu.memory_space<vmem>>[vector<16xi32>, vector<16xi32>], vector<16xf32>,
        %add3A_277 = arith.constant 16 : i32
        %add3A_278 = vector.broadcast %add3A_277 : i32 to vector<16xi32>
        %add3A_279 = arith.addi %iota3A, %add3A_278 : vector<16xi32>
        %get3A_280 = arith.constant 16 : index
        %get3A_281 = tpu.vector_load %arg18[%get3A_280] {strides = array<i32>} : memref<32xi32, #tpu.memory_space<vmem>>, vector<16xi32>,
        %mul3A_282 = arith.constant 8192 : i32
        %mul3A_283 = arith.muli %select_n3A, %mul3A_282 : i32
        %sub3A_284 = vector.broadcast %mul3A_283 : i32 to vector<16xi32>
        %sub3A_285 = arith.subi %get3A_281, %sub3A_284 : vector<16xi32>
        %gather3A_286 = tpu.vector_load_idx %arg10[%sub3A_285] : memref<8192xf32, #tpu.memory_space<vmem>>[vector<16xi32>], vector<16xf32>,
        %sub3A_287 = arith.subf %gather3A_286, %gather3A_251 : vector<16xf32>
        %gather3A_288 = tpu.vector_load_idx %arg11[%sub3A_285] : memref<8192xf32, #tpu.memory_space<vmem>>[vector<16xi32>], vector<16xf32>,
        %sub3A_289 = arith.subf %gather3A_288, %gather3A_252 : vector<16xf32>
        %gather3A_290 = tpu.vector_load_idx %arg12[%sub3A_285] : memref<8192xf32, #tpu.memory_space<vmem>>[vector<16xi32>], vector<16xf32>,
        %sub3A_291 = arith.subf %gather3A_290, %gather3A_253 : vector<16xf32>
        %broadcast_in_dim3A_292 = arith.constant 0 : i32
        %broadcast_in_dim3A_293 = vector.broadcast %broadcast_in_dim3A_292 : i32 to vector<16xi32>
        tpu.vector_store_idx %arg20[%add3A_279, %broadcast_in_dim3A_293], %sub3A_287 : memref<32x128xf32, #tpu.memory_space<vmem>>[vector<16xi32>, vector<16xi32>], vector<16xf32>,
        %add3A_294 = arith.constant 1 : i32
        %add3A_295 = vector.broadcast %add3A_294 : i32 to vector<16xi32>
        %add3A_296 = arith.addi %broadcast_in_dim3A_293, %add3A_295 : vector<16xi32>
        tpu.vector_store_idx %arg20[%add3A_279, %add3A_296], %sub3A_289 : memref<32x128xf32, #tpu.memory_space<vmem>>[vector<16xi32>, vector<16xi32>], vector<16xf32>,
        %add3A_297 = arith.constant 2 : i32
        %add3A_298 = vector.broadcast %add3A_297 : i32 to vector<16xi32>
        %add3A_299 = arith.addi %broadcast_in_dim3A_293, %add3A_298 : vector<16xi32>
        tpu.vector_store_idx %arg20[%add3A_279, %add3A_299], %sub3A_291 : memref<32x128xf32, #tpu.memory_space<vmem>>[vector<16xi32>, vector<16xi32>], vector<16xf32>,
        %mul3A_300 = arith.constant 1024 : i32
        %mul3A_301 = arith.muli %select_n3A, %mul3A_300 : i32
        %mul3A_302 = arith.constant 4 : i32
        %mul3A_303 = arith.muli %sub3A_243, %mul3A_302 : i32
        %add3A_304 = arith.addi %mul3A_301, %mul3A_303 : i32
        %add3A_305 = arith.addi %add3A_304, %select_n3A_30 : i32
        %mul3A_306 = arith.constant 32 : i32
        %mul3A_307 = arith.muli %add3A_305, %mul3A_306 : i32
        %dma_start3A_308 = arith.constant 0 : i32
        %dma_start3A_309 = tpu.memref_slice %arg9[%mul3A_307, %dma_start3A_308] : memref<262144x128xf32, #tpu.memory_space<hbm>> -> memref<32x128xf32, #tpu.memory_space<hbm>>
        %dma_start3A_310 = arith.constant 0 : i32
        %dma_start3A_311 = tpu.memref_slice %arg9[%mul3A_307, %dma_start3A_310] : memref<262144x128xf32, #tpu.memory_space<hbm>> -> memref<32x128xf32, #tpu.memory_space<hbm>>
        tpu.enqueue_dma source(%arg20 : memref<32x128xf32, #tpu.memory_space<vmem>>) target(%dma_start3A_311 : memref<32x128xf32, #tpu.memory_space<hbm>>) target_semaphore(%arg24 : memref<!tpu.dma_semaphore, #tpu.memory_space<semaphore_mem>>)
      } else {
      }
      %mul3A_185 = arith.constant 2 : i32
      %mul3A_186 = arith.muli %scan3A_134, %mul3A_185 : i32
      %add3A_187 = arith.constant 1 : i32
      %add3A_188 = arith.addi %mul3A_186, %add3A_187 : i32
      %mul3A_189 = arith.constant 4 : i32
      %mul3A_190 = arith.muli %add3A_188, %mul3A_189 : i32
      %add3A_191 = arith.addi %mul3A_190, %select_n3A_30 : i32
      %broadcast_in_dim3A_192 = vector.broadcast %add3A_191 : i32 to vector<16xi32>
      %gather3A_193 = tpu.vector_load_idx %arg13[%broadcast_in_dim3A_192] : memref<1024xf32, #tpu.memory_space<vmem>>[vector<16xi32>], vector<16xf32>,
      %gather3A_194 = tpu.vector_load_idx %arg14[%broadcast_in_dim3A_192] : memref<1024xf32, #tpu.memory_space<vmem>>[vector<16xi32>], vector<16xf32>,
      %gather3A_195 = tpu.vector_load_idx %arg15[%broadcast_in_dim3A_192] : memref<1024xf32, #tpu.memory_space<vmem>>[vector<16xi32>], vector<16xf32>,
      %swap3A_196 = arith.constant 0 : index
      %swap3A_197 = tpu.vector_load %arg16[%swap3A_196] {strides = array<i32>} : memref<128xi32, #tpu.memory_space<vmem>>, vector<16xi32>,
      tpu.vector_store %arg16[%swap3A_196], %broadcast_in_dim3A_43 {strides = array<i32>} : memref<128xi32, #tpu.memory_space<vmem>>, vector<16xi32>,
      %while3A_198 = arith.constant 0 : i32
      %while3A_199 = arith.constant 0 : i32
      %while3A_200:2 = scf.while (%while3A_242 = %while3A_198, %while3A_243 = %while3A_199) : (i32, i32) -> (i32, i32) {
        %lt3A_244 = arith.constant 32 : i32
        %lt3A_245 = arith.cmpi slt, %while3A_242, %lt3A_244 : i32
        %lt3A_246 = arith.constant 128 : i32
        %lt3A_247 = arith.cmpi slt, %while3A_243, %lt3A_246 : i32
        %and3A_248 = arith.andi %lt3A_245, %lt3A_247 : i1
        scf.condition(%and3A_248) %while3A_242, %while3A_243 : i32, i32
      } do {
      ^bb0(%while3A_242: i32, %while3A_243: i32):
        %mul3A_244 = arith.constant 64 : i32
        %mul3A_245 = arith.muli %while3A_243, %mul3A_244 : i32
        %add3A_246 = arith.constant 0 : i32
        %add3A_247 = arith.addi %mul3A_245, %add3A_246 : i32
        %get3A_248 = arith.index_cast %add3A_247 : i32 to index
        %get3A_249 = tpu.vector_load %arg10[%get3A_248] {strides = array<i32>} : memref<8192xf32, #tpu.memory_space<vmem>>, vector<16xf32>,
        %get3A_250 = arith.index_cast %add3A_247 : i32 to index
        %get3A_251 = tpu.vector_load %arg11[%get3A_250] {strides = array<i32>} : memref<8192xf32, #tpu.memory_space<vmem>>, vector<16xf32>,
        %get3A_252 = arith.index_cast %add3A_247 : i32 to index
        %get3A_253 = tpu.vector_load %arg12[%get3A_252] {strides = array<i32>} : memref<8192xf32, #tpu.memory_space<vmem>>, vector<16xf32>,
        %sub3A_254 = arith.subf %get3A_249, %gather3A_193 : vector<16xf32>
        %sub3A_255 = arith.subf %get3A_251, %gather3A_194 : vector<16xf32>
        %sub3A_256 = arith.subf %get3A_253, %gather3A_195 : vector<16xf32>
        %mul3A_257 = arith.mulf %sub3A_254, %sub3A_254 : vector<16xf32>
        %mul3A_258 = arith.mulf %sub3A_256, %sub3A_256 : vector<16xf32>
        %add3A_259 = arith.addf %mul3A_257, %mul3A_258 : vector<16xf32>
        %mul3A_260 = arith.mulf %sub3A_255, %sub3A_255 : vector<16xf32>
        %add3A_261 = arith.addf %add3A_259, %mul3A_260 : vector<16xf32>
        %le3A = vector.broadcast %scan3A_44 : f32 to vector<16xf32>
        %le3A_262 = arith.cmpf ole, %add3A_261, %le3A : vector<16xf32>
        %add3A_263 = arith.constant 16 : i32
        %add3A_264 = arith.addi %mul3A_245, %add3A_263 : i32
        %get3A_265 = arith.index_cast %add3A_264 : i32 to index
        %get3A_266 = tpu.vector_load %arg10[%get3A_265] {strides = array<i32>} : memref<8192xf32, #tpu.memory_space<vmem>>, vector<16xf32>,
        %get3A_267 = arith.index_cast %add3A_264 : i32 to index
        %get3A_268 = tpu.vector_load %arg11[%get3A_267] {strides = array<i32>} : memref<8192xf32, #tpu.memory_space<vmem>>, vector<16xf32>,
        %get3A_269 = arith.index_cast %add3A_264 : i32 to index
        %get3A_270 = tpu.vector_load %arg12[%get3A_269] {strides = array<i32>} : memref<8192xf32, #tpu.memory_space<vmem>>, vector<16xf32>,
        %sub3A_271 = arith.subf %get3A_266, %gather3A_193 : vector<16xf32>
        %sub3A_272 = arith.subf %get3A_268, %gather3A_194 : vector<16xf32>
        %sub3A_273 = arith.subf %get3A_270, %gather3A_195 : vector<16xf32>
        %mul3A_274 = arith.mulf %sub3A_271, %sub3A_271 : vector<16xf32>
        %mul3A_275 = arith.mulf %sub3A_273, %sub3A_273 : vector<16xf32>
        %add3A_276 = arith.addf %mul3A_274, %mul3A_275 : vector<16xf32>
        %mul3A_277 = arith.mulf %sub3A_272, %sub3A_272 : vector<16xf32>
        %add3A_278 = arith.addf %add3A_276, %mul3A_277 : vector<16xf32>
        %le3A_279 = vector.broadcast %scan3A_44 : f32 to vector<16xf32>
        %le3A_280 = arith.cmpf ole, %add3A_278, %le3A_279 : vector<16xf32>
        %add3A_281 = arith.constant 32 : i32
        %add3A_282 = arith.addi %mul3A_245, %add3A_281 : i32
        %get3A_283 = arith.index_cast %add3A_282 : i32 to index
        %get3A_284 = tpu.vector_load %arg10[%get3A_283] {strides = array<i32>} : memref<8192xf32, #tpu.memory_space<vmem>>, vector<16xf32>,
        %get3A_285 = arith.index_cast %add3A_282 : i32 to index
        %get3A_286 = tpu.vector_load %arg11[%get3A_285] {strides = array<i32>} : memref<8192xf32, #tpu.memory_space<vmem>>, vector<16xf32>,
        %get3A_287 = arith.index_cast %add3A_282 : i32 to index
        %get3A_288 = tpu.vector_load %arg12[%get3A_287] {strides = array<i32>} : memref<8192xf32, #tpu.memory_space<vmem>>, vector<16xf32>,
        %sub3A_289 = arith.subf %get3A_284, %gather3A_193 : vector<16xf32>
        %sub3A_290 = arith.subf %get3A_286, %gather3A_194 : vector<16xf32>
        %sub3A_291 = arith.subf %get3A_288, %gather3A_195 : vector<16xf32>
        %mul3A_292 = arith.mulf %sub3A_289, %sub3A_289 : vector<16xf32>
        %mul3A_293 = arith.mulf %sub3A_291, %sub3A_291 : vector<16xf32>
        %add3A_294 = arith.addf %mul3A_292, %mul3A_293 : vector<16xf32>
        %mul3A_295 = arith.mulf %sub3A_290, %sub3A_290 : vector<16xf32>
        %add3A_296 = arith.addf %add3A_294, %mul3A_295 : vector<16xf32>
        %le3A_297 = vector.broadcast %scan3A_44 : f32 to vector<16xf32>
        %le3A_298 = arith.cmpf ole, %add3A_296, %le3A_297 : vector<16xf32>
        %add3A_299 = arith.constant 48 : i32
        %add3A_300 = arith.addi %mul3A_245, %add3A_299 : i32
        %get3A_301 = arith.index_cast %add3A_300 : i32 to index
        %get3A_302 = tpu.vector_load %arg10[%get3A_301] {strides = array<i32>} : memref<8192xf32, #tpu.memory_space<vmem>>, vector<16xf32>,
        %get3A_303 = arith.index_cast %add3A_300 : i32 to index
        %get3A_304 = tpu.vector_load %arg11[%get3A_303] {strides = array<i32>} : memref<8192xf32, #tpu.memory_space<vmem>>, vector<16xf32>,
        %get3A_305 = arith.index_cast %add3A_300 : i32 to index
        %get3A_306 = tpu.vector_load %arg12[%get3A_305] {strides = array<i32>} : memref<8192xf32, #tpu.memory_space<vmem>>, vector<16xf32>,
        %sub3A_307 = arith.subf %get3A_302, %gather3A_193 : vector<16xf32>
        %sub3A_308 = arith.subf %get3A_304, %gather3A_194 : vector<16xf32>
        %sub3A_309 = arith.subf %get3A_306, %gather3A_195 : vector<16xf32>
        %mul3A_310 = arith.mulf %sub3A_307, %sub3A_307 : vector<16xf32>
        %mul3A_311 = arith.mulf %sub3A_309, %sub3A_309 : vector<16xf32>
        %add3A_312 = arith.addf %mul3A_310, %mul3A_311 : vector<16xf32>
        %mul3A_313 = arith.mulf %sub3A_308, %sub3A_308 : vector<16xf32>
        %add3A_314 = arith.addf %add3A_312, %mul3A_313 : vector<16xf32>
        %le3A_315 = vector.broadcast %scan3A_44 : f32 to vector<16xf32>
        %le3A_316 = arith.cmpf ole, %add3A_314, %le3A_315 : vector<16xf32>
        %add3A_317 = vector.broadcast %add3A_247 : i32 to vector<16xi32>
        %add3A_318 = arith.addi %add3A_317, %iota3A : vector<16xi32>
        %swap3A_319 = arith.index_cast %while3A_242 : i32 to index
        %swap3A_320 = tpu.vector_load %arg16[%swap3A_319] masked %le3A_262 {strides = array<i32>} : memref<128xi32, #tpu.memory_space<vmem>>, vector<16xi32>, vector<16xi1>
        tpu.vector_store %arg16[%swap3A_319], %add3A_318 masked %le3A_262 {strides = array<i32>} : memref<128xi32, #tpu.memory_space<vmem>>, vector<16xi32>, vector<16xi1>
        %jit3A_321 = arith.constant 1 : i32
        %jit3A_322 = arith.constant 0 : i32
        %broadcast_in_dim3A_323 = vector.broadcast %jit3A_321 : i32 to vector<16xi32>
        %broadcast_in_dim3A_324 = vector.broadcast %jit3A_322 : i32 to vector<16xi32>
        %select_n3A_325 = arith.select %le3A_262, %broadcast_in_dim3A_323, %broadcast_in_dim3A_324 : vector<16xi1>, vector<16xi32>
        %reduce_sum3A = arith.constant true
        %reduce_sum3A_326 = vector.broadcast %reduce_sum3A : i1 to vector<16xi1>
        %reduce_sum3A_327 = tpu.scan <sum>, %select_n3A_325 masked %reduce_sum3A_326 : vector<16xi32>, vector<16xi1> -> vector<16xi32>
        %reduce_sum3A_328 = vector.extract %reduce_sum3A_327[15] : i32 from vector<16xi32>
        %add3A_329 = arith.addi %while3A_242, %reduce_sum3A_328 : i32
        %add3A_330 = vector.broadcast %add3A_264 : i32 to vector<16xi32>
        %add3A_331 = arith.addi %add3A_330, %iota3A : vector<16xi32>
        %swap3A_332 = arith.index_cast %add3A_329 : i32 to index
        %swap3A_333 = tpu.vector_load %arg16[%swap3A_332] masked %le3A_280 {strides = array<i32>} : memref<128xi32, #tpu.memory_space<vmem>>, vector<16xi32>, vector<16xi1>
        tpu.vector_store %arg16[%swap3A_332], %add3A_331 masked %le3A_280 {strides = array<i32>} : memref<128xi32, #tpu.memory_space<vmem>>, vector<16xi32>, vector<16xi1>
        %jit3A_334 = arith.constant 1 : i32
        %jit3A_335 = arith.constant 0 : i32
        %broadcast_in_dim3A_336 = vector.broadcast %jit3A_334 : i32 to vector<16xi32>
        %broadcast_in_dim3A_337 = vector.broadcast %jit3A_335 : i32 to vector<16xi32>
        %select_n3A_338 = arith.select %le3A_280, %broadcast_in_dim3A_336, %broadcast_in_dim3A_337 : vector<16xi1>, vector<16xi32>
        %reduce_sum3A_339 = arith.constant true
        %reduce_sum3A_340 = vector.broadcast %reduce_sum3A_339 : i1 to vector<16xi1>
        %reduce_sum3A_341 = tpu.scan <sum>, %select_n3A_338 masked %reduce_sum3A_340 : vector<16xi32>, vector<16xi1> -> vector<16xi32>
        %reduce_sum3A_342 = vector.extract %reduce_sum3A_341[15] : i32 from vector<16xi32>
        %add3A_343 = arith.addi %add3A_329, %reduce_sum3A_342 : i32
        %add3A_344 = vector.broadcast %add3A_282 : i32 to vector<16xi32>
        %add3A_345 = arith.addi %add3A_344, %iota3A : vector<16xi32>
        %swap3A_346 = arith.index_cast %add3A_343 : i32 to index
        %swap3A_347 = tpu.vector_load %arg16[%swap3A_346] masked %le3A_298 {strides = array<i32>} : memref<128xi32, #tpu.memory_space<vmem>>, vector<16xi32>, vector<16xi1>
        tpu.vector_store %arg16[%swap3A_346], %add3A_345 masked %le3A_298 {strides = array<i32>} : memref<128xi32, #tpu.memory_space<vmem>>, vector<16xi32>, vector<16xi1>
        %jit3A_348 = arith.constant 1 : i32
        %jit3A_349 = arith.constant 0 : i32
        %broadcast_in_dim3A_350 = vector.broadcast %jit3A_348 : i32 to vector<16xi32>
        %broadcast_in_dim3A_351 = vector.broadcast %jit3A_349 : i32 to vector<16xi32>
        %select_n3A_352 = arith.select %le3A_298, %broadcast_in_dim3A_350, %broadcast_in_dim3A_351 : vector<16xi1>, vector<16xi32>
        %reduce_sum3A_353 = arith.constant true
        %reduce_sum3A_354 = vector.broadcast %reduce_sum3A_353 : i1 to vector<16xi1>
        %reduce_sum3A_355 = tpu.scan <sum>, %select_n3A_352 masked %reduce_sum3A_354 : vector<16xi32>, vector<16xi1> -> vector<16xi32>
        %reduce_sum3A_356 = vector.extract %reduce_sum3A_355[15] : i32 from vector<16xi32>
        %add3A_357 = arith.addi %add3A_343, %reduce_sum3A_356 : i32
        %add3A_358 = vector.broadcast %add3A_300 : i32 to vector<16xi32>
        %add3A_359 = arith.addi %add3A_358, %iota3A : vector<16xi32>
        %swap3A_360 = arith.index_cast %add3A_357 : i32 to index
        %swap3A_361 = tpu.vector_load %arg16[%swap3A_360] masked %le3A_316 {strides = array<i32>} : memref<128xi32, #tpu.memory_space<vmem>>, vector<16xi32>, vector<16xi1>
        tpu.vector_store %arg16[%swap3A_360], %add3A_359 masked %le3A_316 {strides = array<i32>} : memref<128xi32, #tpu.memory_space<vmem>>, vector<16xi32>, vector<16xi1>
        %jit3A_362 = arith.constant 1 : i32
        %jit3A_363 = arith.constant 0 : i32
        %broadcast_in_dim3A_364 = vector.broadcast %jit3A_362 : i32 to vector<16xi32>
        %broadcast_in_dim3A_365 = vector.broadcast %jit3A_363 : i32 to vector<16xi32>
        %select_n3A_366 = arith.select %le3A_316, %broadcast_in_dim3A_364, %broadcast_in_dim3A_365 : vector<16xi1>, vector<16xi32>
        %reduce_sum3A_367 = arith.constant true
        %reduce_sum3A_368 = vector.broadcast %reduce_sum3A_367 : i1 to vector<16xi1>
        %reduce_sum3A_369 = tpu.scan <sum>, %select_n3A_366 masked %reduce_sum3A_368 : vector<16xi32>, vector<16xi1> -> vector<16xi32>
        %reduce_sum3A_370 = vector.extract %reduce_sum3A_369[15] : i32 from vector<16xi32>
        %add3A_371 = arith.addi %add3A_357, %reduce_sum3A_370 : i32
        %add3A_372 = arith.constant 1 : i32
        %add3A_373 = arith.addi %while3A_243, %add3A_372 : i32
        scf.yield %add3A_371, %add3A_373 : i32, i32
      }
      %ge3A_201 = arith.constant 2 : i32
      %ge3A_202 = arith.cmpi sge, %add3A_188, %ge3A_201 : i32
      %convert_element_type3A_203 = arith.extui %ge3A_202 : i1 to i32
      %cond3A_204 = arith.constant 0 : i32
      %cond3A_205 = arith.cmpi ne, %convert_element_type3A_203, %cond3A_204 : i32
      scf.if %cond3A_205 {
        %sub3A_242 = arith.constant 2 : i32
        %sub3A_243 = arith.subi %add3A_188, %sub3A_242 : i32
        %mul3A_244 = arith.constant 1024 : i32
        %mul3A_245 = arith.muli %select_n3A, %mul3A_244 : i32
        %mul3A_246 = arith.constant 4 : i32
        %mul3A_247 = arith.muli %sub3A_243, %mul3A_246 : i32
        %add3A_248 = arith.addi %mul3A_245, %mul3A_247 : i32
        %add3A_249 = arith.addi %add3A_248, %select_n3A_30 : i32
        %mul3A_250 = arith.constant 32 : i32
        %mul3A_251 = arith.muli %add3A_249, %mul3A_250 : i32
        %dma_wait3A_252 = arith.constant 0 : i32
        %dma_wait3A_253 = tpu.memref_slice %arg9[%mul3A_251, %dma_wait3A_252] : memref<262144x128xf32, #tpu.memory_space<hbm>> -> memref<32x128xf32, #tpu.memory_space<hbm>>
        %dma_wait3A_254 = arith.constant 0 : i32
        %dma_wait3A_255 = tpu.memref_slice %arg9[%mul3A_251, %dma_wait3A_254] : memref<262144x128xf32, #tpu.memory_space<hbm>> -> memref<32x128xf32, #tpu.memory_space<hbm>>
        tpu.wait_dma2 semaphore(%arg24 : memref<!tpu.dma_semaphore, #tpu.memory_space<semaphore_mem>>) src(%arg20 : memref<32x128xf32, #tpu.memory_space<vmem>>) dst(%dma_wait3A_255 : memref<32x128xf32, #tpu.memory_space<hbm>>)
      } else {
      }
      %gather3A_206 = tpu.vector_load_idx %arg16[%broadcast_in_dim3A_43] : memref<128xi32, #tpu.memory_space<vmem>>[vector<16xi32>], vector<16xi32>,
      %broadcast_in_dim3A_207 = vector.broadcast %while3A_200#0 : i32 to vector<16xi32>
      %add3A_208 = arith.constant 0 : i32
      %add3A_209 = vector.broadcast %add3A_208 : i32 to vector<16xi32>
      %add3A_210 = arith.addi %iota3A, %add3A_209 : vector<16xi32>
      %get3A_211 = arith.constant 0 : index
      %get3A_212 = tpu.vector_load %arg16[%get3A_211] {strides = array<i32>} : memref<128xi32, #tpu.memory_space<vmem>>, vector<16xi32>,
      %lt3A_213 = arith.cmpi slt, %add3A_210, %broadcast_in_dim3A_207 : vector<16xi32>
      %select_n3A_214 = arith.select %lt3A_213, %get3A_212, %gather3A_206 : vector<16xi1>, vector<16xi32>
      %mul3A_215 = arith.constant 8192 : i32
      %mul3A_216 = arith.muli %select_n3A, %mul3A_215 : i32
      %add3A_217 = vector.broadcast %mul3A_216 : i32 to vector<16xi32>
      %add3A_218 = arith.addi %select_n3A_214, %add3A_217 : vector<16xi32>
      %swap3A_219 = arith.constant 0 : index
      %swap3A_220 = tpu.vector_load %arg18[%swap3A_219] {strides = array<i32>} : memref<32xi32, #tpu.memory_space<vmem>>, vector<16xi32>,
      tpu.vector_store %arg18[%swap3A_219], %add3A_218 {strides = array<i32>} : memref<32xi32, #tpu.memory_space<vmem>>, vector<16xi32>,
      %add3A_221 = arith.constant 16 : i32
      %add3A_222 = vector.broadcast %add3A_221 : i32 to vector<16xi32>
      %add3A_223 = arith.addi %iota3A, %add3A_222 : vector<16xi32>
      %get3A_224 = arith.constant 16 : index
      %get3A_225 = tpu.vector_load %arg16[%get3A_224] {strides = array<i32>} : memref<128xi32, #tpu.memory_space<vmem>>, vector<16xi32>,
      %lt3A_226 = arith.cmpi slt, %add3A_223, %broadcast_in_dim3A_207 : vector<16xi32>
      %select_n3A_227 = arith.select %lt3A_226, %get3A_225, %gather3A_206 : vector<16xi1>, vector<16xi32>
      %mul3A_228 = arith.constant 8192 : i32
      %mul3A_229 = arith.muli %select_n3A, %mul3A_228 : i32
      %add3A_230 = vector.broadcast %mul3A_229 : i32 to vector<16xi32>
      %add3A_231 = arith.addi %select_n3A_227, %add3A_230 : vector<16xi32>
      %swap3A_232 = arith.constant 16 : index
      %swap3A_233 = tpu.vector_load %arg18[%swap3A_232] {strides = array<i32>} : memref<32xi32, #tpu.memory_space<vmem>>, vector<16xi32>,
      tpu.vector_store %arg18[%swap3A_232], %add3A_231 {strides = array<i32>} : memref<32xi32, #tpu.memory_space<vmem>>, vector<16xi32>,
      %dma_start3A_234 = arith.constant 0 : i32
      %dma_start3A_235 = arith.constant 0 : i32
      %dma_start3A_236 = tpu.memref_slice %arg8[%dma_start3A_234, %dma_start3A_235] : memref<65536x128xf32, #tpu.memory_space<hbm>> -> memref<65536x128xf32, #tpu.memory_space<hbm>>
      tpu.enqueue_indirect_dma source(%dma_start3A_236 : memref<65536x128xf32, #tpu.memory_space<hbm>>) target(%arg20 : memref<32x128xf32, #tpu.memory_space<vmem>>) offsets(%arg18 : memref<32xi32, #tpu.memory_space<vmem>>) semaphore(%arg22 : memref<!tpu.dma_semaphore, #tpu.memory_space<semaphore_mem>>)
      %ge3A_237 = arith.constant 1 : i32
      %ge3A_238 = arith.cmpi sge, %add3A_188, %ge3A_237 : i32
      %convert_element_type3A_239 = arith.extui %ge3A_238 : i1 to i32
      %cond3A_240 = arith.constant 0 : i32
      %cond3A_241 = arith.cmpi ne, %convert_element_type3A_239, %cond3A_240 : i32
      scf.if %cond3A_241 {
        %sub3A_242 = arith.constant 1 : i32
        %sub3A_243 = arith.subi %add3A_188, %sub3A_242 : i32
        %dma_wait3A_244 = arith.constant 0 : i32
        %dma_wait3A_245 = arith.constant 0 : i32
        %dma_wait3A_246 = tpu.memref_slice %arg8[%dma_wait3A_244, %dma_wait3A_245] : memref<65536x128xf32, #tpu.memory_space<hbm>> -> memref<65536x128xf32, #tpu.memory_space<hbm>>
        tpu.wait_indirect_dma semaphore(%arg21 : memref<!tpu.dma_semaphore, #tpu.memory_space<semaphore_mem>>) src(%dma_wait3A_246 : memref<65536x128xf32, #tpu.memory_space<hbm>>) dst(%arg19 : memref<32x128xf32, #tpu.memory_space<vmem>>)
        %mul3A_247 = arith.constant 4 : i32
        %mul3A_248 = arith.muli %sub3A_243, %mul3A_247 : i32
        %add3A_249 = arith.addi %mul3A_248, %select_n3A_30 : i32
        %broadcast_in_dim3A_250 = vector.broadcast %add3A_249 : i32 to vector<16xi32>
        %gather3A_251 = tpu.vector_load_idx %arg13[%broadcast_in_dim3A_250] : memref<1024xf32, #tpu.memory_space<vmem>>[vector<16xi32>], vector<16xf32>,
        %gather3A_252 = tpu.vector_load_idx %arg14[%broadcast_in_dim3A_250] : memref<1024xf32, #tpu.memory_space<vmem>>[vector<16xi32>], vector<16xf32>,
        %gather3A_253 = tpu.vector_load_idx %arg15[%broadcast_in_dim3A_250] : memref<1024xf32, #tpu.memory_space<vmem>>[vector<16xi32>], vector<16xf32>,
        %add3A_254 = arith.constant 0 : i32
        %add3A_255 = vector.broadcast %add3A_254 : i32 to vector<16xi32>
        %add3A_256 = arith.addi %iota3A, %add3A_255 : vector<16xi32>
        %get3A_257 = arith.constant 0 : index
        %get3A_258 = tpu.vector_load %arg17[%get3A_257] {strides = array<i32>} : memref<32xi32, #tpu.memory_space<vmem>>, vector<16xi32>,
        %mul3A_259 = arith.constant 8192 : i32
        %mul3A_260 = arith.muli %select_n3A, %mul3A_259 : i32
        %sub3A_261 = vector.broadcast %mul3A_260 : i32 to vector<16xi32>
        %sub3A_262 = arith.subi %get3A_258, %sub3A_261 : vector<16xi32>
        %gather3A_263 = tpu.vector_load_idx %arg10[%sub3A_262] : memref<8192xf32, #tpu.memory_space<vmem>>[vector<16xi32>], vector<16xf32>,
        %sub3A_264 = arith.subf %gather3A_263, %gather3A_251 : vector<16xf32>
        %gather3A_265 = tpu.vector_load_idx %arg11[%sub3A_262] : memref<8192xf32, #tpu.memory_space<vmem>>[vector<16xi32>], vector<16xf32>,
        %sub3A_266 = arith.subf %gather3A_265, %gather3A_252 : vector<16xf32>
        %gather3A_267 = tpu.vector_load_idx %arg12[%sub3A_262] : memref<8192xf32, #tpu.memory_space<vmem>>[vector<16xi32>], vector<16xf32>,
        %sub3A_268 = arith.subf %gather3A_267, %gather3A_253 : vector<16xf32>
        %broadcast_in_dim3A_269 = arith.constant 0 : i32
        %broadcast_in_dim3A_270 = vector.broadcast %broadcast_in_dim3A_269 : i32 to vector<16xi32>
        tpu.vector_store_idx %arg19[%add3A_256, %broadcast_in_dim3A_270], %sub3A_264 : memref<32x128xf32, #tpu.memory_space<vmem>>[vector<16xi32>, vector<16xi32>], vector<16xf32>,
        %add3A_271 = arith.constant 1 : i32
        %add3A_272 = vector.broadcast %add3A_271 : i32 to vector<16xi32>
        %add3A_273 = arith.addi %broadcast_in_dim3A_270, %add3A_272 : vector<16xi32>
        tpu.vector_store_idx %arg19[%add3A_256, %add3A_273], %sub3A_266 : memref<32x128xf32, #tpu.memory_space<vmem>>[vector<16xi32>, vector<16xi32>], vector<16xf32>,
        %add3A_274 = arith.constant 2 : i32
        %add3A_275 = vector.broadcast %add3A_274 : i32 to vector<16xi32>
        %add3A_276 = arith.addi %broadcast_in_dim3A_270, %add3A_275 : vector<16xi32>
        tpu.vector_store_idx %arg19[%add3A_256, %add3A_276], %sub3A_268 : memref<32x128xf32, #tpu.memory_space<vmem>>[vector<16xi32>, vector<16xi32>], vector<16xf32>,
        %add3A_277 = arith.constant 16 : i32
        %add3A_278 = vector.broadcast %add3A_277 : i32 to vector<16xi32>
        %add3A_279 = arith.addi %iota3A, %add3A_278 : vector<16xi32>
        %get3A_280 = arith.constant 16 : index
        %get3A_281 = tpu.vector_load %arg17[%get3A_280] {strides = array<i32>} : memref<32xi32, #tpu.memory_space<vmem>>, vector<16xi32>,
        %mul3A_282 = arith.constant 8192 : i32
        %mul3A_283 = arith.muli %select_n3A, %mul3A_282 : i32
        %sub3A_284 = vector.broadcast %mul3A_283 : i32 to vector<16xi32>
        %sub3A_285 = arith.subi %get3A_281, %sub3A_284 : vector<16xi32>
        %gather3A_286 = tpu.vector_load_idx %arg10[%sub3A_285] : memref<8192xf32, #tpu.memory_space<vmem>>[vector<16xi32>], vector<16xf32>,
        %sub3A_287 = arith.subf %gather3A_286, %gather3A_251 : vector<16xf32>
        %gather3A_288 = tpu.vector_load_idx %arg11[%sub3A_285] : memref<8192xf32, #tpu.memory_space<vmem>>[vector<16xi32>], vector<16xf32>,
        %sub3A_289 = arith.subf %gather3A_288, %gather3A_252 : vector<16xf32>
        %gather3A_290 = tpu.vector_load_idx %arg12[%sub3A_285] : memref<8192xf32, #tpu.memory_space<vmem>>[vector<16xi32>], vector<16xf32>,
        %sub3A_291 = arith.subf %gather3A_290, %gather3A_253 : vector<16xf32>
        %broadcast_in_dim3A_292 = arith.constant 0 : i32
        %broadcast_in_dim3A_293 = vector.broadcast %broadcast_in_dim3A_292 : i32 to vector<16xi32>
        tpu.vector_store_idx %arg19[%add3A_279, %broadcast_in_dim3A_293], %sub3A_287 : memref<32x128xf32, #tpu.memory_space<vmem>>[vector<16xi32>, vector<16xi32>], vector<16xf32>,
        %add3A_294 = arith.constant 1 : i32
        %add3A_295 = vector.broadcast %add3A_294 : i32 to vector<16xi32>
        %add3A_296 = arith.addi %broadcast_in_dim3A_293, %add3A_295 : vector<16xi32>
        tpu.vector_store_idx %arg19[%add3A_279, %add3A_296], %sub3A_289 : memref<32x128xf32, #tpu.memory_space<vmem>>[vector<16xi32>, vector<16xi32>], vector<16xf32>,
        %add3A_297 = arith.constant 2 : i32
        %add3A_298 = vector.broadcast %add3A_297 : i32 to vector<16xi32>
        %add3A_299 = arith.addi %broadcast_in_dim3A_293, %add3A_298 : vector<16xi32>
        tpu.vector_store_idx %arg19[%add3A_279, %add3A_299], %sub3A_291 : memref<32x128xf32, #tpu.memory_space<vmem>>[vector<16xi32>, vector<16xi32>], vector<16xf32>,
        %mul3A_300 = arith.constant 1024 : i32
        %mul3A_301 = arith.muli %select_n3A, %mul3A_300 : i32
        %mul3A_302 = arith.constant 4 : i32
        %mul3A_303 = arith.muli %sub3A_243, %mul3A_302 : i32
        %add3A_304 = arith.addi %mul3A_301, %mul3A_303 : i32
        %add3A_305 = arith.addi %add3A_304, %select_n3A_30 : i32
        %mul3A_306 = arith.constant 32 : i32
        %mul3A_307 = arith.muli %add3A_305, %mul3A_306 : i32
        %dma_start3A_308 = arith.constant 0 : i32
        %dma_start3A_309 = tpu.memref_slice %arg9[%mul3A_307, %dma_start3A_308] : memref<262144x128xf32, #tpu.memory_space<hbm>> -> memref<32x128xf32, #tpu.memory_space<hbm>>
        %dma_start3A_310 = arith.constant 0 : i32
        %dma_start3A_311 = tpu.memref_slice %arg9[%mul3A_307, %dma_start3A_310] : memref<262144x128xf32, #tpu.memory_space<hbm>> -> memref<32x128xf32, #tpu.memory_space<hbm>>
        tpu.enqueue_dma source(%arg19 : memref<32x128xf32, #tpu.memory_space<vmem>>) target(%dma_start3A_311 : memref<32x128xf32, #tpu.memory_space<hbm>>) target_semaphore(%arg23 : memref<!tpu.dma_semaphore, #tpu.memory_space<semaphore_mem>>)
      } else {
      }
    }
    %scan3A_49 = arith.constant 128 : i32
    %dma_wait3A = arith.constant 0 : i32
    %dma_wait3A_50 = arith.constant 0 : i32
    %dma_wait3A_51 = tpu.memref_slice %arg8[%dma_wait3A, %dma_wait3A_50] : memref<65536x128xf32, #tpu.memory_space<hbm>> -> memref<65536x128xf32, #tpu.memory_space<hbm>>
    tpu.wait_indirect_dma semaphore(%arg22 : memref<!tpu.dma_semaphore, #tpu.memory_space<semaphore_mem>>) src(%dma_wait3A_51 : memref<65536x128xf32, #tpu.memory_space<hbm>>) dst(%arg20 : memref<32x128xf32, #tpu.memory_space<vmem>>)
    %add3A_52 = arith.constant 1020 : i32
    %add3A_53 = arith.addi %add3A_52, %select_n3A_30 : i32
    %broadcast_in_dim3A_54 = vector.broadcast %add3A_53 : i32 to vector<16xi32>
    %gather3A = tpu.vector_load_idx %arg13[%broadcast_in_dim3A_54] : memref<1024xf32, #tpu.memory_space<vmem>>[vector<16xi32>], vector<16xf32>,
    %gather3A_55 = tpu.vector_load_idx %arg14[%broadcast_in_dim3A_54] : memref<1024xf32, #tpu.memory_space<vmem>>[vector<16xi32>], vector<16xf32>,
    %gather3A_56 = tpu.vector_load_idx %arg15[%broadcast_in_dim3A_54] : memref<1024xf32, #tpu.memory_space<vmem>>[vector<16xi32>], vector<16xf32>,
    %add3A_57 = arith.constant 0 : i32
    %add3A_58 = vector.broadcast %add3A_57 : i32 to vector<16xi32>
    %add3A_59 = arith.addi %iota3A, %add3A_58 : vector<16xi32>
    %get3A = arith.constant 0 : index
    %get3A_60 = tpu.vector_load %arg18[%get3A] {strides = array<i32>} : memref<32xi32, #tpu.memory_space<vmem>>, vector<16xi32>,
    %mul3A_61 = arith.constant 8192 : i32
    %mul3A_62 = arith.muli %select_n3A, %mul3A_61 : i32
    %sub3A_63 = vector.broadcast %mul3A_62 : i32 to vector<16xi32>
    %sub3A_64 = arith.subi %get3A_60, %sub3A_63 : vector<16xi32>
    %gather3A_65 = tpu.vector_load_idx %arg10[%sub3A_64] : memref<8192xf32, #tpu.memory_space<vmem>>[vector<16xi32>], vector<16xf32>,
    %sub3A_66 = arith.subf %gather3A_65, %gather3A : vector<16xf32>
    %gather3A_67 = tpu.vector_load_idx %arg11[%sub3A_64] : memref<8192xf32, #tpu.memory_space<vmem>>[vector<16xi32>], vector<16xf32>,
    %sub3A_68 = arith.subf %gather3A_67, %gather3A_55 : vector<16xf32>
    %gather3A_69 = tpu.vector_load_idx %arg12[%sub3A_64] : memref<8192xf32, #tpu.memory_space<vmem>>[vector<16xi32>], vector<16xf32>,
    %sub3A_70 = arith.subf %gather3A_69, %gather3A_56 : vector<16xf32>
    %broadcast_in_dim3A_71 = arith.constant 0 : i32
    %broadcast_in_dim3A_72 = vector.broadcast %broadcast_in_dim3A_71 : i32 to vector<16xi32>
    tpu.vector_store_idx %arg20[%add3A_59, %broadcast_in_dim3A_72], %sub3A_66 : memref<32x128xf32, #tpu.memory_space<vmem>>[vector<16xi32>, vector<16xi32>], vector<16xf32>,
    %add3A_73 = arith.constant 1 : i32
    %add3A_74 = vector.broadcast %add3A_73 : i32 to vector<16xi32>
    %add3A_75 = arith.addi %broadcast_in_dim3A_72, %add3A_74 : vector<16xi32>
    tpu.vector_store_idx %arg20[%add3A_59, %add3A_75], %sub3A_68 : memref<32x128xf32, #tpu.memory_space<vmem>>[vector<16xi32>, vector<16xi32>], vector<16xf32>,
    %add3A_76 = arith.constant 2 : i32
    %add3A_77 = vector.broadcast %add3A_76 : i32 to vector<16xi32>
    %add3A_78 = arith.addi %broadcast_in_dim3A_72, %add3A_77 : vector<16xi32>
    tpu.vector_store_idx %arg20[%add3A_59, %add3A_78], %sub3A_70 : memref<32x128xf32, #tpu.memory_space<vmem>>[vector<16xi32>, vector<16xi32>], vector<16xf32>,
    %add3A_79 = arith.constant 16 : i32
    %add3A_80 = vector.broadcast %add3A_79 : i32 to vector<16xi32>
    %add3A_81 = arith.addi %iota3A, %add3A_80 : vector<16xi32>
    %get3A_82 = arith.constant 16 : index
    %get3A_83 = tpu.vector_load %arg18[%get3A_82] {strides = array<i32>} : memref<32xi32, #tpu.memory_space<vmem>>, vector<16xi32>,
    %mul3A_84 = arith.constant 8192 : i32
    %mul3A_85 = arith.muli %select_n3A, %mul3A_84 : i32
    %sub3A_86 = vector.broadcast %mul3A_85 : i32 to vector<16xi32>
    %sub3A_87 = arith.subi %get3A_83, %sub3A_86 : vector<16xi32>
    %gather3A_88 = tpu.vector_load_idx %arg10[%sub3A_87] : memref<8192xf32, #tpu.memory_space<vmem>>[vector<16xi32>], vector<16xf32>,
    %sub3A_89 = arith.subf %gather3A_88, %gather3A : vector<16xf32>
    %gather3A_90 = tpu.vector_load_idx %arg11[%sub3A_87] : memref<8192xf32, #tpu.memory_space<vmem>>[vector<16xi32>], vector<16xf32>,
    %sub3A_91 = arith.subf %gather3A_90, %gather3A_55 : vector<16xf32>
    %gather3A_92 = tpu.vector_load_idx %arg12[%sub3A_87] : memref<8192xf32, #tpu.memory_space<vmem>>[vector<16xi32>], vector<16xf32>,
    %sub3A_93 = arith.subf %gather3A_92, %gather3A_56 : vector<16xf32>
    %broadcast_in_dim3A_94 = arith.constant 0 : i32
    %broadcast_in_dim3A_95 = vector.broadcast %broadcast_in_dim3A_94 : i32 to vector<16xi32>
    tpu.vector_store_idx %arg20[%add3A_81, %broadcast_in_dim3A_95], %sub3A_89 : memref<32x128xf32, #tpu.memory_space<vmem>>[vector<16xi32>, vector<16xi32>], vector<16xf32>,
    %add3A_96 = arith.constant 1 : i32
    %add3A_97 = vector.broadcast %add3A_96 : i32 to vector<16xi32>
    %add3A_98 = arith.addi %broadcast_in_dim3A_95, %add3A_97 : vector<16xi32>
    tpu.vector_store_idx %arg20[%add3A_81, %add3A_98], %sub3A_91 : memref<32x128xf32, #tpu.memory_space<vmem>>[vector<16xi32>, vector<16xi32>], vector<16xf32>,
    %add3A_99 = arith.constant 2 : i32
    %add3A_100 = vector.broadcast %add3A_99 : i32 to vector<16xi32>
    %add3A_101 = arith.addi %broadcast_in_dim3A_95, %add3A_100 : vector<16xi32>
    tpu.vector_store_idx %arg20[%add3A_81, %add3A_101], %sub3A_93 : memref<32x128xf32, #tpu.memory_space<vmem>>[vector<16xi32>, vector<16xi32>], vector<16xf32>,
    %mul3A_102 = arith.constant 1024 : i32
    %mul3A_103 = arith.muli %select_n3A, %mul3A_102 : i32
    %add3A_104 = arith.constant 1020 : i32
    %add3A_105 = arith.addi %mul3A_103, %add3A_104 : i32
    %add3A_106 = arith.addi %add3A_105, %select_n3A_30 : i32
    %mul3A_107 = arith.constant 32 : i32
    %mul3A_108 = arith.muli %add3A_106, %mul3A_107 : i32
    %dma_start3A = arith.constant 0 : i32
    %dma_start3A_109 = tpu.memref_slice %arg9[%mul3A_108, %dma_start3A] : memref<262144x128xf32, #tpu.memory_space<hbm>> -> memref<32x128xf32, #tpu.memory_space<hbm>>
    %dma_start3A_110 = arith.constant 0 : i32
    %dma_start3A_111 = tpu.memref_slice %arg9[%mul3A_108, %dma_start3A_110] : memref<262144x128xf32, #tpu.memory_space<hbm>> -> memref<32x128xf32, #tpu.memory_space<hbm>>
    tpu.enqueue_dma source(%arg20 : memref<32x128xf32, #tpu.memory_space<vmem>>) target(%dma_start3A_111 : memref<32x128xf32, #tpu.memory_space<hbm>>) target_semaphore(%arg24 : memref<!tpu.dma_semaphore, #tpu.memory_space<semaphore_mem>>)
    %mul3A_112 = arith.constant 1024 : i32
    %mul3A_113 = arith.muli %select_n3A, %mul3A_112 : i32
    %add3A_114 = arith.constant 1016 : i32
    %add3A_115 = arith.addi %mul3A_113, %add3A_114 : i32
    %add3A_116 = arith.addi %add3A_115, %select_n3A_30 : i32
    %mul3A_117 = arith.constant 32 : i32
    %mul3A_118 = arith.muli %add3A_116, %mul3A_117 : i32
    %dma_wait3A_119 = arith.constant 0 : i32
    %dma_wait3A_120 = tpu.memref_slice %arg9[%mul3A_118, %dma_wait3A_119] : memref<262144x128xf32, #tpu.memory_space<hbm>> -> memref<32x128xf32, #tpu.memory_space<hbm>>
    %dma_wait3A_121 = arith.constant 0 : i32
    %dma_wait3A_122 = tpu.memref_slice %arg9[%mul3A_118, %dma_wait3A_121] : memref<262144x128xf32, #tpu.memory_space<hbm>> -> memref<32x128xf32, #tpu.memory_space<hbm>>
    tpu.wait_dma2 semaphore(%arg23 : memref<!tpu.dma_semaphore, #tpu.memory_space<semaphore_mem>>) src(%arg19 : memref<32x128xf32, #tpu.memory_space<vmem>>) dst(%dma_wait3A_122 : memref<32x128xf32, #tpu.memory_space<hbm>>)
    %mul3A_123 = arith.constant 1024 : i32
    %mul3A_124 = arith.muli %select_n3A, %mul3A_123 : i32
    %add3A_125 = arith.constant 1020 : i32
    %add3A_126 = arith.addi %mul3A_124, %add3A_125 : i32
    %add3A_127 = arith.addi %add3A_126, %select_n3A_30 : i32
    %mul3A_128 = arith.constant 32 : i32
    %mul3A_129 = arith.muli %add3A_127, %mul3A_128 : i32
    %dma_wait3A_130 = arith.constant 0 : i32
    %dma_wait3A_131 = tpu.memref_slice %arg9[%mul3A_129, %dma_wait3A_130] : memref<262144x128xf32, #tpu.memory_space<hbm>> -> memref<32x128xf32, #tpu.memory_space<hbm>>
    %dma_wait3A_132 = arith.constant 0 : i32
    %dma_wait3A_133 = tpu.memref_slice %arg9[%mul3A_129, %dma_wait3A_132] : memref<262144x128xf32, #tpu.memory_space<hbm>> -> memref<32x128xf32, #tpu.memory_space<hbm>>
    tpu.wait_dma2 semaphore(%arg24 : memref<!tpu.dma_semaphore, #tpu.memory_space<semaphore_mem>>) src(%arg20 : memref<32x128xf32, #tpu.memory_space<vmem>>) dst(%dma_wait3A_133 : memref<32x128xf32, #tpu.memory_space<hbm>>)
    return
  }
}

module attributes {stable_mosaic.version = 14 : i64} {
  func.func @_mlp_body(%arg0: i32, %arg1: i32, %arg2: memref<4096x128xf32, #tpu.memory_space<vmem>>, %arg3: memref<128x64xf32, #tpu.memory_space<vmem>>, %arg4: memref<1x64xf32, #tpu.memory_space<vmem>>, %arg5: memref<64x128xf32, #tpu.memory_space<vmem>>, %arg6: memref<1x128xf32, #tpu.memory_space<vmem>>, %arg7: memref<1x128x128xf32, #tpu.memory_space<vmem>>) attributes {dimension_semantics = [#tpu.dimension_semantics<arbitrary>, #tpu.dimension_semantics<arbitrary>], iteration_bounds = array<i64: 8, 8>, scalar_prefetch = 0 : i64, scratch_operands = 0 : i64, tpu.core_type = #tpu.core_type<tc>, window_params = [{transform_indices = @transform_0, window_bounds = array<i64: 4096, 128>}, {pipeline_mode = #tpu.pipeline_mode<synchronous>, transform_indices = @transform_1, window_bounds = array<i64: 128, 64>}, {pipeline_mode = #tpu.pipeline_mode<synchronous>, transform_indices = @transform_2, window_bounds = array<i64: 1, 64>}, {pipeline_mode = #tpu.pipeline_mode<synchronous>, transform_indices = @transform_3, window_bounds = array<i64: 64, 128>}, {pipeline_mode = #tpu.pipeline_mode<synchronous>, transform_indices = @transform_4, window_bounds = array<i64: 1, 128>}, {transform_indices = @transform_5, window_bounds = array<i64: 1, 128, 128>}]} {
    %get3A = arith.constant 0 : index
    %get3A_0 = arith.constant 0 : index
    %get3A_1 = vector.load %arg2[%get3A, %get3A_0] : memref<4096x128xf32, #tpu.memory_space<vmem>>, vector<4096x128xf32>
    %get3A_2 = arith.constant 0 : index
    %get3A_3 = arith.constant 0 : index
    %get3A_4 = vector.load %arg3[%get3A_2, %get3A_3] : memref<128x64xf32, #tpu.memory_space<vmem>>, vector<128x64xf32>
    %dot_general3A = arith.constant dense<0.000000e+00> : vector<4096x64xf32>
    %dot_general3A_5 = tpu.matmul %get3A_1, %get3A_4, %dot_general3A {dimension_numbers = #tpu.dot_dimension_numbers<[1], [0], [0], [1], [0, 0, 1, 1], [], []>, transpose_lhs_hint = false} : vector<4096x128xf32>, vector<128x64xf32>, vector<4096x64xf32> -> vector<4096x64xf32>
    %get3A_6 = arith.constant 0 : index
    %get3A_7 = arith.constant 0 : index
    %get3A_8 = vector.load %arg4[%get3A_6, %get3A_7] : memref<1x64xf32, #tpu.memory_space<vmem>>, vector<1x64xf32>
    %add3A = vector.broadcast %get3A_8 : vector<1x64xf32> to vector<4096x64xf32>
    %add3A_9 = arith.addf %dot_general3A_5, %add3A : vector<4096x64xf32>
    %max3A = arith.constant 0.000000e+00 : f32
    %max3A_10 = vector.broadcast %max3A : f32 to vector<4096x64xf32>
    %max3A_11 = arith.maximumf %add3A_9, %max3A_10 : vector<4096x64xf32>
    %get3A_12 = arith.constant 0 : index
    %get3A_13 = arith.constant 0 : index
    %get3A_14 = vector.load %arg5[%get3A_12, %get3A_13] : memref<64x128xf32, #tpu.memory_space<vmem>>, vector<64x128xf32>
    %dot_general3A_15 = arith.constant dense<0.000000e+00> : vector<4096x128xf32>
    %dot_general3A_16 = tpu.matmul %max3A_11, %get3A_14, %dot_general3A_15 {dimension_numbers = #tpu.dot_dimension_numbers<[1], [0], [0], [1], [0, 0, 1, 1], [], []>, transpose_lhs_hint = false} : vector<4096x64xf32>, vector<64x128xf32>, vector<4096x128xf32> -> vector<4096x128xf32>
    %get3A_17 = arith.constant 0 : index
    %get3A_18 = arith.constant 0 : index
    %get3A_19 = vector.load %arg6[%get3A_17, %get3A_18] : memref<1x128xf32, #tpu.memory_space<vmem>>, vector<1x128xf32>
    %add3A_20 = vector.broadcast %get3A_19 : vector<1x128xf32> to vector<4096x128xf32>
    %add3A_21 = arith.addf %dot_general3A_16, %add3A_20 : vector<4096x128xf32>
    %max3A_22 = arith.constant 0.000000e+00 : f32
    %max3A_23 = vector.broadcast %max3A_22 : f32 to vector<4096x128xf32>
    %max3A_24 = arith.maximumf %add3A_21, %max3A_23 : vector<4096x128xf32>
    %reshape3A = vector.shape_cast %max3A_24 : vector<4096x128xf32> to vector<128x32x128xf32>
    %reduce_max3A = arith.constant dense<0xFF800000> : vector<128x128xf32>
    %reduce_max3A_25 = vector.multi_reduction <maximumf>, %reshape3A, %reduce_max3A [1] : vector<128x32x128xf32> to vector<128x128xf32>
    %transpose3A = tpu.transpose %reduce_max3A_25, [1, 0] : vector<128x128xf32> -> vector<128x128xf32>
    %swap3A = arith.constant 0 : index
    %swap3A_26 = arith.constant 0 : index
    %swap3A_27 = arith.constant 0 : index
    %swap3A_28 = vector.load %arg7[%swap3A, %swap3A_26, %swap3A_27] : memref<1x128x128xf32, #tpu.memory_space<vmem>>, vector<1x128x128xf32>
    %swap3A_29 = vector.shape_cast %swap3A_28 : vector<1x128x128xf32> to vector<128x128xf32>
    %swap3A_30 = vector.shape_cast %transpose3A : vector<128x128xf32> to vector<1x128x128xf32>
    tpu.vector_store %arg7[%swap3A, %swap3A_26, %swap3A_27], %swap3A_30 {strides = array<i32>} : memref<1x128x128xf32, #tpu.memory_space<vmem>>, vector<1x128x128xf32>,
    return
  }
  func.func @transform_0(%arg0: i32, %arg1: i32) -> (i32, i32) {
    %mul3A = arith.constant 8 : i32
    %mul3A_0 = arith.muli %arg0, %mul3A : i32
    %add3A = arith.addi %mul3A_0, %arg1 : i32
    %c0_i32 = arith.constant 0 : i32
    %c0_i32_1 = arith.constant 0 : i32
    return %add3A, %c0_i32 : i32, i32
  }
  func.func @transform_1(%arg0: i32, %arg1: i32) -> (i32, i32) {
    %c0_i32 = arith.constant 0 : i32
    %c0_i32_0 = arith.constant 0 : i32
    %c0_i32_1 = arith.constant 0 : i32
    return %c0_i32, %c0_i32_0 : i32, i32
  }
  func.func @transform_2(%arg0: i32, %arg1: i32) -> (i32, i32) {
    %c0_i32 = arith.constant 0 : i32
    %c0_i32_0 = arith.constant 0 : i32
    %c0_i32_1 = arith.constant 0 : i32
    return %c0_i32, %c0_i32_0 : i32, i32
  }
  func.func @transform_3(%arg0: i32, %arg1: i32) -> (i32, i32) {
    %c0_i32 = arith.constant 0 : i32
    %c0_i32_0 = arith.constant 0 : i32
    %c0_i32_1 = arith.constant 0 : i32
    return %c0_i32, %c0_i32_0 : i32, i32
  }
  func.func @transform_4(%arg0: i32, %arg1: i32) -> (i32, i32) {
    %c0_i32 = arith.constant 0 : i32
    %c0_i32_0 = arith.constant 0 : i32
    %c0_i32_1 = arith.constant 0 : i32
    return %c0_i32, %c0_i32_0 : i32, i32
  }
  func.func @transform_5(%arg0: i32, %arg1: i32) -> (i32, i32, i32) {
    %c0_i32 = arith.constant 0 : i32
    %c0_i32_0 = arith.constant 0 : i32
    return %arg0, %c0_i32, %arg1 : i32, i32, i32
  }
}

module attributes {stable_mosaic.version = 14 : i64} {
  func.func @_fps_body(%arg0: memref<3x8x8192xf32, #tpu.memory_space<vmem>>, %arg1: memref<8x1024xf32, #tpu.memory_space<vmem>>, %arg2: memref<8x1024xf32, #tpu.memory_space<vmem>>, %arg3: memref<8x1024xf32, #tpu.memory_space<vmem>>, %arg4: memref<8x8192xf32, #tpu.memory_space<vmem>>) attributes {dimension_semantics = [], scalar_prefetch = 0 : i64, scratch_operands = 1 : i64, tpu.core_type = #tpu.core_type<tc>} {
    %iota3A = tpu.iota {dimensions = array<i32: 1>} : vector<8x128xi32>
    %broadcast_in_dim3A = arith.constant 1.000000e+10 : f32
    %broadcast_in_dim3A_0 = vector.broadcast %broadcast_in_dim3A : f32 to vector<8x128xf32>
    %swap3A = arith.constant 0 : index
    %swap3A_1 = arith.constant 0 : index
    %swap3A_2 = vector.load %arg4[%swap3A, %swap3A_1] : memref<8x8192xf32, #tpu.memory_space<vmem>>, vector<8x128xf32>
    tpu.vector_store %arg4[%swap3A, %swap3A_1], %broadcast_in_dim3A_0 {strides = array<i32>} : memref<8x8192xf32, #tpu.memory_space<vmem>>, vector<8x128xf32>,
    %swap3A_3 = arith.constant 0 : index
    %swap3A_4 = arith.constant 128 : index
    %swap3A_5 = vector.load %arg4[%swap3A_3, %swap3A_4] : memref<8x8192xf32, #tpu.memory_space<vmem>>, vector<8x128xf32>
    tpu.vector_store %arg4[%swap3A_3, %swap3A_4], %broadcast_in_dim3A_0 {strides = array<i32>} : memref<8x8192xf32, #tpu.memory_space<vmem>>, vector<8x128xf32>,
    %swap3A_6 = arith.constant 0 : index
    %swap3A_7 = arith.constant 256 : index
    %swap3A_8 = vector.load %arg4[%swap3A_6, %swap3A_7] : memref<8x8192xf32, #tpu.memory_space<vmem>>, vector<8x128xf32>
    tpu.vector_store %arg4[%swap3A_6, %swap3A_7], %broadcast_in_dim3A_0 {strides = array<i32>} : memref<8x8192xf32, #tpu.memory_space<vmem>>, vector<8x128xf32>,
    %swap3A_9 = arith.constant 0 : index
    %swap3A_10 = arith.constant 384 : index
    %swap3A_11 = vector.load %arg4[%swap3A_9, %swap3A_10] : memref<8x8192xf32, #tpu.memory_space<vmem>>, vector<8x128xf32>
    tpu.vector_store %arg4[%swap3A_9, %swap3A_10], %broadcast_in_dim3A_0 {strides = array<i32>} : memref<8x8192xf32, #tpu.memory_space<vmem>>, vector<8x128xf32>,
    %swap3A_12 = arith.constant 0 : index
    %swap3A_13 = arith.constant 512 : index
    %swap3A_14 = vector.load %arg4[%swap3A_12, %swap3A_13] : memref<8x8192xf32, #tpu.memory_space<vmem>>, vector<8x128xf32>
    tpu.vector_store %arg4[%swap3A_12, %swap3A_13], %broadcast_in_dim3A_0 {strides = array<i32>} : memref<8x8192xf32, #tpu.memory_space<vmem>>, vector<8x128xf32>,
    %swap3A_15 = arith.constant 0 : index
    %swap3A_16 = arith.constant 640 : index
    %swap3A_17 = vector.load %arg4[%swap3A_15, %swap3A_16] : memref<8x8192xf32, #tpu.memory_space<vmem>>, vector<8x128xf32>
    tpu.vector_store %arg4[%swap3A_15, %swap3A_16], %broadcast_in_dim3A_0 {strides = array<i32>} : memref<8x8192xf32, #tpu.memory_space<vmem>>, vector<8x128xf32>,
    %swap3A_18 = arith.constant 0 : index
    %swap3A_19 = arith.constant 768 : index
    %swap3A_20 = vector.load %arg4[%swap3A_18, %swap3A_19] : memref<8x8192xf32, #tpu.memory_space<vmem>>, vector<8x128xf32>
    tpu.vector_store %arg4[%swap3A_18, %swap3A_19], %broadcast_in_dim3A_0 {strides = array<i32>} : memref<8x8192xf32, #tpu.memory_space<vmem>>, vector<8x128xf32>,
    %swap3A_21 = arith.constant 0 : index
    %swap3A_22 = arith.constant 896 : index
    %swap3A_23 = vector.load %arg4[%swap3A_21, %swap3A_22] : memref<8x8192xf32, #tpu.memory_space<vmem>>, vector<8x128xf32>
    tpu.vector_store %arg4[%swap3A_21, %swap3A_22], %broadcast_in_dim3A_0 {strides = array<i32>} : memref<8x8192xf32, #tpu.memory_space<vmem>>, vector<8x128xf32>,
    %swap3A_24 = arith.constant 0 : index
    %swap3A_25 = arith.constant 1024 : index
    %swap3A_26 = vector.load %arg4[%swap3A_24, %swap3A_25] : memref<8x8192xf32, #tpu.memory_space<vmem>>, vector<8x128xf32>
    tpu.vector_store %arg4[%swap3A_24, %swap3A_25], %broadcast_in_dim3A_0 {strides = array<i32>} : memref<8x8192xf32, #tpu.memory_space<vmem>>, vector<8x128xf32>,
    %swap3A_27 = arith.constant 0 : index
    %swap3A_28 = arith.constant 1152 : index
    %swap3A_29 = vector.load %arg4[%swap3A_27, %swap3A_28] : memref<8x8192xf32, #tpu.memory_space<vmem>>, vector<8x128xf32>
    tpu.vector_store %arg4[%swap3A_27, %swap3A_28], %broadcast_in_dim3A_0 {strides = array<i32>} : memref<8x8192xf32, #tpu.memory_space<vmem>>, vector<8x128xf32>,
    %swap3A_30 = arith.constant 0 : index
    %swap3A_31 = arith.constant 1280 : index
    %swap3A_32 = vector.load %arg4[%swap3A_30, %swap3A_31] : memref<8x8192xf32, #tpu.memory_space<vmem>>, vector<8x128xf32>
    tpu.vector_store %arg4[%swap3A_30, %swap3A_31], %broadcast_in_dim3A_0 {strides = array<i32>} : memref<8x8192xf32, #tpu.memory_space<vmem>>, vector<8x128xf32>,
    %swap3A_33 = arith.constant 0 : index
    %swap3A_34 = arith.constant 1408 : index
    %swap3A_35 = vector.load %arg4[%swap3A_33, %swap3A_34] : memref<8x8192xf32, #tpu.memory_space<vmem>>, vector<8x128xf32>
    tpu.vector_store %arg4[%swap3A_33, %swap3A_34], %broadcast_in_dim3A_0 {strides = array<i32>} : memref<8x8192xf32, #tpu.memory_space<vmem>>, vector<8x128xf32>,
    %swap3A_36 = arith.constant 0 : index
    %swap3A_37 = arith.constant 1536 : index
    %swap3A_38 = vector.load %arg4[%swap3A_36, %swap3A_37] : memref<8x8192xf32, #tpu.memory_space<vmem>>, vector<8x128xf32>
    tpu.vector_store %arg4[%swap3A_36, %swap3A_37], %broadcast_in_dim3A_0 {strides = array<i32>} : memref<8x8192xf32, #tpu.memory_space<vmem>>, vector<8x128xf32>,
    %swap3A_39 = arith.constant 0 : index
    %swap3A_40 = arith.constant 1664 : index
    %swap3A_41 = vector.load %arg4[%swap3A_39, %swap3A_40] : memref<8x8192xf32, #tpu.memory_space<vmem>>, vector<8x128xf32>
    tpu.vector_store %arg4[%swap3A_39, %swap3A_40], %broadcast_in_dim3A_0 {strides = array<i32>} : memref<8x8192xf32, #tpu.memory_space<vmem>>, vector<8x128xf32>,
    %swap3A_42 = arith.constant 0 : index
    %swap3A_43 = arith.constant 1792 : index
    %swap3A_44 = vector.load %arg4[%swap3A_42, %swap3A_43] : memref<8x8192xf32, #tpu.memory_space<vmem>>, vector<8x128xf32>
    tpu.vector_store %arg4[%swap3A_42, %swap3A_43], %broadcast_in_dim3A_0 {strides = array<i32>} : memref<8x8192xf32, #tpu.memory_space<vmem>>, vector<8x128xf32>,
    %swap3A_45 = arith.constant 0 : index
    %swap3A_46 = arith.constant 1920 : index
    %swap3A_47 = vector.load %arg4[%swap3A_45, %swap3A_46] : memref<8x8192xf32, #tpu.memory_space<vmem>>, vector<8x128xf32>
    tpu.vector_store %arg4[%swap3A_45, %swap3A_46], %broadcast_in_dim3A_0 {strides = array<i32>} : memref<8x8192xf32, #tpu.memory_space<vmem>>, vector<8x128xf32>,
    %swap3A_48 = arith.constant 0 : index
    %swap3A_49 = arith.constant 2048 : index
    %swap3A_50 = vector.load %arg4[%swap3A_48, %swap3A_49] : memref<8x8192xf32, #tpu.memory_space<vmem>>, vector<8x128xf32>
    tpu.vector_store %arg4[%swap3A_48, %swap3A_49], %broadcast_in_dim3A_0 {strides = array<i32>} : memref<8x8192xf32, #tpu.memory_space<vmem>>, vector<8x128xf32>,
    %swap3A_51 = arith.constant 0 : index
    %swap3A_52 = arith.constant 2176 : index
    %swap3A_53 = vector.load %arg4[%swap3A_51, %swap3A_52] : memref<8x8192xf32, #tpu.memory_space<vmem>>, vector<8x128xf32>
    tpu.vector_store %arg4[%swap3A_51, %swap3A_52], %broadcast_in_dim3A_0 {strides = array<i32>} : memref<8x8192xf32, #tpu.memory_space<vmem>>, vector<8x128xf32>,
    %swap3A_54 = arith.constant 0 : index
    %swap3A_55 = arith.constant 2304 : index
    %swap3A_56 = vector.load %arg4[%swap3A_54, %swap3A_55] : memref<8x8192xf32, #tpu.memory_space<vmem>>, vector<8x128xf32>
    tpu.vector_store %arg4[%swap3A_54, %swap3A_55], %broadcast_in_dim3A_0 {strides = array<i32>} : memref<8x8192xf32, #tpu.memory_space<vmem>>, vector<8x128xf32>,
    %swap3A_57 = arith.constant 0 : index
    %swap3A_58 = arith.constant 2432 : index
    %swap3A_59 = vector.load %arg4[%swap3A_57, %swap3A_58] : memref<8x8192xf32, #tpu.memory_space<vmem>>, vector<8x128xf32>
    tpu.vector_store %arg4[%swap3A_57, %swap3A_58], %broadcast_in_dim3A_0 {strides = array<i32>} : memref<8x8192xf32, #tpu.memory_space<vmem>>, vector<8x128xf32>,
    %swap3A_60 = arith.constant 0 : index
    %swap3A_61 = arith.constant 2560 : index
    %swap3A_62 = vector.load %arg4[%swap3A_60, %swap3A_61] : memref<8x8192xf32, #tpu.memory_space<vmem>>, vector<8x128xf32>
    tpu.vector_store %arg4[%swap3A_60, %swap3A_61], %broadcast_in_dim3A_0 {strides = array<i32>} : memref<8x8192xf32, #tpu.memory_space<vmem>>, vector<8x128xf32>,
    %swap3A_63 = arith.constant 0 : index
    %swap3A_64 = arith.constant 2688 : index
    %swap3A_65 = vector.load %arg4[%swap3A_63, %swap3A_64] : memref<8x8192xf32, #tpu.memory_space<vmem>>, vector<8x128xf32>
    tpu.vector_store %arg4[%swap3A_63, %swap3A_64], %broadcast_in_dim3A_0 {strides = array<i32>} : memref<8x8192xf32, #tpu.memory_space<vmem>>, vector<8x128xf32>,
    %swap3A_66 = arith.constant 0 : index
    %swap3A_67 = arith.constant 2816 : index
    %swap3A_68 = vector.load %arg4[%swap3A_66, %swap3A_67] : memref<8x8192xf32, #tpu.memory_space<vmem>>, vector<8x128xf32>
    tpu.vector_store %arg4[%swap3A_66, %swap3A_67], %broadcast_in_dim3A_0 {strides = array<i32>} : memref<8x8192xf32, #tpu.memory_space<vmem>>, vector<8x128xf32>,
    %swap3A_69 = arith.constant 0 : index
    %swap3A_70 = arith.constant 2944 : index
    %swap3A_71 = vector.load %arg4[%swap3A_69, %swap3A_70] : memref<8x8192xf32, #tpu.memory_space<vmem>>, vector<8x128xf32>
    tpu.vector_store %arg4[%swap3A_69, %swap3A_70], %broadcast_in_dim3A_0 {strides = array<i32>} : memref<8x8192xf32, #tpu.memory_space<vmem>>, vector<8x128xf32>,
    %swap3A_72 = arith.constant 0 : index
    %swap3A_73 = arith.constant 3072 : index
    %swap3A_74 = vector.load %arg4[%swap3A_72, %swap3A_73] : memref<8x8192xf32, #tpu.memory_space<vmem>>, vector<8x128xf32>
    tpu.vector_store %arg4[%swap3A_72, %swap3A_73], %broadcast_in_dim3A_0 {strides = array<i32>} : memref<8x8192xf32, #tpu.memory_space<vmem>>, vector<8x128xf32>,
    %swap3A_75 = arith.constant 0 : index
    %swap3A_76 = arith.constant 3200 : index
    %swap3A_77 = vector.load %arg4[%swap3A_75, %swap3A_76] : memref<8x8192xf32, #tpu.memory_space<vmem>>, vector<8x128xf32>
    tpu.vector_store %arg4[%swap3A_75, %swap3A_76], %broadcast_in_dim3A_0 {strides = array<i32>} : memref<8x8192xf32, #tpu.memory_space<vmem>>, vector<8x128xf32>,
    %swap3A_78 = arith.constant 0 : index
    %swap3A_79 = arith.constant 3328 : index
    %swap3A_80 = vector.load %arg4[%swap3A_78, %swap3A_79] : memref<8x8192xf32, #tpu.memory_space<vmem>>, vector<8x128xf32>
    tpu.vector_store %arg4[%swap3A_78, %swap3A_79], %broadcast_in_dim3A_0 {strides = array<i32>} : memref<8x8192xf32, #tpu.memory_space<vmem>>, vector<8x128xf32>,
    %swap3A_81 = arith.constant 0 : index
    %swap3A_82 = arith.constant 3456 : index
    %swap3A_83 = vector.load %arg4[%swap3A_81, %swap3A_82] : memref<8x8192xf32, #tpu.memory_space<vmem>>, vector<8x128xf32>
    tpu.vector_store %arg4[%swap3A_81, %swap3A_82], %broadcast_in_dim3A_0 {strides = array<i32>} : memref<8x8192xf32, #tpu.memory_space<vmem>>, vector<8x128xf32>,
    %swap3A_84 = arith.constant 0 : index
    %swap3A_85 = arith.constant 3584 : index
    %swap3A_86 = vector.load %arg4[%swap3A_84, %swap3A_85] : memref<8x8192xf32, #tpu.memory_space<vmem>>, vector<8x128xf32>
    tpu.vector_store %arg4[%swap3A_84, %swap3A_85], %broadcast_in_dim3A_0 {strides = array<i32>} : memref<8x8192xf32, #tpu.memory_space<vmem>>, vector<8x128xf32>,
    %swap3A_87 = arith.constant 0 : index
    %swap3A_88 = arith.constant 3712 : index
    %swap3A_89 = vector.load %arg4[%swap3A_87, %swap3A_88] : memref<8x8192xf32, #tpu.memory_space<vmem>>, vector<8x128xf32>
    tpu.vector_store %arg4[%swap3A_87, %swap3A_88], %broadcast_in_dim3A_0 {strides = array<i32>} : memref<8x8192xf32, #tpu.memory_space<vmem>>, vector<8x128xf32>,
    %swap3A_90 = arith.constant 0 : index
    %swap3A_91 = arith.constant 3840 : index
    %swap3A_92 = vector.load %arg4[%swap3A_90, %swap3A_91] : memref<8x8192xf32, #tpu.memory_space<vmem>>, vector<8x128xf32>
    tpu.vector_store %arg4[%swap3A_90, %swap3A_91], %broadcast_in_dim3A_0 {strides = array<i32>} : memref<8x8192xf32, #tpu.memory_space<vmem>>, vector<8x128xf32>,
    %swap3A_93 = arith.constant 0 : index
    %swap3A_94 = arith.constant 3968 : index
    %swap3A_95 = vector.load %arg4[%swap3A_93, %swap3A_94] : memref<8x8192xf32, #tpu.memory_space<vmem>>, vector<8x128xf32>
    tpu.vector_store %arg4[%swap3A_93, %swap3A_94], %broadcast_in_dim3A_0 {strides = array<i32>} : memref<8x8192xf32, #tpu.memory_space<vmem>>, vector<8x128xf32>,
    %swap3A_96 = arith.constant 0 : index
    %swap3A_97 = arith.constant 4096 : index
    %swap3A_98 = vector.load %arg4[%swap3A_96, %swap3A_97] : memref<8x8192xf32, #tpu.memory_space<vmem>>, vector<8x128xf32>
    tpu.vector_store %arg4[%swap3A_96, %swap3A_97], %broadcast_in_dim3A_0 {strides = array<i32>} : memref<8x8192xf32, #tpu.memory_space<vmem>>, vector<8x128xf32>,
    %swap3A_99 = arith.constant 0 : index
    %swap3A_100 = arith.constant 4224 : index
    %swap3A_101 = vector.load %arg4[%swap3A_99, %swap3A_100] : memref<8x8192xf32, #tpu.memory_space<vmem>>, vector<8x128xf32>
    tpu.vector_store %arg4[%swap3A_99, %swap3A_100], %broadcast_in_dim3A_0 {strides = array<i32>} : memref<8x8192xf32, #tpu.memory_space<vmem>>, vector<8x128xf32>,
    %swap3A_102 = arith.constant 0 : index
    %swap3A_103 = arith.constant 4352 : index
    %swap3A_104 = vector.load %arg4[%swap3A_102, %swap3A_103] : memref<8x8192xf32, #tpu.memory_space<vmem>>, vector<8x128xf32>
    tpu.vector_store %arg4[%swap3A_102, %swap3A_103], %broadcast_in_dim3A_0 {strides = array<i32>} : memref<8x8192xf32, #tpu.memory_space<vmem>>, vector<8x128xf32>,
    %swap3A_105 = arith.constant 0 : index
    %swap3A_106 = arith.constant 4480 : index
    %swap3A_107 = vector.load %arg4[%swap3A_105, %swap3A_106] : memref<8x8192xf32, #tpu.memory_space<vmem>>, vector<8x128xf32>
    tpu.vector_store %arg4[%swap3A_105, %swap3A_106], %broadcast_in_dim3A_0 {strides = array<i32>} : memref<8x8192xf32, #tpu.memory_space<vmem>>, vector<8x128xf32>,
    %swap3A_108 = arith.constant 0 : index
    %swap3A_109 = arith.constant 4608 : index
    %swap3A_110 = vector.load %arg4[%swap3A_108, %swap3A_109] : memref<8x8192xf32, #tpu.memory_space<vmem>>, vector<8x128xf32>
    tpu.vector_store %arg4[%swap3A_108, %swap3A_109], %broadcast_in_dim3A_0 {strides = array<i32>} : memref<8x8192xf32, #tpu.memory_space<vmem>>, vector<8x128xf32>,
    %swap3A_111 = arith.constant 0 : index
    %swap3A_112 = arith.constant 4736 : index
    %swap3A_113 = vector.load %arg4[%swap3A_111, %swap3A_112] : memref<8x8192xf32, #tpu.memory_space<vmem>>, vector<8x128xf32>
    tpu.vector_store %arg4[%swap3A_111, %swap3A_112], %broadcast_in_dim3A_0 {strides = array<i32>} : memref<8x8192xf32, #tpu.memory_space<vmem>>, vector<8x128xf32>,
    %swap3A_114 = arith.constant 0 : index
    %swap3A_115 = arith.constant 4864 : index
    %swap3A_116 = vector.load %arg4[%swap3A_114, %swap3A_115] : memref<8x8192xf32, #tpu.memory_space<vmem>>, vector<8x128xf32>
    tpu.vector_store %arg4[%swap3A_114, %swap3A_115], %broadcast_in_dim3A_0 {strides = array<i32>} : memref<8x8192xf32, #tpu.memory_space<vmem>>, vector<8x128xf32>,
    %swap3A_117 = arith.constant 0 : index
    %swap3A_118 = arith.constant 4992 : index
    %swap3A_119 = vector.load %arg4[%swap3A_117, %swap3A_118] : memref<8x8192xf32, #tpu.memory_space<vmem>>, vector<8x128xf32>
    tpu.vector_store %arg4[%swap3A_117, %swap3A_118], %broadcast_in_dim3A_0 {strides = array<i32>} : memref<8x8192xf32, #tpu.memory_space<vmem>>, vector<8x128xf32>,
    %swap3A_120 = arith.constant 0 : index
    %swap3A_121 = arith.constant 5120 : index
    %swap3A_122 = vector.load %arg4[%swap3A_120, %swap3A_121] : memref<8x8192xf32, #tpu.memory_space<vmem>>, vector<8x128xf32>
    tpu.vector_store %arg4[%swap3A_120, %swap3A_121], %broadcast_in_dim3A_0 {strides = array<i32>} : memref<8x8192xf32, #tpu.memory_space<vmem>>, vector<8x128xf32>,
    %swap3A_123 = arith.constant 0 : index
    %swap3A_124 = arith.constant 5248 : index
    %swap3A_125 = vector.load %arg4[%swap3A_123, %swap3A_124] : memref<8x8192xf32, #tpu.memory_space<vmem>>, vector<8x128xf32>
    tpu.vector_store %arg4[%swap3A_123, %swap3A_124], %broadcast_in_dim3A_0 {strides = array<i32>} : memref<8x8192xf32, #tpu.memory_space<vmem>>, vector<8x128xf32>,
    %swap3A_126 = arith.constant 0 : index
    %swap3A_127 = arith.constant 5376 : index
    %swap3A_128 = vector.load %arg4[%swap3A_126, %swap3A_127] : memref<8x8192xf32, #tpu.memory_space<vmem>>, vector<8x128xf32>
    tpu.vector_store %arg4[%swap3A_126, %swap3A_127], %broadcast_in_dim3A_0 {strides = array<i32>} : memref<8x8192xf32, #tpu.memory_space<vmem>>, vector<8x128xf32>,
    %swap3A_129 = arith.constant 0 : index
    %swap3A_130 = arith.constant 5504 : index
    %swap3A_131 = vector.load %arg4[%swap3A_129, %swap3A_130] : memref<8x8192xf32, #tpu.memory_space<vmem>>, vector<8x128xf32>
    tpu.vector_store %arg4[%swap3A_129, %swap3A_130], %broadcast_in_dim3A_0 {strides = array<i32>} : memref<8x8192xf32, #tpu.memory_space<vmem>>, vector<8x128xf32>,
    %swap3A_132 = arith.constant 0 : index
    %swap3A_133 = arith.constant 5632 : index
    %swap3A_134 = vector.load %arg4[%swap3A_132, %swap3A_133] : memref<8x8192xf32, #tpu.memory_space<vmem>>, vector<8x128xf32>
    tpu.vector_store %arg4[%swap3A_132, %swap3A_133], %broadcast_in_dim3A_0 {strides = array<i32>} : memref<8x8192xf32, #tpu.memory_space<vmem>>, vector<8x128xf32>,
    %swap3A_135 = arith.constant 0 : index
    %swap3A_136 = arith.constant 5760 : index
    %swap3A_137 = vector.load %arg4[%swap3A_135, %swap3A_136] : memref<8x8192xf32, #tpu.memory_space<vmem>>, vector<8x128xf32>
    tpu.vector_store %arg4[%swap3A_135, %swap3A_136], %broadcast_in_dim3A_0 {strides = array<i32>} : memref<8x8192xf32, #tpu.memory_space<vmem>>, vector<8x128xf32>,
    %swap3A_138 = arith.constant 0 : index
    %swap3A_139 = arith.constant 5888 : index
    %swap3A_140 = vector.load %arg4[%swap3A_138, %swap3A_139] : memref<8x8192xf32, #tpu.memory_space<vmem>>, vector<8x128xf32>
    tpu.vector_store %arg4[%swap3A_138, %swap3A_139], %broadcast_in_dim3A_0 {strides = array<i32>} : memref<8x8192xf32, #tpu.memory_space<vmem>>, vector<8x128xf32>,
    %swap3A_141 = arith.constant 0 : index
    %swap3A_142 = arith.constant 6016 : index
    %swap3A_143 = vector.load %arg4[%swap3A_141, %swap3A_142] : memref<8x8192xf32, #tpu.memory_space<vmem>>, vector<8x128xf32>
    tpu.vector_store %arg4[%swap3A_141, %swap3A_142], %broadcast_in_dim3A_0 {strides = array<i32>} : memref<8x8192xf32, #tpu.memory_space<vmem>>, vector<8x128xf32>,
    %swap3A_144 = arith.constant 0 : index
    %swap3A_145 = arith.constant 6144 : index
    %swap3A_146 = vector.load %arg4[%swap3A_144, %swap3A_145] : memref<8x8192xf32, #tpu.memory_space<vmem>>, vector<8x128xf32>
    tpu.vector_store %arg4[%swap3A_144, %swap3A_145], %broadcast_in_dim3A_0 {strides = array<i32>} : memref<8x8192xf32, #tpu.memory_space<vmem>>, vector<8x128xf32>,
    %swap3A_147 = arith.constant 0 : index
    %swap3A_148 = arith.constant 6272 : index
    %swap3A_149 = vector.load %arg4[%swap3A_147, %swap3A_148] : memref<8x8192xf32, #tpu.memory_space<vmem>>, vector<8x128xf32>
    tpu.vector_store %arg4[%swap3A_147, %swap3A_148], %broadcast_in_dim3A_0 {strides = array<i32>} : memref<8x8192xf32, #tpu.memory_space<vmem>>, vector<8x128xf32>,
    %swap3A_150 = arith.constant 0 : index
    %swap3A_151 = arith.constant 6400 : index
    %swap3A_152 = vector.load %arg4[%swap3A_150, %swap3A_151] : memref<8x8192xf32, #tpu.memory_space<vmem>>, vector<8x128xf32>
    tpu.vector_store %arg4[%swap3A_150, %swap3A_151], %broadcast_in_dim3A_0 {strides = array<i32>} : memref<8x8192xf32, #tpu.memory_space<vmem>>, vector<8x128xf32>,
    %swap3A_153 = arith.constant 0 : index
    %swap3A_154 = arith.constant 6528 : index
    %swap3A_155 = vector.load %arg4[%swap3A_153, %swap3A_154] : memref<8x8192xf32, #tpu.memory_space<vmem>>, vector<8x128xf32>
    tpu.vector_store %arg4[%swap3A_153, %swap3A_154], %broadcast_in_dim3A_0 {strides = array<i32>} : memref<8x8192xf32, #tpu.memory_space<vmem>>, vector<8x128xf32>,
    %swap3A_156 = arith.constant 0 : index
    %swap3A_157 = arith.constant 6656 : index
    %swap3A_158 = vector.load %arg4[%swap3A_156, %swap3A_157] : memref<8x8192xf32, #tpu.memory_space<vmem>>, vector<8x128xf32>
    tpu.vector_store %arg4[%swap3A_156, %swap3A_157], %broadcast_in_dim3A_0 {strides = array<i32>} : memref<8x8192xf32, #tpu.memory_space<vmem>>, vector<8x128xf32>,
    %swap3A_159 = arith.constant 0 : index
    %swap3A_160 = arith.constant 6784 : index
    %swap3A_161 = vector.load %arg4[%swap3A_159, %swap3A_160] : memref<8x8192xf32, #tpu.memory_space<vmem>>, vector<8x128xf32>
    tpu.vector_store %arg4[%swap3A_159, %swap3A_160], %broadcast_in_dim3A_0 {strides = array<i32>} : memref<8x8192xf32, #tpu.memory_space<vmem>>, vector<8x128xf32>,
    %swap3A_162 = arith.constant 0 : index
    %swap3A_163 = arith.constant 6912 : index
    %swap3A_164 = vector.load %arg4[%swap3A_162, %swap3A_163] : memref<8x8192xf32, #tpu.memory_space<vmem>>, vector<8x128xf32>
    tpu.vector_store %arg4[%swap3A_162, %swap3A_163], %broadcast_in_dim3A_0 {strides = array<i32>} : memref<8x8192xf32, #tpu.memory_space<vmem>>, vector<8x128xf32>,
    %swap3A_165 = arith.constant 0 : index
    %swap3A_166 = arith.constant 7040 : index
    %swap3A_167 = vector.load %arg4[%swap3A_165, %swap3A_166] : memref<8x8192xf32, #tpu.memory_space<vmem>>, vector<8x128xf32>
    tpu.vector_store %arg4[%swap3A_165, %swap3A_166], %broadcast_in_dim3A_0 {strides = array<i32>} : memref<8x8192xf32, #tpu.memory_space<vmem>>, vector<8x128xf32>,
    %swap3A_168 = arith.constant 0 : index
    %swap3A_169 = arith.constant 7168 : index
    %swap3A_170 = vector.load %arg4[%swap3A_168, %swap3A_169] : memref<8x8192xf32, #tpu.memory_space<vmem>>, vector<8x128xf32>
    tpu.vector_store %arg4[%swap3A_168, %swap3A_169], %broadcast_in_dim3A_0 {strides = array<i32>} : memref<8x8192xf32, #tpu.memory_space<vmem>>, vector<8x128xf32>,
    %swap3A_171 = arith.constant 0 : index
    %swap3A_172 = arith.constant 7296 : index
    %swap3A_173 = vector.load %arg4[%swap3A_171, %swap3A_172] : memref<8x8192xf32, #tpu.memory_space<vmem>>, vector<8x128xf32>
    tpu.vector_store %arg4[%swap3A_171, %swap3A_172], %broadcast_in_dim3A_0 {strides = array<i32>} : memref<8x8192xf32, #tpu.memory_space<vmem>>, vector<8x128xf32>,
    %swap3A_174 = arith.constant 0 : index
    %swap3A_175 = arith.constant 7424 : index
    %swap3A_176 = vector.load %arg4[%swap3A_174, %swap3A_175] : memref<8x8192xf32, #tpu.memory_space<vmem>>, vector<8x128xf32>
    tpu.vector_store %arg4[%swap3A_174, %swap3A_175], %broadcast_in_dim3A_0 {strides = array<i32>} : memref<8x8192xf32, #tpu.memory_space<vmem>>, vector<8x128xf32>,
    %swap3A_177 = arith.constant 0 : index
    %swap3A_178 = arith.constant 7552 : index
    %swap3A_179 = vector.load %arg4[%swap3A_177, %swap3A_178] : memref<8x8192xf32, #tpu.memory_space<vmem>>, vector<8x128xf32>
    tpu.vector_store %arg4[%swap3A_177, %swap3A_178], %broadcast_in_dim3A_0 {strides = array<i32>} : memref<8x8192xf32, #tpu.memory_space<vmem>>, vector<8x128xf32>,
    %swap3A_180 = arith.constant 0 : index
    %swap3A_181 = arith.constant 7680 : index
    %swap3A_182 = vector.load %arg4[%swap3A_180, %swap3A_181] : memref<8x8192xf32, #tpu.memory_space<vmem>>, vector<8x128xf32>
    tpu.vector_store %arg4[%swap3A_180, %swap3A_181], %broadcast_in_dim3A_0 {strides = array<i32>} : memref<8x8192xf32, #tpu.memory_space<vmem>>, vector<8x128xf32>,
    %swap3A_183 = arith.constant 0 : index
    %swap3A_184 = arith.constant 7808 : index
    %swap3A_185 = vector.load %arg4[%swap3A_183, %swap3A_184] : memref<8x8192xf32, #tpu.memory_space<vmem>>, vector<8x128xf32>
    tpu.vector_store %arg4[%swap3A_183, %swap3A_184], %broadcast_in_dim3A_0 {strides = array<i32>} : memref<8x8192xf32, #tpu.memory_space<vmem>>, vector<8x128xf32>,
    %swap3A_186 = arith.constant 0 : index
    %swap3A_187 = arith.constant 7936 : index
    %swap3A_188 = vector.load %arg4[%swap3A_186, %swap3A_187] : memref<8x8192xf32, #tpu.memory_space<vmem>>, vector<8x128xf32>
    tpu.vector_store %arg4[%swap3A_186, %swap3A_187], %broadcast_in_dim3A_0 {strides = array<i32>} : memref<8x8192xf32, #tpu.memory_space<vmem>>, vector<8x128xf32>,
    %swap3A_189 = arith.constant 0 : index
    %swap3A_190 = arith.constant 8064 : index
    %swap3A_191 = vector.load %arg4[%swap3A_189, %swap3A_190] : memref<8x8192xf32, #tpu.memory_space<vmem>>, vector<8x128xf32>
    tpu.vector_store %arg4[%swap3A_189, %swap3A_190], %broadcast_in_dim3A_0 {strides = array<i32>} : memref<8x8192xf32, #tpu.memory_space<vmem>>, vector<8x128xf32>,
    %broadcast_in_dim3A_192 = arith.constant 0.000000e+00 : f32
    %broadcast_in_dim3A_193 = vector.broadcast %broadcast_in_dim3A_192 : f32 to vector<8x128xf32>
    %broadcast_in_dim3A_194 = arith.constant 0 : i32
    %broadcast_in_dim3A_195 = vector.broadcast %broadcast_in_dim3A_194 : i32 to vector<8x1xi32>
    %scan3A = arith.constant 0 : i32
    %scan3A_196 = arith.constant 8 : i32
    %scan3A_197 = arith.addi %scan3A, %scan3A_196 : i32
    %scan3A_198 = arith.constant 1 : i32
    %scan3A_199:4 = scf.for %scan3A_201 = %scan3A to %scan3A_197 step %scan3A_198 iter_args(%scan3A_202 = %broadcast_in_dim3A_195, %scan3A_203 = %broadcast_in_dim3A_193, %scan3A_204 = %broadcast_in_dim3A_193, %scan3A_205 = %broadcast_in_dim3A_193) -> (vector<8x1xi32>, vector<8x128xf32>, vector<8x128xf32>, vector<8x128xf32>)  : i32 {
      %scan3A_206 = arith.constant 0 : i32
      %scan3A_207 = arith.constant 128 : i32
      %scan3A_208 = arith.addi %scan3A_206, %scan3A_207 : i32
      %scan3A_209 = arith.constant 1 : i32
      %scan3A_210:4 = scf.for %scan3A_222 = %scan3A_206 to %scan3A_208 step %scan3A_209 iter_args(%scan3A_223 = %scan3A_202, %scan3A_224 = %scan3A_203, %scan3A_225 = %scan3A_204, %scan3A_226 = %scan3A_205) -> (vector<8x1xi32>, vector<8x128xf32>, vector<8x128xf32>, vector<8x128xf32>)  : i32 {
        %broadcast_in_dim3A_227 = arith.constant 0.000000e+00 : f32
        %broadcast_in_dim3A_228 = vector.broadcast %broadcast_in_dim3A_227 : f32 to vector<8x128xf32>
        %sub3A = arith.constant 0 : i32
        %sub3A_229 = vector.broadcast %sub3A : i32 to vector<8x1xi32>
        %sub3A_230 = arith.subi %scan3A_223, %sub3A_229 : vector<8x1xi32>
        %eq3A = vector.broadcast %sub3A_230 : vector<8x1xi32> to vector<8x128xi32>
        %eq3A_231 = arith.cmpi eq, %iota3A, %eq3A : vector<8x128xi32>
        %get3A = arith.constant 0 : index
        %get3A_232 = arith.constant 0 : index
        %get3A_233 = arith.constant 0 : index
        %get3A_234 = vector.load %arg0[%get3A, %get3A_232, %get3A_233] : memref<3x8x8192xf32, #tpu.memory_space<vmem>>, vector<1x8x128xf32>
        %get3A_235 = vector.shape_cast %get3A_234 : vector<1x8x128xf32> to vector<8x128xf32>
        %jit3A = arith.constant 0.000000e+00 : f32
        %broadcast_in_dim3A_236 = vector.broadcast %jit3A : f32 to vector<8x128xf32>
        %select_n3A = arith.select %eq3A_231, %get3A_235, %broadcast_in_dim3A_236 : vector<8x128xi1>, vector<8x128xf32>
        %add3A = arith.addf %broadcast_in_dim3A_228, %select_n3A : vector<8x128xf32>
        %get3A_237 = arith.constant 1 : index
        %get3A_238 = arith.constant 0 : index
        %get3A_239 = arith.constant 0 : index
        %get3A_240 = vector.load %arg0[%get3A_237, %get3A_238, %get3A_239] : memref<3x8x8192xf32, #tpu.memory_space<vmem>>, vector<1x8x128xf32>
        %get3A_241 = vector.shape_cast %get3A_240 : vector<1x8x128xf32> to vector<8x128xf32>
        %jit3A_242 = arith.constant 0.000000e+00 : f32
        %broadcast_in_dim3A_243 = vector.broadcast %jit3A_242 : f32 to vector<8x128xf32>
        %select_n3A_244 = arith.select %eq3A_231, %get3A_241, %broadcast_in_dim3A_243 : vector<8x128xi1>, vector<8x128xf32>
        %add3A_245 = arith.addf %broadcast_in_dim3A_228, %select_n3A_244 : vector<8x128xf32>
        %get3A_246 = arith.constant 2 : index
        %get3A_247 = arith.constant 0 : index
        %get3A_248 = arith.constant 0 : index
        %get3A_249 = vector.load %arg0[%get3A_246, %get3A_247, %get3A_248] : memref<3x8x8192xf32, #tpu.memory_space<vmem>>, vector<1x8x128xf32>
        %get3A_250 = vector.shape_cast %get3A_249 : vector<1x8x128xf32> to vector<8x128xf32>
        %jit3A_251 = arith.constant 0.000000e+00 : f32
        %broadcast_in_dim3A_252 = vector.broadcast %jit3A_251 : f32 to vector<8x128xf32>
        %select_n3A_253 = arith.select %eq3A_231, %get3A_250, %broadcast_in_dim3A_252 : vector<8x128xi1>, vector<8x128xf32>
        %add3A_254 = arith.addf %broadcast_in_dim3A_228, %select_n3A_253 : vector<8x128xf32>
        %sub3A_255 = arith.constant 128 : i32
        %sub3A_256 = vector.broadcast %sub3A_255 : i32 to vector<8x1xi32>
        %sub3A_257 = arith.subi %scan3A_223, %sub3A_256 : vector<8x1xi32>
        %eq3A_258 = vector.broadcast %sub3A_257 : vector<8x1xi32> to vector<8x128xi32>
        %eq3A_259 = arith.cmpi eq, %iota3A, %eq3A_258 : vector<8x128xi32>
        %get3A_260 = arith.constant 0 : index
        %get3A_261 = arith.constant 0 : index
        %get3A_262 = arith.constant 128 : index
        %get3A_263 = vector.load %arg0[%get3A_260, %get3A_261, %get3A_262] : memref<3x8x8192xf32, #tpu.memory_space<vmem>>, vector<1x8x128xf32>
        %get3A_264 = vector.shape_cast %get3A_263 : vector<1x8x128xf32> to vector<8x128xf32>
        %jit3A_265 = arith.constant 0.000000e+00 : f32
        %broadcast_in_dim3A_266 = vector.broadcast %jit3A_265 : f32 to vector<8x128xf32>
        %select_n3A_267 = arith.select %eq3A_259, %get3A_264, %broadcast_in_dim3A_266 : vector<8x128xi1>, vector<8x128xf32>
        %add3A_268 = arith.addf %broadcast_in_dim3A_228, %select_n3A_267 : vector<8x128xf32>
        %get3A_269 = arith.constant 1 : index
        %get3A_270 = arith.constant 0 : index
        %get3A_271 = arith.constant 128 : index
        %get3A_272 = vector.load %arg0[%get3A_269, %get3A_270, %get3A_271] : memref<3x8x8192xf32, #tpu.memory_space<vmem>>, vector<1x8x128xf32>
        %get3A_273 = vector.shape_cast %get3A_272 : vector<1x8x128xf32> to vector<8x128xf32>
        %jit3A_274 = arith.constant 0.000000e+00 : f32
        %broadcast_in_dim3A_275 = vector.broadcast %jit3A_274 : f32 to vector<8x128xf32>
        %select_n3A_276 = arith.select %eq3A_259, %get3A_273, %broadcast_in_dim3A_275 : vector<8x128xi1>, vector<8x128xf32>
        %add3A_277 = arith.addf %broadcast_in_dim3A_228, %select_n3A_276 : vector<8x128xf32>
        %get3A_278 = arith.constant 2 : index
        %get3A_279 = arith.constant 0 : index
        %get3A_280 = arith.constant 128 : index
        %get3A_281 = vector.load %arg0[%get3A_278, %get3A_279, %get3A_280] : memref<3x8x8192xf32, #tpu.memory_space<vmem>>, vector<1x8x128xf32>
        %get3A_282 = vector.shape_cast %get3A_281 : vector<1x8x128xf32> to vector<8x128xf32>
        %jit3A_283 = arith.constant 0.000000e+00 : f32
        %broadcast_in_dim3A_284 = vector.broadcast %jit3A_283 : f32 to vector<8x128xf32>
        %select_n3A_285 = arith.select %eq3A_259, %get3A_282, %broadcast_in_dim3A_284 : vector<8x128xi1>, vector<8x128xf32>
        %add3A_286 = arith.addf %broadcast_in_dim3A_228, %select_n3A_285 : vector<8x128xf32>
        %sub3A_287 = arith.constant 256 : i32
        %sub3A_288 = vector.broadcast %sub3A_287 : i32 to vector<8x1xi32>
        %sub3A_289 = arith.subi %scan3A_223, %sub3A_288 : vector<8x1xi32>
        %eq3A_290 = vector.broadcast %sub3A_289 : vector<8x1xi32> to vector<8x128xi32>
        %eq3A_291 = arith.cmpi eq, %iota3A, %eq3A_290 : vector<8x128xi32>
        %get3A_292 = arith.constant 0 : index
        %get3A_293 = arith.constant 0 : index
        %get3A_294 = arith.constant 256 : index
        %get3A_295 = vector.load %arg0[%get3A_292, %get3A_293, %get3A_294] : memref<3x8x8192xf32, #tpu.memory_space<vmem>>, vector<1x8x128xf32>
        %get3A_296 = vector.shape_cast %get3A_295 : vector<1x8x128xf32> to vector<8x128xf32>
        %jit3A_297 = arith.constant 0.000000e+00 : f32
        %broadcast_in_dim3A_298 = vector.broadcast %jit3A_297 : f32 to vector<8x128xf32>
        %select_n3A_299 = arith.select %eq3A_291, %get3A_296, %broadcast_in_dim3A_298 : vector<8x128xi1>, vector<8x128xf32>
        %add3A_300 = arith.addf %broadcast_in_dim3A_228, %select_n3A_299 : vector<8x128xf32>
        %get3A_301 = arith.constant 1 : index
        %get3A_302 = arith.constant 0 : index
        %get3A_303 = arith.constant 256 : index
        %get3A_304 = vector.load %arg0[%get3A_301, %get3A_302, %get3A_303] : memref<3x8x8192xf32, #tpu.memory_space<vmem>>, vector<1x8x128xf32>
        %get3A_305 = vector.shape_cast %get3A_304 : vector<1x8x128xf32> to vector<8x128xf32>
        %jit3A_306 = arith.constant 0.000000e+00 : f32
        %broadcast_in_dim3A_307 = vector.broadcast %jit3A_306 : f32 to vector<8x128xf32>
        %select_n3A_308 = arith.select %eq3A_291, %get3A_305, %broadcast_in_dim3A_307 : vector<8x128xi1>, vector<8x128xf32>
        %add3A_309 = arith.addf %broadcast_in_dim3A_228, %select_n3A_308 : vector<8x128xf32>
        %get3A_310 = arith.constant 2 : index
        %get3A_311 = arith.constant 0 : index
        %get3A_312 = arith.constant 256 : index
        %get3A_313 = vector.load %arg0[%get3A_310, %get3A_311, %get3A_312] : memref<3x8x8192xf32, #tpu.memory_space<vmem>>, vector<1x8x128xf32>
        %get3A_314 = vector.shape_cast %get3A_313 : vector<1x8x128xf32> to vector<8x128xf32>
        %jit3A_315 = arith.constant 0.000000e+00 : f32
        %broadcast_in_dim3A_316 = vector.broadcast %jit3A_315 : f32 to vector<8x128xf32>
        %select_n3A_317 = arith.select %eq3A_291, %get3A_314, %broadcast_in_dim3A_316 : vector<8x128xi1>, vector<8x128xf32>
        %add3A_318 = arith.addf %broadcast_in_dim3A_228, %select_n3A_317 : vector<8x128xf32>
        %sub3A_319 = arith.constant 384 : i32
        %sub3A_320 = vector.broadcast %sub3A_319 : i32 to vector<8x1xi32>
        %sub3A_321 = arith.subi %scan3A_223, %sub3A_320 : vector<8x1xi32>
        %eq3A_322 = vector.broadcast %sub3A_321 : vector<8x1xi32> to vector<8x128xi32>
        %eq3A_323 = arith.cmpi eq, %iota3A, %eq3A_322 : vector<8x128xi32>
        %get3A_324 = arith.constant 0 : index
        %get3A_325 = arith.constant 0 : index
        %get3A_326 = arith.constant 384 : index
        %get3A_327 = vector.load %arg0[%get3A_324, %get3A_325, %get3A_326] : memref<3x8x8192xf32, #tpu.memory_space<vmem>>, vector<1x8x128xf32>
        %get3A_328 = vector.shape_cast %get3A_327 : vector<1x8x128xf32> to vector<8x128xf32>
        %jit3A_329 = arith.constant 0.000000e+00 : f32
        %broadcast_in_dim3A_330 = vector.broadcast %jit3A_329 : f32 to vector<8x128xf32>
        %select_n3A_331 = arith.select %eq3A_323, %get3A_328, %broadcast_in_dim3A_330 : vector<8x128xi1>, vector<8x128xf32>
        %add3A_332 = arith.addf %broadcast_in_dim3A_228, %select_n3A_331 : vector<8x128xf32>
        %get3A_333 = arith.constant 1 : index
        %get3A_334 = arith.constant 0 : index
        %get3A_335 = arith.constant 384 : index
        %get3A_336 = vector.load %arg0[%get3A_333, %get3A_334, %get3A_335] : memref<3x8x8192xf32, #tpu.memory_space<vmem>>, vector<1x8x128xf32>
        %get3A_337 = vector.shape_cast %get3A_336 : vector<1x8x128xf32> to vector<8x128xf32>
        %jit3A_338 = arith.constant 0.000000e+00 : f32
        %broadcast_in_dim3A_339 = vector.broadcast %jit3A_338 : f32 to vector<8x128xf32>
        %select_n3A_340 = arith.select %eq3A_323, %get3A_337, %broadcast_in_dim3A_339 : vector<8x128xi1>, vector<8x128xf32>
        %add3A_341 = arith.addf %broadcast_in_dim3A_228, %select_n3A_340 : vector<8x128xf32>
        %get3A_342 = arith.constant 2 : index
        %get3A_343 = arith.constant 0 : index
        %get3A_344 = arith.constant 384 : index
        %get3A_345 = vector.load %arg0[%get3A_342, %get3A_343, %get3A_344] : memref<3x8x8192xf32, #tpu.memory_space<vmem>>, vector<1x8x128xf32>
        %get3A_346 = vector.shape_cast %get3A_345 : vector<1x8x128xf32> to vector<8x128xf32>
        %jit3A_347 = arith.constant 0.000000e+00 : f32
        %broadcast_in_dim3A_348 = vector.broadcast %jit3A_347 : f32 to vector<8x128xf32>
        %select_n3A_349 = arith.select %eq3A_323, %get3A_346, %broadcast_in_dim3A_348 : vector<8x128xi1>, vector<8x128xf32>
        %add3A_350 = arith.addf %broadcast_in_dim3A_228, %select_n3A_349 : vector<8x128xf32>
        %sub3A_351 = arith.constant 512 : i32
        %sub3A_352 = vector.broadcast %sub3A_351 : i32 to vector<8x1xi32>
        %sub3A_353 = arith.subi %scan3A_223, %sub3A_352 : vector<8x1xi32>
        %eq3A_354 = vector.broadcast %sub3A_353 : vector<8x1xi32> to vector<8x128xi32>
        %eq3A_355 = arith.cmpi eq, %iota3A, %eq3A_354 : vector<8x128xi32>
        %get3A_356 = arith.constant 0 : index
        %get3A_357 = arith.constant 0 : index
        %get3A_358 = arith.constant 512 : index
        %get3A_359 = vector.load %arg0[%get3A_356, %get3A_357, %get3A_358] : memref<3x8x8192xf32, #tpu.memory_space<vmem>>, vector<1x8x128xf32>
        %get3A_360 = vector.shape_cast %get3A_359 : vector<1x8x128xf32> to vector<8x128xf32>
        %jit3A_361 = arith.constant 0.000000e+00 : f32
        %broadcast_in_dim3A_362 = vector.broadcast %jit3A_361 : f32 to vector<8x128xf32>
        %select_n3A_363 = arith.select %eq3A_355, %get3A_360, %broadcast_in_dim3A_362 : vector<8x128xi1>, vector<8x128xf32>
        %add3A_364 = arith.addf %add3A, %select_n3A_363 : vector<8x128xf32>
        %get3A_365 = arith.constant 1 : index
        %get3A_366 = arith.constant 0 : index
        %get3A_367 = arith.constant 512 : index
        %get3A_368 = vector.load %arg0[%get3A_365, %get3A_366, %get3A_367] : memref<3x8x8192xf32, #tpu.memory_space<vmem>>, vector<1x8x128xf32>
        %get3A_369 = vector.shape_cast %get3A_368 : vector<1x8x128xf32> to vector<8x128xf32>
        %jit3A_370 = arith.constant 0.000000e+00 : f32
        %broadcast_in_dim3A_371 = vector.broadcast %jit3A_370 : f32 to vector<8x128xf32>
        %select_n3A_372 = arith.select %eq3A_355, %get3A_369, %broadcast_in_dim3A_371 : vector<8x128xi1>, vector<8x128xf32>
        %add3A_373 = arith.addf %add3A_245, %select_n3A_372 : vector<8x128xf32>
        %get3A_374 = arith.constant 2 : index
        %get3A_375 = arith.constant 0 : index
        %get3A_376 = arith.constant 512 : index
        %get3A_377 = vector.load %arg0[%get3A_374, %get3A_375, %get3A_376] : memref<3x8x8192xf32, #tpu.memory_space<vmem>>, vector<1x8x128xf32>
        %get3A_378 = vector.shape_cast %get3A_377 : vector<1x8x128xf32> to vector<8x128xf32>
        %jit3A_379 = arith.constant 0.000000e+00 : f32
        %broadcast_in_dim3A_380 = vector.broadcast %jit3A_379 : f32 to vector<8x128xf32>
        %select_n3A_381 = arith.select %eq3A_355, %get3A_378, %broadcast_in_dim3A_380 : vector<8x128xi1>, vector<8x128xf32>
        %add3A_382 = arith.addf %add3A_254, %select_n3A_381 : vector<8x128xf32>
        %sub3A_383 = arith.constant 640 : i32
        %sub3A_384 = vector.broadcast %sub3A_383 : i32 to vector<8x1xi32>
        %sub3A_385 = arith.subi %scan3A_223, %sub3A_384 : vector<8x1xi32>
        %eq3A_386 = vector.broadcast %sub3A_385 : vector<8x1xi32> to vector<8x128xi32>
        %eq3A_387 = arith.cmpi eq, %iota3A, %eq3A_386 : vector<8x128xi32>
        %get3A_388 = arith.constant 0 : index
        %get3A_389 = arith.constant 0 : index
        %get3A_390 = arith.constant 640 : index
        %get3A_391 = vector.load %arg0[%get3A_388, %get3A_389, %get3A_390] : memref<3x8x8192xf32, #tpu.memory_space<vmem>>, vector<1x8x128xf32>
        %get3A_392 = vector.shape_cast %get3A_391 : vector<1x8x128xf32> to vector<8x128xf32>
        %jit3A_393 = arith.constant 0.000000e+00 : f32
        %broadcast_in_dim3A_394 = vector.broadcast %jit3A_393 : f32 to vector<8x128xf32>
        %select_n3A_395 = arith.select %eq3A_387, %get3A_392, %broadcast_in_dim3A_394 : vector<8x128xi1>, vector<8x128xf32>
        %add3A_396 = arith.addf %add3A_268, %select_n3A_395 : vector<8x128xf32>
        %get3A_397 = arith.constant 1 : index
        %get3A_398 = arith.constant 0 : index
        %get3A_399 = arith.constant 640 : index
        %get3A_400 = vector.load %arg0[%get3A_397, %get3A_398, %get3A_399] : memref<3x8x8192xf32, #tpu.memory_space<vmem>>, vector<1x8x128xf32>
        %get3A_401 = vector.shape_cast %get3A_400 : vector<1x8x128xf32> to vector<8x128xf32>
        %jit3A_402 = arith.constant 0.000000e+00 : f32
        %broadcast_in_dim3A_403 = vector.broadcast %jit3A_402 : f32 to vector<8x128xf32>
        %select_n3A_404 = arith.select %eq3A_387, %get3A_401, %broadcast_in_dim3A_403 : vector<8x128xi1>, vector<8x128xf32>
        %add3A_405 = arith.addf %add3A_277, %select_n3A_404 : vector<8x128xf32>
        %get3A_406 = arith.constant 2 : index
        %get3A_407 = arith.constant 0 : index
        %get3A_408 = arith.constant 640 : index
        %get3A_409 = vector.load %arg0[%get3A_406, %get3A_407, %get3A_408] : memref<3x8x8192xf32, #tpu.memory_space<vmem>>, vector<1x8x128xf32>
        %get3A_410 = vector.shape_cast %get3A_409 : vector<1x8x128xf32> to vector<8x128xf32>
        %jit3A_411 = arith.constant 0.000000e+00 : f32
        %broadcast_in_dim3A_412 = vector.broadcast %jit3A_411 : f32 to vector<8x128xf32>
        %select_n3A_413 = arith.select %eq3A_387, %get3A_410, %broadcast_in_dim3A_412 : vector<8x128xi1>, vector<8x128xf32>
        %add3A_414 = arith.addf %add3A_286, %select_n3A_413 : vector<8x128xf32>
        %sub3A_415 = arith.constant 768 : i32
        %sub3A_416 = vector.broadcast %sub3A_415 : i32 to vector<8x1xi32>
        %sub3A_417 = arith.subi %scan3A_223, %sub3A_416 : vector<8x1xi32>
        %eq3A_418 = vector.broadcast %sub3A_417 : vector<8x1xi32> to vector<8x128xi32>
        %eq3A_419 = arith.cmpi eq, %iota3A, %eq3A_418 : vector<8x128xi32>
        %get3A_420 = arith.constant 0 : index
        %get3A_421 = arith.constant 0 : index
        %get3A_422 = arith.constant 768 : index
        %get3A_423 = vector.load %arg0[%get3A_420, %get3A_421, %get3A_422] : memref<3x8x8192xf32, #tpu.memory_space<vmem>>, vector<1x8x128xf32>
        %get3A_424 = vector.shape_cast %get3A_423 : vector<1x8x128xf32> to vector<8x128xf32>
        %jit3A_425 = arith.constant 0.000000e+00 : f32
        %broadcast_in_dim3A_426 = vector.broadcast %jit3A_425 : f32 to vector<8x128xf32>
        %select_n3A_427 = arith.select %eq3A_419, %get3A_424, %broadcast_in_dim3A_426 : vector<8x128xi1>, vector<8x128xf32>
        %add3A_428 = arith.addf %add3A_300, %select_n3A_427 : vector<8x128xf32>
        %get3A_429 = arith.constant 1 : index
        %get3A_430 = arith.constant 0 : index
        %get3A_431 = arith.constant 768 : index
        %get3A_432 = vector.load %arg0[%get3A_429, %get3A_430, %get3A_431] : memref<3x8x8192xf32, #tpu.memory_space<vmem>>, vector<1x8x128xf32>
        %get3A_433 = vector.shape_cast %get3A_432 : vector<1x8x128xf32> to vector<8x128xf32>
        %jit3A_434 = arith.constant 0.000000e+00 : f32
        %broadcast_in_dim3A_435 = vector.broadcast %jit3A_434 : f32 to vector<8x128xf32>
        %select_n3A_436 = arith.select %eq3A_419, %get3A_433, %broadcast_in_dim3A_435 : vector<8x128xi1>, vector<8x128xf32>
        %add3A_437 = arith.addf %add3A_309, %select_n3A_436 : vector<8x128xf32>
        %get3A_438 = arith.constant 2 : index
        %get3A_439 = arith.constant 0 : index
        %get3A_440 = arith.constant 768 : index
        %get3A_441 = vector.load %arg0[%get3A_438, %get3A_439, %get3A_440] : memref<3x8x8192xf32, #tpu.memory_space<vmem>>, vector<1x8x128xf32>
        %get3A_442 = vector.shape_cast %get3A_441 : vector<1x8x128xf32> to vector<8x128xf32>
        %jit3A_443 = arith.constant 0.000000e+00 : f32
        %broadcast_in_dim3A_444 = vector.broadcast %jit3A_443 : f32 to vector<8x128xf32>
        %select_n3A_445 = arith.select %eq3A_419, %get3A_442, %broadcast_in_dim3A_444 : vector<8x128xi1>, vector<8x128xf32>
        %add3A_446 = arith.addf %add3A_318, %select_n3A_445 : vector<8x128xf32>
        %sub3A_447 = arith.constant 896 : i32
        %sub3A_448 = vector.broadcast %sub3A_447 : i32 to vector<8x1xi32>
        %sub3A_449 = arith.subi %scan3A_223, %sub3A_448 : vector<8x1xi32>
        %eq3A_450 = vector.broadcast %sub3A_449 : vector<8x1xi32> to vector<8x128xi32>
        %eq3A_451 = arith.cmpi eq, %iota3A, %eq3A_450 : vector<8x128xi32>
        %get3A_452 = arith.constant 0 : index
        %get3A_453 = arith.constant 0 : index
        %get3A_454 = arith.constant 896 : index
        %get3A_455 = vector.load %arg0[%get3A_452, %get3A_453, %get3A_454] : memref<3x8x8192xf32, #tpu.memory_space<vmem>>, vector<1x8x128xf32>
        %get3A_456 = vector.shape_cast %get3A_455 : vector<1x8x128xf32> to vector<8x128xf32>
        %jit3A_457 = arith.constant 0.000000e+00 : f32
        %broadcast_in_dim3A_458 = vector.broadcast %jit3A_457 : f32 to vector<8x128xf32>
        %select_n3A_459 = arith.select %eq3A_451, %get3A_456, %broadcast_in_dim3A_458 : vector<8x128xi1>, vector<8x128xf32>
        %add3A_460 = arith.addf %add3A_332, %select_n3A_459 : vector<8x128xf32>
        %get3A_461 = arith.constant 1 : index
        %get3A_462 = arith.constant 0 : index
        %get3A_463 = arith.constant 896 : index
        %get3A_464 = vector.load %arg0[%get3A_461, %get3A_462, %get3A_463] : memref<3x8x8192xf32, #tpu.memory_space<vmem>>, vector<1x8x128xf32>
        %get3A_465 = vector.shape_cast %get3A_464 : vector<1x8x128xf32> to vector<8x128xf32>
        %jit3A_466 = arith.constant 0.000000e+00 : f32
        %broadcast_in_dim3A_467 = vector.broadcast %jit3A_466 : f32 to vector<8x128xf32>
        %select_n3A_468 = arith.select %eq3A_451, %get3A_465, %broadcast_in_dim3A_467 : vector<8x128xi1>, vector<8x128xf32>
        %add3A_469 = arith.addf %add3A_341, %select_n3A_468 : vector<8x128xf32>
        %get3A_470 = arith.constant 2 : index
        %get3A_471 = arith.constant 0 : index
        %get3A_472 = arith.constant 896 : index
        %get3A_473 = vector.load %arg0[%get3A_470, %get3A_471, %get3A_472] : memref<3x8x8192xf32, #tpu.memory_space<vmem>>, vector<1x8x128xf32>
        %get3A_474 = vector.shape_cast %get3A_473 : vector<1x8x128xf32> to vector<8x128xf32>
        %jit3A_475 = arith.constant 0.000000e+00 : f32
        %broadcast_in_dim3A_476 = vector.broadcast %jit3A_475 : f32 to vector<8x128xf32>
        %select_n3A_477 = arith.select %eq3A_451, %get3A_474, %broadcast_in_dim3A_476 : vector<8x128xi1>, vector<8x128xf32>
        %add3A_478 = arith.addf %add3A_350, %select_n3A_477 : vector<8x128xf32>
        %sub3A_479 = arith.constant 1024 : i32
        %sub3A_480 = vector.broadcast %sub3A_479 : i32 to vector<8x1xi32>
        %sub3A_481 = arith.subi %scan3A_223, %sub3A_480 : vector<8x1xi32>
        %eq3A_482 = vector.broadcast %sub3A_481 : vector<8x1xi32> to vector<8x128xi32>
        %eq3A_483 = arith.cmpi eq, %iota3A, %eq3A_482 : vector<8x128xi32>
        %get3A_484 = arith.constant 0 : index
        %get3A_485 = arith.constant 0 : index
        %get3A_486 = arith.constant 1024 : index
        %get3A_487 = vector.load %arg0[%get3A_484, %get3A_485, %get3A_486] : memref<3x8x8192xf32, #tpu.memory_space<vmem>>, vector<1x8x128xf32>
        %get3A_488 = vector.shape_cast %get3A_487 : vector<1x8x128xf32> to vector<8x128xf32>
        %jit3A_489 = arith.constant 0.000000e+00 : f32
        %broadcast_in_dim3A_490 = vector.broadcast %jit3A_489 : f32 to vector<8x128xf32>
        %select_n3A_491 = arith.select %eq3A_483, %get3A_488, %broadcast_in_dim3A_490 : vector<8x128xi1>, vector<8x128xf32>
        %add3A_492 = arith.addf %add3A_364, %select_n3A_491 : vector<8x128xf32>
        %get3A_493 = arith.constant 1 : index
        %get3A_494 = arith.constant 0 : index
        %get3A_495 = arith.constant 1024 : index
        %get3A_496 = vector.load %arg0[%get3A_493, %get3A_494, %get3A_495] : memref<3x8x8192xf32, #tpu.memory_space<vmem>>, vector<1x8x128xf32>
        %get3A_497 = vector.shape_cast %get3A_496 : vector<1x8x128xf32> to vector<8x128xf32>
        %jit3A_498 = arith.constant 0.000000e+00 : f32
        %broadcast_in_dim3A_499 = vector.broadcast %jit3A_498 : f32 to vector<8x128xf32>
        %select_n3A_500 = arith.select %eq3A_483, %get3A_497, %broadcast_in_dim3A_499 : vector<8x128xi1>, vector<8x128xf32>
        %add3A_501 = arith.addf %add3A_373, %select_n3A_500 : vector<8x128xf32>
        %get3A_502 = arith.constant 2 : index
        %get3A_503 = arith.constant 0 : index
        %get3A_504 = arith.constant 1024 : index
        %get3A_505 = vector.load %arg0[%get3A_502, %get3A_503, %get3A_504] : memref<3x8x8192xf32, #tpu.memory_space<vmem>>, vector<1x8x128xf32>
        %get3A_506 = vector.shape_cast %get3A_505 : vector<1x8x128xf32> to vector<8x128xf32>
        %jit3A_507 = arith.constant 0.000000e+00 : f32
        %broadcast_in_dim3A_508 = vector.broadcast %jit3A_507 : f32 to vector<8x128xf32>
        %select_n3A_509 = arith.select %eq3A_483, %get3A_506, %broadcast_in_dim3A_508 : vector<8x128xi1>, vector<8x128xf32>
        %add3A_510 = arith.addf %add3A_382, %select_n3A_509 : vector<8x128xf32>
        %sub3A_511 = arith.constant 1152 : i32
        %sub3A_512 = vector.broadcast %sub3A_511 : i32 to vector<8x1xi32>
        %sub3A_513 = arith.subi %scan3A_223, %sub3A_512 : vector<8x1xi32>
        %eq3A_514 = vector.broadcast %sub3A_513 : vector<8x1xi32> to vector<8x128xi32>
        %eq3A_515 = arith.cmpi eq, %iota3A, %eq3A_514 : vector<8x128xi32>
        %get3A_516 = arith.constant 0 : index
        %get3A_517 = arith.constant 0 : index
        %get3A_518 = arith.constant 1152 : index
        %get3A_519 = vector.load %arg0[%get3A_516, %get3A_517, %get3A_518] : memref<3x8x8192xf32, #tpu.memory_space<vmem>>, vector<1x8x128xf32>
        %get3A_520 = vector.shape_cast %get3A_519 : vector<1x8x128xf32> to vector<8x128xf32>
        %jit3A_521 = arith.constant 0.000000e+00 : f32
        %broadcast_in_dim3A_522 = vector.broadcast %jit3A_521 : f32 to vector<8x128xf32>
        %select_n3A_523 = arith.select %eq3A_515, %get3A_520, %broadcast_in_dim3A_522 : vector<8x128xi1>, vector<8x128xf32>
        %add3A_524 = arith.addf %add3A_396, %select_n3A_523 : vector<8x128xf32>
        %get3A_525 = arith.constant 1 : index
        %get3A_526 = arith.constant 0 : index
        %get3A_527 = arith.constant 1152 : index
        %get3A_528 = vector.load %arg0[%get3A_525, %get3A_526, %get3A_527] : memref<3x8x8192xf32, #tpu.memory_space<vmem>>, vector<1x8x128xf32>
        %get3A_529 = vector.shape_cast %get3A_528 : vector<1x8x128xf32> to vector<8x128xf32>
        %jit3A_530 = arith.constant 0.000000e+00 : f32
        %broadcast_in_dim3A_531 = vector.broadcast %jit3A_530 : f32 to vector<8x128xf32>
        %select_n3A_532 = arith.select %eq3A_515, %get3A_529, %broadcast_in_dim3A_531 : vector<8x128xi1>, vector<8x128xf32>
        %add3A_533 = arith.addf %add3A_405, %select_n3A_532 : vector<8x128xf32>
        %get3A_534 = arith.constant 2 : index
        %get3A_535 = arith.constant 0 : index
        %get3A_536 = arith.constant 1152 : index
        %get3A_537 = vector.load %arg0[%get3A_534, %get3A_535, %get3A_536] : memref<3x8x8192xf32, #tpu.memory_space<vmem>>, vector<1x8x128xf32>
        %get3A_538 = vector.shape_cast %get3A_537 : vector<1x8x128xf32> to vector<8x128xf32>
        %jit3A_539 = arith.constant 0.000000e+00 : f32
        %broadcast_in_dim3A_540 = vector.broadcast %jit3A_539 : f32 to vector<8x128xf32>
        %select_n3A_541 = arith.select %eq3A_515, %get3A_538, %broadcast_in_dim3A_540 : vector<8x128xi1>, vector<8x128xf32>
        %add3A_542 = arith.addf %add3A_414, %select_n3A_541 : vector<8x128xf32>
        %sub3A_543 = arith.constant 1280 : i32
        %sub3A_544 = vector.broadcast %sub3A_543 : i32 to vector<8x1xi32>
        %sub3A_545 = arith.subi %scan3A_223, %sub3A_544 : vector<8x1xi32>
        %eq3A_546 = vector.broadcast %sub3A_545 : vector<8x1xi32> to vector<8x128xi32>
        %eq3A_547 = arith.cmpi eq, %iota3A, %eq3A_546 : vector<8x128xi32>
        %get3A_548 = arith.constant 0 : index
        %get3A_549 = arith.constant 0 : index
        %get3A_550 = arith.constant 1280 : index
        %get3A_551 = vector.load %arg0[%get3A_548, %get3A_549, %get3A_550] : memref<3x8x8192xf32, #tpu.memory_space<vmem>>, vector<1x8x128xf32>
        %get3A_552 = vector.shape_cast %get3A_551 : vector<1x8x128xf32> to vector<8x128xf32>
        %jit3A_553 = arith.constant 0.000000e+00 : f32
        %broadcast_in_dim3A_554 = vector.broadcast %jit3A_553 : f32 to vector<8x128xf32>
        %select_n3A_555 = arith.select %eq3A_547, %get3A_552, %broadcast_in_dim3A_554 : vector<8x128xi1>, vector<8x128xf32>
        %add3A_556 = arith.addf %add3A_428, %select_n3A_555 : vector<8x128xf32>
        %get3A_557 = arith.constant 1 : index
        %get3A_558 = arith.constant 0 : index
        %get3A_559 = arith.constant 1280 : index
        %get3A_560 = vector.load %arg0[%get3A_557, %get3A_558, %get3A_559] : memref<3x8x8192xf32, #tpu.memory_space<vmem>>, vector<1x8x128xf32>
        %get3A_561 = vector.shape_cast %get3A_560 : vector<1x8x128xf32> to vector<8x128xf32>
        %jit3A_562 = arith.constant 0.000000e+00 : f32
        %broadcast_in_dim3A_563 = vector.broadcast %jit3A_562 : f32 to vector<8x128xf32>
        %select_n3A_564 = arith.select %eq3A_547, %get3A_561, %broadcast_in_dim3A_563 : vector<8x128xi1>, vector<8x128xf32>
        %add3A_565 = arith.addf %add3A_437, %select_n3A_564 : vector<8x128xf32>
        %get3A_566 = arith.constant 2 : index
        %get3A_567 = arith.constant 0 : index
        %get3A_568 = arith.constant 1280 : index
        %get3A_569 = vector.load %arg0[%get3A_566, %get3A_567, %get3A_568] : memref<3x8x8192xf32, #tpu.memory_space<vmem>>, vector<1x8x128xf32>
        %get3A_570 = vector.shape_cast %get3A_569 : vector<1x8x128xf32> to vector<8x128xf32>
        %jit3A_571 = arith.constant 0.000000e+00 : f32
        %broadcast_in_dim3A_572 = vector.broadcast %jit3A_571 : f32 to vector<8x128xf32>
        %select_n3A_573 = arith.select %eq3A_547, %get3A_570, %broadcast_in_dim3A_572 : vector<8x128xi1>, vector<8x128xf32>
        %add3A_574 = arith.addf %add3A_446, %select_n3A_573 : vector<8x128xf32>
        %sub3A_575 = arith.constant 1408 : i32
        %sub3A_576 = vector.broadcast %sub3A_575 : i32 to vector<8x1xi32>
        %sub3A_577 = arith.subi %scan3A_223, %sub3A_576 : vector<8x1xi32>
        %eq3A_578 = vector.broadcast %sub3A_577 : vector<8x1xi32> to vector<8x128xi32>
        %eq3A_579 = arith.cmpi eq, %iota3A, %eq3A_578 : vector<8x128xi32>
        %get3A_580 = arith.constant 0 : index
        %get3A_581 = arith.constant 0 : index
        %get3A_582 = arith.constant 1408 : index
        %get3A_583 = vector.load %arg0[%get3A_580, %get3A_581, %get3A_582] : memref<3x8x8192xf32, #tpu.memory_space<vmem>>, vector<1x8x128xf32>
        %get3A_584 = vector.shape_cast %get3A_583 : vector<1x8x128xf32> to vector<8x128xf32>
        %jit3A_585 = arith.constant 0.000000e+00 : f32
        %broadcast_in_dim3A_586 = vector.broadcast %jit3A_585 : f32 to vector<8x128xf32>
        %select_n3A_587 = arith.select %eq3A_579, %get3A_584, %broadcast_in_dim3A_586 : vector<8x128xi1>, vector<8x128xf32>
        %add3A_588 = arith.addf %add3A_460, %select_n3A_587 : vector<8x128xf32>
        %get3A_589 = arith.constant 1 : index
        %get3A_590 = arith.constant 0 : index
        %get3A_591 = arith.constant 1408 : index
        %get3A_592 = vector.load %arg0[%get3A_589, %get3A_590, %get3A_591] : memref<3x8x8192xf32, #tpu.memory_space<vmem>>, vector<1x8x128xf32>
        %get3A_593 = vector.shape_cast %get3A_592 : vector<1x8x128xf32> to vector<8x128xf32>
        %jit3A_594 = arith.constant 0.000000e+00 : f32
        %broadcast_in_dim3A_595 = vector.broadcast %jit3A_594 : f32 to vector<8x128xf32>
        %select_n3A_596 = arith.select %eq3A_579, %get3A_593, %broadcast_in_dim3A_595 : vector<8x128xi1>, vector<8x128xf32>
        %add3A_597 = arith.addf %add3A_469, %select_n3A_596 : vector<8x128xf32>
        %get3A_598 = arith.constant 2 : index
        %get3A_599 = arith.constant 0 : index
        %get3A_600 = arith.constant 1408 : index
        %get3A_601 = vector.load %arg0[%get3A_598, %get3A_599, %get3A_600] : memref<3x8x8192xf32, #tpu.memory_space<vmem>>, vector<1x8x128xf32>
        %get3A_602 = vector.shape_cast %get3A_601 : vector<1x8x128xf32> to vector<8x128xf32>
        %jit3A_603 = arith.constant 0.000000e+00 : f32
        %broadcast_in_dim3A_604 = vector.broadcast %jit3A_603 : f32 to vector<8x128xf32>
        %select_n3A_605 = arith.select %eq3A_579, %get3A_602, %broadcast_in_dim3A_604 : vector<8x128xi1>, vector<8x128xf32>
        %add3A_606 = arith.addf %add3A_478, %select_n3A_605 : vector<8x128xf32>
        %sub3A_607 = arith.constant 1536 : i32
        %sub3A_608 = vector.broadcast %sub3A_607 : i32 to vector<8x1xi32>
        %sub3A_609 = arith.subi %scan3A_223, %sub3A_608 : vector<8x1xi32>
        %eq3A_610 = vector.broadcast %sub3A_609 : vector<8x1xi32> to vector<8x128xi32>
        %eq3A_611 = arith.cmpi eq, %iota3A, %eq3A_610 : vector<8x128xi32>
        %get3A_612 = arith.constant 0 : index
        %get3A_613 = arith.constant 0 : index
        %get3A_614 = arith.constant 1536 : index
        %get3A_615 = vector.load %arg0[%get3A_612, %get3A_613, %get3A_614] : memref<3x8x8192xf32, #tpu.memory_space<vmem>>, vector<1x8x128xf32>
        %get3A_616 = vector.shape_cast %get3A_615 : vector<1x8x128xf32> to vector<8x128xf32>
        %jit3A_617 = arith.constant 0.000000e+00 : f32
        %broadcast_in_dim3A_618 = vector.broadcast %jit3A_617 : f32 to vector<8x128xf32>
        %select_n3A_619 = arith.select %eq3A_611, %get3A_616, %broadcast_in_dim3A_618 : vector<8x128xi1>, vector<8x128xf32>
        %add3A_620 = arith.addf %add3A_492, %select_n3A_619 : vector<8x128xf32>
        %get3A_621 = arith.constant 1 : index
        %get3A_622 = arith.constant 0 : index
        %get3A_623 = arith.constant 1536 : index
        %get3A_624 = vector.load %arg0[%get3A_621, %get3A_622, %get3A_623] : memref<3x8x8192xf32, #tpu.memory_space<vmem>>, vector<1x8x128xf32>
        %get3A_625 = vector.shape_cast %get3A_624 : vector<1x8x128xf32> to vector<8x128xf32>
        %jit3A_626 = arith.constant 0.000000e+00 : f32
        %broadcast_in_dim3A_627 = vector.broadcast %jit3A_626 : f32 to vector<8x128xf32>
        %select_n3A_628 = arith.select %eq3A_611, %get3A_625, %broadcast_in_dim3A_627 : vector<8x128xi1>, vector<8x128xf32>
        %add3A_629 = arith.addf %add3A_501, %select_n3A_628 : vector<8x128xf32>
        %get3A_630 = arith.constant 2 : index
        %get3A_631 = arith.constant 0 : index
        %get3A_632 = arith.constant 1536 : index
        %get3A_633 = vector.load %arg0[%get3A_630, %get3A_631, %get3A_632] : memref<3x8x8192xf32, #tpu.memory_space<vmem>>, vector<1x8x128xf32>
        %get3A_634 = vector.shape_cast %get3A_633 : vector<1x8x128xf32> to vector<8x128xf32>
        %jit3A_635 = arith.constant 0.000000e+00 : f32
        %broadcast_in_dim3A_636 = vector.broadcast %jit3A_635 : f32 to vector<8x128xf32>
        %select_n3A_637 = arith.select %eq3A_611, %get3A_634, %broadcast_in_dim3A_636 : vector<8x128xi1>, vector<8x128xf32>
        %add3A_638 = arith.addf %add3A_510, %select_n3A_637 : vector<8x128xf32>
        %sub3A_639 = arith.constant 1664 : i32
        %sub3A_640 = vector.broadcast %sub3A_639 : i32 to vector<8x1xi32>
        %sub3A_641 = arith.subi %scan3A_223, %sub3A_640 : vector<8x1xi32>
        %eq3A_642 = vector.broadcast %sub3A_641 : vector<8x1xi32> to vector<8x128xi32>
        %eq3A_643 = arith.cmpi eq, %iota3A, %eq3A_642 : vector<8x128xi32>
        %get3A_644 = arith.constant 0 : index
        %get3A_645 = arith.constant 0 : index
        %get3A_646 = arith.constant 1664 : index
        %get3A_647 = vector.load %arg0[%get3A_644, %get3A_645, %get3A_646] : memref<3x8x8192xf32, #tpu.memory_space<vmem>>, vector<1x8x128xf32>
        %get3A_648 = vector.shape_cast %get3A_647 : vector<1x8x128xf32> to vector<8x128xf32>
        %jit3A_649 = arith.constant 0.000000e+00 : f32
        %broadcast_in_dim3A_650 = vector.broadcast %jit3A_649 : f32 to vector<8x128xf32>
        %select_n3A_651 = arith.select %eq3A_643, %get3A_648, %broadcast_in_dim3A_650 : vector<8x128xi1>, vector<8x128xf32>
        %add3A_652 = arith.addf %add3A_524, %select_n3A_651 : vector<8x128xf32>
        %get3A_653 = arith.constant 1 : index
        %get3A_654 = arith.constant 0 : index
        %get3A_655 = arith.constant 1664 : index
        %get3A_656 = vector.load %arg0[%get3A_653, %get3A_654, %get3A_655] : memref<3x8x8192xf32, #tpu.memory_space<vmem>>, vector<1x8x128xf32>
        %get3A_657 = vector.shape_cast %get3A_656 : vector<1x8x128xf32> to vector<8x128xf32>
        %jit3A_658 = arith.constant 0.000000e+00 : f32
        %broadcast_in_dim3A_659 = vector.broadcast %jit3A_658 : f32 to vector<8x128xf32>
        %select_n3A_660 = arith.select %eq3A_643, %get3A_657, %broadcast_in_dim3A_659 : vector<8x128xi1>, vector<8x128xf32>
        %add3A_661 = arith.addf %add3A_533, %select_n3A_660 : vector<8x128xf32>
        %get3A_662 = arith.constant 2 : index
        %get3A_663 = arith.constant 0 : index
        %get3A_664 = arith.constant 1664 : index
        %get3A_665 = vector.load %arg0[%get3A_662, %get3A_663, %get3A_664] : memref<3x8x8192xf32, #tpu.memory_space<vmem>>, vector<1x8x128xf32>
        %get3A_666 = vector.shape_cast %get3A_665 : vector<1x8x128xf32> to vector<8x128xf32>
        %jit3A_667 = arith.constant 0.000000e+00 : f32
        %broadcast_in_dim3A_668 = vector.broadcast %jit3A_667 : f32 to vector<8x128xf32>
        %select_n3A_669 = arith.select %eq3A_643, %get3A_666, %broadcast_in_dim3A_668 : vector<8x128xi1>, vector<8x128xf32>
        %add3A_670 = arith.addf %add3A_542, %select_n3A_669 : vector<8x128xf32>
        %sub3A_671 = arith.constant 1792 : i32
        %sub3A_672 = vector.broadcast %sub3A_671 : i32 to vector<8x1xi32>
        %sub3A_673 = arith.subi %scan3A_223, %sub3A_672 : vector<8x1xi32>
        %eq3A_674 = vector.broadcast %sub3A_673 : vector<8x1xi32> to vector<8x128xi32>
        %eq3A_675 = arith.cmpi eq, %iota3A, %eq3A_674 : vector<8x128xi32>
        %get3A_676 = arith.constant 0 : index
        %get3A_677 = arith.constant 0 : index
        %get3A_678 = arith.constant 1792 : index
        %get3A_679 = vector.load %arg0[%get3A_676, %get3A_677, %get3A_678] : memref<3x8x8192xf32, #tpu.memory_space<vmem>>, vector<1x8x128xf32>
        %get3A_680 = vector.shape_cast %get3A_679 : vector<1x8x128xf32> to vector<8x128xf32>
        %jit3A_681 = arith.constant 0.000000e+00 : f32
        %broadcast_in_dim3A_682 = vector.broadcast %jit3A_681 : f32 to vector<8x128xf32>
        %select_n3A_683 = arith.select %eq3A_675, %get3A_680, %broadcast_in_dim3A_682 : vector<8x128xi1>, vector<8x128xf32>
        %add3A_684 = arith.addf %add3A_556, %select_n3A_683 : vector<8x128xf32>
        %get3A_685 = arith.constant 1 : index
        %get3A_686 = arith.constant 0 : index
        %get3A_687 = arith.constant 1792 : index
        %get3A_688 = vector.load %arg0[%get3A_685, %get3A_686, %get3A_687] : memref<3x8x8192xf32, #tpu.memory_space<vmem>>, vector<1x8x128xf32>
        %get3A_689 = vector.shape_cast %get3A_688 : vector<1x8x128xf32> to vector<8x128xf32>
        %jit3A_690 = arith.constant 0.000000e+00 : f32
        %broadcast_in_dim3A_691 = vector.broadcast %jit3A_690 : f32 to vector<8x128xf32>
        %select_n3A_692 = arith.select %eq3A_675, %get3A_689, %broadcast_in_dim3A_691 : vector<8x128xi1>, vector<8x128xf32>
        %add3A_693 = arith.addf %add3A_565, %select_n3A_692 : vector<8x128xf32>
        %get3A_694 = arith.constant 2 : index
        %get3A_695 = arith.constant 0 : index
        %get3A_696 = arith.constant 1792 : index
        %get3A_697 = vector.load %arg0[%get3A_694, %get3A_695, %get3A_696] : memref<3x8x8192xf32, #tpu.memory_space<vmem>>, vector<1x8x128xf32>
        %get3A_698 = vector.shape_cast %get3A_697 : vector<1x8x128xf32> to vector<8x128xf32>
        %jit3A_699 = arith.constant 0.000000e+00 : f32
        %broadcast_in_dim3A_700 = vector.broadcast %jit3A_699 : f32 to vector<8x128xf32>
        %select_n3A_701 = arith.select %eq3A_675, %get3A_698, %broadcast_in_dim3A_700 : vector<8x128xi1>, vector<8x128xf32>
        %add3A_702 = arith.addf %add3A_574, %select_n3A_701 : vector<8x128xf32>
        %sub3A_703 = arith.constant 1920 : i32
        %sub3A_704 = vector.broadcast %sub3A_703 : i32 to vector<8x1xi32>
        %sub3A_705 = arith.subi %scan3A_223, %sub3A_704 : vector<8x1xi32>
        %eq3A_706 = vector.broadcast %sub3A_705 : vector<8x1xi32> to vector<8x128xi32>
        %eq3A_707 = arith.cmpi eq, %iota3A, %eq3A_706 : vector<8x128xi32>
        %get3A_708 = arith.constant 0 : index
        %get3A_709 = arith.constant 0 : index
        %get3A_710 = arith.constant 1920 : index
        %get3A_711 = vector.load %arg0[%get3A_708, %get3A_709, %get3A_710] : memref<3x8x8192xf32, #tpu.memory_space<vmem>>, vector<1x8x128xf32>
        %get3A_712 = vector.shape_cast %get3A_711 : vector<1x8x128xf32> to vector<8x128xf32>
        %jit3A_713 = arith.constant 0.000000e+00 : f32
        %broadcast_in_dim3A_714 = vector.broadcast %jit3A_713 : f32 to vector<8x128xf32>
        %select_n3A_715 = arith.select %eq3A_707, %get3A_712, %broadcast_in_dim3A_714 : vector<8x128xi1>, vector<8x128xf32>
        %add3A_716 = arith.addf %add3A_588, %select_n3A_715 : vector<8x128xf32>
        %get3A_717 = arith.constant 1 : index
        %get3A_718 = arith.constant 0 : index
        %get3A_719 = arith.constant 1920 : index
        %get3A_720 = vector.load %arg0[%get3A_717, %get3A_718, %get3A_719] : memref<3x8x8192xf32, #tpu.memory_space<vmem>>, vector<1x8x128xf32>
        %get3A_721 = vector.shape_cast %get3A_720 : vector<1x8x128xf32> to vector<8x128xf32>
        %jit3A_722 = arith.constant 0.000000e+00 : f32
        %broadcast_in_dim3A_723 = vector.broadcast %jit3A_722 : f32 to vector<8x128xf32>
        %select_n3A_724 = arith.select %eq3A_707, %get3A_721, %broadcast_in_dim3A_723 : vector<8x128xi1>, vector<8x128xf32>
        %add3A_725 = arith.addf %add3A_597, %select_n3A_724 : vector<8x128xf32>
        %get3A_726 = arith.constant 2 : index
        %get3A_727 = arith.constant 0 : index
        %get3A_728 = arith.constant 1920 : index
        %get3A_729 = vector.load %arg0[%get3A_726, %get3A_727, %get3A_728] : memref<3x8x8192xf32, #tpu.memory_space<vmem>>, vector<1x8x128xf32>
        %get3A_730 = vector.shape_cast %get3A_729 : vector<1x8x128xf32> to vector<8x128xf32>
        %jit3A_731 = arith.constant 0.000000e+00 : f32
        %broadcast_in_dim3A_732 = vector.broadcast %jit3A_731 : f32 to vector<8x128xf32>
        %select_n3A_733 = arith.select %eq3A_707, %get3A_730, %broadcast_in_dim3A_732 : vector<8x128xi1>, vector<8x128xf32>
        %add3A_734 = arith.addf %add3A_606, %select_n3A_733 : vector<8x128xf32>
        %sub3A_735 = arith.constant 2048 : i32
        %sub3A_736 = vector.broadcast %sub3A_735 : i32 to vector<8x1xi32>
        %sub3A_737 = arith.subi %scan3A_223, %sub3A_736 : vector<8x1xi32>
        %eq3A_738 = vector.broadcast %sub3A_737 : vector<8x1xi32> to vector<8x128xi32>
        %eq3A_739 = arith.cmpi eq, %iota3A, %eq3A_738 : vector<8x128xi32>
        %get3A_740 = arith.constant 0 : index
        %get3A_741 = arith.constant 0 : index
        %get3A_742 = arith.constant 2048 : index
        %get3A_743 = vector.load %arg0[%get3A_740, %get3A_741, %get3A_742] : memref<3x8x8192xf32, #tpu.memory_space<vmem>>, vector<1x8x128xf32>
        %get3A_744 = vector.shape_cast %get3A_743 : vector<1x8x128xf32> to vector<8x128xf32>
        %jit3A_745 = arith.constant 0.000000e+00 : f32
        %broadcast_in_dim3A_746 = vector.broadcast %jit3A_745 : f32 to vector<8x128xf32>
        %select_n3A_747 = arith.select %eq3A_739, %get3A_744, %broadcast_in_dim3A_746 : vector<8x128xi1>, vector<8x128xf32>
        %add3A_748 = arith.addf %add3A_620, %select_n3A_747 : vector<8x128xf32>
        %get3A_749 = arith.constant 1 : index
        %get3A_750 = arith.constant 0 : index
        %get3A_751 = arith.constant 2048 : index
        %get3A_752 = vector.load %arg0[%get3A_749, %get3A_750, %get3A_751] : memref<3x8x8192xf32, #tpu.memory_space<vmem>>, vector<1x8x128xf32>
        %get3A_753 = vector.shape_cast %get3A_752 : vector<1x8x128xf32> to vector<8x128xf32>
        %jit3A_754 = arith.constant 0.000000e+00 : f32
        %broadcast_in_dim3A_755 = vector.broadcast %jit3A_754 : f32 to vector<8x128xf32>
        %select_n3A_756 = arith.select %eq3A_739, %get3A_753, %broadcast_in_dim3A_755 : vector<8x128xi1>, vector<8x128xf32>
        %add3A_757 = arith.addf %add3A_629, %select_n3A_756 : vector<8x128xf32>
        %get3A_758 = arith.constant 2 : index
        %get3A_759 = arith.constant 0 : index
        %get3A_760 = arith.constant 2048 : index
        %get3A_761 = vector.load %arg0[%get3A_758, %get3A_759, %get3A_760] : memref<3x8x8192xf32, #tpu.memory_space<vmem>>, vector<1x8x128xf32>
        %get3A_762 = vector.shape_cast %get3A_761 : vector<1x8x128xf32> to vector<8x128xf32>
        %jit3A_763 = arith.constant 0.000000e+00 : f32
        %broadcast_in_dim3A_764 = vector.broadcast %jit3A_763 : f32 to vector<8x128xf32>
        %select_n3A_765 = arith.select %eq3A_739, %get3A_762, %broadcast_in_dim3A_764 : vector<8x128xi1>, vector<8x128xf32>
        %add3A_766 = arith.addf %add3A_638, %select_n3A_765 : vector<8x128xf32>
        %sub3A_767 = arith.constant 2176 : i32
        %sub3A_768 = vector.broadcast %sub3A_767 : i32 to vector<8x1xi32>
        %sub3A_769 = arith.subi %scan3A_223, %sub3A_768 : vector<8x1xi32>
        %eq3A_770 = vector.broadcast %sub3A_769 : vector<8x1xi32> to vector<8x128xi32>
        %eq3A_771 = arith.cmpi eq, %iota3A, %eq3A_770 : vector<8x128xi32>
        %get3A_772 = arith.constant 0 : index
        %get3A_773 = arith.constant 0 : index
        %get3A_774 = arith.constant 2176 : index
        %get3A_775 = vector.load %arg0[%get3A_772, %get3A_773, %get3A_774] : memref<3x8x8192xf32, #tpu.memory_space<vmem>>, vector<1x8x128xf32>
        %get3A_776 = vector.shape_cast %get3A_775 : vector<1x8x128xf32> to vector<8x128xf32>
        %jit3A_777 = arith.constant 0.000000e+00 : f32
        %broadcast_in_dim3A_778 = vector.broadcast %jit3A_777 : f32 to vector<8x128xf32>
        %select_n3A_779 = arith.select %eq3A_771, %get3A_776, %broadcast_in_dim3A_778 : vector<8x128xi1>, vector<8x128xf32>
        %add3A_780 = arith.addf %add3A_652, %select_n3A_779 : vector<8x128xf32>
        %get3A_781 = arith.constant 1 : index
        %get3A_782 = arith.constant 0 : index
        %get3A_783 = arith.constant 2176 : index
        %get3A_784 = vector.load %arg0[%get3A_781, %get3A_782, %get3A_783] : memref<3x8x8192xf32, #tpu.memory_space<vmem>>, vector<1x8x128xf32>
        %get3A_785 = vector.shape_cast %get3A_784 : vector<1x8x128xf32> to vector<8x128xf32>
        %jit3A_786 = arith.constant 0.000000e+00 : f32
        %broadcast_in_dim3A_787 = vector.broadcast %jit3A_786 : f32 to vector<8x128xf32>
        %select_n3A_788 = arith.select %eq3A_771, %get3A_785, %broadcast_in_dim3A_787 : vector<8x128xi1>, vector<8x128xf32>
        %add3A_789 = arith.addf %add3A_661, %select_n3A_788 : vector<8x128xf32>
        %get3A_790 = arith.constant 2 : index
        %get3A_791 = arith.constant 0 : index
        %get3A_792 = arith.constant 2176 : index
        %get3A_793 = vector.load %arg0[%get3A_790, %get3A_791, %get3A_792] : memref<3x8x8192xf32, #tpu.memory_space<vmem>>, vector<1x8x128xf32>
        %get3A_794 = vector.shape_cast %get3A_793 : vector<1x8x128xf32> to vector<8x128xf32>
        %jit3A_795 = arith.constant 0.000000e+00 : f32
        %broadcast_in_dim3A_796 = vector.broadcast %jit3A_795 : f32 to vector<8x128xf32>
        %select_n3A_797 = arith.select %eq3A_771, %get3A_794, %broadcast_in_dim3A_796 : vector<8x128xi1>, vector<8x128xf32>
        %add3A_798 = arith.addf %add3A_670, %select_n3A_797 : vector<8x128xf32>
        %sub3A_799 = arith.constant 2304 : i32
        %sub3A_800 = vector.broadcast %sub3A_799 : i32 to vector<8x1xi32>
        %sub3A_801 = arith.subi %scan3A_223, %sub3A_800 : vector<8x1xi32>
        %eq3A_802 = vector.broadcast %sub3A_801 : vector<8x1xi32> to vector<8x128xi32>
        %eq3A_803 = arith.cmpi eq, %iota3A, %eq3A_802 : vector<8x128xi32>
        %get3A_804 = arith.constant 0 : index
        %get3A_805 = arith.constant 0 : index
        %get3A_806 = arith.constant 2304 : index
        %get3A_807 = vector.load %arg0[%get3A_804, %get3A_805, %get3A_806] : memref<3x8x8192xf32, #tpu.memory_space<vmem>>, vector<1x8x128xf32>
        %get3A_808 = vector.shape_cast %get3A_807 : vector<1x8x128xf32> to vector<8x128xf32>
        %jit3A_809 = arith.constant 0.000000e+00 : f32
        %broadcast_in_dim3A_810 = vector.broadcast %jit3A_809 : f32 to vector<8x128xf32>
        %select_n3A_811 = arith.select %eq3A_803, %get3A_808, %broadcast_in_dim3A_810 : vector<8x128xi1>, vector<8x128xf32>
        %add3A_812 = arith.addf %add3A_684, %select_n3A_811 : vector<8x128xf32>
        %get3A_813 = arith.constant 1 : index
        %get3A_814 = arith.constant 0 : index
        %get3A_815 = arith.constant 2304 : index
        %get3A_816 = vector.load %arg0[%get3A_813, %get3A_814, %get3A_815] : memref<3x8x8192xf32, #tpu.memory_space<vmem>>, vector<1x8x128xf32>
        %get3A_817 = vector.shape_cast %get3A_816 : vector<1x8x128xf32> to vector<8x128xf32>
        %jit3A_818 = arith.constant 0.000000e+00 : f32
        %broadcast_in_dim3A_819 = vector.broadcast %jit3A_818 : f32 to vector<8x128xf32>
        %select_n3A_820 = arith.select %eq3A_803, %get3A_817, %broadcast_in_dim3A_819 : vector<8x128xi1>, vector<8x128xf32>
        %add3A_821 = arith.addf %add3A_693, %select_n3A_820 : vector<8x128xf32>
        %get3A_822 = arith.constant 2 : index
        %get3A_823 = arith.constant 0 : index
        %get3A_824 = arith.constant 2304 : index
        %get3A_825 = vector.load %arg0[%get3A_822, %get3A_823, %get3A_824] : memref<3x8x8192xf32, #tpu.memory_space<vmem>>, vector<1x8x128xf32>
        %get3A_826 = vector.shape_cast %get3A_825 : vector<1x8x128xf32> to vector<8x128xf32>
        %jit3A_827 = arith.constant 0.000000e+00 : f32
        %broadcast_in_dim3A_828 = vector.broadcast %jit3A_827 : f32 to vector<8x128xf32>
        %select_n3A_829 = arith.select %eq3A_803, %get3A_826, %broadcast_in_dim3A_828 : vector<8x128xi1>, vector<8x128xf32>
        %add3A_830 = arith.addf %add3A_702, %select_n3A_829 : vector<8x128xf32>
        %sub3A_831 = arith.constant 2432 : i32
        %sub3A_832 = vector.broadcast %sub3A_831 : i32 to vector<8x1xi32>
        %sub3A_833 = arith.subi %scan3A_223, %sub3A_832 : vector<8x1xi32>
        %eq3A_834 = vector.broadcast %sub3A_833 : vector<8x1xi32> to vector<8x128xi32>
        %eq3A_835 = arith.cmpi eq, %iota3A, %eq3A_834 : vector<8x128xi32>
        %get3A_836 = arith.constant 0 : index
        %get3A_837 = arith.constant 0 : index
        %get3A_838 = arith.constant 2432 : index
        %get3A_839 = vector.load %arg0[%get3A_836, %get3A_837, %get3A_838] : memref<3x8x8192xf32, #tpu.memory_space<vmem>>, vector<1x8x128xf32>
        %get3A_840 = vector.shape_cast %get3A_839 : vector<1x8x128xf32> to vector<8x128xf32>
        %jit3A_841 = arith.constant 0.000000e+00 : f32
        %broadcast_in_dim3A_842 = vector.broadcast %jit3A_841 : f32 to vector<8x128xf32>
        %select_n3A_843 = arith.select %eq3A_835, %get3A_840, %broadcast_in_dim3A_842 : vector<8x128xi1>, vector<8x128xf32>
        %add3A_844 = arith.addf %add3A_716, %select_n3A_843 : vector<8x128xf32>
        %get3A_845 = arith.constant 1 : index
        %get3A_846 = arith.constant 0 : index
        %get3A_847 = arith.constant 2432 : index
        %get3A_848 = vector.load %arg0[%get3A_845, %get3A_846, %get3A_847] : memref<3x8x8192xf32, #tpu.memory_space<vmem>>, vector<1x8x128xf32>
        %get3A_849 = vector.shape_cast %get3A_848 : vector<1x8x128xf32> to vector<8x128xf32>
        %jit3A_850 = arith.constant 0.000000e+00 : f32
        %broadcast_in_dim3A_851 = vector.broadcast %jit3A_850 : f32 to vector<8x128xf32>
        %select_n3A_852 = arith.select %eq3A_835, %get3A_849, %broadcast_in_dim3A_851 : vector<8x128xi1>, vector<8x128xf32>
        %add3A_853 = arith.addf %add3A_725, %select_n3A_852 : vector<8x128xf32>
        %get3A_854 = arith.constant 2 : index
        %get3A_855 = arith.constant 0 : index
        %get3A_856 = arith.constant 2432 : index
        %get3A_857 = vector.load %arg0[%get3A_854, %get3A_855, %get3A_856] : memref<3x8x8192xf32, #tpu.memory_space<vmem>>, vector<1x8x128xf32>
        %get3A_858 = vector.shape_cast %get3A_857 : vector<1x8x128xf32> to vector<8x128xf32>
        %jit3A_859 = arith.constant 0.000000e+00 : f32
        %broadcast_in_dim3A_860 = vector.broadcast %jit3A_859 : f32 to vector<8x128xf32>
        %select_n3A_861 = arith.select %eq3A_835, %get3A_858, %broadcast_in_dim3A_860 : vector<8x128xi1>, vector<8x128xf32>
        %add3A_862 = arith.addf %add3A_734, %select_n3A_861 : vector<8x128xf32>
        %sub3A_863 = arith.constant 2560 : i32
        %sub3A_864 = vector.broadcast %sub3A_863 : i32 to vector<8x1xi32>
        %sub3A_865 = arith.subi %scan3A_223, %sub3A_864 : vector<8x1xi32>
        %eq3A_866 = vector.broadcast %sub3A_865 : vector<8x1xi32> to vector<8x128xi32>
        %eq3A_867 = arith.cmpi eq, %iota3A, %eq3A_866 : vector<8x128xi32>
        %get3A_868 = arith.constant 0 : index
        %get3A_869 = arith.constant 0 : index
        %get3A_870 = arith.constant 2560 : index
        %get3A_871 = vector.load %arg0[%get3A_868, %get3A_869, %get3A_870] : memref<3x8x8192xf32, #tpu.memory_space<vmem>>, vector<1x8x128xf32>
        %get3A_872 = vector.shape_cast %get3A_871 : vector<1x8x128xf32> to vector<8x128xf32>
        %jit3A_873 = arith.constant 0.000000e+00 : f32
        %broadcast_in_dim3A_874 = vector.broadcast %jit3A_873 : f32 to vector<8x128xf32>
        %select_n3A_875 = arith.select %eq3A_867, %get3A_872, %broadcast_in_dim3A_874 : vector<8x128xi1>, vector<8x128xf32>
        %add3A_876 = arith.addf %add3A_748, %select_n3A_875 : vector<8x128xf32>
        %get3A_877 = arith.constant 1 : index
        %get3A_878 = arith.constant 0 : index
        %get3A_879 = arith.constant 2560 : index
        %get3A_880 = vector.load %arg0[%get3A_877, %get3A_878, %get3A_879] : memref<3x8x8192xf32, #tpu.memory_space<vmem>>, vector<1x8x128xf32>
        %get3A_881 = vector.shape_cast %get3A_880 : vector<1x8x128xf32> to vector<8x128xf32>
        %jit3A_882 = arith.constant 0.000000e+00 : f32
        %broadcast_in_dim3A_883 = vector.broadcast %jit3A_882 : f32 to vector<8x128xf32>
        %select_n3A_884 = arith.select %eq3A_867, %get3A_881, %broadcast_in_dim3A_883 : vector<8x128xi1>, vector<8x128xf32>
        %add3A_885 = arith.addf %add3A_757, %select_n3A_884 : vector<8x128xf32>
        %get3A_886 = arith.constant 2 : index
        %get3A_887 = arith.constant 0 : index
        %get3A_888 = arith.constant 2560 : index
        %get3A_889 = vector.load %arg0[%get3A_886, %get3A_887, %get3A_888] : memref<3x8x8192xf32, #tpu.memory_space<vmem>>, vector<1x8x128xf32>
        %get3A_890 = vector.shape_cast %get3A_889 : vector<1x8x128xf32> to vector<8x128xf32>
        %jit3A_891 = arith.constant 0.000000e+00 : f32
        %broadcast_in_dim3A_892 = vector.broadcast %jit3A_891 : f32 to vector<8x128xf32>
        %select_n3A_893 = arith.select %eq3A_867, %get3A_890, %broadcast_in_dim3A_892 : vector<8x128xi1>, vector<8x128xf32>
        %add3A_894 = arith.addf %add3A_766, %select_n3A_893 : vector<8x128xf32>
        %sub3A_895 = arith.constant 2688 : i32
        %sub3A_896 = vector.broadcast %sub3A_895 : i32 to vector<8x1xi32>
        %sub3A_897 = arith.subi %scan3A_223, %sub3A_896 : vector<8x1xi32>
        %eq3A_898 = vector.broadcast %sub3A_897 : vector<8x1xi32> to vector<8x128xi32>
        %eq3A_899 = arith.cmpi eq, %iota3A, %eq3A_898 : vector<8x128xi32>
        %get3A_900 = arith.constant 0 : index
        %get3A_901 = arith.constant 0 : index
        %get3A_902 = arith.constant 2688 : index
        %get3A_903 = vector.load %arg0[%get3A_900, %get3A_901, %get3A_902] : memref<3x8x8192xf32, #tpu.memory_space<vmem>>, vector<1x8x128xf32>
        %get3A_904 = vector.shape_cast %get3A_903 : vector<1x8x128xf32> to vector<8x128xf32>
        %jit3A_905 = arith.constant 0.000000e+00 : f32
        %broadcast_in_dim3A_906 = vector.broadcast %jit3A_905 : f32 to vector<8x128xf32>
        %select_n3A_907 = arith.select %eq3A_899, %get3A_904, %broadcast_in_dim3A_906 : vector<8x128xi1>, vector<8x128xf32>
        %add3A_908 = arith.addf %add3A_780, %select_n3A_907 : vector<8x128xf32>
        %get3A_909 = arith.constant 1 : index
        %get3A_910 = arith.constant 0 : index
        %get3A_911 = arith.constant 2688 : index
        %get3A_912 = vector.load %arg0[%get3A_909, %get3A_910, %get3A_911] : memref<3x8x8192xf32, #tpu.memory_space<vmem>>, vector<1x8x128xf32>
        %get3A_913 = vector.shape_cast %get3A_912 : vector<1x8x128xf32> to vector<8x128xf32>
        %jit3A_914 = arith.constant 0.000000e+00 : f32
        %broadcast_in_dim3A_915 = vector.broadcast %jit3A_914 : f32 to vector<8x128xf32>
        %select_n3A_916 = arith.select %eq3A_899, %get3A_913, %broadcast_in_dim3A_915 : vector<8x128xi1>, vector<8x128xf32>
        %add3A_917 = arith.addf %add3A_789, %select_n3A_916 : vector<8x128xf32>
        %get3A_918 = arith.constant 2 : index
        %get3A_919 = arith.constant 0 : index
        %get3A_920 = arith.constant 2688 : index
        %get3A_921 = vector.load %arg0[%get3A_918, %get3A_919, %get3A_920] : memref<3x8x8192xf32, #tpu.memory_space<vmem>>, vector<1x8x128xf32>
        %get3A_922 = vector.shape_cast %get3A_921 : vector<1x8x128xf32> to vector<8x128xf32>
        %jit3A_923 = arith.constant 0.000000e+00 : f32
        %broadcast_in_dim3A_924 = vector.broadcast %jit3A_923 : f32 to vector<8x128xf32>
        %select_n3A_925 = arith.select %eq3A_899, %get3A_922, %broadcast_in_dim3A_924 : vector<8x128xi1>, vector<8x128xf32>
        %add3A_926 = arith.addf %add3A_798, %select_n3A_925 : vector<8x128xf32>
        %sub3A_927 = arith.constant 2816 : i32
        %sub3A_928 = vector.broadcast %sub3A_927 : i32 to vector<8x1xi32>
        %sub3A_929 = arith.subi %scan3A_223, %sub3A_928 : vector<8x1xi32>
        %eq3A_930 = vector.broadcast %sub3A_929 : vector<8x1xi32> to vector<8x128xi32>
        %eq3A_931 = arith.cmpi eq, %iota3A, %eq3A_930 : vector<8x128xi32>
        %get3A_932 = arith.constant 0 : index
        %get3A_933 = arith.constant 0 : index
        %get3A_934 = arith.constant 2816 : index
        %get3A_935 = vector.load %arg0[%get3A_932, %get3A_933, %get3A_934] : memref<3x8x8192xf32, #tpu.memory_space<vmem>>, vector<1x8x128xf32>
        %get3A_936 = vector.shape_cast %get3A_935 : vector<1x8x128xf32> to vector<8x128xf32>
        %jit3A_937 = arith.constant 0.000000e+00 : f32
        %broadcast_in_dim3A_938 = vector.broadcast %jit3A_937 : f32 to vector<8x128xf32>
        %select_n3A_939 = arith.select %eq3A_931, %get3A_936, %broadcast_in_dim3A_938 : vector<8x128xi1>, vector<8x128xf32>
        %add3A_940 = arith.addf %add3A_812, %select_n3A_939 : vector<8x128xf32>
        %get3A_941 = arith.constant 1 : index
        %get3A_942 = arith.constant 0 : index
        %get3A_943 = arith.constant 2816 : index
        %get3A_944 = vector.load %arg0[%get3A_941, %get3A_942, %get3A_943] : memref<3x8x8192xf32, #tpu.memory_space<vmem>>, vector<1x8x128xf32>
        %get3A_945 = vector.shape_cast %get3A_944 : vector<1x8x128xf32> to vector<8x128xf32>
        %jit3A_946 = arith.constant 0.000000e+00 : f32
        %broadcast_in_dim3A_947 = vector.broadcast %jit3A_946 : f32 to vector<8x128xf32>
        %select_n3A_948 = arith.select %eq3A_931, %get3A_945, %broadcast_in_dim3A_947 : vector<8x128xi1>, vector<8x128xf32>
        %add3A_949 = arith.addf %add3A_821, %select_n3A_948 : vector<8x128xf32>
        %get3A_950 = arith.constant 2 : index
        %get3A_951 = arith.constant 0 : index
        %get3A_952 = arith.constant 2816 : index
        %get3A_953 = vector.load %arg0[%get3A_950, %get3A_951, %get3A_952] : memref<3x8x8192xf32, #tpu.memory_space<vmem>>, vector<1x8x128xf32>
        %get3A_954 = vector.shape_cast %get3A_953 : vector<1x8x128xf32> to vector<8x128xf32>
        %jit3A_955 = arith.constant 0.000000e+00 : f32
        %broadcast_in_dim3A_956 = vector.broadcast %jit3A_955 : f32 to vector<8x128xf32>
        %select_n3A_957 = arith.select %eq3A_931, %get3A_954, %broadcast_in_dim3A_956 : vector<8x128xi1>, vector<8x128xf32>
        %add3A_958 = arith.addf %add3A_830, %select_n3A_957 : vector<8x128xf32>
        %sub3A_959 = arith.constant 2944 : i32
        %sub3A_960 = vector.broadcast %sub3A_959 : i32 to vector<8x1xi32>
        %sub3A_961 = arith.subi %scan3A_223, %sub3A_960 : vector<8x1xi32>
        %eq3A_962 = vector.broadcast %sub3A_961 : vector<8x1xi32> to vector<8x128xi32>
        %eq3A_963 = arith.cmpi eq, %iota3A, %eq3A_962 : vector<8x128xi32>
        %get3A_964 = arith.constant 0 : index
        %get3A_965 = arith.constant 0 : index
        %get3A_966 = arith.constant 2944 : index
        %get3A_967 = vector.load %arg0[%get3A_964, %get3A_965, %get3A_966] : memref<3x8x8192xf32, #tpu.memory_space<vmem>>, vector<1x8x128xf32>
        %get3A_968 = vector.shape_cast %get3A_967 : vector<1x8x128xf32> to vector<8x128xf32>
        %jit3A_969 = arith.constant 0.000000e+00 : f32
        %broadcast_in_dim3A_970 = vector.broadcast %jit3A_969 : f32 to vector<8x128xf32>
        %select_n3A_971 = arith.select %eq3A_963, %get3A_968, %broadcast_in_dim3A_970 : vector<8x128xi1>, vector<8x128xf32>
        %add3A_972 = arith.addf %add3A_844, %select_n3A_971 : vector<8x128xf32>
        %get3A_973 = arith.constant 1 : index
        %get3A_974 = arith.constant 0 : index
        %get3A_975 = arith.constant 2944 : index
        %get3A_976 = vector.load %arg0[%get3A_973, %get3A_974, %get3A_975] : memref<3x8x8192xf32, #tpu.memory_space<vmem>>, vector<1x8x128xf32>
        %get3A_977 = vector.shape_cast %get3A_976 : vector<1x8x128xf32> to vector<8x128xf32>
        %jit3A_978 = arith.constant 0.000000e+00 : f32
        %broadcast_in_dim3A_979 = vector.broadcast %jit3A_978 : f32 to vector<8x128xf32>
        %select_n3A_980 = arith.select %eq3A_963, %get3A_977, %broadcast_in_dim3A_979 : vector<8x128xi1>, vector<8x128xf32>
        %add3A_981 = arith.addf %add3A_853, %select_n3A_980 : vector<8x128xf32>
        %get3A_982 = arith.constant 2 : index
        %get3A_983 = arith.constant 0 : index
        %get3A_984 = arith.constant 2944 : index
        %get3A_985 = vector.load %arg0[%get3A_982, %get3A_983, %get3A_984] : memref<3x8x8192xf32, #tpu.memory_space<vmem>>, vector<1x8x128xf32>
        %get3A_986 = vector.shape_cast %get3A_985 : vector<1x8x128xf32> to vector<8x128xf32>
        %jit3A_987 = arith.constant 0.000000e+00 : f32
        %broadcast_in_dim3A_988 = vector.broadcast %jit3A_987 : f32 to vector<8x128xf32>
        %select_n3A_989 = arith.select %eq3A_963, %get3A_986, %broadcast_in_dim3A_988 : vector<8x128xi1>, vector<8x128xf32>
        %add3A_990 = arith.addf %add3A_862, %select_n3A_989 : vector<8x128xf32>
        %sub3A_991 = arith.constant 3072 : i32
        %sub3A_992 = vector.broadcast %sub3A_991 : i32 to vector<8x1xi32>
        %sub3A_993 = arith.subi %scan3A_223, %sub3A_992 : vector<8x1xi32>
        %eq3A_994 = vector.broadcast %sub3A_993 : vector<8x1xi32> to vector<8x128xi32>
        %eq3A_995 = arith.cmpi eq, %iota3A, %eq3A_994 : vector<8x128xi32>
        %get3A_996 = arith.constant 0 : index
        %get3A_997 = arith.constant 0 : index
        %get3A_998 = arith.constant 3072 : index
        %get3A_999 = vector.load %arg0[%get3A_996, %get3A_997, %get3A_998] : memref<3x8x8192xf32, #tpu.memory_space<vmem>>, vector<1x8x128xf32>
        %get3A_1000 = vector.shape_cast %get3A_999 : vector<1x8x128xf32> to vector<8x128xf32>
        %jit3A_1001 = arith.constant 0.000000e+00 : f32
        %broadcast_in_dim3A_1002 = vector.broadcast %jit3A_1001 : f32 to vector<8x128xf32>
        %select_n3A_1003 = arith.select %eq3A_995, %get3A_1000, %broadcast_in_dim3A_1002 : vector<8x128xi1>, vector<8x128xf32>
        %add3A_1004 = arith.addf %add3A_876, %select_n3A_1003 : vector<8x128xf32>
        %get3A_1005 = arith.constant 1 : index
        %get3A_1006 = arith.constant 0 : index
        %get3A_1007 = arith.constant 3072 : index
        %get3A_1008 = vector.load %arg0[%get3A_1005, %get3A_1006, %get3A_1007] : memref<3x8x8192xf32, #tpu.memory_space<vmem>>, vector<1x8x128xf32>
        %get3A_1009 = vector.shape_cast %get3A_1008 : vector<1x8x128xf32> to vector<8x128xf32>
        %jit3A_1010 = arith.constant 0.000000e+00 : f32
        %broadcast_in_dim3A_1011 = vector.broadcast %jit3A_1010 : f32 to vector<8x128xf32>
        %select_n3A_1012 = arith.select %eq3A_995, %get3A_1009, %broadcast_in_dim3A_1011 : vector<8x128xi1>, vector<8x128xf32>
        %add3A_1013 = arith.addf %add3A_885, %select_n3A_1012 : vector<8x128xf32>
        %get3A_1014 = arith.constant 2 : index
        %get3A_1015 = arith.constant 0 : index
        %get3A_1016 = arith.constant 3072 : index
        %get3A_1017 = vector.load %arg0[%get3A_1014, %get3A_1015, %get3A_1016] : memref<3x8x8192xf32, #tpu.memory_space<vmem>>, vector<1x8x128xf32>
        %get3A_1018 = vector.shape_cast %get3A_1017 : vector<1x8x128xf32> to vector<8x128xf32>
        %jit3A_1019 = arith.constant 0.000000e+00 : f32
        %broadcast_in_dim3A_1020 = vector.broadcast %jit3A_1019 : f32 to vector<8x128xf32>
        %select_n3A_1021 = arith.select %eq3A_995, %get3A_1018, %broadcast_in_dim3A_1020 : vector<8x128xi1>, vector<8x128xf32>
        %add3A_1022 = arith.addf %add3A_894, %select_n3A_1021 : vector<8x128xf32>
        %sub3A_1023 = arith.constant 3200 : i32
        %sub3A_1024 = vector.broadcast %sub3A_1023 : i32 to vector<8x1xi32>
        %sub3A_1025 = arith.subi %scan3A_223, %sub3A_1024 : vector<8x1xi32>
        %eq3A_1026 = vector.broadcast %sub3A_1025 : vector<8x1xi32> to vector<8x128xi32>
        %eq3A_1027 = arith.cmpi eq, %iota3A, %eq3A_1026 : vector<8x128xi32>
        %get3A_1028 = arith.constant 0 : index
        %get3A_1029 = arith.constant 0 : index
        %get3A_1030 = arith.constant 3200 : index
        %get3A_1031 = vector.load %arg0[%get3A_1028, %get3A_1029, %get3A_1030] : memref<3x8x8192xf32, #tpu.memory_space<vmem>>, vector<1x8x128xf32>
        %get3A_1032 = vector.shape_cast %get3A_1031 : vector<1x8x128xf32> to vector<8x128xf32>
        %jit3A_1033 = arith.constant 0.000000e+00 : f32
        %broadcast_in_dim3A_1034 = vector.broadcast %jit3A_1033 : f32 to vector<8x128xf32>
        %select_n3A_1035 = arith.select %eq3A_1027, %get3A_1032, %broadcast_in_dim3A_1034 : vector<8x128xi1>, vector<8x128xf32>
        %add3A_1036 = arith.addf %add3A_908, %select_n3A_1035 : vector<8x128xf32>
        %get3A_1037 = arith.constant 1 : index
        %get3A_1038 = arith.constant 0 : index
        %get3A_1039 = arith.constant 3200 : index
        %get3A_1040 = vector.load %arg0[%get3A_1037, %get3A_1038, %get3A_1039] : memref<3x8x8192xf32, #tpu.memory_space<vmem>>, vector<1x8x128xf32>
        %get3A_1041 = vector.shape_cast %get3A_1040 : vector<1x8x128xf32> to vector<8x128xf32>
        %jit3A_1042 = arith.constant 0.000000e+00 : f32
        %broadcast_in_dim3A_1043 = vector.broadcast %jit3A_1042 : f32 to vector<8x128xf32>
        %select_n3A_1044 = arith.select %eq3A_1027, %get3A_1041, %broadcast_in_dim3A_1043 : vector<8x128xi1>, vector<8x128xf32>
        %add3A_1045 = arith.addf %add3A_917, %select_n3A_1044 : vector<8x128xf32>
        %get3A_1046 = arith.constant 2 : index
        %get3A_1047 = arith.constant 0 : index
        %get3A_1048 = arith.constant 3200 : index
        %get3A_1049 = vector.load %arg0[%get3A_1046, %get3A_1047, %get3A_1048] : memref<3x8x8192xf32, #tpu.memory_space<vmem>>, vector<1x8x128xf32>
        %get3A_1050 = vector.shape_cast %get3A_1049 : vector<1x8x128xf32> to vector<8x128xf32>
        %jit3A_1051 = arith.constant 0.000000e+00 : f32
        %broadcast_in_dim3A_1052 = vector.broadcast %jit3A_1051 : f32 to vector<8x128xf32>
        %select_n3A_1053 = arith.select %eq3A_1027, %get3A_1050, %broadcast_in_dim3A_1052 : vector<8x128xi1>, vector<8x128xf32>
        %add3A_1054 = arith.addf %add3A_926, %select_n3A_1053 : vector<8x128xf32>
        %sub3A_1055 = arith.constant 3328 : i32
        %sub3A_1056 = vector.broadcast %sub3A_1055 : i32 to vector<8x1xi32>
        %sub3A_1057 = arith.subi %scan3A_223, %sub3A_1056 : vector<8x1xi32>
        %eq3A_1058 = vector.broadcast %sub3A_1057 : vector<8x1xi32> to vector<8x128xi32>
        %eq3A_1059 = arith.cmpi eq, %iota3A, %eq3A_1058 : vector<8x128xi32>
        %get3A_1060 = arith.constant 0 : index
        %get3A_1061 = arith.constant 0 : index
        %get3A_1062 = arith.constant 3328 : index
        %get3A_1063 = vector.load %arg0[%get3A_1060, %get3A_1061, %get3A_1062] : memref<3x8x8192xf32, #tpu.memory_space<vmem>>, vector<1x8x128xf32>
        %get3A_1064 = vector.shape_cast %get3A_1063 : vector<1x8x128xf32> to vector<8x128xf32>
        %jit3A_1065 = arith.constant 0.000000e+00 : f32
        %broadcast_in_dim3A_1066 = vector.broadcast %jit3A_1065 : f32 to vector<8x128xf32>
        %select_n3A_1067 = arith.select %eq3A_1059, %get3A_1064, %broadcast_in_dim3A_1066 : vector<8x128xi1>, vector<8x128xf32>
        %add3A_1068 = arith.addf %add3A_940, %select_n3A_1067 : vector<8x128xf32>
        %get3A_1069 = arith.constant 1 : index
        %get3A_1070 = arith.constant 0 : index
        %get3A_1071 = arith.constant 3328 : index
        %get3A_1072 = vector.load %arg0[%get3A_1069, %get3A_1070, %get3A_1071] : memref<3x8x8192xf32, #tpu.memory_space<vmem>>, vector<1x8x128xf32>
        %get3A_1073 = vector.shape_cast %get3A_1072 : vector<1x8x128xf32> to vector<8x128xf32>
        %jit3A_1074 = arith.constant 0.000000e+00 : f32
        %broadcast_in_dim3A_1075 = vector.broadcast %jit3A_1074 : f32 to vector<8x128xf32>
        %select_n3A_1076 = arith.select %eq3A_1059, %get3A_1073, %broadcast_in_dim3A_1075 : vector<8x128xi1>, vector<8x128xf32>
        %add3A_1077 = arith.addf %add3A_949, %select_n3A_1076 : vector<8x128xf32>
        %get3A_1078 = arith.constant 2 : index
        %get3A_1079 = arith.constant 0 : index
        %get3A_1080 = arith.constant 3328 : index
        %get3A_1081 = vector.load %arg0[%get3A_1078, %get3A_1079, %get3A_1080] : memref<3x8x8192xf32, #tpu.memory_space<vmem>>, vector<1x8x128xf32>
        %get3A_1082 = vector.shape_cast %get3A_1081 : vector<1x8x128xf32> to vector<8x128xf32>
        %jit3A_1083 = arith.constant 0.000000e+00 : f32
        %broadcast_in_dim3A_1084 = vector.broadcast %jit3A_1083 : f32 to vector<8x128xf32>
        %select_n3A_1085 = arith.select %eq3A_1059, %get3A_1082, %broadcast_in_dim3A_1084 : vector<8x128xi1>, vector<8x128xf32>
        %add3A_1086 = arith.addf %add3A_958, %select_n3A_1085 : vector<8x128xf32>
        %sub3A_1087 = arith.constant 3456 : i32
        %sub3A_1088 = vector.broadcast %sub3A_1087 : i32 to vector<8x1xi32>
        %sub3A_1089 = arith.subi %scan3A_223, %sub3A_1088 : vector<8x1xi32>
        %eq3A_1090 = vector.broadcast %sub3A_1089 : vector<8x1xi32> to vector<8x128xi32>
        %eq3A_1091 = arith.cmpi eq, %iota3A, %eq3A_1090 : vector<8x128xi32>
        %get3A_1092 = arith.constant 0 : index
        %get3A_1093 = arith.constant 0 : index
        %get3A_1094 = arith.constant 3456 : index
        %get3A_1095 = vector.load %arg0[%get3A_1092, %get3A_1093, %get3A_1094] : memref<3x8x8192xf32, #tpu.memory_space<vmem>>, vector<1x8x128xf32>
        %get3A_1096 = vector.shape_cast %get3A_1095 : vector<1x8x128xf32> to vector<8x128xf32>
        %jit3A_1097 = arith.constant 0.000000e+00 : f32
        %broadcast_in_dim3A_1098 = vector.broadcast %jit3A_1097 : f32 to vector<8x128xf32>
        %select_n3A_1099 = arith.select %eq3A_1091, %get3A_1096, %broadcast_in_dim3A_1098 : vector<8x128xi1>, vector<8x128xf32>
        %add3A_1100 = arith.addf %add3A_972, %select_n3A_1099 : vector<8x128xf32>
        %get3A_1101 = arith.constant 1 : index
        %get3A_1102 = arith.constant 0 : index
        %get3A_1103 = arith.constant 3456 : index
        %get3A_1104 = vector.load %arg0[%get3A_1101, %get3A_1102, %get3A_1103] : memref<3x8x8192xf32, #tpu.memory_space<vmem>>, vector<1x8x128xf32>
        %get3A_1105 = vector.shape_cast %get3A_1104 : vector<1x8x128xf32> to vector<8x128xf32>
        %jit3A_1106 = arith.constant 0.000000e+00 : f32
        %broadcast_in_dim3A_1107 = vector.broadcast %jit3A_1106 : f32 to vector<8x128xf32>
        %select_n3A_1108 = arith.select %eq3A_1091, %get3A_1105, %broadcast_in_dim3A_1107 : vector<8x128xi1>, vector<8x128xf32>
        %add3A_1109 = arith.addf %add3A_981, %select_n3A_1108 : vector<8x128xf32>
        %get3A_1110 = arith.constant 2 : index
        %get3A_1111 = arith.constant 0 : index
        %get3A_1112 = arith.constant 3456 : index
        %get3A_1113 = vector.load %arg0[%get3A_1110, %get3A_1111, %get3A_1112] : memref<3x8x8192xf32, #tpu.memory_space<vmem>>, vector<1x8x128xf32>
        %get3A_1114 = vector.shape_cast %get3A_1113 : vector<1x8x128xf32> to vector<8x128xf32>
        %jit3A_1115 = arith.constant 0.000000e+00 : f32
        %broadcast_in_dim3A_1116 = vector.broadcast %jit3A_1115 : f32 to vector<8x128xf32>
        %select_n3A_1117 = arith.select %eq3A_1091, %get3A_1114, %broadcast_in_dim3A_1116 : vector<8x128xi1>, vector<8x128xf32>
        %add3A_1118 = arith.addf %add3A_990, %select_n3A_1117 : vector<8x128xf32>
        %sub3A_1119 = arith.constant 3584 : i32
        %sub3A_1120 = vector.broadcast %sub3A_1119 : i32 to vector<8x1xi32>
        %sub3A_1121 = arith.subi %scan3A_223, %sub3A_1120 : vector<8x1xi32>
        %eq3A_1122 = vector.broadcast %sub3A_1121 : vector<8x1xi32> to vector<8x128xi32>
        %eq3A_1123 = arith.cmpi eq, %iota3A, %eq3A_1122 : vector<8x128xi32>
        %get3A_1124 = arith.constant 0 : index
        %get3A_1125 = arith.constant 0 : index
        %get3A_1126 = arith.constant 3584 : index
        %get3A_1127 = vector.load %arg0[%get3A_1124, %get3A_1125, %get3A_1126] : memref<3x8x8192xf32, #tpu.memory_space<vmem>>, vector<1x8x128xf32>
        %get3A_1128 = vector.shape_cast %get3A_1127 : vector<1x8x128xf32> to vector<8x128xf32>
        %jit3A_1129 = arith.constant 0.000000e+00 : f32
        %broadcast_in_dim3A_1130 = vector.broadcast %jit3A_1129 : f32 to vector<8x128xf32>
        %select_n3A_1131 = arith.select %eq3A_1123, %get3A_1128, %broadcast_in_dim3A_1130 : vector<8x128xi1>, vector<8x128xf32>
        %add3A_1132 = arith.addf %add3A_1004, %select_n3A_1131 : vector<8x128xf32>
        %get3A_1133 = arith.constant 1 : index
        %get3A_1134 = arith.constant 0 : index
        %get3A_1135 = arith.constant 3584 : index
        %get3A_1136 = vector.load %arg0[%get3A_1133, %get3A_1134, %get3A_1135] : memref<3x8x8192xf32, #tpu.memory_space<vmem>>, vector<1x8x128xf32>
        %get3A_1137 = vector.shape_cast %get3A_1136 : vector<1x8x128xf32> to vector<8x128xf32>
        %jit3A_1138 = arith.constant 0.000000e+00 : f32
        %broadcast_in_dim3A_1139 = vector.broadcast %jit3A_1138 : f32 to vector<8x128xf32>
        %select_n3A_1140 = arith.select %eq3A_1123, %get3A_1137, %broadcast_in_dim3A_1139 : vector<8x128xi1>, vector<8x128xf32>
        %add3A_1141 = arith.addf %add3A_1013, %select_n3A_1140 : vector<8x128xf32>
        %get3A_1142 = arith.constant 2 : index
        %get3A_1143 = arith.constant 0 : index
        %get3A_1144 = arith.constant 3584 : index
        %get3A_1145 = vector.load %arg0[%get3A_1142, %get3A_1143, %get3A_1144] : memref<3x8x8192xf32, #tpu.memory_space<vmem>>, vector<1x8x128xf32>
        %get3A_1146 = vector.shape_cast %get3A_1145 : vector<1x8x128xf32> to vector<8x128xf32>
        %jit3A_1147 = arith.constant 0.000000e+00 : f32
        %broadcast_in_dim3A_1148 = vector.broadcast %jit3A_1147 : f32 to vector<8x128xf32>
        %select_n3A_1149 = arith.select %eq3A_1123, %get3A_1146, %broadcast_in_dim3A_1148 : vector<8x128xi1>, vector<8x128xf32>
        %add3A_1150 = arith.addf %add3A_1022, %select_n3A_1149 : vector<8x128xf32>
        %sub3A_1151 = arith.constant 3712 : i32
        %sub3A_1152 = vector.broadcast %sub3A_1151 : i32 to vector<8x1xi32>
        %sub3A_1153 = arith.subi %scan3A_223, %sub3A_1152 : vector<8x1xi32>
        %eq3A_1154 = vector.broadcast %sub3A_1153 : vector<8x1xi32> to vector<8x128xi32>
        %eq3A_1155 = arith.cmpi eq, %iota3A, %eq3A_1154 : vector<8x128xi32>
        %get3A_1156 = arith.constant 0 : index
        %get3A_1157 = arith.constant 0 : index
        %get3A_1158 = arith.constant 3712 : index
        %get3A_1159 = vector.load %arg0[%get3A_1156, %get3A_1157, %get3A_1158] : memref<3x8x8192xf32, #tpu.memory_space<vmem>>, vector<1x8x128xf32>
        %get3A_1160 = vector.shape_cast %get3A_1159 : vector<1x8x128xf32> to vector<8x128xf32>
        %jit3A_1161 = arith.constant 0.000000e+00 : f32
        %broadcast_in_dim3A_1162 = vector.broadcast %jit3A_1161 : f32 to vector<8x128xf32>
        %select_n3A_1163 = arith.select %eq3A_1155, %get3A_1160, %broadcast_in_dim3A_1162 : vector<8x128xi1>, vector<8x128xf32>
        %add3A_1164 = arith.addf %add3A_1036, %select_n3A_1163 : vector<8x128xf32>
        %get3A_1165 = arith.constant 1 : index
        %get3A_1166 = arith.constant 0 : index
        %get3A_1167 = arith.constant 3712 : index
        %get3A_1168 = vector.load %arg0[%get3A_1165, %get3A_1166, %get3A_1167] : memref<3x8x8192xf32, #tpu.memory_space<vmem>>, vector<1x8x128xf32>
        %get3A_1169 = vector.shape_cast %get3A_1168 : vector<1x8x128xf32> to vector<8x128xf32>
        %jit3A_1170 = arith.constant 0.000000e+00 : f32
        %broadcast_in_dim3A_1171 = vector.broadcast %jit3A_1170 : f32 to vector<8x128xf32>
        %select_n3A_1172 = arith.select %eq3A_1155, %get3A_1169, %broadcast_in_dim3A_1171 : vector<8x128xi1>, vector<8x128xf32>
        %add3A_1173 = arith.addf %add3A_1045, %select_n3A_1172 : vector<8x128xf32>
        %get3A_1174 = arith.constant 2 : index
        %get3A_1175 = arith.constant 0 : index
        %get3A_1176 = arith.constant 3712 : index
        %get3A_1177 = vector.load %arg0[%get3A_1174, %get3A_1175, %get3A_1176] : memref<3x8x8192xf32, #tpu.memory_space<vmem>>, vector<1x8x128xf32>
        %get3A_1178 = vector.shape_cast %get3A_1177 : vector<1x8x128xf32> to vector<8x128xf32>
        %jit3A_1179 = arith.constant 0.000000e+00 : f32
        %broadcast_in_dim3A_1180 = vector.broadcast %jit3A_1179 : f32 to vector<8x128xf32>
        %select_n3A_1181 = arith.select %eq3A_1155, %get3A_1178, %broadcast_in_dim3A_1180 : vector<8x128xi1>, vector<8x128xf32>
        %add3A_1182 = arith.addf %add3A_1054, %select_n3A_1181 : vector<8x128xf32>
        %sub3A_1183 = arith.constant 3840 : i32
        %sub3A_1184 = vector.broadcast %sub3A_1183 : i32 to vector<8x1xi32>
        %sub3A_1185 = arith.subi %scan3A_223, %sub3A_1184 : vector<8x1xi32>
        %eq3A_1186 = vector.broadcast %sub3A_1185 : vector<8x1xi32> to vector<8x128xi32>
        %eq3A_1187 = arith.cmpi eq, %iota3A, %eq3A_1186 : vector<8x128xi32>
        %get3A_1188 = arith.constant 0 : index
        %get3A_1189 = arith.constant 0 : index
        %get3A_1190 = arith.constant 3840 : index
        %get3A_1191 = vector.load %arg0[%get3A_1188, %get3A_1189, %get3A_1190] : memref<3x8x8192xf32, #tpu.memory_space<vmem>>, vector<1x8x128xf32>
        %get3A_1192 = vector.shape_cast %get3A_1191 : vector<1x8x128xf32> to vector<8x128xf32>
        %jit3A_1193 = arith.constant 0.000000e+00 : f32
        %broadcast_in_dim3A_1194 = vector.broadcast %jit3A_1193 : f32 to vector<8x128xf32>
        %select_n3A_1195 = arith.select %eq3A_1187, %get3A_1192, %broadcast_in_dim3A_1194 : vector<8x128xi1>, vector<8x128xf32>
        %add3A_1196 = arith.addf %add3A_1068, %select_n3A_1195 : vector<8x128xf32>
        %get3A_1197 = arith.constant 1 : index
        %get3A_1198 = arith.constant 0 : index
        %get3A_1199 = arith.constant 3840 : index
        %get3A_1200 = vector.load %arg0[%get3A_1197, %get3A_1198, %get3A_1199] : memref<3x8x8192xf32, #tpu.memory_space<vmem>>, vector<1x8x128xf32>
        %get3A_1201 = vector.shape_cast %get3A_1200 : vector<1x8x128xf32> to vector<8x128xf32>
        %jit3A_1202 = arith.constant 0.000000e+00 : f32
        %broadcast_in_dim3A_1203 = vector.broadcast %jit3A_1202 : f32 to vector<8x128xf32>
        %select_n3A_1204 = arith.select %eq3A_1187, %get3A_1201, %broadcast_in_dim3A_1203 : vector<8x128xi1>, vector<8x128xf32>
        %add3A_1205 = arith.addf %add3A_1077, %select_n3A_1204 : vector<8x128xf32>
        %get3A_1206 = arith.constant 2 : index
        %get3A_1207 = arith.constant 0 : index
        %get3A_1208 = arith.constant 3840 : index
        %get3A_1209 = vector.load %arg0[%get3A_1206, %get3A_1207, %get3A_1208] : memref<3x8x8192xf32, #tpu.memory_space<vmem>>, vector<1x8x128xf32>
        %get3A_1210 = vector.shape_cast %get3A_1209 : vector<1x8x128xf32> to vector<8x128xf32>
        %jit3A_1211 = arith.constant 0.000000e+00 : f32
        %broadcast_in_dim3A_1212 = vector.broadcast %jit3A_1211 : f32 to vector<8x128xf32>
        %select_n3A_1213 = arith.select %eq3A_1187, %get3A_1210, %broadcast_in_dim3A_1212 : vector<8x128xi1>, vector<8x128xf32>
        %add3A_1214 = arith.addf %add3A_1086, %select_n3A_1213 : vector<8x128xf32>
        %sub3A_1215 = arith.constant 3968 : i32
        %sub3A_1216 = vector.broadcast %sub3A_1215 : i32 to vector<8x1xi32>
        %sub3A_1217 = arith.subi %scan3A_223, %sub3A_1216 : vector<8x1xi32>
        %eq3A_1218 = vector.broadcast %sub3A_1217 : vector<8x1xi32> to vector<8x128xi32>
        %eq3A_1219 = arith.cmpi eq, %iota3A, %eq3A_1218 : vector<8x128xi32>
        %get3A_1220 = arith.constant 0 : index
        %get3A_1221 = arith.constant 0 : index
        %get3A_1222 = arith.constant 3968 : index
        %get3A_1223 = vector.load %arg0[%get3A_1220, %get3A_1221, %get3A_1222] : memref<3x8x8192xf32, #tpu.memory_space<vmem>>, vector<1x8x128xf32>
        %get3A_1224 = vector.shape_cast %get3A_1223 : vector<1x8x128xf32> to vector<8x128xf32>
        %jit3A_1225 = arith.constant 0.000000e+00 : f32
        %broadcast_in_dim3A_1226 = vector.broadcast %jit3A_1225 : f32 to vector<8x128xf32>
        %select_n3A_1227 = arith.select %eq3A_1219, %get3A_1224, %broadcast_in_dim3A_1226 : vector<8x128xi1>, vector<8x128xf32>
        %add3A_1228 = arith.addf %add3A_1100, %select_n3A_1227 : vector<8x128xf32>
        %get3A_1229 = arith.constant 1 : index
        %get3A_1230 = arith.constant 0 : index
        %get3A_1231 = arith.constant 3968 : index
        %get3A_1232 = vector.load %arg0[%get3A_1229, %get3A_1230, %get3A_1231] : memref<3x8x8192xf32, #tpu.memory_space<vmem>>, vector<1x8x128xf32>
        %get3A_1233 = vector.shape_cast %get3A_1232 : vector<1x8x128xf32> to vector<8x128xf32>
        %jit3A_1234 = arith.constant 0.000000e+00 : f32
        %broadcast_in_dim3A_1235 = vector.broadcast %jit3A_1234 : f32 to vector<8x128xf32>
        %select_n3A_1236 = arith.select %eq3A_1219, %get3A_1233, %broadcast_in_dim3A_1235 : vector<8x128xi1>, vector<8x128xf32>
        %add3A_1237 = arith.addf %add3A_1109, %select_n3A_1236 : vector<8x128xf32>
        %get3A_1238 = arith.constant 2 : index
        %get3A_1239 = arith.constant 0 : index
        %get3A_1240 = arith.constant 3968 : index
        %get3A_1241 = vector.load %arg0[%get3A_1238, %get3A_1239, %get3A_1240] : memref<3x8x8192xf32, #tpu.memory_space<vmem>>, vector<1x8x128xf32>
        %get3A_1242 = vector.shape_cast %get3A_1241 : vector<1x8x128xf32> to vector<8x128xf32>
        %jit3A_1243 = arith.constant 0.000000e+00 : f32
        %broadcast_in_dim3A_1244 = vector.broadcast %jit3A_1243 : f32 to vector<8x128xf32>
        %select_n3A_1245 = arith.select %eq3A_1219, %get3A_1242, %broadcast_in_dim3A_1244 : vector<8x128xi1>, vector<8x128xf32>
        %add3A_1246 = arith.addf %add3A_1118, %select_n3A_1245 : vector<8x128xf32>
        %sub3A_1247 = arith.constant 4096 : i32
        %sub3A_1248 = vector.broadcast %sub3A_1247 : i32 to vector<8x1xi32>
        %sub3A_1249 = arith.subi %scan3A_223, %sub3A_1248 : vector<8x1xi32>
        %eq3A_1250 = vector.broadcast %sub3A_1249 : vector<8x1xi32> to vector<8x128xi32>
        %eq3A_1251 = arith.cmpi eq, %iota3A, %eq3A_1250 : vector<8x128xi32>
        %get3A_1252 = arith.constant 0 : index
        %get3A_1253 = arith.constant 0 : index
        %get3A_1254 = arith.constant 4096 : index
        %get3A_1255 = vector.load %arg0[%get3A_1252, %get3A_1253, %get3A_1254] : memref<3x8x8192xf32, #tpu.memory_space<vmem>>, vector<1x8x128xf32>
        %get3A_1256 = vector.shape_cast %get3A_1255 : vector<1x8x128xf32> to vector<8x128xf32>
        %jit3A_1257 = arith.constant 0.000000e+00 : f32
        %broadcast_in_dim3A_1258 = vector.broadcast %jit3A_1257 : f32 to vector<8x128xf32>
        %select_n3A_1259 = arith.select %eq3A_1251, %get3A_1256, %broadcast_in_dim3A_1258 : vector<8x128xi1>, vector<8x128xf32>
        %add3A_1260 = arith.addf %add3A_1132, %select_n3A_1259 : vector<8x128xf32>
        %get3A_1261 = arith.constant 1 : index
        %get3A_1262 = arith.constant 0 : index
        %get3A_1263 = arith.constant 4096 : index
        %get3A_1264 = vector.load %arg0[%get3A_1261, %get3A_1262, %get3A_1263] : memref<3x8x8192xf32, #tpu.memory_space<vmem>>, vector<1x8x128xf32>
        %get3A_1265 = vector.shape_cast %get3A_1264 : vector<1x8x128xf32> to vector<8x128xf32>
        %jit3A_1266 = arith.constant 0.000000e+00 : f32
        %broadcast_in_dim3A_1267 = vector.broadcast %jit3A_1266 : f32 to vector<8x128xf32>
        %select_n3A_1268 = arith.select %eq3A_1251, %get3A_1265, %broadcast_in_dim3A_1267 : vector<8x128xi1>, vector<8x128xf32>
        %add3A_1269 = arith.addf %add3A_1141, %select_n3A_1268 : vector<8x128xf32>
        %get3A_1270 = arith.constant 2 : index
        %get3A_1271 = arith.constant 0 : index
        %get3A_1272 = arith.constant 4096 : index
        %get3A_1273 = vector.load %arg0[%get3A_1270, %get3A_1271, %get3A_1272] : memref<3x8x8192xf32, #tpu.memory_space<vmem>>, vector<1x8x128xf32>
        %get3A_1274 = vector.shape_cast %get3A_1273 : vector<1x8x128xf32> to vector<8x128xf32>
        %jit3A_1275 = arith.constant 0.000000e+00 : f32
        %broadcast_in_dim3A_1276 = vector.broadcast %jit3A_1275 : f32 to vector<8x128xf32>
        %select_n3A_1277 = arith.select %eq3A_1251, %get3A_1274, %broadcast_in_dim3A_1276 : vector<8x128xi1>, vector<8x128xf32>
        %add3A_1278 = arith.addf %add3A_1150, %select_n3A_1277 : vector<8x128xf32>
        %sub3A_1279 = arith.constant 4224 : i32
        %sub3A_1280 = vector.broadcast %sub3A_1279 : i32 to vector<8x1xi32>
        %sub3A_1281 = arith.subi %scan3A_223, %sub3A_1280 : vector<8x1xi32>
        %eq3A_1282 = vector.broadcast %sub3A_1281 : vector<8x1xi32> to vector<8x128xi32>
        %eq3A_1283 = arith.cmpi eq, %iota3A, %eq3A_1282 : vector<8x128xi32>
        %get3A_1284 = arith.constant 0 : index
        %get3A_1285 = arith.constant 0 : index
        %get3A_1286 = arith.constant 4224 : index
        %get3A_1287 = vector.load %arg0[%get3A_1284, %get3A_1285, %get3A_1286] : memref<3x8x8192xf32, #tpu.memory_space<vmem>>, vector<1x8x128xf32>
        %get3A_1288 = vector.shape_cast %get3A_1287 : vector<1x8x128xf32> to vector<8x128xf32>
        %jit3A_1289 = arith.constant 0.000000e+00 : f32
        %broadcast_in_dim3A_1290 = vector.broadcast %jit3A_1289 : f32 to vector<8x128xf32>
        %select_n3A_1291 = arith.select %eq3A_1283, %get3A_1288, %broadcast_in_dim3A_1290 : vector<8x128xi1>, vector<8x128xf32>
        %add3A_1292 = arith.addf %add3A_1164, %select_n3A_1291 : vector<8x128xf32>
        %get3A_1293 = arith.constant 1 : index
        %get3A_1294 = arith.constant 0 : index
        %get3A_1295 = arith.constant 4224 : index
        %get3A_1296 = vector.load %arg0[%get3A_1293, %get3A_1294, %get3A_1295] : memref<3x8x8192xf32, #tpu.memory_space<vmem>>, vector<1x8x128xf32>
        %get3A_1297 = vector.shape_cast %get3A_1296 : vector<1x8x128xf32> to vector<8x128xf32>
        %jit3A_1298 = arith.constant 0.000000e+00 : f32
        %broadcast_in_dim3A_1299 = vector.broadcast %jit3A_1298 : f32 to vector<8x128xf32>
        %select_n3A_1300 = arith.select %eq3A_1283, %get3A_1297, %broadcast_in_dim3A_1299 : vector<8x128xi1>, vector<8x128xf32>
        %add3A_1301 = arith.addf %add3A_1173, %select_n3A_1300 : vector<8x128xf32>
        %get3A_1302 = arith.constant 2 : index
        %get3A_1303 = arith.constant 0 : index
        %get3A_1304 = arith.constant 4224 : index
        %get3A_1305 = vector.load %arg0[%get3A_1302, %get3A_1303, %get3A_1304] : memref<3x8x8192xf32, #tpu.memory_space<vmem>>, vector<1x8x128xf32>
        %get3A_1306 = vector.shape_cast %get3A_1305 : vector<1x8x128xf32> to vector<8x128xf32>
        %jit3A_1307 = arith.constant 0.000000e+00 : f32
        %broadcast_in_dim3A_1308 = vector.broadcast %jit3A_1307 : f32 to vector<8x128xf32>
        %select_n3A_1309 = arith.select %eq3A_1283, %get3A_1306, %broadcast_in_dim3A_1308 : vector<8x128xi1>, vector<8x128xf32>
        %add3A_1310 = arith.addf %add3A_1182, %select_n3A_1309 : vector<8x128xf32>
        %sub3A_1311 = arith.constant 4352 : i32
        %sub3A_1312 = vector.broadcast %sub3A_1311 : i32 to vector<8x1xi32>
        %sub3A_1313 = arith.subi %scan3A_223, %sub3A_1312 : vector<8x1xi32>
        %eq3A_1314 = vector.broadcast %sub3A_1313 : vector<8x1xi32> to vector<8x128xi32>
        %eq3A_1315 = arith.cmpi eq, %iota3A, %eq3A_1314 : vector<8x128xi32>
        %get3A_1316 = arith.constant 0 : index
        %get3A_1317 = arith.constant 0 : index
        %get3A_1318 = arith.constant 4352 : index
        %get3A_1319 = vector.load %arg0[%get3A_1316, %get3A_1317, %get3A_1318] : memref<3x8x8192xf32, #tpu.memory_space<vmem>>, vector<1x8x128xf32>
        %get3A_1320 = vector.shape_cast %get3A_1319 : vector<1x8x128xf32> to vector<8x128xf32>
        %jit3A_1321 = arith.constant 0.000000e+00 : f32
        %broadcast_in_dim3A_1322 = vector.broadcast %jit3A_1321 : f32 to vector<8x128xf32>
        %select_n3A_1323 = arith.select %eq3A_1315, %get3A_1320, %broadcast_in_dim3A_1322 : vector<8x128xi1>, vector<8x128xf32>
        %add3A_1324 = arith.addf %add3A_1196, %select_n3A_1323 : vector<8x128xf32>
        %get3A_1325 = arith.constant 1 : index
        %get3A_1326 = arith.constant 0 : index
        %get3A_1327 = arith.constant 4352 : index
        %get3A_1328 = vector.load %arg0[%get3A_1325, %get3A_1326, %get3A_1327] : memref<3x8x8192xf32, #tpu.memory_space<vmem>>, vector<1x8x128xf32>
        %get3A_1329 = vector.shape_cast %get3A_1328 : vector<1x8x128xf32> to vector<8x128xf32>
        %jit3A_1330 = arith.constant 0.000000e+00 : f32
        %broadcast_in_dim3A_1331 = vector.broadcast %jit3A_1330 : f32 to vector<8x128xf32>
        %select_n3A_1332 = arith.select %eq3A_1315, %get3A_1329, %broadcast_in_dim3A_1331 : vector<8x128xi1>, vector<8x128xf32>
        %add3A_1333 = arith.addf %add3A_1205, %select_n3A_1332 : vector<8x128xf32>
        %get3A_1334 = arith.constant 2 : index
        %get3A_1335 = arith.constant 0 : index
        %get3A_1336 = arith.constant 4352 : index
        %get3A_1337 = vector.load %arg0[%get3A_1334, %get3A_1335, %get3A_1336] : memref<3x8x8192xf32, #tpu.memory_space<vmem>>, vector<1x8x128xf32>
        %get3A_1338 = vector.shape_cast %get3A_1337 : vector<1x8x128xf32> to vector<8x128xf32>
        %jit3A_1339 = arith.constant 0.000000e+00 : f32
        %broadcast_in_dim3A_1340 = vector.broadcast %jit3A_1339 : f32 to vector<8x128xf32>
        %select_n3A_1341 = arith.select %eq3A_1315, %get3A_1338, %broadcast_in_dim3A_1340 : vector<8x128xi1>, vector<8x128xf32>
        %add3A_1342 = arith.addf %add3A_1214, %select_n3A_1341 : vector<8x128xf32>
        %sub3A_1343 = arith.constant 4480 : i32
        %sub3A_1344 = vector.broadcast %sub3A_1343 : i32 to vector<8x1xi32>
        %sub3A_1345 = arith.subi %scan3A_223, %sub3A_1344 : vector<8x1xi32>
        %eq3A_1346 = vector.broadcast %sub3A_1345 : vector<8x1xi32> to vector<8x128xi32>
        %eq3A_1347 = arith.cmpi eq, %iota3A, %eq3A_1346 : vector<8x128xi32>
        %get3A_1348 = arith.constant 0 : index
        %get3A_1349 = arith.constant 0 : index
        %get3A_1350 = arith.constant 4480 : index
        %get3A_1351 = vector.load %arg0[%get3A_1348, %get3A_1349, %get3A_1350] : memref<3x8x8192xf32, #tpu.memory_space<vmem>>, vector<1x8x128xf32>
        %get3A_1352 = vector.shape_cast %get3A_1351 : vector<1x8x128xf32> to vector<8x128xf32>
        %jit3A_1353 = arith.constant 0.000000e+00 : f32
        %broadcast_in_dim3A_1354 = vector.broadcast %jit3A_1353 : f32 to vector<8x128xf32>
        %select_n3A_1355 = arith.select %eq3A_1347, %get3A_1352, %broadcast_in_dim3A_1354 : vector<8x128xi1>, vector<8x128xf32>
        %add3A_1356 = arith.addf %add3A_1228, %select_n3A_1355 : vector<8x128xf32>
        %get3A_1357 = arith.constant 1 : index
        %get3A_1358 = arith.constant 0 : index
        %get3A_1359 = arith.constant 4480 : index
        %get3A_1360 = vector.load %arg0[%get3A_1357, %get3A_1358, %get3A_1359] : memref<3x8x8192xf32, #tpu.memory_space<vmem>>, vector<1x8x128xf32>
        %get3A_1361 = vector.shape_cast %get3A_1360 : vector<1x8x128xf32> to vector<8x128xf32>
        %jit3A_1362 = arith.constant 0.000000e+00 : f32
        %broadcast_in_dim3A_1363 = vector.broadcast %jit3A_1362 : f32 to vector<8x128xf32>
        %select_n3A_1364 = arith.select %eq3A_1347, %get3A_1361, %broadcast_in_dim3A_1363 : vector<8x128xi1>, vector<8x128xf32>
        %add3A_1365 = arith.addf %add3A_1237, %select_n3A_1364 : vector<8x128xf32>
        %get3A_1366 = arith.constant 2 : index
        %get3A_1367 = arith.constant 0 : index
        %get3A_1368 = arith.constant 4480 : index
        %get3A_1369 = vector.load %arg0[%get3A_1366, %get3A_1367, %get3A_1368] : memref<3x8x8192xf32, #tpu.memory_space<vmem>>, vector<1x8x128xf32>
        %get3A_1370 = vector.shape_cast %get3A_1369 : vector<1x8x128xf32> to vector<8x128xf32>
        %jit3A_1371 = arith.constant 0.000000e+00 : f32
        %broadcast_in_dim3A_1372 = vector.broadcast %jit3A_1371 : f32 to vector<8x128xf32>
        %select_n3A_1373 = arith.select %eq3A_1347, %get3A_1370, %broadcast_in_dim3A_1372 : vector<8x128xi1>, vector<8x128xf32>
        %add3A_1374 = arith.addf %add3A_1246, %select_n3A_1373 : vector<8x128xf32>
        %sub3A_1375 = arith.constant 4608 : i32
        %sub3A_1376 = vector.broadcast %sub3A_1375 : i32 to vector<8x1xi32>
        %sub3A_1377 = arith.subi %scan3A_223, %sub3A_1376 : vector<8x1xi32>
        %eq3A_1378 = vector.broadcast %sub3A_1377 : vector<8x1xi32> to vector<8x128xi32>
        %eq3A_1379 = arith.cmpi eq, %iota3A, %eq3A_1378 : vector<8x128xi32>
        %get3A_1380 = arith.constant 0 : index
        %get3A_1381 = arith.constant 0 : index
        %get3A_1382 = arith.constant 4608 : index
        %get3A_1383 = vector.load %arg0[%get3A_1380, %get3A_1381, %get3A_1382] : memref<3x8x8192xf32, #tpu.memory_space<vmem>>, vector<1x8x128xf32>
        %get3A_1384 = vector.shape_cast %get3A_1383 : vector<1x8x128xf32> to vector<8x128xf32>
        %jit3A_1385 = arith.constant 0.000000e+00 : f32
        %broadcast_in_dim3A_1386 = vector.broadcast %jit3A_1385 : f32 to vector<8x128xf32>
        %select_n3A_1387 = arith.select %eq3A_1379, %get3A_1384, %broadcast_in_dim3A_1386 : vector<8x128xi1>, vector<8x128xf32>
        %add3A_1388 = arith.addf %add3A_1260, %select_n3A_1387 : vector<8x128xf32>
        %get3A_1389 = arith.constant 1 : index
        %get3A_1390 = arith.constant 0 : index
        %get3A_1391 = arith.constant 4608 : index
        %get3A_1392 = vector.load %arg0[%get3A_1389, %get3A_1390, %get3A_1391] : memref<3x8x8192xf32, #tpu.memory_space<vmem>>, vector<1x8x128xf32>
        %get3A_1393 = vector.shape_cast %get3A_1392 : vector<1x8x128xf32> to vector<8x128xf32>
        %jit3A_1394 = arith.constant 0.000000e+00 : f32
        %broadcast_in_dim3A_1395 = vector.broadcast %jit3A_1394 : f32 to vector<8x128xf32>
        %select_n3A_1396 = arith.select %eq3A_1379, %get3A_1393, %broadcast_in_dim3A_1395 : vector<8x128xi1>, vector<8x128xf32>
        %add3A_1397 = arith.addf %add3A_1269, %select_n3A_1396 : vector<8x128xf32>
        %get3A_1398 = arith.constant 2 : index
        %get3A_1399 = arith.constant 0 : index
        %get3A_1400 = arith.constant 4608 : index
        %get3A_1401 = vector.load %arg0[%get3A_1398, %get3A_1399, %get3A_1400] : memref<3x8x8192xf32, #tpu.memory_space<vmem>>, vector<1x8x128xf32>
        %get3A_1402 = vector.shape_cast %get3A_1401 : vector<1x8x128xf32> to vector<8x128xf32>
        %jit3A_1403 = arith.constant 0.000000e+00 : f32
        %broadcast_in_dim3A_1404 = vector.broadcast %jit3A_1403 : f32 to vector<8x128xf32>
        %select_n3A_1405 = arith.select %eq3A_1379, %get3A_1402, %broadcast_in_dim3A_1404 : vector<8x128xi1>, vector<8x128xf32>
        %add3A_1406 = arith.addf %add3A_1278, %select_n3A_1405 : vector<8x128xf32>
        %sub3A_1407 = arith.constant 4736 : i32
        %sub3A_1408 = vector.broadcast %sub3A_1407 : i32 to vector<8x1xi32>
        %sub3A_1409 = arith.subi %scan3A_223, %sub3A_1408 : vector<8x1xi32>
        %eq3A_1410 = vector.broadcast %sub3A_1409 : vector<8x1xi32> to vector<8x128xi32>
        %eq3A_1411 = arith.cmpi eq, %iota3A, %eq3A_1410 : vector<8x128xi32>
        %get3A_1412 = arith.constant 0 : index
        %get3A_1413 = arith.constant 0 : index
        %get3A_1414 = arith.constant 4736 : index
        %get3A_1415 = vector.load %arg0[%get3A_1412, %get3A_1413, %get3A_1414] : memref<3x8x8192xf32, #tpu.memory_space<vmem>>, vector<1x8x128xf32>
        %get3A_1416 = vector.shape_cast %get3A_1415 : vector<1x8x128xf32> to vector<8x128xf32>
        %jit3A_1417 = arith.constant 0.000000e+00 : f32
        %broadcast_in_dim3A_1418 = vector.broadcast %jit3A_1417 : f32 to vector<8x128xf32>
        %select_n3A_1419 = arith.select %eq3A_1411, %get3A_1416, %broadcast_in_dim3A_1418 : vector<8x128xi1>, vector<8x128xf32>
        %add3A_1420 = arith.addf %add3A_1292, %select_n3A_1419 : vector<8x128xf32>
        %get3A_1421 = arith.constant 1 : index
        %get3A_1422 = arith.constant 0 : index
        %get3A_1423 = arith.constant 4736 : index
        %get3A_1424 = vector.load %arg0[%get3A_1421, %get3A_1422, %get3A_1423] : memref<3x8x8192xf32, #tpu.memory_space<vmem>>, vector<1x8x128xf32>
        %get3A_1425 = vector.shape_cast %get3A_1424 : vector<1x8x128xf32> to vector<8x128xf32>
        %jit3A_1426 = arith.constant 0.000000e+00 : f32
        %broadcast_in_dim3A_1427 = vector.broadcast %jit3A_1426 : f32 to vector<8x128xf32>
        %select_n3A_1428 = arith.select %eq3A_1411, %get3A_1425, %broadcast_in_dim3A_1427 : vector<8x128xi1>, vector<8x128xf32>
        %add3A_1429 = arith.addf %add3A_1301, %select_n3A_1428 : vector<8x128xf32>
        %get3A_1430 = arith.constant 2 : index
        %get3A_1431 = arith.constant 0 : index
        %get3A_1432 = arith.constant 4736 : index
        %get3A_1433 = vector.load %arg0[%get3A_1430, %get3A_1431, %get3A_1432] : memref<3x8x8192xf32, #tpu.memory_space<vmem>>, vector<1x8x128xf32>
        %get3A_1434 = vector.shape_cast %get3A_1433 : vector<1x8x128xf32> to vector<8x128xf32>
        %jit3A_1435 = arith.constant 0.000000e+00 : f32
        %broadcast_in_dim3A_1436 = vector.broadcast %jit3A_1435 : f32 to vector<8x128xf32>
        %select_n3A_1437 = arith.select %eq3A_1411, %get3A_1434, %broadcast_in_dim3A_1436 : vector<8x128xi1>, vector<8x128xf32>
        %add3A_1438 = arith.addf %add3A_1310, %select_n3A_1437 : vector<8x128xf32>
        %sub3A_1439 = arith.constant 4864 : i32
        %sub3A_1440 = vector.broadcast %sub3A_1439 : i32 to vector<8x1xi32>
        %sub3A_1441 = arith.subi %scan3A_223, %sub3A_1440 : vector<8x1xi32>
        %eq3A_1442 = vector.broadcast %sub3A_1441 : vector<8x1xi32> to vector<8x128xi32>
        %eq3A_1443 = arith.cmpi eq, %iota3A, %eq3A_1442 : vector<8x128xi32>
        %get3A_1444 = arith.constant 0 : index
        %get3A_1445 = arith.constant 0 : index
        %get3A_1446 = arith.constant 4864 : index
        %get3A_1447 = vector.load %arg0[%get3A_1444, %get3A_1445, %get3A_1446] : memref<3x8x8192xf32, #tpu.memory_space<vmem>>, vector<1x8x128xf32>
        %get3A_1448 = vector.shape_cast %get3A_1447 : vector<1x8x128xf32> to vector<8x128xf32>
        %jit3A_1449 = arith.constant 0.000000e+00 : f32
        %broadcast_in_dim3A_1450 = vector.broadcast %jit3A_1449 : f32 to vector<8x128xf32>
        %select_n3A_1451 = arith.select %eq3A_1443, %get3A_1448, %broadcast_in_dim3A_1450 : vector<8x128xi1>, vector<8x128xf32>
        %add3A_1452 = arith.addf %add3A_1324, %select_n3A_1451 : vector<8x128xf32>
        %get3A_1453 = arith.constant 1 : index
        %get3A_1454 = arith.constant 0 : index
        %get3A_1455 = arith.constant 4864 : index
        %get3A_1456 = vector.load %arg0[%get3A_1453, %get3A_1454, %get3A_1455] : memref<3x8x8192xf32, #tpu.memory_space<vmem>>, vector<1x8x128xf32>
        %get3A_1457 = vector.shape_cast %get3A_1456 : vector<1x8x128xf32> to vector<8x128xf32>
        %jit3A_1458 = arith.constant 0.000000e+00 : f32
        %broadcast_in_dim3A_1459 = vector.broadcast %jit3A_1458 : f32 to vector<8x128xf32>
        %select_n3A_1460 = arith.select %eq3A_1443, %get3A_1457, %broadcast_in_dim3A_1459 : vector<8x128xi1>, vector<8x128xf32>
        %add3A_1461 = arith.addf %add3A_1333, %select_n3A_1460 : vector<8x128xf32>
        %get3A_1462 = arith.constant 2 : index
        %get3A_1463 = arith.constant 0 : index
        %get3A_1464 = arith.constant 4864 : index
        %get3A_1465 = vector.load %arg0[%get3A_1462, %get3A_1463, %get3A_1464] : memref<3x8x8192xf32, #tpu.memory_space<vmem>>, vector<1x8x128xf32>
        %get3A_1466 = vector.shape_cast %get3A_1465 : vector<1x8x128xf32> to vector<8x128xf32>
        %jit3A_1467 = arith.constant 0.000000e+00 : f32
        %broadcast_in_dim3A_1468 = vector.broadcast %jit3A_1467 : f32 to vector<8x128xf32>
        %select_n3A_1469 = arith.select %eq3A_1443, %get3A_1466, %broadcast_in_dim3A_1468 : vector<8x128xi1>, vector<8x128xf32>
        %add3A_1470 = arith.addf %add3A_1342, %select_n3A_1469 : vector<8x128xf32>
        %sub3A_1471 = arith.constant 4992 : i32
        %sub3A_1472 = vector.broadcast %sub3A_1471 : i32 to vector<8x1xi32>
        %sub3A_1473 = arith.subi %scan3A_223, %sub3A_1472 : vector<8x1xi32>
        %eq3A_1474 = vector.broadcast %sub3A_1473 : vector<8x1xi32> to vector<8x128xi32>
        %eq3A_1475 = arith.cmpi eq, %iota3A, %eq3A_1474 : vector<8x128xi32>
        %get3A_1476 = arith.constant 0 : index
        %get3A_1477 = arith.constant 0 : index
        %get3A_1478 = arith.constant 4992 : index
        %get3A_1479 = vector.load %arg0[%get3A_1476, %get3A_1477, %get3A_1478] : memref<3x8x8192xf32, #tpu.memory_space<vmem>>, vector<1x8x128xf32>
        %get3A_1480 = vector.shape_cast %get3A_1479 : vector<1x8x128xf32> to vector<8x128xf32>
        %jit3A_1481 = arith.constant 0.000000e+00 : f32
        %broadcast_in_dim3A_1482 = vector.broadcast %jit3A_1481 : f32 to vector<8x128xf32>
        %select_n3A_1483 = arith.select %eq3A_1475, %get3A_1480, %broadcast_in_dim3A_1482 : vector<8x128xi1>, vector<8x128xf32>
        %add3A_1484 = arith.addf %add3A_1356, %select_n3A_1483 : vector<8x128xf32>
        %get3A_1485 = arith.constant 1 : index
        %get3A_1486 = arith.constant 0 : index
        %get3A_1487 = arith.constant 4992 : index
        %get3A_1488 = vector.load %arg0[%get3A_1485, %get3A_1486, %get3A_1487] : memref<3x8x8192xf32, #tpu.memory_space<vmem>>, vector<1x8x128xf32>
        %get3A_1489 = vector.shape_cast %get3A_1488 : vector<1x8x128xf32> to vector<8x128xf32>
        %jit3A_1490 = arith.constant 0.000000e+00 : f32
        %broadcast_in_dim3A_1491 = vector.broadcast %jit3A_1490 : f32 to vector<8x128xf32>
        %select_n3A_1492 = arith.select %eq3A_1475, %get3A_1489, %broadcast_in_dim3A_1491 : vector<8x128xi1>, vector<8x128xf32>
        %add3A_1493 = arith.addf %add3A_1365, %select_n3A_1492 : vector<8x128xf32>
        %get3A_1494 = arith.constant 2 : index
        %get3A_1495 = arith.constant 0 : index
        %get3A_1496 = arith.constant 4992 : index
        %get3A_1497 = vector.load %arg0[%get3A_1494, %get3A_1495, %get3A_1496] : memref<3x8x8192xf32, #tpu.memory_space<vmem>>, vector<1x8x128xf32>
        %get3A_1498 = vector.shape_cast %get3A_1497 : vector<1x8x128xf32> to vector<8x128xf32>
        %jit3A_1499 = arith.constant 0.000000e+00 : f32
        %broadcast_in_dim3A_1500 = vector.broadcast %jit3A_1499 : f32 to vector<8x128xf32>
        %select_n3A_1501 = arith.select %eq3A_1475, %get3A_1498, %broadcast_in_dim3A_1500 : vector<8x128xi1>, vector<8x128xf32>
        %add3A_1502 = arith.addf %add3A_1374, %select_n3A_1501 : vector<8x128xf32>
        %sub3A_1503 = arith.constant 5120 : i32
        %sub3A_1504 = vector.broadcast %sub3A_1503 : i32 to vector<8x1xi32>
        %sub3A_1505 = arith.subi %scan3A_223, %sub3A_1504 : vector<8x1xi32>
        %eq3A_1506 = vector.broadcast %sub3A_1505 : vector<8x1xi32> to vector<8x128xi32>
        %eq3A_1507 = arith.cmpi eq, %iota3A, %eq3A_1506 : vector<8x128xi32>
        %get3A_1508 = arith.constant 0 : index
        %get3A_1509 = arith.constant 0 : index
        %get3A_1510 = arith.constant 5120 : index
        %get3A_1511 = vector.load %arg0[%get3A_1508, %get3A_1509, %get3A_1510] : memref<3x8x8192xf32, #tpu.memory_space<vmem>>, vector<1x8x128xf32>
        %get3A_1512 = vector.shape_cast %get3A_1511 : vector<1x8x128xf32> to vector<8x128xf32>
        %jit3A_1513 = arith.constant 0.000000e+00 : f32
        %broadcast_in_dim3A_1514 = vector.broadcast %jit3A_1513 : f32 to vector<8x128xf32>
        %select_n3A_1515 = arith.select %eq3A_1507, %get3A_1512, %broadcast_in_dim3A_1514 : vector<8x128xi1>, vector<8x128xf32>
        %add3A_1516 = arith.addf %add3A_1388, %select_n3A_1515 : vector<8x128xf32>
        %get3A_1517 = arith.constant 1 : index
        %get3A_1518 = arith.constant 0 : index
        %get3A_1519 = arith.constant 5120 : index
        %get3A_1520 = vector.load %arg0[%get3A_1517, %get3A_1518, %get3A_1519] : memref<3x8x8192xf32, #tpu.memory_space<vmem>>, vector<1x8x128xf32>
        %get3A_1521 = vector.shape_cast %get3A_1520 : vector<1x8x128xf32> to vector<8x128xf32>
        %jit3A_1522 = arith.constant 0.000000e+00 : f32
        %broadcast_in_dim3A_1523 = vector.broadcast %jit3A_1522 : f32 to vector<8x128xf32>
        %select_n3A_1524 = arith.select %eq3A_1507, %get3A_1521, %broadcast_in_dim3A_1523 : vector<8x128xi1>, vector<8x128xf32>
        %add3A_1525 = arith.addf %add3A_1397, %select_n3A_1524 : vector<8x128xf32>
        %get3A_1526 = arith.constant 2 : index
        %get3A_1527 = arith.constant 0 : index
        %get3A_1528 = arith.constant 5120 : index
        %get3A_1529 = vector.load %arg0[%get3A_1526, %get3A_1527, %get3A_1528] : memref<3x8x8192xf32, #tpu.memory_space<vmem>>, vector<1x8x128xf32>
        %get3A_1530 = vector.shape_cast %get3A_1529 : vector<1x8x128xf32> to vector<8x128xf32>
        %jit3A_1531 = arith.constant 0.000000e+00 : f32
        %broadcast_in_dim3A_1532 = vector.broadcast %jit3A_1531 : f32 to vector<8x128xf32>
        %select_n3A_1533 = arith.select %eq3A_1507, %get3A_1530, %broadcast_in_dim3A_1532 : vector<8x128xi1>, vector<8x128xf32>
        %add3A_1534 = arith.addf %add3A_1406, %select_n3A_1533 : vector<8x128xf32>
        %sub3A_1535 = arith.constant 5248 : i32
        %sub3A_1536 = vector.broadcast %sub3A_1535 : i32 to vector<8x1xi32>
        %sub3A_1537 = arith.subi %scan3A_223, %sub3A_1536 : vector<8x1xi32>
        %eq3A_1538 = vector.broadcast %sub3A_1537 : vector<8x1xi32> to vector<8x128xi32>
        %eq3A_1539 = arith.cmpi eq, %iota3A, %eq3A_1538 : vector<8x128xi32>
        %get3A_1540 = arith.constant 0 : index
        %get3A_1541 = arith.constant 0 : index
        %get3A_1542 = arith.constant 5248 : index
        %get3A_1543 = vector.load %arg0[%get3A_1540, %get3A_1541, %get3A_1542] : memref<3x8x8192xf32, #tpu.memory_space<vmem>>, vector<1x8x128xf32>
        %get3A_1544 = vector.shape_cast %get3A_1543 : vector<1x8x128xf32> to vector<8x128xf32>
        %jit3A_1545 = arith.constant 0.000000e+00 : f32
        %broadcast_in_dim3A_1546 = vector.broadcast %jit3A_1545 : f32 to vector<8x128xf32>
        %select_n3A_1547 = arith.select %eq3A_1539, %get3A_1544, %broadcast_in_dim3A_1546 : vector<8x128xi1>, vector<8x128xf32>
        %add3A_1548 = arith.addf %add3A_1420, %select_n3A_1547 : vector<8x128xf32>
        %get3A_1549 = arith.constant 1 : index
        %get3A_1550 = arith.constant 0 : index
        %get3A_1551 = arith.constant 5248 : index
        %get3A_1552 = vector.load %arg0[%get3A_1549, %get3A_1550, %get3A_1551] : memref<3x8x8192xf32, #tpu.memory_space<vmem>>, vector<1x8x128xf32>
        %get3A_1553 = vector.shape_cast %get3A_1552 : vector<1x8x128xf32> to vector<8x128xf32>
        %jit3A_1554 = arith.constant 0.000000e+00 : f32
        %broadcast_in_dim3A_1555 = vector.broadcast %jit3A_1554 : f32 to vector<8x128xf32>
        %select_n3A_1556 = arith.select %eq3A_1539, %get3A_1553, %broadcast_in_dim3A_1555 : vector<8x128xi1>, vector<8x128xf32>
        %add3A_1557 = arith.addf %add3A_1429, %select_n3A_1556 : vector<8x128xf32>
        %get3A_1558 = arith.constant 2 : index
        %get3A_1559 = arith.constant 0 : index
        %get3A_1560 = arith.constant 5248 : index
        %get3A_1561 = vector.load %arg0[%get3A_1558, %get3A_1559, %get3A_1560] : memref<3x8x8192xf32, #tpu.memory_space<vmem>>, vector<1x8x128xf32>
        %get3A_1562 = vector.shape_cast %get3A_1561 : vector<1x8x128xf32> to vector<8x128xf32>
        %jit3A_1563 = arith.constant 0.000000e+00 : f32
        %broadcast_in_dim3A_1564 = vector.broadcast %jit3A_1563 : f32 to vector<8x128xf32>
        %select_n3A_1565 = arith.select %eq3A_1539, %get3A_1562, %broadcast_in_dim3A_1564 : vector<8x128xi1>, vector<8x128xf32>
        %add3A_1566 = arith.addf %add3A_1438, %select_n3A_1565 : vector<8x128xf32>
        %sub3A_1567 = arith.constant 5376 : i32
        %sub3A_1568 = vector.broadcast %sub3A_1567 : i32 to vector<8x1xi32>
        %sub3A_1569 = arith.subi %scan3A_223, %sub3A_1568 : vector<8x1xi32>
        %eq3A_1570 = vector.broadcast %sub3A_1569 : vector<8x1xi32> to vector<8x128xi32>
        %eq3A_1571 = arith.cmpi eq, %iota3A, %eq3A_1570 : vector<8x128xi32>
        %get3A_1572 = arith.constant 0 : index
        %get3A_1573 = arith.constant 0 : index
        %get3A_1574 = arith.constant 5376 : index
        %get3A_1575 = vector.load %arg0[%get3A_1572, %get3A_1573, %get3A_1574] : memref<3x8x8192xf32, #tpu.memory_space<vmem>>, vector<1x8x128xf32>
        %get3A_1576 = vector.shape_cast %get3A_1575 : vector<1x8x128xf32> to vector<8x128xf32>
        %jit3A_1577 = arith.constant 0.000000e+00 : f32
        %broadcast_in_dim3A_1578 = vector.broadcast %jit3A_1577 : f32 to vector<8x128xf32>
        %select_n3A_1579 = arith.select %eq3A_1571, %get3A_1576, %broadcast_in_dim3A_1578 : vector<8x128xi1>, vector<8x128xf32>
        %add3A_1580 = arith.addf %add3A_1452, %select_n3A_1579 : vector<8x128xf32>
        %get3A_1581 = arith.constant 1 : index
        %get3A_1582 = arith.constant 0 : index
        %get3A_1583 = arith.constant 5376 : index
        %get3A_1584 = vector.load %arg0[%get3A_1581, %get3A_1582, %get3A_1583] : memref<3x8x8192xf32, #tpu.memory_space<vmem>>, vector<1x8x128xf32>
        %get3A_1585 = vector.shape_cast %get3A_1584 : vector<1x8x128xf32> to vector<8x128xf32>
        %jit3A_1586 = arith.constant 0.000000e+00 : f32
        %broadcast_in_dim3A_1587 = vector.broadcast %jit3A_1586 : f32 to vector<8x128xf32>
        %select_n3A_1588 = arith.select %eq3A_1571, %get3A_1585, %broadcast_in_dim3A_1587 : vector<8x128xi1>, vector<8x128xf32>
        %add3A_1589 = arith.addf %add3A_1461, %select_n3A_1588 : vector<8x128xf32>
        %get3A_1590 = arith.constant 2 : index
        %get3A_1591 = arith.constant 0 : index
        %get3A_1592 = arith.constant 5376 : index
        %get3A_1593 = vector.load %arg0[%get3A_1590, %get3A_1591, %get3A_1592] : memref<3x8x8192xf32, #tpu.memory_space<vmem>>, vector<1x8x128xf32>
        %get3A_1594 = vector.shape_cast %get3A_1593 : vector<1x8x128xf32> to vector<8x128xf32>
        %jit3A_1595 = arith.constant 0.000000e+00 : f32
        %broadcast_in_dim3A_1596 = vector.broadcast %jit3A_1595 : f32 to vector<8x128xf32>
        %select_n3A_1597 = arith.select %eq3A_1571, %get3A_1594, %broadcast_in_dim3A_1596 : vector<8x128xi1>, vector<8x128xf32>
        %add3A_1598 = arith.addf %add3A_1470, %select_n3A_1597 : vector<8x128xf32>
        %sub3A_1599 = arith.constant 5504 : i32
        %sub3A_1600 = vector.broadcast %sub3A_1599 : i32 to vector<8x1xi32>
        %sub3A_1601 = arith.subi %scan3A_223, %sub3A_1600 : vector<8x1xi32>
        %eq3A_1602 = vector.broadcast %sub3A_1601 : vector<8x1xi32> to vector<8x128xi32>
        %eq3A_1603 = arith.cmpi eq, %iota3A, %eq3A_1602 : vector<8x128xi32>
        %get3A_1604 = arith.constant 0 : index
        %get3A_1605 = arith.constant 0 : index
        %get3A_1606 = arith.constant 5504 : index
        %get3A_1607 = vector.load %arg0[%get3A_1604, %get3A_1605, %get3A_1606] : memref<3x8x8192xf32, #tpu.memory_space<vmem>>, vector<1x8x128xf32>
        %get3A_1608 = vector.shape_cast %get3A_1607 : vector<1x8x128xf32> to vector<8x128xf32>
        %jit3A_1609 = arith.constant 0.000000e+00 : f32
        %broadcast_in_dim3A_1610 = vector.broadcast %jit3A_1609 : f32 to vector<8x128xf32>
        %select_n3A_1611 = arith.select %eq3A_1603, %get3A_1608, %broadcast_in_dim3A_1610 : vector<8x128xi1>, vector<8x128xf32>
        %add3A_1612 = arith.addf %add3A_1484, %select_n3A_1611 : vector<8x128xf32>
        %get3A_1613 = arith.constant 1 : index
        %get3A_1614 = arith.constant 0 : index
        %get3A_1615 = arith.constant 5504 : index
        %get3A_1616 = vector.load %arg0[%get3A_1613, %get3A_1614, %get3A_1615] : memref<3x8x8192xf32, #tpu.memory_space<vmem>>, vector<1x8x128xf32>
        %get3A_1617 = vector.shape_cast %get3A_1616 : vector<1x8x128xf32> to vector<8x128xf32>
        %jit3A_1618 = arith.constant 0.000000e+00 : f32
        %broadcast_in_dim3A_1619 = vector.broadcast %jit3A_1618 : f32 to vector<8x128xf32>
        %select_n3A_1620 = arith.select %eq3A_1603, %get3A_1617, %broadcast_in_dim3A_1619 : vector<8x128xi1>, vector<8x128xf32>
        %add3A_1621 = arith.addf %add3A_1493, %select_n3A_1620 : vector<8x128xf32>
        %get3A_1622 = arith.constant 2 : index
        %get3A_1623 = arith.constant 0 : index
        %get3A_1624 = arith.constant 5504 : index
        %get3A_1625 = vector.load %arg0[%get3A_1622, %get3A_1623, %get3A_1624] : memref<3x8x8192xf32, #tpu.memory_space<vmem>>, vector<1x8x128xf32>
        %get3A_1626 = vector.shape_cast %get3A_1625 : vector<1x8x128xf32> to vector<8x128xf32>
        %jit3A_1627 = arith.constant 0.000000e+00 : f32
        %broadcast_in_dim3A_1628 = vector.broadcast %jit3A_1627 : f32 to vector<8x128xf32>
        %select_n3A_1629 = arith.select %eq3A_1603, %get3A_1626, %broadcast_in_dim3A_1628 : vector<8x128xi1>, vector<8x128xf32>
        %add3A_1630 = arith.addf %add3A_1502, %select_n3A_1629 : vector<8x128xf32>
        %sub3A_1631 = arith.constant 5632 : i32
        %sub3A_1632 = vector.broadcast %sub3A_1631 : i32 to vector<8x1xi32>
        %sub3A_1633 = arith.subi %scan3A_223, %sub3A_1632 : vector<8x1xi32>
        %eq3A_1634 = vector.broadcast %sub3A_1633 : vector<8x1xi32> to vector<8x128xi32>
        %eq3A_1635 = arith.cmpi eq, %iota3A, %eq3A_1634 : vector<8x128xi32>
        %get3A_1636 = arith.constant 0 : index
        %get3A_1637 = arith.constant 0 : index
        %get3A_1638 = arith.constant 5632 : index
        %get3A_1639 = vector.load %arg0[%get3A_1636, %get3A_1637, %get3A_1638] : memref<3x8x8192xf32, #tpu.memory_space<vmem>>, vector<1x8x128xf32>
        %get3A_1640 = vector.shape_cast %get3A_1639 : vector<1x8x128xf32> to vector<8x128xf32>
        %jit3A_1641 = arith.constant 0.000000e+00 : f32
        %broadcast_in_dim3A_1642 = vector.broadcast %jit3A_1641 : f32 to vector<8x128xf32>
        %select_n3A_1643 = arith.select %eq3A_1635, %get3A_1640, %broadcast_in_dim3A_1642 : vector<8x128xi1>, vector<8x128xf32>
        %add3A_1644 = arith.addf %add3A_1516, %select_n3A_1643 : vector<8x128xf32>
        %get3A_1645 = arith.constant 1 : index
        %get3A_1646 = arith.constant 0 : index
        %get3A_1647 = arith.constant 5632 : index
        %get3A_1648 = vector.load %arg0[%get3A_1645, %get3A_1646, %get3A_1647] : memref<3x8x8192xf32, #tpu.memory_space<vmem>>, vector<1x8x128xf32>
        %get3A_1649 = vector.shape_cast %get3A_1648 : vector<1x8x128xf32> to vector<8x128xf32>
        %jit3A_1650 = arith.constant 0.000000e+00 : f32
        %broadcast_in_dim3A_1651 = vector.broadcast %jit3A_1650 : f32 to vector<8x128xf32>
        %select_n3A_1652 = arith.select %eq3A_1635, %get3A_1649, %broadcast_in_dim3A_1651 : vector<8x128xi1>, vector<8x128xf32>
        %add3A_1653 = arith.addf %add3A_1525, %select_n3A_1652 : vector<8x128xf32>
        %get3A_1654 = arith.constant 2 : index
        %get3A_1655 = arith.constant 0 : index
        %get3A_1656 = arith.constant 5632 : index
        %get3A_1657 = vector.load %arg0[%get3A_1654, %get3A_1655, %get3A_1656] : memref<3x8x8192xf32, #tpu.memory_space<vmem>>, vector<1x8x128xf32>
        %get3A_1658 = vector.shape_cast %get3A_1657 : vector<1x8x128xf32> to vector<8x128xf32>
        %jit3A_1659 = arith.constant 0.000000e+00 : f32
        %broadcast_in_dim3A_1660 = vector.broadcast %jit3A_1659 : f32 to vector<8x128xf32>
        %select_n3A_1661 = arith.select %eq3A_1635, %get3A_1658, %broadcast_in_dim3A_1660 : vector<8x128xi1>, vector<8x128xf32>
        %add3A_1662 = arith.addf %add3A_1534, %select_n3A_1661 : vector<8x128xf32>
        %sub3A_1663 = arith.constant 5760 : i32
        %sub3A_1664 = vector.broadcast %sub3A_1663 : i32 to vector<8x1xi32>
        %sub3A_1665 = arith.subi %scan3A_223, %sub3A_1664 : vector<8x1xi32>
        %eq3A_1666 = vector.broadcast %sub3A_1665 : vector<8x1xi32> to vector<8x128xi32>
        %eq3A_1667 = arith.cmpi eq, %iota3A, %eq3A_1666 : vector<8x128xi32>
        %get3A_1668 = arith.constant 0 : index
        %get3A_1669 = arith.constant 0 : index
        %get3A_1670 = arith.constant 5760 : index
        %get3A_1671 = vector.load %arg0[%get3A_1668, %get3A_1669, %get3A_1670] : memref<3x8x8192xf32, #tpu.memory_space<vmem>>, vector<1x8x128xf32>
        %get3A_1672 = vector.shape_cast %get3A_1671 : vector<1x8x128xf32> to vector<8x128xf32>
        %jit3A_1673 = arith.constant 0.000000e+00 : f32
        %broadcast_in_dim3A_1674 = vector.broadcast %jit3A_1673 : f32 to vector<8x128xf32>
        %select_n3A_1675 = arith.select %eq3A_1667, %get3A_1672, %broadcast_in_dim3A_1674 : vector<8x128xi1>, vector<8x128xf32>
        %add3A_1676 = arith.addf %add3A_1548, %select_n3A_1675 : vector<8x128xf32>
        %get3A_1677 = arith.constant 1 : index
        %get3A_1678 = arith.constant 0 : index
        %get3A_1679 = arith.constant 5760 : index
        %get3A_1680 = vector.load %arg0[%get3A_1677, %get3A_1678, %get3A_1679] : memref<3x8x8192xf32, #tpu.memory_space<vmem>>, vector<1x8x128xf32>
        %get3A_1681 = vector.shape_cast %get3A_1680 : vector<1x8x128xf32> to vector<8x128xf32>
        %jit3A_1682 = arith.constant 0.000000e+00 : f32
        %broadcast_in_dim3A_1683 = vector.broadcast %jit3A_1682 : f32 to vector<8x128xf32>
        %select_n3A_1684 = arith.select %eq3A_1667, %get3A_1681, %broadcast_in_dim3A_1683 : vector<8x128xi1>, vector<8x128xf32>
        %add3A_1685 = arith.addf %add3A_1557, %select_n3A_1684 : vector<8x128xf32>
        %get3A_1686 = arith.constant 2 : index
        %get3A_1687 = arith.constant 0 : index
        %get3A_1688 = arith.constant 5760 : index
        %get3A_1689 = vector.load %arg0[%get3A_1686, %get3A_1687, %get3A_1688] : memref<3x8x8192xf32, #tpu.memory_space<vmem>>, vector<1x8x128xf32>
        %get3A_1690 = vector.shape_cast %get3A_1689 : vector<1x8x128xf32> to vector<8x128xf32>
        %jit3A_1691 = arith.constant 0.000000e+00 : f32
        %broadcast_in_dim3A_1692 = vector.broadcast %jit3A_1691 : f32 to vector<8x128xf32>
        %select_n3A_1693 = arith.select %eq3A_1667, %get3A_1690, %broadcast_in_dim3A_1692 : vector<8x128xi1>, vector<8x128xf32>
        %add3A_1694 = arith.addf %add3A_1566, %select_n3A_1693 : vector<8x128xf32>
        %sub3A_1695 = arith.constant 5888 : i32
        %sub3A_1696 = vector.broadcast %sub3A_1695 : i32 to vector<8x1xi32>
        %sub3A_1697 = arith.subi %scan3A_223, %sub3A_1696 : vector<8x1xi32>
        %eq3A_1698 = vector.broadcast %sub3A_1697 : vector<8x1xi32> to vector<8x128xi32>
        %eq3A_1699 = arith.cmpi eq, %iota3A, %eq3A_1698 : vector<8x128xi32>
        %get3A_1700 = arith.constant 0 : index
        %get3A_1701 = arith.constant 0 : index
        %get3A_1702 = arith.constant 5888 : index
        %get3A_1703 = vector.load %arg0[%get3A_1700, %get3A_1701, %get3A_1702] : memref<3x8x8192xf32, #tpu.memory_space<vmem>>, vector<1x8x128xf32>
        %get3A_1704 = vector.shape_cast %get3A_1703 : vector<1x8x128xf32> to vector<8x128xf32>
        %jit3A_1705 = arith.constant 0.000000e+00 : f32
        %broadcast_in_dim3A_1706 = vector.broadcast %jit3A_1705 : f32 to vector<8x128xf32>
        %select_n3A_1707 = arith.select %eq3A_1699, %get3A_1704, %broadcast_in_dim3A_1706 : vector<8x128xi1>, vector<8x128xf32>
        %add3A_1708 = arith.addf %add3A_1580, %select_n3A_1707 : vector<8x128xf32>
        %get3A_1709 = arith.constant 1 : index
        %get3A_1710 = arith.constant 0 : index
        %get3A_1711 = arith.constant 5888 : index
        %get3A_1712 = vector.load %arg0[%get3A_1709, %get3A_1710, %get3A_1711] : memref<3x8x8192xf32, #tpu.memory_space<vmem>>, vector<1x8x128xf32>
        %get3A_1713 = vector.shape_cast %get3A_1712 : vector<1x8x128xf32> to vector<8x128xf32>
        %jit3A_1714 = arith.constant 0.000000e+00 : f32
        %broadcast_in_dim3A_1715 = vector.broadcast %jit3A_1714 : f32 to vector<8x128xf32>
        %select_n3A_1716 = arith.select %eq3A_1699, %get3A_1713, %broadcast_in_dim3A_1715 : vector<8x128xi1>, vector<8x128xf32>
        %add3A_1717 = arith.addf %add3A_1589, %select_n3A_1716 : vector<8x128xf32>
        %get3A_1718 = arith.constant 2 : index
        %get3A_1719 = arith.constant 0 : index
        %get3A_1720 = arith.constant 5888 : index
        %get3A_1721 = vector.load %arg0[%get3A_1718, %get3A_1719, %get3A_1720] : memref<3x8x8192xf32, #tpu.memory_space<vmem>>, vector<1x8x128xf32>
        %get3A_1722 = vector.shape_cast %get3A_1721 : vector<1x8x128xf32> to vector<8x128xf32>
        %jit3A_1723 = arith.constant 0.000000e+00 : f32
        %broadcast_in_dim3A_1724 = vector.broadcast %jit3A_1723 : f32 to vector<8x128xf32>
        %select_n3A_1725 = arith.select %eq3A_1699, %get3A_1722, %broadcast_in_dim3A_1724 : vector<8x128xi1>, vector<8x128xf32>
        %add3A_1726 = arith.addf %add3A_1598, %select_n3A_1725 : vector<8x128xf32>
        %sub3A_1727 = arith.constant 6016 : i32
        %sub3A_1728 = vector.broadcast %sub3A_1727 : i32 to vector<8x1xi32>
        %sub3A_1729 = arith.subi %scan3A_223, %sub3A_1728 : vector<8x1xi32>
        %eq3A_1730 = vector.broadcast %sub3A_1729 : vector<8x1xi32> to vector<8x128xi32>
        %eq3A_1731 = arith.cmpi eq, %iota3A, %eq3A_1730 : vector<8x128xi32>
        %get3A_1732 = arith.constant 0 : index
        %get3A_1733 = arith.constant 0 : index
        %get3A_1734 = arith.constant 6016 : index
        %get3A_1735 = vector.load %arg0[%get3A_1732, %get3A_1733, %get3A_1734] : memref<3x8x8192xf32, #tpu.memory_space<vmem>>, vector<1x8x128xf32>
        %get3A_1736 = vector.shape_cast %get3A_1735 : vector<1x8x128xf32> to vector<8x128xf32>
        %jit3A_1737 = arith.constant 0.000000e+00 : f32
        %broadcast_in_dim3A_1738 = vector.broadcast %jit3A_1737 : f32 to vector<8x128xf32>
        %select_n3A_1739 = arith.select %eq3A_1731, %get3A_1736, %broadcast_in_dim3A_1738 : vector<8x128xi1>, vector<8x128xf32>
        %add3A_1740 = arith.addf %add3A_1612, %select_n3A_1739 : vector<8x128xf32>
        %get3A_1741 = arith.constant 1 : index
        %get3A_1742 = arith.constant 0 : index
        %get3A_1743 = arith.constant 6016 : index
        %get3A_1744 = vector.load %arg0[%get3A_1741, %get3A_1742, %get3A_1743] : memref<3x8x8192xf32, #tpu.memory_space<vmem>>, vector<1x8x128xf32>
        %get3A_1745 = vector.shape_cast %get3A_1744 : vector<1x8x128xf32> to vector<8x128xf32>
        %jit3A_1746 = arith.constant 0.000000e+00 : f32
        %broadcast_in_dim3A_1747 = vector.broadcast %jit3A_1746 : f32 to vector<8x128xf32>
        %select_n3A_1748 = arith.select %eq3A_1731, %get3A_1745, %broadcast_in_dim3A_1747 : vector<8x128xi1>, vector<8x128xf32>
        %add3A_1749 = arith.addf %add3A_1621, %select_n3A_1748 : vector<8x128xf32>
        %get3A_1750 = arith.constant 2 : index
        %get3A_1751 = arith.constant 0 : index
        %get3A_1752 = arith.constant 6016 : index
        %get3A_1753 = vector.load %arg0[%get3A_1750, %get3A_1751, %get3A_1752] : memref<3x8x8192xf32, #tpu.memory_space<vmem>>, vector<1x8x128xf32>
        %get3A_1754 = vector.shape_cast %get3A_1753 : vector<1x8x128xf32> to vector<8x128xf32>
        %jit3A_1755 = arith.constant 0.000000e+00 : f32
        %broadcast_in_dim3A_1756 = vector.broadcast %jit3A_1755 : f32 to vector<8x128xf32>
        %select_n3A_1757 = arith.select %eq3A_1731, %get3A_1754, %broadcast_in_dim3A_1756 : vector<8x128xi1>, vector<8x128xf32>
        %add3A_1758 = arith.addf %add3A_1630, %select_n3A_1757 : vector<8x128xf32>
        %sub3A_1759 = arith.constant 6144 : i32
        %sub3A_1760 = vector.broadcast %sub3A_1759 : i32 to vector<8x1xi32>
        %sub3A_1761 = arith.subi %scan3A_223, %sub3A_1760 : vector<8x1xi32>
        %eq3A_1762 = vector.broadcast %sub3A_1761 : vector<8x1xi32> to vector<8x128xi32>
        %eq3A_1763 = arith.cmpi eq, %iota3A, %eq3A_1762 : vector<8x128xi32>
        %get3A_1764 = arith.constant 0 : index
        %get3A_1765 = arith.constant 0 : index
        %get3A_1766 = arith.constant 6144 : index
        %get3A_1767 = vector.load %arg0[%get3A_1764, %get3A_1765, %get3A_1766] : memref<3x8x8192xf32, #tpu.memory_space<vmem>>, vector<1x8x128xf32>
        %get3A_1768 = vector.shape_cast %get3A_1767 : vector<1x8x128xf32> to vector<8x128xf32>
        %jit3A_1769 = arith.constant 0.000000e+00 : f32
        %broadcast_in_dim3A_1770 = vector.broadcast %jit3A_1769 : f32 to vector<8x128xf32>
        %select_n3A_1771 = arith.select %eq3A_1763, %get3A_1768, %broadcast_in_dim3A_1770 : vector<8x128xi1>, vector<8x128xf32>
        %add3A_1772 = arith.addf %add3A_1644, %select_n3A_1771 : vector<8x128xf32>
        %get3A_1773 = arith.constant 1 : index
        %get3A_1774 = arith.constant 0 : index
        %get3A_1775 = arith.constant 6144 : index
        %get3A_1776 = vector.load %arg0[%get3A_1773, %get3A_1774, %get3A_1775] : memref<3x8x8192xf32, #tpu.memory_space<vmem>>, vector<1x8x128xf32>
        %get3A_1777 = vector.shape_cast %get3A_1776 : vector<1x8x128xf32> to vector<8x128xf32>
        %jit3A_1778 = arith.constant 0.000000e+00 : f32
        %broadcast_in_dim3A_1779 = vector.broadcast %jit3A_1778 : f32 to vector<8x128xf32>
        %select_n3A_1780 = arith.select %eq3A_1763, %get3A_1777, %broadcast_in_dim3A_1779 : vector<8x128xi1>, vector<8x128xf32>
        %add3A_1781 = arith.addf %add3A_1653, %select_n3A_1780 : vector<8x128xf32>
        %get3A_1782 = arith.constant 2 : index
        %get3A_1783 = arith.constant 0 : index
        %get3A_1784 = arith.constant 6144 : index
        %get3A_1785 = vector.load %arg0[%get3A_1782, %get3A_1783, %get3A_1784] : memref<3x8x8192xf32, #tpu.memory_space<vmem>>, vector<1x8x128xf32>
        %get3A_1786 = vector.shape_cast %get3A_1785 : vector<1x8x128xf32> to vector<8x128xf32>
        %jit3A_1787 = arith.constant 0.000000e+00 : f32
        %broadcast_in_dim3A_1788 = vector.broadcast %jit3A_1787 : f32 to vector<8x128xf32>
        %select_n3A_1789 = arith.select %eq3A_1763, %get3A_1786, %broadcast_in_dim3A_1788 : vector<8x128xi1>, vector<8x128xf32>
        %add3A_1790 = arith.addf %add3A_1662, %select_n3A_1789 : vector<8x128xf32>
        %sub3A_1791 = arith.constant 6272 : i32
        %sub3A_1792 = vector.broadcast %sub3A_1791 : i32 to vector<8x1xi32>
        %sub3A_1793 = arith.subi %scan3A_223, %sub3A_1792 : vector<8x1xi32>
        %eq3A_1794 = vector.broadcast %sub3A_1793 : vector<8x1xi32> to vector<8x128xi32>
        %eq3A_1795 = arith.cmpi eq, %iota3A, %eq3A_1794 : vector<8x128xi32>
        %get3A_1796 = arith.constant 0 : index
        %get3A_1797 = arith.constant 0 : index
        %get3A_1798 = arith.constant 6272 : index
        %get3A_1799 = vector.load %arg0[%get3A_1796, %get3A_1797, %get3A_1798] : memref<3x8x8192xf32, #tpu.memory_space<vmem>>, vector<1x8x128xf32>
        %get3A_1800 = vector.shape_cast %get3A_1799 : vector<1x8x128xf32> to vector<8x128xf32>
        %jit3A_1801 = arith.constant 0.000000e+00 : f32
        %broadcast_in_dim3A_1802 = vector.broadcast %jit3A_1801 : f32 to vector<8x128xf32>
        %select_n3A_1803 = arith.select %eq3A_1795, %get3A_1800, %broadcast_in_dim3A_1802 : vector<8x128xi1>, vector<8x128xf32>
        %add3A_1804 = arith.addf %add3A_1676, %select_n3A_1803 : vector<8x128xf32>
        %get3A_1805 = arith.constant 1 : index
        %get3A_1806 = arith.constant 0 : index
        %get3A_1807 = arith.constant 6272 : index
        %get3A_1808 = vector.load %arg0[%get3A_1805, %get3A_1806, %get3A_1807] : memref<3x8x8192xf32, #tpu.memory_space<vmem>>, vector<1x8x128xf32>
        %get3A_1809 = vector.shape_cast %get3A_1808 : vector<1x8x128xf32> to vector<8x128xf32>
        %jit3A_1810 = arith.constant 0.000000e+00 : f32
        %broadcast_in_dim3A_1811 = vector.broadcast %jit3A_1810 : f32 to vector<8x128xf32>
        %select_n3A_1812 = arith.select %eq3A_1795, %get3A_1809, %broadcast_in_dim3A_1811 : vector<8x128xi1>, vector<8x128xf32>
        %add3A_1813 = arith.addf %add3A_1685, %select_n3A_1812 : vector<8x128xf32>
        %get3A_1814 = arith.constant 2 : index
        %get3A_1815 = arith.constant 0 : index
        %get3A_1816 = arith.constant 6272 : index
        %get3A_1817 = vector.load %arg0[%get3A_1814, %get3A_1815, %get3A_1816] : memref<3x8x8192xf32, #tpu.memory_space<vmem>>, vector<1x8x128xf32>
        %get3A_1818 = vector.shape_cast %get3A_1817 : vector<1x8x128xf32> to vector<8x128xf32>
        %jit3A_1819 = arith.constant 0.000000e+00 : f32
        %broadcast_in_dim3A_1820 = vector.broadcast %jit3A_1819 : f32 to vector<8x128xf32>
        %select_n3A_1821 = arith.select %eq3A_1795, %get3A_1818, %broadcast_in_dim3A_1820 : vector<8x128xi1>, vector<8x128xf32>
        %add3A_1822 = arith.addf %add3A_1694, %select_n3A_1821 : vector<8x128xf32>
        %sub3A_1823 = arith.constant 6400 : i32
        %sub3A_1824 = vector.broadcast %sub3A_1823 : i32 to vector<8x1xi32>
        %sub3A_1825 = arith.subi %scan3A_223, %sub3A_1824 : vector<8x1xi32>
        %eq3A_1826 = vector.broadcast %sub3A_1825 : vector<8x1xi32> to vector<8x128xi32>
        %eq3A_1827 = arith.cmpi eq, %iota3A, %eq3A_1826 : vector<8x128xi32>
        %get3A_1828 = arith.constant 0 : index
        %get3A_1829 = arith.constant 0 : index
        %get3A_1830 = arith.constant 6400 : index
        %get3A_1831 = vector.load %arg0[%get3A_1828, %get3A_1829, %get3A_1830] : memref<3x8x8192xf32, #tpu.memory_space<vmem>>, vector<1x8x128xf32>
        %get3A_1832 = vector.shape_cast %get3A_1831 : vector<1x8x128xf32> to vector<8x128xf32>
        %jit3A_1833 = arith.constant 0.000000e+00 : f32
        %broadcast_in_dim3A_1834 = vector.broadcast %jit3A_1833 : f32 to vector<8x128xf32>
        %select_n3A_1835 = arith.select %eq3A_1827, %get3A_1832, %broadcast_in_dim3A_1834 : vector<8x128xi1>, vector<8x128xf32>
        %add3A_1836 = arith.addf %add3A_1708, %select_n3A_1835 : vector<8x128xf32>
        %get3A_1837 = arith.constant 1 : index
        %get3A_1838 = arith.constant 0 : index
        %get3A_1839 = arith.constant 6400 : index
        %get3A_1840 = vector.load %arg0[%get3A_1837, %get3A_1838, %get3A_1839] : memref<3x8x8192xf32, #tpu.memory_space<vmem>>, vector<1x8x128xf32>
        %get3A_1841 = vector.shape_cast %get3A_1840 : vector<1x8x128xf32> to vector<8x128xf32>
        %jit3A_1842 = arith.constant 0.000000e+00 : f32
        %broadcast_in_dim3A_1843 = vector.broadcast %jit3A_1842 : f32 to vector<8x128xf32>
        %select_n3A_1844 = arith.select %eq3A_1827, %get3A_1841, %broadcast_in_dim3A_1843 : vector<8x128xi1>, vector<8x128xf32>
        %add3A_1845 = arith.addf %add3A_1717, %select_n3A_1844 : vector<8x128xf32>
        %get3A_1846 = arith.constant 2 : index
        %get3A_1847 = arith.constant 0 : index
        %get3A_1848 = arith.constant 6400 : index
        %get3A_1849 = vector.load %arg0[%get3A_1846, %get3A_1847, %get3A_1848] : memref<3x8x8192xf32, #tpu.memory_space<vmem>>, vector<1x8x128xf32>
        %get3A_1850 = vector.shape_cast %get3A_1849 : vector<1x8x128xf32> to vector<8x128xf32>
        %jit3A_1851 = arith.constant 0.000000e+00 : f32
        %broadcast_in_dim3A_1852 = vector.broadcast %jit3A_1851 : f32 to vector<8x128xf32>
        %select_n3A_1853 = arith.select %eq3A_1827, %get3A_1850, %broadcast_in_dim3A_1852 : vector<8x128xi1>, vector<8x128xf32>
        %add3A_1854 = arith.addf %add3A_1726, %select_n3A_1853 : vector<8x128xf32>
        %sub3A_1855 = arith.constant 6528 : i32
        %sub3A_1856 = vector.broadcast %sub3A_1855 : i32 to vector<8x1xi32>
        %sub3A_1857 = arith.subi %scan3A_223, %sub3A_1856 : vector<8x1xi32>
        %eq3A_1858 = vector.broadcast %sub3A_1857 : vector<8x1xi32> to vector<8x128xi32>
        %eq3A_1859 = arith.cmpi eq, %iota3A, %eq3A_1858 : vector<8x128xi32>
        %get3A_1860 = arith.constant 0 : index
        %get3A_1861 = arith.constant 0 : index
        %get3A_1862 = arith.constant 6528 : index
        %get3A_1863 = vector.load %arg0[%get3A_1860, %get3A_1861, %get3A_1862] : memref<3x8x8192xf32, #tpu.memory_space<vmem>>, vector<1x8x128xf32>
        %get3A_1864 = vector.shape_cast %get3A_1863 : vector<1x8x128xf32> to vector<8x128xf32>
        %jit3A_1865 = arith.constant 0.000000e+00 : f32
        %broadcast_in_dim3A_1866 = vector.broadcast %jit3A_1865 : f32 to vector<8x128xf32>
        %select_n3A_1867 = arith.select %eq3A_1859, %get3A_1864, %broadcast_in_dim3A_1866 : vector<8x128xi1>, vector<8x128xf32>
        %add3A_1868 = arith.addf %add3A_1740, %select_n3A_1867 : vector<8x128xf32>
        %get3A_1869 = arith.constant 1 : index
        %get3A_1870 = arith.constant 0 : index
        %get3A_1871 = arith.constant 6528 : index
        %get3A_1872 = vector.load %arg0[%get3A_1869, %get3A_1870, %get3A_1871] : memref<3x8x8192xf32, #tpu.memory_space<vmem>>, vector<1x8x128xf32>
        %get3A_1873 = vector.shape_cast %get3A_1872 : vector<1x8x128xf32> to vector<8x128xf32>
        %jit3A_1874 = arith.constant 0.000000e+00 : f32
        %broadcast_in_dim3A_1875 = vector.broadcast %jit3A_1874 : f32 to vector<8x128xf32>
        %select_n3A_1876 = arith.select %eq3A_1859, %get3A_1873, %broadcast_in_dim3A_1875 : vector<8x128xi1>, vector<8x128xf32>
        %add3A_1877 = arith.addf %add3A_1749, %select_n3A_1876 : vector<8x128xf32>
        %get3A_1878 = arith.constant 2 : index
        %get3A_1879 = arith.constant 0 : index
        %get3A_1880 = arith.constant 6528 : index
        %get3A_1881 = vector.load %arg0[%get3A_1878, %get3A_1879, %get3A_1880] : memref<3x8x8192xf32, #tpu.memory_space<vmem>>, vector<1x8x128xf32>
        %get3A_1882 = vector.shape_cast %get3A_1881 : vector<1x8x128xf32> to vector<8x128xf32>
        %jit3A_1883 = arith.constant 0.000000e+00 : f32
        %broadcast_in_dim3A_1884 = vector.broadcast %jit3A_1883 : f32 to vector<8x128xf32>
        %select_n3A_1885 = arith.select %eq3A_1859, %get3A_1882, %broadcast_in_dim3A_1884 : vector<8x128xi1>, vector<8x128xf32>
        %add3A_1886 = arith.addf %add3A_1758, %select_n3A_1885 : vector<8x128xf32>
        %sub3A_1887 = arith.constant 6656 : i32
        %sub3A_1888 = vector.broadcast %sub3A_1887 : i32 to vector<8x1xi32>
        %sub3A_1889 = arith.subi %scan3A_223, %sub3A_1888 : vector<8x1xi32>
        %eq3A_1890 = vector.broadcast %sub3A_1889 : vector<8x1xi32> to vector<8x128xi32>
        %eq3A_1891 = arith.cmpi eq, %iota3A, %eq3A_1890 : vector<8x128xi32>
        %get3A_1892 = arith.constant 0 : index
        %get3A_1893 = arith.constant 0 : index
        %get3A_1894 = arith.constant 6656 : index
        %get3A_1895 = vector.load %arg0[%get3A_1892, %get3A_1893, %get3A_1894] : memref<3x8x8192xf32, #tpu.memory_space<vmem>>, vector<1x8x128xf32>
        %get3A_1896 = vector.shape_cast %get3A_1895 : vector<1x8x128xf32> to vector<8x128xf32>
        %jit3A_1897 = arith.constant 0.000000e+00 : f32
        %broadcast_in_dim3A_1898 = vector.broadcast %jit3A_1897 : f32 to vector<8x128xf32>
        %select_n3A_1899 = arith.select %eq3A_1891, %get3A_1896, %broadcast_in_dim3A_1898 : vector<8x128xi1>, vector<8x128xf32>
        %add3A_1900 = arith.addf %add3A_1772, %select_n3A_1899 : vector<8x128xf32>
        %get3A_1901 = arith.constant 1 : index
        %get3A_1902 = arith.constant 0 : index
        %get3A_1903 = arith.constant 6656 : index
        %get3A_1904 = vector.load %arg0[%get3A_1901, %get3A_1902, %get3A_1903] : memref<3x8x8192xf32, #tpu.memory_space<vmem>>, vector<1x8x128xf32>
        %get3A_1905 = vector.shape_cast %get3A_1904 : vector<1x8x128xf32> to vector<8x128xf32>
        %jit3A_1906 = arith.constant 0.000000e+00 : f32
        %broadcast_in_dim3A_1907 = vector.broadcast %jit3A_1906 : f32 to vector<8x128xf32>
        %select_n3A_1908 = arith.select %eq3A_1891, %get3A_1905, %broadcast_in_dim3A_1907 : vector<8x128xi1>, vector<8x128xf32>
        %add3A_1909 = arith.addf %add3A_1781, %select_n3A_1908 : vector<8x128xf32>
        %get3A_1910 = arith.constant 2 : index
        %get3A_1911 = arith.constant 0 : index
        %get3A_1912 = arith.constant 6656 : index
        %get3A_1913 = vector.load %arg0[%get3A_1910, %get3A_1911, %get3A_1912] : memref<3x8x8192xf32, #tpu.memory_space<vmem>>, vector<1x8x128xf32>
        %get3A_1914 = vector.shape_cast %get3A_1913 : vector<1x8x128xf32> to vector<8x128xf32>
        %jit3A_1915 = arith.constant 0.000000e+00 : f32
        %broadcast_in_dim3A_1916 = vector.broadcast %jit3A_1915 : f32 to vector<8x128xf32>
        %select_n3A_1917 = arith.select %eq3A_1891, %get3A_1914, %broadcast_in_dim3A_1916 : vector<8x128xi1>, vector<8x128xf32>
        %add3A_1918 = arith.addf %add3A_1790, %select_n3A_1917 : vector<8x128xf32>
        %sub3A_1919 = arith.constant 6784 : i32
        %sub3A_1920 = vector.broadcast %sub3A_1919 : i32 to vector<8x1xi32>
        %sub3A_1921 = arith.subi %scan3A_223, %sub3A_1920 : vector<8x1xi32>
        %eq3A_1922 = vector.broadcast %sub3A_1921 : vector<8x1xi32> to vector<8x128xi32>
        %eq3A_1923 = arith.cmpi eq, %iota3A, %eq3A_1922 : vector<8x128xi32>
        %get3A_1924 = arith.constant 0 : index
        %get3A_1925 = arith.constant 0 : index
        %get3A_1926 = arith.constant 6784 : index
        %get3A_1927 = vector.load %arg0[%get3A_1924, %get3A_1925, %get3A_1926] : memref<3x8x8192xf32, #tpu.memory_space<vmem>>, vector<1x8x128xf32>
        %get3A_1928 = vector.shape_cast %get3A_1927 : vector<1x8x128xf32> to vector<8x128xf32>
        %jit3A_1929 = arith.constant 0.000000e+00 : f32
        %broadcast_in_dim3A_1930 = vector.broadcast %jit3A_1929 : f32 to vector<8x128xf32>
        %select_n3A_1931 = arith.select %eq3A_1923, %get3A_1928, %broadcast_in_dim3A_1930 : vector<8x128xi1>, vector<8x128xf32>
        %add3A_1932 = arith.addf %add3A_1804, %select_n3A_1931 : vector<8x128xf32>
        %get3A_1933 = arith.constant 1 : index
        %get3A_1934 = arith.constant 0 : index
        %get3A_1935 = arith.constant 6784 : index
        %get3A_1936 = vector.load %arg0[%get3A_1933, %get3A_1934, %get3A_1935] : memref<3x8x8192xf32, #tpu.memory_space<vmem>>, vector<1x8x128xf32>
        %get3A_1937 = vector.shape_cast %get3A_1936 : vector<1x8x128xf32> to vector<8x128xf32>
        %jit3A_1938 = arith.constant 0.000000e+00 : f32
        %broadcast_in_dim3A_1939 = vector.broadcast %jit3A_1938 : f32 to vector<8x128xf32>
        %select_n3A_1940 = arith.select %eq3A_1923, %get3A_1937, %broadcast_in_dim3A_1939 : vector<8x128xi1>, vector<8x128xf32>
        %add3A_1941 = arith.addf %add3A_1813, %select_n3A_1940 : vector<8x128xf32>
        %get3A_1942 = arith.constant 2 : index
        %get3A_1943 = arith.constant 0 : index
        %get3A_1944 = arith.constant 6784 : index
        %get3A_1945 = vector.load %arg0[%get3A_1942, %get3A_1943, %get3A_1944] : memref<3x8x8192xf32, #tpu.memory_space<vmem>>, vector<1x8x128xf32>
        %get3A_1946 = vector.shape_cast %get3A_1945 : vector<1x8x128xf32> to vector<8x128xf32>
        %jit3A_1947 = arith.constant 0.000000e+00 : f32
        %broadcast_in_dim3A_1948 = vector.broadcast %jit3A_1947 : f32 to vector<8x128xf32>
        %select_n3A_1949 = arith.select %eq3A_1923, %get3A_1946, %broadcast_in_dim3A_1948 : vector<8x128xi1>, vector<8x128xf32>
        %add3A_1950 = arith.addf %add3A_1822, %select_n3A_1949 : vector<8x128xf32>
        %sub3A_1951 = arith.constant 6912 : i32
        %sub3A_1952 = vector.broadcast %sub3A_1951 : i32 to vector<8x1xi32>
        %sub3A_1953 = arith.subi %scan3A_223, %sub3A_1952 : vector<8x1xi32>
        %eq3A_1954 = vector.broadcast %sub3A_1953 : vector<8x1xi32> to vector<8x128xi32>
        %eq3A_1955 = arith.cmpi eq, %iota3A, %eq3A_1954 : vector<8x128xi32>
        %get3A_1956 = arith.constant 0 : index
        %get3A_1957 = arith.constant 0 : index
        %get3A_1958 = arith.constant 6912 : index
        %get3A_1959 = vector.load %arg0[%get3A_1956, %get3A_1957, %get3A_1958] : memref<3x8x8192xf32, #tpu.memory_space<vmem>>, vector<1x8x128xf32>
        %get3A_1960 = vector.shape_cast %get3A_1959 : vector<1x8x128xf32> to vector<8x128xf32>
        %jit3A_1961 = arith.constant 0.000000e+00 : f32
        %broadcast_in_dim3A_1962 = vector.broadcast %jit3A_1961 : f32 to vector<8x128xf32>
        %select_n3A_1963 = arith.select %eq3A_1955, %get3A_1960, %broadcast_in_dim3A_1962 : vector<8x128xi1>, vector<8x128xf32>
        %add3A_1964 = arith.addf %add3A_1836, %select_n3A_1963 : vector<8x128xf32>
        %get3A_1965 = arith.constant 1 : index
        %get3A_1966 = arith.constant 0 : index
        %get3A_1967 = arith.constant 6912 : index
        %get3A_1968 = vector.load %arg0[%get3A_1965, %get3A_1966, %get3A_1967] : memref<3x8x8192xf32, #tpu.memory_space<vmem>>, vector<1x8x128xf32>
        %get3A_1969 = vector.shape_cast %get3A_1968 : vector<1x8x128xf32> to vector<8x128xf32>
        %jit3A_1970 = arith.constant 0.000000e+00 : f32
        %broadcast_in_dim3A_1971 = vector.broadcast %jit3A_1970 : f32 to vector<8x128xf32>
        %select_n3A_1972 = arith.select %eq3A_1955, %get3A_1969, %broadcast_in_dim3A_1971 : vector<8x128xi1>, vector<8x128xf32>
        %add3A_1973 = arith.addf %add3A_1845, %select_n3A_1972 : vector<8x128xf32>
        %get3A_1974 = arith.constant 2 : index
        %get3A_1975 = arith.constant 0 : index
        %get3A_1976 = arith.constant 6912 : index
        %get3A_1977 = vector.load %arg0[%get3A_1974, %get3A_1975, %get3A_1976] : memref<3x8x8192xf32, #tpu.memory_space<vmem>>, vector<1x8x128xf32>
        %get3A_1978 = vector.shape_cast %get3A_1977 : vector<1x8x128xf32> to vector<8x128xf32>
        %jit3A_1979 = arith.constant 0.000000e+00 : f32
        %broadcast_in_dim3A_1980 = vector.broadcast %jit3A_1979 : f32 to vector<8x128xf32>
        %select_n3A_1981 = arith.select %eq3A_1955, %get3A_1978, %broadcast_in_dim3A_1980 : vector<8x128xi1>, vector<8x128xf32>
        %add3A_1982 = arith.addf %add3A_1854, %select_n3A_1981 : vector<8x128xf32>
        %sub3A_1983 = arith.constant 7040 : i32
        %sub3A_1984 = vector.broadcast %sub3A_1983 : i32 to vector<8x1xi32>
        %sub3A_1985 = arith.subi %scan3A_223, %sub3A_1984 : vector<8x1xi32>
        %eq3A_1986 = vector.broadcast %sub3A_1985 : vector<8x1xi32> to vector<8x128xi32>
        %eq3A_1987 = arith.cmpi eq, %iota3A, %eq3A_1986 : vector<8x128xi32>
        %get3A_1988 = arith.constant 0 : index
        %get3A_1989 = arith.constant 0 : index
        %get3A_1990 = arith.constant 7040 : index
        %get3A_1991 = vector.load %arg0[%get3A_1988, %get3A_1989, %get3A_1990] : memref<3x8x8192xf32, #tpu.memory_space<vmem>>, vector<1x8x128xf32>
        %get3A_1992 = vector.shape_cast %get3A_1991 : vector<1x8x128xf32> to vector<8x128xf32>
        %jit3A_1993 = arith.constant 0.000000e+00 : f32
        %broadcast_in_dim3A_1994 = vector.broadcast %jit3A_1993 : f32 to vector<8x128xf32>
        %select_n3A_1995 = arith.select %eq3A_1987, %get3A_1992, %broadcast_in_dim3A_1994 : vector<8x128xi1>, vector<8x128xf32>
        %add3A_1996 = arith.addf %add3A_1868, %select_n3A_1995 : vector<8x128xf32>
        %get3A_1997 = arith.constant 1 : index
        %get3A_1998 = arith.constant 0 : index
        %get3A_1999 = arith.constant 7040 : index
        %get3A_2000 = vector.load %arg0[%get3A_1997, %get3A_1998, %get3A_1999] : memref<3x8x8192xf32, #tpu.memory_space<vmem>>, vector<1x8x128xf32>
        %get3A_2001 = vector.shape_cast %get3A_2000 : vector<1x8x128xf32> to vector<8x128xf32>
        %jit3A_2002 = arith.constant 0.000000e+00 : f32
        %broadcast_in_dim3A_2003 = vector.broadcast %jit3A_2002 : f32 to vector<8x128xf32>
        %select_n3A_2004 = arith.select %eq3A_1987, %get3A_2001, %broadcast_in_dim3A_2003 : vector<8x128xi1>, vector<8x128xf32>
        %add3A_2005 = arith.addf %add3A_1877, %select_n3A_2004 : vector<8x128xf32>
        %get3A_2006 = arith.constant 2 : index
        %get3A_2007 = arith.constant 0 : index
        %get3A_2008 = arith.constant 7040 : index
        %get3A_2009 = vector.load %arg0[%get3A_2006, %get3A_2007, %get3A_2008] : memref<3x8x8192xf32, #tpu.memory_space<vmem>>, vector<1x8x128xf32>
        %get3A_2010 = vector.shape_cast %get3A_2009 : vector<1x8x128xf32> to vector<8x128xf32>
        %jit3A_2011 = arith.constant 0.000000e+00 : f32
        %broadcast_in_dim3A_2012 = vector.broadcast %jit3A_2011 : f32 to vector<8x128xf32>
        %select_n3A_2013 = arith.select %eq3A_1987, %get3A_2010, %broadcast_in_dim3A_2012 : vector<8x128xi1>, vector<8x128xf32>
        %add3A_2014 = arith.addf %add3A_1886, %select_n3A_2013 : vector<8x128xf32>
        %sub3A_2015 = arith.constant 7168 : i32
        %sub3A_2016 = vector.broadcast %sub3A_2015 : i32 to vector<8x1xi32>
        %sub3A_2017 = arith.subi %scan3A_223, %sub3A_2016 : vector<8x1xi32>
        %eq3A_2018 = vector.broadcast %sub3A_2017 : vector<8x1xi32> to vector<8x128xi32>
        %eq3A_2019 = arith.cmpi eq, %iota3A, %eq3A_2018 : vector<8x128xi32>
        %get3A_2020 = arith.constant 0 : index
        %get3A_2021 = arith.constant 0 : index
        %get3A_2022 = arith.constant 7168 : index
        %get3A_2023 = vector.load %arg0[%get3A_2020, %get3A_2021, %get3A_2022] : memref<3x8x8192xf32, #tpu.memory_space<vmem>>, vector<1x8x128xf32>
        %get3A_2024 = vector.shape_cast %get3A_2023 : vector<1x8x128xf32> to vector<8x128xf32>
        %jit3A_2025 = arith.constant 0.000000e+00 : f32
        %broadcast_in_dim3A_2026 = vector.broadcast %jit3A_2025 : f32 to vector<8x128xf32>
        %select_n3A_2027 = arith.select %eq3A_2019, %get3A_2024, %broadcast_in_dim3A_2026 : vector<8x128xi1>, vector<8x128xf32>
        %add3A_2028 = arith.addf %add3A_1900, %select_n3A_2027 : vector<8x128xf32>
        %get3A_2029 = arith.constant 1 : index
        %get3A_2030 = arith.constant 0 : index
        %get3A_2031 = arith.constant 7168 : index
        %get3A_2032 = vector.load %arg0[%get3A_2029, %get3A_2030, %get3A_2031] : memref<3x8x8192xf32, #tpu.memory_space<vmem>>, vector<1x8x128xf32>
        %get3A_2033 = vector.shape_cast %get3A_2032 : vector<1x8x128xf32> to vector<8x128xf32>
        %jit3A_2034 = arith.constant 0.000000e+00 : f32
        %broadcast_in_dim3A_2035 = vector.broadcast %jit3A_2034 : f32 to vector<8x128xf32>
        %select_n3A_2036 = arith.select %eq3A_2019, %get3A_2033, %broadcast_in_dim3A_2035 : vector<8x128xi1>, vector<8x128xf32>
        %add3A_2037 = arith.addf %add3A_1909, %select_n3A_2036 : vector<8x128xf32>
        %get3A_2038 = arith.constant 2 : index
        %get3A_2039 = arith.constant 0 : index
        %get3A_2040 = arith.constant 7168 : index
        %get3A_2041 = vector.load %arg0[%get3A_2038, %get3A_2039, %get3A_2040] : memref<3x8x8192xf32, #tpu.memory_space<vmem>>, vector<1x8x128xf32>
        %get3A_2042 = vector.shape_cast %get3A_2041 : vector<1x8x128xf32> to vector<8x128xf32>
        %jit3A_2043 = arith.constant 0.000000e+00 : f32
        %broadcast_in_dim3A_2044 = vector.broadcast %jit3A_2043 : f32 to vector<8x128xf32>
        %select_n3A_2045 = arith.select %eq3A_2019, %get3A_2042, %broadcast_in_dim3A_2044 : vector<8x128xi1>, vector<8x128xf32>
        %add3A_2046 = arith.addf %add3A_1918, %select_n3A_2045 : vector<8x128xf32>
        %sub3A_2047 = arith.constant 7296 : i32
        %sub3A_2048 = vector.broadcast %sub3A_2047 : i32 to vector<8x1xi32>
        %sub3A_2049 = arith.subi %scan3A_223, %sub3A_2048 : vector<8x1xi32>
        %eq3A_2050 = vector.broadcast %sub3A_2049 : vector<8x1xi32> to vector<8x128xi32>
        %eq3A_2051 = arith.cmpi eq, %iota3A, %eq3A_2050 : vector<8x128xi32>
        %get3A_2052 = arith.constant 0 : index
        %get3A_2053 = arith.constant 0 : index
        %get3A_2054 = arith.constant 7296 : index
        %get3A_2055 = vector.load %arg0[%get3A_2052, %get3A_2053, %get3A_2054] : memref<3x8x8192xf32, #tpu.memory_space<vmem>>, vector<1x8x128xf32>
        %get3A_2056 = vector.shape_cast %get3A_2055 : vector<1x8x128xf32> to vector<8x128xf32>
        %jit3A_2057 = arith.constant 0.000000e+00 : f32
        %broadcast_in_dim3A_2058 = vector.broadcast %jit3A_2057 : f32 to vector<8x128xf32>
        %select_n3A_2059 = arith.select %eq3A_2051, %get3A_2056, %broadcast_in_dim3A_2058 : vector<8x128xi1>, vector<8x128xf32>
        %add3A_2060 = arith.addf %add3A_1932, %select_n3A_2059 : vector<8x128xf32>
        %get3A_2061 = arith.constant 1 : index
        %get3A_2062 = arith.constant 0 : index
        %get3A_2063 = arith.constant 7296 : index
        %get3A_2064 = vector.load %arg0[%get3A_2061, %get3A_2062, %get3A_2063] : memref<3x8x8192xf32, #tpu.memory_space<vmem>>, vector<1x8x128xf32>
        %get3A_2065 = vector.shape_cast %get3A_2064 : vector<1x8x128xf32> to vector<8x128xf32>
        %jit3A_2066 = arith.constant 0.000000e+00 : f32
        %broadcast_in_dim3A_2067 = vector.broadcast %jit3A_2066 : f32 to vector<8x128xf32>
        %select_n3A_2068 = arith.select %eq3A_2051, %get3A_2065, %broadcast_in_dim3A_2067 : vector<8x128xi1>, vector<8x128xf32>
        %add3A_2069 = arith.addf %add3A_1941, %select_n3A_2068 : vector<8x128xf32>
        %get3A_2070 = arith.constant 2 : index
        %get3A_2071 = arith.constant 0 : index
        %get3A_2072 = arith.constant 7296 : index
        %get3A_2073 = vector.load %arg0[%get3A_2070, %get3A_2071, %get3A_2072] : memref<3x8x8192xf32, #tpu.memory_space<vmem>>, vector<1x8x128xf32>
        %get3A_2074 = vector.shape_cast %get3A_2073 : vector<1x8x128xf32> to vector<8x128xf32>
        %jit3A_2075 = arith.constant 0.000000e+00 : f32
        %broadcast_in_dim3A_2076 = vector.broadcast %jit3A_2075 : f32 to vector<8x128xf32>
        %select_n3A_2077 = arith.select %eq3A_2051, %get3A_2074, %broadcast_in_dim3A_2076 : vector<8x128xi1>, vector<8x128xf32>
        %add3A_2078 = arith.addf %add3A_1950, %select_n3A_2077 : vector<8x128xf32>
        %sub3A_2079 = arith.constant 7424 : i32
        %sub3A_2080 = vector.broadcast %sub3A_2079 : i32 to vector<8x1xi32>
        %sub3A_2081 = arith.subi %scan3A_223, %sub3A_2080 : vector<8x1xi32>
        %eq3A_2082 = vector.broadcast %sub3A_2081 : vector<8x1xi32> to vector<8x128xi32>
        %eq3A_2083 = arith.cmpi eq, %iota3A, %eq3A_2082 : vector<8x128xi32>
        %get3A_2084 = arith.constant 0 : index
        %get3A_2085 = arith.constant 0 : index
        %get3A_2086 = arith.constant 7424 : index
        %get3A_2087 = vector.load %arg0[%get3A_2084, %get3A_2085, %get3A_2086] : memref<3x8x8192xf32, #tpu.memory_space<vmem>>, vector<1x8x128xf32>
        %get3A_2088 = vector.shape_cast %get3A_2087 : vector<1x8x128xf32> to vector<8x128xf32>
        %jit3A_2089 = arith.constant 0.000000e+00 : f32
        %broadcast_in_dim3A_2090 = vector.broadcast %jit3A_2089 : f32 to vector<8x128xf32>
        %select_n3A_2091 = arith.select %eq3A_2083, %get3A_2088, %broadcast_in_dim3A_2090 : vector<8x128xi1>, vector<8x128xf32>
        %add3A_2092 = arith.addf %add3A_1964, %select_n3A_2091 : vector<8x128xf32>
        %get3A_2093 = arith.constant 1 : index
        %get3A_2094 = arith.constant 0 : index
        %get3A_2095 = arith.constant 7424 : index
        %get3A_2096 = vector.load %arg0[%get3A_2093, %get3A_2094, %get3A_2095] : memref<3x8x8192xf32, #tpu.memory_space<vmem>>, vector<1x8x128xf32>
        %get3A_2097 = vector.shape_cast %get3A_2096 : vector<1x8x128xf32> to vector<8x128xf32>
        %jit3A_2098 = arith.constant 0.000000e+00 : f32
        %broadcast_in_dim3A_2099 = vector.broadcast %jit3A_2098 : f32 to vector<8x128xf32>
        %select_n3A_2100 = arith.select %eq3A_2083, %get3A_2097, %broadcast_in_dim3A_2099 : vector<8x128xi1>, vector<8x128xf32>
        %add3A_2101 = arith.addf %add3A_1973, %select_n3A_2100 : vector<8x128xf32>
        %get3A_2102 = arith.constant 2 : index
        %get3A_2103 = arith.constant 0 : index
        %get3A_2104 = arith.constant 7424 : index
        %get3A_2105 = vector.load %arg0[%get3A_2102, %get3A_2103, %get3A_2104] : memref<3x8x8192xf32, #tpu.memory_space<vmem>>, vector<1x8x128xf32>
        %get3A_2106 = vector.shape_cast %get3A_2105 : vector<1x8x128xf32> to vector<8x128xf32>
        %jit3A_2107 = arith.constant 0.000000e+00 : f32
        %broadcast_in_dim3A_2108 = vector.broadcast %jit3A_2107 : f32 to vector<8x128xf32>
        %select_n3A_2109 = arith.select %eq3A_2083, %get3A_2106, %broadcast_in_dim3A_2108 : vector<8x128xi1>, vector<8x128xf32>
        %add3A_2110 = arith.addf %add3A_1982, %select_n3A_2109 : vector<8x128xf32>
        %sub3A_2111 = arith.constant 7552 : i32
        %sub3A_2112 = vector.broadcast %sub3A_2111 : i32 to vector<8x1xi32>
        %sub3A_2113 = arith.subi %scan3A_223, %sub3A_2112 : vector<8x1xi32>
        %eq3A_2114 = vector.broadcast %sub3A_2113 : vector<8x1xi32> to vector<8x128xi32>
        %eq3A_2115 = arith.cmpi eq, %iota3A, %eq3A_2114 : vector<8x128xi32>
        %get3A_2116 = arith.constant 0 : index
        %get3A_2117 = arith.constant 0 : index
        %get3A_2118 = arith.constant 7552 : index
        %get3A_2119 = vector.load %arg0[%get3A_2116, %get3A_2117, %get3A_2118] : memref<3x8x8192xf32, #tpu.memory_space<vmem>>, vector<1x8x128xf32>
        %get3A_2120 = vector.shape_cast %get3A_2119 : vector<1x8x128xf32> to vector<8x128xf32>
        %jit3A_2121 = arith.constant 0.000000e+00 : f32
        %broadcast_in_dim3A_2122 = vector.broadcast %jit3A_2121 : f32 to vector<8x128xf32>
        %select_n3A_2123 = arith.select %eq3A_2115, %get3A_2120, %broadcast_in_dim3A_2122 : vector<8x128xi1>, vector<8x128xf32>
        %add3A_2124 = arith.addf %add3A_1996, %select_n3A_2123 : vector<8x128xf32>
        %get3A_2125 = arith.constant 1 : index
        %get3A_2126 = arith.constant 0 : index
        %get3A_2127 = arith.constant 7552 : index
        %get3A_2128 = vector.load %arg0[%get3A_2125, %get3A_2126, %get3A_2127] : memref<3x8x8192xf32, #tpu.memory_space<vmem>>, vector<1x8x128xf32>
        %get3A_2129 = vector.shape_cast %get3A_2128 : vector<1x8x128xf32> to vector<8x128xf32>
        %jit3A_2130 = arith.constant 0.000000e+00 : f32
        %broadcast_in_dim3A_2131 = vector.broadcast %jit3A_2130 : f32 to vector<8x128xf32>
        %select_n3A_2132 = arith.select %eq3A_2115, %get3A_2129, %broadcast_in_dim3A_2131 : vector<8x128xi1>, vector<8x128xf32>
        %add3A_2133 = arith.addf %add3A_2005, %select_n3A_2132 : vector<8x128xf32>
        %get3A_2134 = arith.constant 2 : index
        %get3A_2135 = arith.constant 0 : index
        %get3A_2136 = arith.constant 7552 : index
        %get3A_2137 = vector.load %arg0[%get3A_2134, %get3A_2135, %get3A_2136] : memref<3x8x8192xf32, #tpu.memory_space<vmem>>, vector<1x8x128xf32>
        %get3A_2138 = vector.shape_cast %get3A_2137 : vector<1x8x128xf32> to vector<8x128xf32>
        %jit3A_2139 = arith.constant 0.000000e+00 : f32
        %broadcast_in_dim3A_2140 = vector.broadcast %jit3A_2139 : f32 to vector<8x128xf32>
        %select_n3A_2141 = arith.select %eq3A_2115, %get3A_2138, %broadcast_in_dim3A_2140 : vector<8x128xi1>, vector<8x128xf32>
        %add3A_2142 = arith.addf %add3A_2014, %select_n3A_2141 : vector<8x128xf32>
        %sub3A_2143 = arith.constant 7680 : i32
        %sub3A_2144 = vector.broadcast %sub3A_2143 : i32 to vector<8x1xi32>
        %sub3A_2145 = arith.subi %scan3A_223, %sub3A_2144 : vector<8x1xi32>
        %eq3A_2146 = vector.broadcast %sub3A_2145 : vector<8x1xi32> to vector<8x128xi32>
        %eq3A_2147 = arith.cmpi eq, %iota3A, %eq3A_2146 : vector<8x128xi32>
        %get3A_2148 = arith.constant 0 : index
        %get3A_2149 = arith.constant 0 : index
        %get3A_2150 = arith.constant 7680 : index
        %get3A_2151 = vector.load %arg0[%get3A_2148, %get3A_2149, %get3A_2150] : memref<3x8x8192xf32, #tpu.memory_space<vmem>>, vector<1x8x128xf32>
        %get3A_2152 = vector.shape_cast %get3A_2151 : vector<1x8x128xf32> to vector<8x128xf32>
        %jit3A_2153 = arith.constant 0.000000e+00 : f32
        %broadcast_in_dim3A_2154 = vector.broadcast %jit3A_2153 : f32 to vector<8x128xf32>
        %select_n3A_2155 = arith.select %eq3A_2147, %get3A_2152, %broadcast_in_dim3A_2154 : vector<8x128xi1>, vector<8x128xf32>
        %add3A_2156 = arith.addf %add3A_2028, %select_n3A_2155 : vector<8x128xf32>
        %get3A_2157 = arith.constant 1 : index
        %get3A_2158 = arith.constant 0 : index
        %get3A_2159 = arith.constant 7680 : index
        %get3A_2160 = vector.load %arg0[%get3A_2157, %get3A_2158, %get3A_2159] : memref<3x8x8192xf32, #tpu.memory_space<vmem>>, vector<1x8x128xf32>
        %get3A_2161 = vector.shape_cast %get3A_2160 : vector<1x8x128xf32> to vector<8x128xf32>
        %jit3A_2162 = arith.constant 0.000000e+00 : f32
        %broadcast_in_dim3A_2163 = vector.broadcast %jit3A_2162 : f32 to vector<8x128xf32>
        %select_n3A_2164 = arith.select %eq3A_2147, %get3A_2161, %broadcast_in_dim3A_2163 : vector<8x128xi1>, vector<8x128xf32>
        %add3A_2165 = arith.addf %add3A_2037, %select_n3A_2164 : vector<8x128xf32>
        %get3A_2166 = arith.constant 2 : index
        %get3A_2167 = arith.constant 0 : index
        %get3A_2168 = arith.constant 7680 : index
        %get3A_2169 = vector.load %arg0[%get3A_2166, %get3A_2167, %get3A_2168] : memref<3x8x8192xf32, #tpu.memory_space<vmem>>, vector<1x8x128xf32>
        %get3A_2170 = vector.shape_cast %get3A_2169 : vector<1x8x128xf32> to vector<8x128xf32>
        %jit3A_2171 = arith.constant 0.000000e+00 : f32
        %broadcast_in_dim3A_2172 = vector.broadcast %jit3A_2171 : f32 to vector<8x128xf32>
        %select_n3A_2173 = arith.select %eq3A_2147, %get3A_2170, %broadcast_in_dim3A_2172 : vector<8x128xi1>, vector<8x128xf32>
        %add3A_2174 = arith.addf %add3A_2046, %select_n3A_2173 : vector<8x128xf32>
        %sub3A_2175 = arith.constant 7808 : i32
        %sub3A_2176 = vector.broadcast %sub3A_2175 : i32 to vector<8x1xi32>
        %sub3A_2177 = arith.subi %scan3A_223, %sub3A_2176 : vector<8x1xi32>
        %eq3A_2178 = vector.broadcast %sub3A_2177 : vector<8x1xi32> to vector<8x128xi32>
        %eq3A_2179 = arith.cmpi eq, %iota3A, %eq3A_2178 : vector<8x128xi32>
        %get3A_2180 = arith.constant 0 : index
        %get3A_2181 = arith.constant 0 : index
        %get3A_2182 = arith.constant 7808 : index
        %get3A_2183 = vector.load %arg0[%get3A_2180, %get3A_2181, %get3A_2182] : memref<3x8x8192xf32, #tpu.memory_space<vmem>>, vector<1x8x128xf32>
        %get3A_2184 = vector.shape_cast %get3A_2183 : vector<1x8x128xf32> to vector<8x128xf32>
        %jit3A_2185 = arith.constant 0.000000e+00 : f32
        %broadcast_in_dim3A_2186 = vector.broadcast %jit3A_2185 : f32 to vector<8x128xf32>
        %select_n3A_2187 = arith.select %eq3A_2179, %get3A_2184, %broadcast_in_dim3A_2186 : vector<8x128xi1>, vector<8x128xf32>
        %add3A_2188 = arith.addf %add3A_2060, %select_n3A_2187 : vector<8x128xf32>
        %get3A_2189 = arith.constant 1 : index
        %get3A_2190 = arith.constant 0 : index
        %get3A_2191 = arith.constant 7808 : index
        %get3A_2192 = vector.load %arg0[%get3A_2189, %get3A_2190, %get3A_2191] : memref<3x8x8192xf32, #tpu.memory_space<vmem>>, vector<1x8x128xf32>
        %get3A_2193 = vector.shape_cast %get3A_2192 : vector<1x8x128xf32> to vector<8x128xf32>
        %jit3A_2194 = arith.constant 0.000000e+00 : f32
        %broadcast_in_dim3A_2195 = vector.broadcast %jit3A_2194 : f32 to vector<8x128xf32>
        %select_n3A_2196 = arith.select %eq3A_2179, %get3A_2193, %broadcast_in_dim3A_2195 : vector<8x128xi1>, vector<8x128xf32>
        %add3A_2197 = arith.addf %add3A_2069, %select_n3A_2196 : vector<8x128xf32>
        %get3A_2198 = arith.constant 2 : index
        %get3A_2199 = arith.constant 0 : index
        %get3A_2200 = arith.constant 7808 : index
        %get3A_2201 = vector.load %arg0[%get3A_2198, %get3A_2199, %get3A_2200] : memref<3x8x8192xf32, #tpu.memory_space<vmem>>, vector<1x8x128xf32>
        %get3A_2202 = vector.shape_cast %get3A_2201 : vector<1x8x128xf32> to vector<8x128xf32>
        %jit3A_2203 = arith.constant 0.000000e+00 : f32
        %broadcast_in_dim3A_2204 = vector.broadcast %jit3A_2203 : f32 to vector<8x128xf32>
        %select_n3A_2205 = arith.select %eq3A_2179, %get3A_2202, %broadcast_in_dim3A_2204 : vector<8x128xi1>, vector<8x128xf32>
        %add3A_2206 = arith.addf %add3A_2078, %select_n3A_2205 : vector<8x128xf32>
        %sub3A_2207 = arith.constant 7936 : i32
        %sub3A_2208 = vector.broadcast %sub3A_2207 : i32 to vector<8x1xi32>
        %sub3A_2209 = arith.subi %scan3A_223, %sub3A_2208 : vector<8x1xi32>
        %eq3A_2210 = vector.broadcast %sub3A_2209 : vector<8x1xi32> to vector<8x128xi32>
        %eq3A_2211 = arith.cmpi eq, %iota3A, %eq3A_2210 : vector<8x128xi32>
        %get3A_2212 = arith.constant 0 : index
        %get3A_2213 = arith.constant 0 : index
        %get3A_2214 = arith.constant 7936 : index
        %get3A_2215 = vector.load %arg0[%get3A_2212, %get3A_2213, %get3A_2214] : memref<3x8x8192xf32, #tpu.memory_space<vmem>>, vector<1x8x128xf32>
        %get3A_2216 = vector.shape_cast %get3A_2215 : vector<1x8x128xf32> to vector<8x128xf32>
        %jit3A_2217 = arith.constant 0.000000e+00 : f32
        %broadcast_in_dim3A_2218 = vector.broadcast %jit3A_2217 : f32 to vector<8x128xf32>
        %select_n3A_2219 = arith.select %eq3A_2211, %get3A_2216, %broadcast_in_dim3A_2218 : vector<8x128xi1>, vector<8x128xf32>
        %add3A_2220 = arith.addf %add3A_2092, %select_n3A_2219 : vector<8x128xf32>
        %get3A_2221 = arith.constant 1 : index
        %get3A_2222 = arith.constant 0 : index
        %get3A_2223 = arith.constant 7936 : index
        %get3A_2224 = vector.load %arg0[%get3A_2221, %get3A_2222, %get3A_2223] : memref<3x8x8192xf32, #tpu.memory_space<vmem>>, vector<1x8x128xf32>
        %get3A_2225 = vector.shape_cast %get3A_2224 : vector<1x8x128xf32> to vector<8x128xf32>
        %jit3A_2226 = arith.constant 0.000000e+00 : f32
        %broadcast_in_dim3A_2227 = vector.broadcast %jit3A_2226 : f32 to vector<8x128xf32>
        %select_n3A_2228 = arith.select %eq3A_2211, %get3A_2225, %broadcast_in_dim3A_2227 : vector<8x128xi1>, vector<8x128xf32>
        %add3A_2229 = arith.addf %add3A_2101, %select_n3A_2228 : vector<8x128xf32>
        %get3A_2230 = arith.constant 2 : index
        %get3A_2231 = arith.constant 0 : index
        %get3A_2232 = arith.constant 7936 : index
        %get3A_2233 = vector.load %arg0[%get3A_2230, %get3A_2231, %get3A_2232] : memref<3x8x8192xf32, #tpu.memory_space<vmem>>, vector<1x8x128xf32>
        %get3A_2234 = vector.shape_cast %get3A_2233 : vector<1x8x128xf32> to vector<8x128xf32>
        %jit3A_2235 = arith.constant 0.000000e+00 : f32
        %broadcast_in_dim3A_2236 = vector.broadcast %jit3A_2235 : f32 to vector<8x128xf32>
        %select_n3A_2237 = arith.select %eq3A_2211, %get3A_2234, %broadcast_in_dim3A_2236 : vector<8x128xi1>, vector<8x128xf32>
        %add3A_2238 = arith.addf %add3A_2110, %select_n3A_2237 : vector<8x128xf32>
        %sub3A_2239 = arith.constant 8064 : i32
        %sub3A_2240 = vector.broadcast %sub3A_2239 : i32 to vector<8x1xi32>
        %sub3A_2241 = arith.subi %scan3A_223, %sub3A_2240 : vector<8x1xi32>
        %eq3A_2242 = vector.broadcast %sub3A_2241 : vector<8x1xi32> to vector<8x128xi32>
        %eq3A_2243 = arith.cmpi eq, %iota3A, %eq3A_2242 : vector<8x128xi32>
        %get3A_2244 = arith.constant 0 : index
        %get3A_2245 = arith.constant 0 : index
        %get3A_2246 = arith.constant 8064 : index
        %get3A_2247 = vector.load %arg0[%get3A_2244, %get3A_2245, %get3A_2246] : memref<3x8x8192xf32, #tpu.memory_space<vmem>>, vector<1x8x128xf32>
        %get3A_2248 = vector.shape_cast %get3A_2247 : vector<1x8x128xf32> to vector<8x128xf32>
        %jit3A_2249 = arith.constant 0.000000e+00 : f32
        %broadcast_in_dim3A_2250 = vector.broadcast %jit3A_2249 : f32 to vector<8x128xf32>
        %select_n3A_2251 = arith.select %eq3A_2243, %get3A_2248, %broadcast_in_dim3A_2250 : vector<8x128xi1>, vector<8x128xf32>
        %add3A_2252 = arith.addf %add3A_2124, %select_n3A_2251 : vector<8x128xf32>
        %get3A_2253 = arith.constant 1 : index
        %get3A_2254 = arith.constant 0 : index
        %get3A_2255 = arith.constant 8064 : index
        %get3A_2256 = vector.load %arg0[%get3A_2253, %get3A_2254, %get3A_2255] : memref<3x8x8192xf32, #tpu.memory_space<vmem>>, vector<1x8x128xf32>
        %get3A_2257 = vector.shape_cast %get3A_2256 : vector<1x8x128xf32> to vector<8x128xf32>
        %jit3A_2258 = arith.constant 0.000000e+00 : f32
        %broadcast_in_dim3A_2259 = vector.broadcast %jit3A_2258 : f32 to vector<8x128xf32>
        %select_n3A_2260 = arith.select %eq3A_2243, %get3A_2257, %broadcast_in_dim3A_2259 : vector<8x128xi1>, vector<8x128xf32>
        %add3A_2261 = arith.addf %add3A_2133, %select_n3A_2260 : vector<8x128xf32>
        %get3A_2262 = arith.constant 2 : index
        %get3A_2263 = arith.constant 0 : index
        %get3A_2264 = arith.constant 8064 : index
        %get3A_2265 = vector.load %arg0[%get3A_2262, %get3A_2263, %get3A_2264] : memref<3x8x8192xf32, #tpu.memory_space<vmem>>, vector<1x8x128xf32>
        %get3A_2266 = vector.shape_cast %get3A_2265 : vector<1x8x128xf32> to vector<8x128xf32>
        %jit3A_2267 = arith.constant 0.000000e+00 : f32
        %broadcast_in_dim3A_2268 = vector.broadcast %jit3A_2267 : f32 to vector<8x128xf32>
        %select_n3A_2269 = arith.select %eq3A_2243, %get3A_2266, %broadcast_in_dim3A_2268 : vector<8x128xi1>, vector<8x128xf32>
        %add3A_2270 = arith.addf %add3A_2142, %select_n3A_2269 : vector<8x128xf32>
        %add3A_2271 = arith.addf %add3A_2156, %add3A_2188 : vector<8x128xf32>
        %add3A_2272 = arith.addf %add3A_2220, %add3A_2252 : vector<8x128xf32>
        %add3A_2273 = arith.addf %add3A_2271, %add3A_2272 : vector<8x128xf32>
        %reduce_sum3A = arith.constant dense<0.000000e+00> : vector<8xf32>
        %reduce_sum3A_2274 = vector.multi_reduction <add>, %add3A_2273, %reduce_sum3A [1] : vector<8x128xf32> to vector<8xf32>
        %broadcast_in_dim3A_2275 = vector.shape_cast %reduce_sum3A_2274 : vector<8xf32> to vector<8x1xf32>
        %add3A_2276 = arith.addf %add3A_2165, %add3A_2197 : vector<8x128xf32>
        %add3A_2277 = arith.addf %add3A_2229, %add3A_2261 : vector<8x128xf32>
        %add3A_2278 = arith.addf %add3A_2276, %add3A_2277 : vector<8x128xf32>
        %reduce_sum3A_2279 = arith.constant dense<0.000000e+00> : vector<8xf32>
        %reduce_sum3A_2280 = vector.multi_reduction <add>, %add3A_2278, %reduce_sum3A_2279 [1] : vector<8x128xf32> to vector<8xf32>
        %broadcast_in_dim3A_2281 = vector.shape_cast %reduce_sum3A_2280 : vector<8xf32> to vector<8x1xf32>
        %add3A_2282 = arith.addf %add3A_2174, %add3A_2206 : vector<8x128xf32>
        %add3A_2283 = arith.addf %add3A_2238, %add3A_2270 : vector<8x128xf32>
        %add3A_2284 = arith.addf %add3A_2282, %add3A_2283 : vector<8x128xf32>
        %reduce_sum3A_2285 = arith.constant dense<0.000000e+00> : vector<8xf32>
        %reduce_sum3A_2286 = vector.multi_reduction <add>, %add3A_2284, %reduce_sum3A_2285 [1] : vector<8x128xf32> to vector<8xf32>
        %broadcast_in_dim3A_2287 = vector.shape_cast %reduce_sum3A_2286 : vector<8xf32> to vector<8x1xf32>
        %eq3A_2288 = vector.broadcast %scan3A_222 : i32 to vector<8x128xi32>
        %eq3A_2289 = arith.cmpi eq, %iota3A, %eq3A_2288 : vector<8x128xi32>
        %broadcast_in_dim3A_2290 = vector.shape_cast %broadcast_in_dim3A_2275 : vector<8x1xf32> to vector<8x1xf32>
        %broadcast_in_dim3A_2291 = vector.broadcast %broadcast_in_dim3A_2290 : vector<8x1xf32> to vector<8x128xf32>
        %select_n3A_2292 = arith.select %eq3A_2289, %broadcast_in_dim3A_2291, %scan3A_224 : vector<8x128xi1>, vector<8x128xf32>
        %broadcast_in_dim3A_2293 = vector.shape_cast %broadcast_in_dim3A_2281 : vector<8x1xf32> to vector<8x1xf32>
        %broadcast_in_dim3A_2294 = vector.broadcast %broadcast_in_dim3A_2293 : vector<8x1xf32> to vector<8x128xf32>
        %select_n3A_2295 = arith.select %eq3A_2289, %broadcast_in_dim3A_2294, %scan3A_225 : vector<8x128xi1>, vector<8x128xf32>
        %broadcast_in_dim3A_2296 = vector.shape_cast %broadcast_in_dim3A_2287 : vector<8x1xf32> to vector<8x1xf32>
        %broadcast_in_dim3A_2297 = vector.broadcast %broadcast_in_dim3A_2296 : vector<8x1xf32> to vector<8x128xf32>
        %select_n3A_2298 = arith.select %eq3A_2289, %broadcast_in_dim3A_2297, %scan3A_226 : vector<8x128xi1>, vector<8x128xf32>
        %broadcast_in_dim3A_2299 = arith.constant -1.000000e+00 : f32
        %broadcast_in_dim3A_2300 = vector.broadcast %broadcast_in_dim3A_2299 : f32 to vector<8x128xf32>
        %broadcast_in_dim3A_2301 = arith.constant 0 : i32
        %broadcast_in_dim3A_2302 = vector.broadcast %broadcast_in_dim3A_2301 : i32 to vector<8x128xi32>
        %get3A_2303 = arith.constant 0 : index
        %get3A_2304 = arith.constant 0 : index
        %get3A_2305 = arith.constant 0 : index
        %get3A_2306 = vector.load %arg0[%get3A_2303, %get3A_2304, %get3A_2305] : memref<3x8x8192xf32, #tpu.memory_space<vmem>>, vector<1x8x128xf32>
        %get3A_2307 = vector.shape_cast %get3A_2306 : vector<1x8x128xf32> to vector<8x128xf32>
        %sub3A_2308 = vector.broadcast %broadcast_in_dim3A_2275 : vector<8x1xf32> to vector<8x128xf32>
        %sub3A_2309 = arith.subf %get3A_2307, %sub3A_2308 : vector<8x128xf32>
        %get3A_2310 = arith.constant 1 : index
        %get3A_2311 = arith.constant 0 : index
        %get3A_2312 = arith.constant 0 : index
        %get3A_2313 = vector.load %arg0[%get3A_2310, %get3A_2311, %get3A_2312] : memref<3x8x8192xf32, #tpu.memory_space<vmem>>, vector<1x8x128xf32>
        %get3A_2314 = vector.shape_cast %get3A_2313 : vector<1x8x128xf32> to vector<8x128xf32>
        %sub3A_2315 = vector.broadcast %broadcast_in_dim3A_2281 : vector<8x1xf32> to vector<8x128xf32>
        %sub3A_2316 = arith.subf %get3A_2314, %sub3A_2315 : vector<8x128xf32>
        %get3A_2317 = arith.constant 2 : index
        %get3A_2318 = arith.constant 0 : index
        %get3A_2319 = arith.constant 0 : index
        %get3A_2320 = vector.load %arg0[%get3A_2317, %get3A_2318, %get3A_2319] : memref<3x8x8192xf32, #tpu.memory_space<vmem>>, vector<1x8x128xf32>
        %get3A_2321 = vector.shape_cast %get3A_2320 : vector<1x8x128xf32> to vector<8x128xf32>
        %sub3A_2322 = vector.broadcast %broadcast_in_dim3A_2287 : vector<8x1xf32> to vector<8x128xf32>
        %sub3A_2323 = arith.subf %get3A_2321, %sub3A_2322 : vector<8x128xf32>
        %mul3A_2324 = arith.mulf %sub3A_2309, %sub3A_2309 : vector<8x128xf32>
        %mul3A_2325 = arith.mulf %sub3A_2323, %sub3A_2323 : vector<8x128xf32>
        %add3A_2326 = arith.addf %mul3A_2324, %mul3A_2325 : vector<8x128xf32>
        %mul3A_2327 = arith.mulf %sub3A_2316, %sub3A_2316 : vector<8x128xf32>
        %add3A_2328 = arith.addf %add3A_2326, %mul3A_2327 : vector<8x128xf32>
        %get3A_2329 = arith.constant 0 : index
        %get3A_2330 = arith.constant 0 : index
        %get3A_2331 = vector.load %arg4[%get3A_2329, %get3A_2330] : memref<8x8192xf32, #tpu.memory_space<vmem>>, vector<8x128xf32>
        %min3A = arith.minimumf %get3A_2331, %add3A_2328 : vector<8x128xf32>
        %swap3A_2332 = arith.constant 0 : index
        %swap3A_2333 = arith.constant 0 : index
        %swap3A_2334 = vector.load %arg4[%swap3A_2332, %swap3A_2333] : memref<8x8192xf32, #tpu.memory_space<vmem>>, vector<8x128xf32>
        tpu.vector_store %arg4[%swap3A_2332, %swap3A_2333], %min3A {strides = array<i32>} : memref<8x8192xf32, #tpu.memory_space<vmem>>, vector<8x128xf32>,
        %gt3A = arith.cmpf ogt, %min3A, %broadcast_in_dim3A_2300 : vector<8x128xf32>
        %add3A_2335 = arith.constant 0 : i32
        %add3A_2336 = vector.broadcast %add3A_2335 : i32 to vector<8x128xi32>
        %add3A_2337 = arith.addi %iota3A, %add3A_2336 : vector<8x128xi32>
        %select_n3A_2338 = arith.select %gt3A, %add3A_2337, %broadcast_in_dim3A_2302 : vector<8x128xi1>, vector<8x128xi32>
        %max3A = arith.maximumf %broadcast_in_dim3A_2300, %min3A : vector<8x128xf32>
        %get3A_2339 = arith.constant 0 : index
        %get3A_2340 = arith.constant 0 : index
        %get3A_2341 = arith.constant 128 : index
        %get3A_2342 = vector.load %arg0[%get3A_2339, %get3A_2340, %get3A_2341] : memref<3x8x8192xf32, #tpu.memory_space<vmem>>, vector<1x8x128xf32>
        %get3A_2343 = vector.shape_cast %get3A_2342 : vector<1x8x128xf32> to vector<8x128xf32>
        %sub3A_2344 = vector.broadcast %broadcast_in_dim3A_2275 : vector<8x1xf32> to vector<8x128xf32>
        %sub3A_2345 = arith.subf %get3A_2343, %sub3A_2344 : vector<8x128xf32>
        %get3A_2346 = arith.constant 1 : index
        %get3A_2347 = arith.constant 0 : index
        %get3A_2348 = arith.constant 128 : index
        %get3A_2349 = vector.load %arg0[%get3A_2346, %get3A_2347, %get3A_2348] : memref<3x8x8192xf32, #tpu.memory_space<vmem>>, vector<1x8x128xf32>
        %get3A_2350 = vector.shape_cast %get3A_2349 : vector<1x8x128xf32> to vector<8x128xf32>
        %sub3A_2351 = vector.broadcast %broadcast_in_dim3A_2281 : vector<8x1xf32> to vector<8x128xf32>
        %sub3A_2352 = arith.subf %get3A_2350, %sub3A_2351 : vector<8x128xf32>
        %get3A_2353 = arith.constant 2 : index
        %get3A_2354 = arith.constant 0 : index
        %get3A_2355 = arith.constant 128 : index
        %get3A_2356 = vector.load %arg0[%get3A_2353, %get3A_2354, %get3A_2355] : memref<3x8x8192xf32, #tpu.memory_space<vmem>>, vector<1x8x128xf32>
        %get3A_2357 = vector.shape_cast %get3A_2356 : vector<1x8x128xf32> to vector<8x128xf32>
        %sub3A_2358 = vector.broadcast %broadcast_in_dim3A_2287 : vector<8x1xf32> to vector<8x128xf32>
        %sub3A_2359 = arith.subf %get3A_2357, %sub3A_2358 : vector<8x128xf32>
        %mul3A_2360 = arith.mulf %sub3A_2345, %sub3A_2345 : vector<8x128xf32>
        %mul3A_2361 = arith.mulf %sub3A_2359, %sub3A_2359 : vector<8x128xf32>
        %add3A_2362 = arith.addf %mul3A_2360, %mul3A_2361 : vector<8x128xf32>
        %mul3A_2363 = arith.mulf %sub3A_2352, %sub3A_2352 : vector<8x128xf32>
        %add3A_2364 = arith.addf %add3A_2362, %mul3A_2363 : vector<8x128xf32>
        %get3A_2365 = arith.constant 0 : index
        %get3A_2366 = arith.constant 128 : index
        %get3A_2367 = vector.load %arg4[%get3A_2365, %get3A_2366] : memref<8x8192xf32, #tpu.memory_space<vmem>>, vector<8x128xf32>
        %min3A_2368 = arith.minimumf %get3A_2367, %add3A_2364 : vector<8x128xf32>
        %swap3A_2369 = arith.constant 0 : index
        %swap3A_2370 = arith.constant 128 : index
        %swap3A_2371 = vector.load %arg4[%swap3A_2369, %swap3A_2370] : memref<8x8192xf32, #tpu.memory_space<vmem>>, vector<8x128xf32>
        tpu.vector_store %arg4[%swap3A_2369, %swap3A_2370], %min3A_2368 {strides = array<i32>} : memref<8x8192xf32, #tpu.memory_space<vmem>>, vector<8x128xf32>,
        %gt3A_2372 = arith.cmpf ogt, %min3A_2368, %broadcast_in_dim3A_2300 : vector<8x128xf32>
        %add3A_2373 = arith.constant 128 : i32
        %add3A_2374 = vector.broadcast %add3A_2373 : i32 to vector<8x128xi32>
        %add3A_2375 = arith.addi %iota3A, %add3A_2374 : vector<8x128xi32>
        %select_n3A_2376 = arith.select %gt3A_2372, %add3A_2375, %broadcast_in_dim3A_2302 : vector<8x128xi1>, vector<8x128xi32>
        %max3A_2377 = arith.maximumf %broadcast_in_dim3A_2300, %min3A_2368 : vector<8x128xf32>
        %get3A_2378 = arith.constant 0 : index
        %get3A_2379 = arith.constant 0 : index
        %get3A_2380 = arith.constant 256 : index
        %get3A_2381 = vector.load %arg0[%get3A_2378, %get3A_2379, %get3A_2380] : memref<3x8x8192xf32, #tpu.memory_space<vmem>>, vector<1x8x128xf32>
        %get3A_2382 = vector.shape_cast %get3A_2381 : vector<1x8x128xf32> to vector<8x128xf32>
        %sub3A_2383 = vector.broadcast %broadcast_in_dim3A_2275 : vector<8x1xf32> to vector<8x128xf32>
        %sub3A_2384 = arith.subf %get3A_2382, %sub3A_2383 : vector<8x128xf32>
        %get3A_2385 = arith.constant 1 : index
        %get3A_2386 = arith.constant 0 : index
        %get3A_2387 = arith.constant 256 : index
        %get3A_2388 = vector.load %arg0[%get3A_2385, %get3A_2386, %get3A_2387] : memref<3x8x8192xf32, #tpu.memory_space<vmem>>, vector<1x8x128xf32>
        %get3A_2389 = vector.shape_cast %get3A_2388 : vector<1x8x128xf32> to vector<8x128xf32>
        %sub3A_2390 = vector.broadcast %broadcast_in_dim3A_2281 : vector<8x1xf32> to vector<8x128xf32>
        %sub3A_2391 = arith.subf %get3A_2389, %sub3A_2390 : vector<8x128xf32>
        %get3A_2392 = arith.constant 2 : index
        %get3A_2393 = arith.constant 0 : index
        %get3A_2394 = arith.constant 256 : index
        %get3A_2395 = vector.load %arg0[%get3A_2392, %get3A_2393, %get3A_2394] : memref<3x8x8192xf32, #tpu.memory_space<vmem>>, vector<1x8x128xf32>
        %get3A_2396 = vector.shape_cast %get3A_2395 : vector<1x8x128xf32> to vector<8x128xf32>
        %sub3A_2397 = vector.broadcast %broadcast_in_dim3A_2287 : vector<8x1xf32> to vector<8x128xf32>
        %sub3A_2398 = arith.subf %get3A_2396, %sub3A_2397 : vector<8x128xf32>
        %mul3A_2399 = arith.mulf %sub3A_2384, %sub3A_2384 : vector<8x128xf32>
        %mul3A_2400 = arith.mulf %sub3A_2398, %sub3A_2398 : vector<8x128xf32>
        %add3A_2401 = arith.addf %mul3A_2399, %mul3A_2400 : vector<8x128xf32>
        %mul3A_2402 = arith.mulf %sub3A_2391, %sub3A_2391 : vector<8x128xf32>
        %add3A_2403 = arith.addf %add3A_2401, %mul3A_2402 : vector<8x128xf32>
        %get3A_2404 = arith.constant 0 : index
        %get3A_2405 = arith.constant 256 : index
        %get3A_2406 = vector.load %arg4[%get3A_2404, %get3A_2405] : memref<8x8192xf32, #tpu.memory_space<vmem>>, vector<8x128xf32>
        %min3A_2407 = arith.minimumf %get3A_2406, %add3A_2403 : vector<8x128xf32>
        %swap3A_2408 = arith.constant 0 : index
        %swap3A_2409 = arith.constant 256 : index
        %swap3A_2410 = vector.load %arg4[%swap3A_2408, %swap3A_2409] : memref<8x8192xf32, #tpu.memory_space<vmem>>, vector<8x128xf32>
        tpu.vector_store %arg4[%swap3A_2408, %swap3A_2409], %min3A_2407 {strides = array<i32>} : memref<8x8192xf32, #tpu.memory_space<vmem>>, vector<8x128xf32>,
        %gt3A_2411 = arith.cmpf ogt, %min3A_2407, %broadcast_in_dim3A_2300 : vector<8x128xf32>
        %add3A_2412 = arith.constant 256 : i32
        %add3A_2413 = vector.broadcast %add3A_2412 : i32 to vector<8x128xi32>
        %add3A_2414 = arith.addi %iota3A, %add3A_2413 : vector<8x128xi32>
        %select_n3A_2415 = arith.select %gt3A_2411, %add3A_2414, %broadcast_in_dim3A_2302 : vector<8x128xi1>, vector<8x128xi32>
        %max3A_2416 = arith.maximumf %broadcast_in_dim3A_2300, %min3A_2407 : vector<8x128xf32>
        %get3A_2417 = arith.constant 0 : index
        %get3A_2418 = arith.constant 0 : index
        %get3A_2419 = arith.constant 384 : index
        %get3A_2420 = vector.load %arg0[%get3A_2417, %get3A_2418, %get3A_2419] : memref<3x8x8192xf32, #tpu.memory_space<vmem>>, vector<1x8x128xf32>
        %get3A_2421 = vector.shape_cast %get3A_2420 : vector<1x8x128xf32> to vector<8x128xf32>
        %sub3A_2422 = vector.broadcast %broadcast_in_dim3A_2275 : vector<8x1xf32> to vector<8x128xf32>
        %sub3A_2423 = arith.subf %get3A_2421, %sub3A_2422 : vector<8x128xf32>
        %get3A_2424 = arith.constant 1 : index
        %get3A_2425 = arith.constant 0 : index
        %get3A_2426 = arith.constant 384 : index
        %get3A_2427 = vector.load %arg0[%get3A_2424, %get3A_2425, %get3A_2426] : memref<3x8x8192xf32, #tpu.memory_space<vmem>>, vector<1x8x128xf32>
        %get3A_2428 = vector.shape_cast %get3A_2427 : vector<1x8x128xf32> to vector<8x128xf32>
        %sub3A_2429 = vector.broadcast %broadcast_in_dim3A_2281 : vector<8x1xf32> to vector<8x128xf32>
        %sub3A_2430 = arith.subf %get3A_2428, %sub3A_2429 : vector<8x128xf32>
        %get3A_2431 = arith.constant 2 : index
        %get3A_2432 = arith.constant 0 : index
        %get3A_2433 = arith.constant 384 : index
        %get3A_2434 = vector.load %arg0[%get3A_2431, %get3A_2432, %get3A_2433] : memref<3x8x8192xf32, #tpu.memory_space<vmem>>, vector<1x8x128xf32>
        %get3A_2435 = vector.shape_cast %get3A_2434 : vector<1x8x128xf32> to vector<8x128xf32>
        %sub3A_2436 = vector.broadcast %broadcast_in_dim3A_2287 : vector<8x1xf32> to vector<8x128xf32>
        %sub3A_2437 = arith.subf %get3A_2435, %sub3A_2436 : vector<8x128xf32>
        %mul3A_2438 = arith.mulf %sub3A_2423, %sub3A_2423 : vector<8x128xf32>
        %mul3A_2439 = arith.mulf %sub3A_2437, %sub3A_2437 : vector<8x128xf32>
        %add3A_2440 = arith.addf %mul3A_2438, %mul3A_2439 : vector<8x128xf32>
        %mul3A_2441 = arith.mulf %sub3A_2430, %sub3A_2430 : vector<8x128xf32>
        %add3A_2442 = arith.addf %add3A_2440, %mul3A_2441 : vector<8x128xf32>
        %get3A_2443 = arith.constant 0 : index
        %get3A_2444 = arith.constant 384 : index
        %get3A_2445 = vector.load %arg4[%get3A_2443, %get3A_2444] : memref<8x8192xf32, #tpu.memory_space<vmem>>, vector<8x128xf32>
        %min3A_2446 = arith.minimumf %get3A_2445, %add3A_2442 : vector<8x128xf32>
        %swap3A_2447 = arith.constant 0 : index
        %swap3A_2448 = arith.constant 384 : index
        %swap3A_2449 = vector.load %arg4[%swap3A_2447, %swap3A_2448] : memref<8x8192xf32, #tpu.memory_space<vmem>>, vector<8x128xf32>
        tpu.vector_store %arg4[%swap3A_2447, %swap3A_2448], %min3A_2446 {strides = array<i32>} : memref<8x8192xf32, #tpu.memory_space<vmem>>, vector<8x128xf32>,
        %gt3A_2450 = arith.cmpf ogt, %min3A_2446, %broadcast_in_dim3A_2300 : vector<8x128xf32>
        %add3A_2451 = arith.constant 384 : i32
        %add3A_2452 = vector.broadcast %add3A_2451 : i32 to vector<8x128xi32>
        %add3A_2453 = arith.addi %iota3A, %add3A_2452 : vector<8x128xi32>
        %select_n3A_2454 = arith.select %gt3A_2450, %add3A_2453, %broadcast_in_dim3A_2302 : vector<8x128xi1>, vector<8x128xi32>
        %max3A_2455 = arith.maximumf %broadcast_in_dim3A_2300, %min3A_2446 : vector<8x128xf32>
        %get3A_2456 = arith.constant 0 : index
        %get3A_2457 = arith.constant 0 : index
        %get3A_2458 = arith.constant 512 : index
        %get3A_2459 = vector.load %arg0[%get3A_2456, %get3A_2457, %get3A_2458] : memref<3x8x8192xf32, #tpu.memory_space<vmem>>, vector<1x8x128xf32>
        %get3A_2460 = vector.shape_cast %get3A_2459 : vector<1x8x128xf32> to vector<8x128xf32>
        %sub3A_2461 = vector.broadcast %broadcast_in_dim3A_2275 : vector<8x1xf32> to vector<8x128xf32>
        %sub3A_2462 = arith.subf %get3A_2460, %sub3A_2461 : vector<8x128xf32>
        %get3A_2463 = arith.constant 1 : index
        %get3A_2464 = arith.constant 0 : index
        %get3A_2465 = arith.constant 512 : index
        %get3A_2466 = vector.load %arg0[%get3A_2463, %get3A_2464, %get3A_2465] : memref<3x8x8192xf32, #tpu.memory_space<vmem>>, vector<1x8x128xf32>
        %get3A_2467 = vector.shape_cast %get3A_2466 : vector<1x8x128xf32> to vector<8x128xf32>
        %sub3A_2468 = vector.broadcast %broadcast_in_dim3A_2281 : vector<8x1xf32> to vector<8x128xf32>
        %sub3A_2469 = arith.subf %get3A_2467, %sub3A_2468 : vector<8x128xf32>
        %get3A_2470 = arith.constant 2 : index
        %get3A_2471 = arith.constant 0 : index
        %get3A_2472 = arith.constant 512 : index
        %get3A_2473 = vector.load %arg0[%get3A_2470, %get3A_2471, %get3A_2472] : memref<3x8x8192xf32, #tpu.memory_space<vmem>>, vector<1x8x128xf32>
        %get3A_2474 = vector.shape_cast %get3A_2473 : vector<1x8x128xf32> to vector<8x128xf32>
        %sub3A_2475 = vector.broadcast %broadcast_in_dim3A_2287 : vector<8x1xf32> to vector<8x128xf32>
        %sub3A_2476 = arith.subf %get3A_2474, %sub3A_2475 : vector<8x128xf32>
        %mul3A_2477 = arith.mulf %sub3A_2462, %sub3A_2462 : vector<8x128xf32>
        %mul3A_2478 = arith.mulf %sub3A_2476, %sub3A_2476 : vector<8x128xf32>
        %add3A_2479 = arith.addf %mul3A_2477, %mul3A_2478 : vector<8x128xf32>
        %mul3A_2480 = arith.mulf %sub3A_2469, %sub3A_2469 : vector<8x128xf32>
        %add3A_2481 = arith.addf %add3A_2479, %mul3A_2480 : vector<8x128xf32>
        %get3A_2482 = arith.constant 0 : index
        %get3A_2483 = arith.constant 512 : index
        %get3A_2484 = vector.load %arg4[%get3A_2482, %get3A_2483] : memref<8x8192xf32, #tpu.memory_space<vmem>>, vector<8x128xf32>
        %min3A_2485 = arith.minimumf %get3A_2484, %add3A_2481 : vector<8x128xf32>
        %swap3A_2486 = arith.constant 0 : index
        %swap3A_2487 = arith.constant 512 : index
        %swap3A_2488 = vector.load %arg4[%swap3A_2486, %swap3A_2487] : memref<8x8192xf32, #tpu.memory_space<vmem>>, vector<8x128xf32>
        tpu.vector_store %arg4[%swap3A_2486, %swap3A_2487], %min3A_2485 {strides = array<i32>} : memref<8x8192xf32, #tpu.memory_space<vmem>>, vector<8x128xf32>,
        %gt3A_2489 = arith.cmpf ogt, %min3A_2485, %max3A : vector<8x128xf32>
        %add3A_2490 = arith.constant 512 : i32
        %add3A_2491 = vector.broadcast %add3A_2490 : i32 to vector<8x128xi32>
        %add3A_2492 = arith.addi %iota3A, %add3A_2491 : vector<8x128xi32>
        %select_n3A_2493 = arith.select %gt3A_2489, %add3A_2492, %select_n3A_2338 : vector<8x128xi1>, vector<8x128xi32>
        %max3A_2494 = arith.maximumf %max3A, %min3A_2485 : vector<8x128xf32>
        %get3A_2495 = arith.constant 0 : index
        %get3A_2496 = arith.constant 0 : index
        %get3A_2497 = arith.constant 640 : index
        %get3A_2498 = vector.load %arg0[%get3A_2495, %get3A_2496, %get3A_2497] : memref<3x8x8192xf32, #tpu.memory_space<vmem>>, vector<1x8x128xf32>
        %get3A_2499 = vector.shape_cast %get3A_2498 : vector<1x8x128xf32> to vector<8x128xf32>
        %sub3A_2500 = vector.broadcast %broadcast_in_dim3A_2275 : vector<8x1xf32> to vector<8x128xf32>
        %sub3A_2501 = arith.subf %get3A_2499, %sub3A_2500 : vector<8x128xf32>
        %get3A_2502 = arith.constant 1 : index
        %get3A_2503 = arith.constant 0 : index
        %get3A_2504 = arith.constant 640 : index
        %get3A_2505 = vector.load %arg0[%get3A_2502, %get3A_2503, %get3A_2504] : memref<3x8x8192xf32, #tpu.memory_space<vmem>>, vector<1x8x128xf32>
        %get3A_2506 = vector.shape_cast %get3A_2505 : vector<1x8x128xf32> to vector<8x128xf32>
        %sub3A_2507 = vector.broadcast %broadcast_in_dim3A_2281 : vector<8x1xf32> to vector<8x128xf32>
        %sub3A_2508 = arith.subf %get3A_2506, %sub3A_2507 : vector<8x128xf32>
        %get3A_2509 = arith.constant 2 : index
        %get3A_2510 = arith.constant 0 : index
        %get3A_2511 = arith.constant 640 : index
        %get3A_2512 = vector.load %arg0[%get3A_2509, %get3A_2510, %get3A_2511] : memref<3x8x8192xf32, #tpu.memory_space<vmem>>, vector<1x8x128xf32>
        %get3A_2513 = vector.shape_cast %get3A_2512 : vector<1x8x128xf32> to vector<8x128xf32>
        %sub3A_2514 = vector.broadcast %broadcast_in_dim3A_2287 : vector<8x1xf32> to vector<8x128xf32>
        %sub3A_2515 = arith.subf %get3A_2513, %sub3A_2514 : vector<8x128xf32>
        %mul3A_2516 = arith.mulf %sub3A_2501, %sub3A_2501 : vector<8x128xf32>
        %mul3A_2517 = arith.mulf %sub3A_2515, %sub3A_2515 : vector<8x128xf32>
        %add3A_2518 = arith.addf %mul3A_2516, %mul3A_2517 : vector<8x128xf32>
        %mul3A_2519 = arith.mulf %sub3A_2508, %sub3A_2508 : vector<8x128xf32>
        %add3A_2520 = arith.addf %add3A_2518, %mul3A_2519 : vector<8x128xf32>
        %get3A_2521 = arith.constant 0 : index
        %get3A_2522 = arith.constant 640 : index
        %get3A_2523 = vector.load %arg4[%get3A_2521, %get3A_2522] : memref<8x8192xf32, #tpu.memory_space<vmem>>, vector<8x128xf32>
        %min3A_2524 = arith.minimumf %get3A_2523, %add3A_2520 : vector<8x128xf32>
        %swap3A_2525 = arith.constant 0 : index
        %swap3A_2526 = arith.constant 640 : index
        %swap3A_2527 = vector.load %arg4[%swap3A_2525, %swap3A_2526] : memref<8x8192xf32, #tpu.memory_space<vmem>>, vector<8x128xf32>
        tpu.vector_store %arg4[%swap3A_2525, %swap3A_2526], %min3A_2524 {strides = array<i32>} : memref<8x8192xf32, #tpu.memory_space<vmem>>, vector<8x128xf32>,
        %gt3A_2528 = arith.cmpf ogt, %min3A_2524, %max3A_2377 : vector<8x128xf32>
        %add3A_2529 = arith.constant 640 : i32
        %add3A_2530 = vector.broadcast %add3A_2529 : i32 to vector<8x128xi32>
        %add3A_2531 = arith.addi %iota3A, %add3A_2530 : vector<8x128xi32>
        %select_n3A_2532 = arith.select %gt3A_2528, %add3A_2531, %select_n3A_2376 : vector<8x128xi1>, vector<8x128xi32>
        %max3A_2533 = arith.maximumf %max3A_2377, %min3A_2524 : vector<8x128xf32>
        %get3A_2534 = arith.constant 0 : index
        %get3A_2535 = arith.constant 0 : index
        %get3A_2536 = arith.constant 768 : index
        %get3A_2537 = vector.load %arg0[%get3A_2534, %get3A_2535, %get3A_2536] : memref<3x8x8192xf32, #tpu.memory_space<vmem>>, vector<1x8x128xf32>
        %get3A_2538 = vector.shape_cast %get3A_2537 : vector<1x8x128xf32> to vector<8x128xf32>
        %sub3A_2539 = vector.broadcast %broadcast_in_dim3A_2275 : vector<8x1xf32> to vector<8x128xf32>
        %sub3A_2540 = arith.subf %get3A_2538, %sub3A_2539 : vector<8x128xf32>
        %get3A_2541 = arith.constant 1 : index
        %get3A_2542 = arith.constant 0 : index
        %get3A_2543 = arith.constant 768 : index
        %get3A_2544 = vector.load %arg0[%get3A_2541, %get3A_2542, %get3A_2543] : memref<3x8x8192xf32, #tpu.memory_space<vmem>>, vector<1x8x128xf32>
        %get3A_2545 = vector.shape_cast %get3A_2544 : vector<1x8x128xf32> to vector<8x128xf32>
        %sub3A_2546 = vector.broadcast %broadcast_in_dim3A_2281 : vector<8x1xf32> to vector<8x128xf32>
        %sub3A_2547 = arith.subf %get3A_2545, %sub3A_2546 : vector<8x128xf32>
        %get3A_2548 = arith.constant 2 : index
        %get3A_2549 = arith.constant 0 : index
        %get3A_2550 = arith.constant 768 : index
        %get3A_2551 = vector.load %arg0[%get3A_2548, %get3A_2549, %get3A_2550] : memref<3x8x8192xf32, #tpu.memory_space<vmem>>, vector<1x8x128xf32>
        %get3A_2552 = vector.shape_cast %get3A_2551 : vector<1x8x128xf32> to vector<8x128xf32>
        %sub3A_2553 = vector.broadcast %broadcast_in_dim3A_2287 : vector<8x1xf32> to vector<8x128xf32>
        %sub3A_2554 = arith.subf %get3A_2552, %sub3A_2553 : vector<8x128xf32>
        %mul3A_2555 = arith.mulf %sub3A_2540, %sub3A_2540 : vector<8x128xf32>
        %mul3A_2556 = arith.mulf %sub3A_2554, %sub3A_2554 : vector<8x128xf32>
        %add3A_2557 = arith.addf %mul3A_2555, %mul3A_2556 : vector<8x128xf32>
        %mul3A_2558 = arith.mulf %sub3A_2547, %sub3A_2547 : vector<8x128xf32>
        %add3A_2559 = arith.addf %add3A_2557, %mul3A_2558 : vector<8x128xf32>
        %get3A_2560 = arith.constant 0 : index
        %get3A_2561 = arith.constant 768 : index
        %get3A_2562 = vector.load %arg4[%get3A_2560, %get3A_2561] : memref<8x8192xf32, #tpu.memory_space<vmem>>, vector<8x128xf32>
        %min3A_2563 = arith.minimumf %get3A_2562, %add3A_2559 : vector<8x128xf32>
        %swap3A_2564 = arith.constant 0 : index
        %swap3A_2565 = arith.constant 768 : index
        %swap3A_2566 = vector.load %arg4[%swap3A_2564, %swap3A_2565] : memref<8x8192xf32, #tpu.memory_space<vmem>>, vector<8x128xf32>
        tpu.vector_store %arg4[%swap3A_2564, %swap3A_2565], %min3A_2563 {strides = array<i32>} : memref<8x8192xf32, #tpu.memory_space<vmem>>, vector<8x128xf32>,
        %gt3A_2567 = arith.cmpf ogt, %min3A_2563, %max3A_2416 : vector<8x128xf32>
        %add3A_2568 = arith.constant 768 : i32
        %add3A_2569 = vector.broadcast %add3A_2568 : i32 to vector<8x128xi32>
        %add3A_2570 = arith.addi %iota3A, %add3A_2569 : vector<8x128xi32>
        %select_n3A_2571 = arith.select %gt3A_2567, %add3A_2570, %select_n3A_2415 : vector<8x128xi1>, vector<8x128xi32>
        %max3A_2572 = arith.maximumf %max3A_2416, %min3A_2563 : vector<8x128xf32>
        %get3A_2573 = arith.constant 0 : index
        %get3A_2574 = arith.constant 0 : index
        %get3A_2575 = arith.constant 896 : index
        %get3A_2576 = vector.load %arg0[%get3A_2573, %get3A_2574, %get3A_2575] : memref<3x8x8192xf32, #tpu.memory_space<vmem>>, vector<1x8x128xf32>
        %get3A_2577 = vector.shape_cast %get3A_2576 : vector<1x8x128xf32> to vector<8x128xf32>
        %sub3A_2578 = vector.broadcast %broadcast_in_dim3A_2275 : vector<8x1xf32> to vector<8x128xf32>
        %sub3A_2579 = arith.subf %get3A_2577, %sub3A_2578 : vector<8x128xf32>
        %get3A_2580 = arith.constant 1 : index
        %get3A_2581 = arith.constant 0 : index
        %get3A_2582 = arith.constant 896 : index
        %get3A_2583 = vector.load %arg0[%get3A_2580, %get3A_2581, %get3A_2582] : memref<3x8x8192xf32, #tpu.memory_space<vmem>>, vector<1x8x128xf32>
        %get3A_2584 = vector.shape_cast %get3A_2583 : vector<1x8x128xf32> to vector<8x128xf32>
        %sub3A_2585 = vector.broadcast %broadcast_in_dim3A_2281 : vector<8x1xf32> to vector<8x128xf32>
        %sub3A_2586 = arith.subf %get3A_2584, %sub3A_2585 : vector<8x128xf32>
        %get3A_2587 = arith.constant 2 : index
        %get3A_2588 = arith.constant 0 : index
        %get3A_2589 = arith.constant 896 : index
        %get3A_2590 = vector.load %arg0[%get3A_2587, %get3A_2588, %get3A_2589] : memref<3x8x8192xf32, #tpu.memory_space<vmem>>, vector<1x8x128xf32>
        %get3A_2591 = vector.shape_cast %get3A_2590 : vector<1x8x128xf32> to vector<8x128xf32>
        %sub3A_2592 = vector.broadcast %broadcast_in_dim3A_2287 : vector<8x1xf32> to vector<8x128xf32>
        %sub3A_2593 = arith.subf %get3A_2591, %sub3A_2592 : vector<8x128xf32>
        %mul3A_2594 = arith.mulf %sub3A_2579, %sub3A_2579 : vector<8x128xf32>
        %mul3A_2595 = arith.mulf %sub3A_2593, %sub3A_2593 : vector<8x128xf32>
        %add3A_2596 = arith.addf %mul3A_2594, %mul3A_2595 : vector<8x128xf32>
        %mul3A_2597 = arith.mulf %sub3A_2586, %sub3A_2586 : vector<8x128xf32>
        %add3A_2598 = arith.addf %add3A_2596, %mul3A_2597 : vector<8x128xf32>
        %get3A_2599 = arith.constant 0 : index
        %get3A_2600 = arith.constant 896 : index
        %get3A_2601 = vector.load %arg4[%get3A_2599, %get3A_2600] : memref<8x8192xf32, #tpu.memory_space<vmem>>, vector<8x128xf32>
        %min3A_2602 = arith.minimumf %get3A_2601, %add3A_2598 : vector<8x128xf32>
        %swap3A_2603 = arith.constant 0 : index
        %swap3A_2604 = arith.constant 896 : index
        %swap3A_2605 = vector.load %arg4[%swap3A_2603, %swap3A_2604] : memref<8x8192xf32, #tpu.memory_space<vmem>>, vector<8x128xf32>
        tpu.vector_store %arg4[%swap3A_2603, %swap3A_2604], %min3A_2602 {strides = array<i32>} : memref<8x8192xf32, #tpu.memory_space<vmem>>, vector<8x128xf32>,
        %gt3A_2606 = arith.cmpf ogt, %min3A_2602, %max3A_2455 : vector<8x128xf32>
        %add3A_2607 = arith.constant 896 : i32
        %add3A_2608 = vector.broadcast %add3A_2607 : i32 to vector<8x128xi32>
        %add3A_2609 = arith.addi %iota3A, %add3A_2608 : vector<8x128xi32>
        %select_n3A_2610 = arith.select %gt3A_2606, %add3A_2609, %select_n3A_2454 : vector<8x128xi1>, vector<8x128xi32>
        %max3A_2611 = arith.maximumf %max3A_2455, %min3A_2602 : vector<8x128xf32>
        %get3A_2612 = arith.constant 0 : index
        %get3A_2613 = arith.constant 0 : index
        %get3A_2614 = arith.constant 1024 : index
        %get3A_2615 = vector.load %arg0[%get3A_2612, %get3A_2613, %get3A_2614] : memref<3x8x8192xf32, #tpu.memory_space<vmem>>, vector<1x8x128xf32>
        %get3A_2616 = vector.shape_cast %get3A_2615 : vector<1x8x128xf32> to vector<8x128xf32>
        %sub3A_2617 = vector.broadcast %broadcast_in_dim3A_2275 : vector<8x1xf32> to vector<8x128xf32>
        %sub3A_2618 = arith.subf %get3A_2616, %sub3A_2617 : vector<8x128xf32>
        %get3A_2619 = arith.constant 1 : index
        %get3A_2620 = arith.constant 0 : index
        %get3A_2621 = arith.constant 1024 : index
        %get3A_2622 = vector.load %arg0[%get3A_2619, %get3A_2620, %get3A_2621] : memref<3x8x8192xf32, #tpu.memory_space<vmem>>, vector<1x8x128xf32>
        %get3A_2623 = vector.shape_cast %get3A_2622 : vector<1x8x128xf32> to vector<8x128xf32>
        %sub3A_2624 = vector.broadcast %broadcast_in_dim3A_2281 : vector<8x1xf32> to vector<8x128xf32>
        %sub3A_2625 = arith.subf %get3A_2623, %sub3A_2624 : vector<8x128xf32>
        %get3A_2626 = arith.constant 2 : index
        %get3A_2627 = arith.constant 0 : index
        %get3A_2628 = arith.constant 1024 : index
        %get3A_2629 = vector.load %arg0[%get3A_2626, %get3A_2627, %get3A_2628] : memref<3x8x8192xf32, #tpu.memory_space<vmem>>, vector<1x8x128xf32>
        %get3A_2630 = vector.shape_cast %get3A_2629 : vector<1x8x128xf32> to vector<8x128xf32>
        %sub3A_2631 = vector.broadcast %broadcast_in_dim3A_2287 : vector<8x1xf32> to vector<8x128xf32>
        %sub3A_2632 = arith.subf %get3A_2630, %sub3A_2631 : vector<8x128xf32>
        %mul3A_2633 = arith.mulf %sub3A_2618, %sub3A_2618 : vector<8x128xf32>
        %mul3A_2634 = arith.mulf %sub3A_2632, %sub3A_2632 : vector<8x128xf32>
        %add3A_2635 = arith.addf %mul3A_2633, %mul3A_2634 : vector<8x128xf32>
        %mul3A_2636 = arith.mulf %sub3A_2625, %sub3A_2625 : vector<8x128xf32>
        %add3A_2637 = arith.addf %add3A_2635, %mul3A_2636 : vector<8x128xf32>
        %get3A_2638 = arith.constant 0 : index
        %get3A_2639 = arith.constant 1024 : index
        %get3A_2640 = vector.load %arg4[%get3A_2638, %get3A_2639] : memref<8x8192xf32, #tpu.memory_space<vmem>>, vector<8x128xf32>
        %min3A_2641 = arith.minimumf %get3A_2640, %add3A_2637 : vector<8x128xf32>
        %swap3A_2642 = arith.constant 0 : index
        %swap3A_2643 = arith.constant 1024 : index
        %swap3A_2644 = vector.load %arg4[%swap3A_2642, %swap3A_2643] : memref<8x8192xf32, #tpu.memory_space<vmem>>, vector<8x128xf32>
        tpu.vector_store %arg4[%swap3A_2642, %swap3A_2643], %min3A_2641 {strides = array<i32>} : memref<8x8192xf32, #tpu.memory_space<vmem>>, vector<8x128xf32>,
        %gt3A_2645 = arith.cmpf ogt, %min3A_2641, %max3A_2494 : vector<8x128xf32>
        %add3A_2646 = arith.constant 1024 : i32
        %add3A_2647 = vector.broadcast %add3A_2646 : i32 to vector<8x128xi32>
        %add3A_2648 = arith.addi %iota3A, %add3A_2647 : vector<8x128xi32>
        %select_n3A_2649 = arith.select %gt3A_2645, %add3A_2648, %select_n3A_2493 : vector<8x128xi1>, vector<8x128xi32>
        %max3A_2650 = arith.maximumf %max3A_2494, %min3A_2641 : vector<8x128xf32>
        %get3A_2651 = arith.constant 0 : index
        %get3A_2652 = arith.constant 0 : index
        %get3A_2653 = arith.constant 1152 : index
        %get3A_2654 = vector.load %arg0[%get3A_2651, %get3A_2652, %get3A_2653] : memref<3x8x8192xf32, #tpu.memory_space<vmem>>, vector<1x8x128xf32>
        %get3A_2655 = vector.shape_cast %get3A_2654 : vector<1x8x128xf32> to vector<8x128xf32>
        %sub3A_2656 = vector.broadcast %broadcast_in_dim3A_2275 : vector<8x1xf32> to vector<8x128xf32>
        %sub3A_2657 = arith.subf %get3A_2655, %sub3A_2656 : vector<8x128xf32>
        %get3A_2658 = arith.constant 1 : index
        %get3A_2659 = arith.constant 0 : index
        %get3A_2660 = arith.constant 1152 : index
        %get3A_2661 = vector.load %arg0[%get3A_2658, %get3A_2659, %get3A_2660] : memref<3x8x8192xf32, #tpu.memory_space<vmem>>, vector<1x8x128xf32>
        %get3A_2662 = vector.shape_cast %get3A_2661 : vector<1x8x128xf32> to vector<8x128xf32>
        %sub3A_2663 = vector.broadcast %broadcast_in_dim3A_2281 : vector<8x1xf32> to vector<8x128xf32>
        %sub3A_2664 = arith.subf %get3A_2662, %sub3A_2663 : vector<8x128xf32>
        %get3A_2665 = arith.constant 2 : index
        %get3A_2666 = arith.constant 0 : index
        %get3A_2667 = arith.constant 1152 : index
        %get3A_2668 = vector.load %arg0[%get3A_2665, %get3A_2666, %get3A_2667] : memref<3x8x8192xf32, #tpu.memory_space<vmem>>, vector<1x8x128xf32>
        %get3A_2669 = vector.shape_cast %get3A_2668 : vector<1x8x128xf32> to vector<8x128xf32>
        %sub3A_2670 = vector.broadcast %broadcast_in_dim3A_2287 : vector<8x1xf32> to vector<8x128xf32>
        %sub3A_2671 = arith.subf %get3A_2669, %sub3A_2670 : vector<8x128xf32>
        %mul3A_2672 = arith.mulf %sub3A_2657, %sub3A_2657 : vector<8x128xf32>
        %mul3A_2673 = arith.mulf %sub3A_2671, %sub3A_2671 : vector<8x128xf32>
        %add3A_2674 = arith.addf %mul3A_2672, %mul3A_2673 : vector<8x128xf32>
        %mul3A_2675 = arith.mulf %sub3A_2664, %sub3A_2664 : vector<8x128xf32>
        %add3A_2676 = arith.addf %add3A_2674, %mul3A_2675 : vector<8x128xf32>
        %get3A_2677 = arith.constant 0 : index
        %get3A_2678 = arith.constant 1152 : index
        %get3A_2679 = vector.load %arg4[%get3A_2677, %get3A_2678] : memref<8x8192xf32, #tpu.memory_space<vmem>>, vector<8x128xf32>
        %min3A_2680 = arith.minimumf %get3A_2679, %add3A_2676 : vector<8x128xf32>
        %swap3A_2681 = arith.constant 0 : index
        %swap3A_2682 = arith.constant 1152 : index
        %swap3A_2683 = vector.load %arg4[%swap3A_2681, %swap3A_2682] : memref<8x8192xf32, #tpu.memory_space<vmem>>, vector<8x128xf32>
        tpu.vector_store %arg4[%swap3A_2681, %swap3A_2682], %min3A_2680 {strides = array<i32>} : memref<8x8192xf32, #tpu.memory_space<vmem>>, vector<8x128xf32>,
        %gt3A_2684 = arith.cmpf ogt, %min3A_2680, %max3A_2533 : vector<8x128xf32>
        %add3A_2685 = arith.constant 1152 : i32
        %add3A_2686 = vector.broadcast %add3A_2685 : i32 to vector<8x128xi32>
        %add3A_2687 = arith.addi %iota3A, %add3A_2686 : vector<8x128xi32>
        %select_n3A_2688 = arith.select %gt3A_2684, %add3A_2687, %select_n3A_2532 : vector<8x128xi1>, vector<8x128xi32>
        %max3A_2689 = arith.maximumf %max3A_2533, %min3A_2680 : vector<8x128xf32>
        %get3A_2690 = arith.constant 0 : index
        %get3A_2691 = arith.constant 0 : index
        %get3A_2692 = arith.constant 1280 : index
        %get3A_2693 = vector.load %arg0[%get3A_2690, %get3A_2691, %get3A_2692] : memref<3x8x8192xf32, #tpu.memory_space<vmem>>, vector<1x8x128xf32>
        %get3A_2694 = vector.shape_cast %get3A_2693 : vector<1x8x128xf32> to vector<8x128xf32>
        %sub3A_2695 = vector.broadcast %broadcast_in_dim3A_2275 : vector<8x1xf32> to vector<8x128xf32>
        %sub3A_2696 = arith.subf %get3A_2694, %sub3A_2695 : vector<8x128xf32>
        %get3A_2697 = arith.constant 1 : index
        %get3A_2698 = arith.constant 0 : index
        %get3A_2699 = arith.constant 1280 : index
        %get3A_2700 = vector.load %arg0[%get3A_2697, %get3A_2698, %get3A_2699] : memref<3x8x8192xf32, #tpu.memory_space<vmem>>, vector<1x8x128xf32>
        %get3A_2701 = vector.shape_cast %get3A_2700 : vector<1x8x128xf32> to vector<8x128xf32>
        %sub3A_2702 = vector.broadcast %broadcast_in_dim3A_2281 : vector<8x1xf32> to vector<8x128xf32>
        %sub3A_2703 = arith.subf %get3A_2701, %sub3A_2702 : vector<8x128xf32>
        %get3A_2704 = arith.constant 2 : index
        %get3A_2705 = arith.constant 0 : index
        %get3A_2706 = arith.constant 1280 : index
        %get3A_2707 = vector.load %arg0[%get3A_2704, %get3A_2705, %get3A_2706] : memref<3x8x8192xf32, #tpu.memory_space<vmem>>, vector<1x8x128xf32>
        %get3A_2708 = vector.shape_cast %get3A_2707 : vector<1x8x128xf32> to vector<8x128xf32>
        %sub3A_2709 = vector.broadcast %broadcast_in_dim3A_2287 : vector<8x1xf32> to vector<8x128xf32>
        %sub3A_2710 = arith.subf %get3A_2708, %sub3A_2709 : vector<8x128xf32>
        %mul3A_2711 = arith.mulf %sub3A_2696, %sub3A_2696 : vector<8x128xf32>
        %mul3A_2712 = arith.mulf %sub3A_2710, %sub3A_2710 : vector<8x128xf32>
        %add3A_2713 = arith.addf %mul3A_2711, %mul3A_2712 : vector<8x128xf32>
        %mul3A_2714 = arith.mulf %sub3A_2703, %sub3A_2703 : vector<8x128xf32>
        %add3A_2715 = arith.addf %add3A_2713, %mul3A_2714 : vector<8x128xf32>
        %get3A_2716 = arith.constant 0 : index
        %get3A_2717 = arith.constant 1280 : index
        %get3A_2718 = vector.load %arg4[%get3A_2716, %get3A_2717] : memref<8x8192xf32, #tpu.memory_space<vmem>>, vector<8x128xf32>
        %min3A_2719 = arith.minimumf %get3A_2718, %add3A_2715 : vector<8x128xf32>
        %swap3A_2720 = arith.constant 0 : index
        %swap3A_2721 = arith.constant 1280 : index
        %swap3A_2722 = vector.load %arg4[%swap3A_2720, %swap3A_2721] : memref<8x8192xf32, #tpu.memory_space<vmem>>, vector<8x128xf32>
        tpu.vector_store %arg4[%swap3A_2720, %swap3A_2721], %min3A_2719 {strides = array<i32>} : memref<8x8192xf32, #tpu.memory_space<vmem>>, vector<8x128xf32>,
        %gt3A_2723 = arith.cmpf ogt, %min3A_2719, %max3A_2572 : vector<8x128xf32>
        %add3A_2724 = arith.constant 1280 : i32
        %add3A_2725 = vector.broadcast %add3A_2724 : i32 to vector<8x128xi32>
        %add3A_2726 = arith.addi %iota3A, %add3A_2725 : vector<8x128xi32>
        %select_n3A_2727 = arith.select %gt3A_2723, %add3A_2726, %select_n3A_2571 : vector<8x128xi1>, vector<8x128xi32>
        %max3A_2728 = arith.maximumf %max3A_2572, %min3A_2719 : vector<8x128xf32>
        %get3A_2729 = arith.constant 0 : index
        %get3A_2730 = arith.constant 0 : index
        %get3A_2731 = arith.constant 1408 : index
        %get3A_2732 = vector.load %arg0[%get3A_2729, %get3A_2730, %get3A_2731] : memref<3x8x8192xf32, #tpu.memory_space<vmem>>, vector<1x8x128xf32>
        %get3A_2733 = vector.shape_cast %get3A_2732 : vector<1x8x128xf32> to vector<8x128xf32>
        %sub3A_2734 = vector.broadcast %broadcast_in_dim3A_2275 : vector<8x1xf32> to vector<8x128xf32>
        %sub3A_2735 = arith.subf %get3A_2733, %sub3A_2734 : vector<8x128xf32>
        %get3A_2736 = arith.constant 1 : index
        %get3A_2737 = arith.constant 0 : index
        %get3A_2738 = arith.constant 1408 : index
        %get3A_2739 = vector.load %arg0[%get3A_2736, %get3A_2737, %get3A_2738] : memref<3x8x8192xf32, #tpu.memory_space<vmem>>, vector<1x8x128xf32>
        %get3A_2740 = vector.shape_cast %get3A_2739 : vector<1x8x128xf32> to vector<8x128xf32>
        %sub3A_2741 = vector.broadcast %broadcast_in_dim3A_2281 : vector<8x1xf32> to vector<8x128xf32>
        %sub3A_2742 = arith.subf %get3A_2740, %sub3A_2741 : vector<8x128xf32>
        %get3A_2743 = arith.constant 2 : index
        %get3A_2744 = arith.constant 0 : index
        %get3A_2745 = arith.constant 1408 : index
        %get3A_2746 = vector.load %arg0[%get3A_2743, %get3A_2744, %get3A_2745] : memref<3x8x8192xf32, #tpu.memory_space<vmem>>, vector<1x8x128xf32>
        %get3A_2747 = vector.shape_cast %get3A_2746 : vector<1x8x128xf32> to vector<8x128xf32>
        %sub3A_2748 = vector.broadcast %broadcast_in_dim3A_2287 : vector<8x1xf32> to vector<8x128xf32>
        %sub3A_2749 = arith.subf %get3A_2747, %sub3A_2748 : vector<8x128xf32>
        %mul3A_2750 = arith.mulf %sub3A_2735, %sub3A_2735 : vector<8x128xf32>
        %mul3A_2751 = arith.mulf %sub3A_2749, %sub3A_2749 : vector<8x128xf32>
        %add3A_2752 = arith.addf %mul3A_2750, %mul3A_2751 : vector<8x128xf32>
        %mul3A_2753 = arith.mulf %sub3A_2742, %sub3A_2742 : vector<8x128xf32>
        %add3A_2754 = arith.addf %add3A_2752, %mul3A_2753 : vector<8x128xf32>
        %get3A_2755 = arith.constant 0 : index
        %get3A_2756 = arith.constant 1408 : index
        %get3A_2757 = vector.load %arg4[%get3A_2755, %get3A_2756] : memref<8x8192xf32, #tpu.memory_space<vmem>>, vector<8x128xf32>
        %min3A_2758 = arith.minimumf %get3A_2757, %add3A_2754 : vector<8x128xf32>
        %swap3A_2759 = arith.constant 0 : index
        %swap3A_2760 = arith.constant 1408 : index
        %swap3A_2761 = vector.load %arg4[%swap3A_2759, %swap3A_2760] : memref<8x8192xf32, #tpu.memory_space<vmem>>, vector<8x128xf32>
        tpu.vector_store %arg4[%swap3A_2759, %swap3A_2760], %min3A_2758 {strides = array<i32>} : memref<8x8192xf32, #tpu.memory_space<vmem>>, vector<8x128xf32>,
        %gt3A_2762 = arith.cmpf ogt, %min3A_2758, %max3A_2611 : vector<8x128xf32>
        %add3A_2763 = arith.constant 1408 : i32
        %add3A_2764 = vector.broadcast %add3A_2763 : i32 to vector<8x128xi32>
        %add3A_2765 = arith.addi %iota3A, %add3A_2764 : vector<8x128xi32>
        %select_n3A_2766 = arith.select %gt3A_2762, %add3A_2765, %select_n3A_2610 : vector<8x128xi1>, vector<8x128xi32>
        %max3A_2767 = arith.maximumf %max3A_2611, %min3A_2758 : vector<8x128xf32>
        %get3A_2768 = arith.constant 0 : index
        %get3A_2769 = arith.constant 0 : index
        %get3A_2770 = arith.constant 1536 : index
        %get3A_2771 = vector.load %arg0[%get3A_2768, %get3A_2769, %get3A_2770] : memref<3x8x8192xf32, #tpu.memory_space<vmem>>, vector<1x8x128xf32>
        %get3A_2772 = vector.shape_cast %get3A_2771 : vector<1x8x128xf32> to vector<8x128xf32>
        %sub3A_2773 = vector.broadcast %broadcast_in_dim3A_2275 : vector<8x1xf32> to vector<8x128xf32>
        %sub3A_2774 = arith.subf %get3A_2772, %sub3A_2773 : vector<8x128xf32>
        %get3A_2775 = arith.constant 1 : index
        %get3A_2776 = arith.constant 0 : index
        %get3A_2777 = arith.constant 1536 : index
        %get3A_2778 = vector.load %arg0[%get3A_2775, %get3A_2776, %get3A_2777] : memref<3x8x8192xf32, #tpu.memory_space<vmem>>, vector<1x8x128xf32>
        %get3A_2779 = vector.shape_cast %get3A_2778 : vector<1x8x128xf32> to vector<8x128xf32>
        %sub3A_2780 = vector.broadcast %broadcast_in_dim3A_2281 : vector<8x1xf32> to vector<8x128xf32>
        %sub3A_2781 = arith.subf %get3A_2779, %sub3A_2780 : vector<8x128xf32>
        %get3A_2782 = arith.constant 2 : index
        %get3A_2783 = arith.constant 0 : index
        %get3A_2784 = arith.constant 1536 : index
        %get3A_2785 = vector.load %arg0[%get3A_2782, %get3A_2783, %get3A_2784] : memref<3x8x8192xf32, #tpu.memory_space<vmem>>, vector<1x8x128xf32>
        %get3A_2786 = vector.shape_cast %get3A_2785 : vector<1x8x128xf32> to vector<8x128xf32>
        %sub3A_2787 = vector.broadcast %broadcast_in_dim3A_2287 : vector<8x1xf32> to vector<8x128xf32>
        %sub3A_2788 = arith.subf %get3A_2786, %sub3A_2787 : vector<8x128xf32>
        %mul3A_2789 = arith.mulf %sub3A_2774, %sub3A_2774 : vector<8x128xf32>
        %mul3A_2790 = arith.mulf %sub3A_2788, %sub3A_2788 : vector<8x128xf32>
        %add3A_2791 = arith.addf %mul3A_2789, %mul3A_2790 : vector<8x128xf32>
        %mul3A_2792 = arith.mulf %sub3A_2781, %sub3A_2781 : vector<8x128xf32>
        %add3A_2793 = arith.addf %add3A_2791, %mul3A_2792 : vector<8x128xf32>
        %get3A_2794 = arith.constant 0 : index
        %get3A_2795 = arith.constant 1536 : index
        %get3A_2796 = vector.load %arg4[%get3A_2794, %get3A_2795] : memref<8x8192xf32, #tpu.memory_space<vmem>>, vector<8x128xf32>
        %min3A_2797 = arith.minimumf %get3A_2796, %add3A_2793 : vector<8x128xf32>
        %swap3A_2798 = arith.constant 0 : index
        %swap3A_2799 = arith.constant 1536 : index
        %swap3A_2800 = vector.load %arg4[%swap3A_2798, %swap3A_2799] : memref<8x8192xf32, #tpu.memory_space<vmem>>, vector<8x128xf32>
        tpu.vector_store %arg4[%swap3A_2798, %swap3A_2799], %min3A_2797 {strides = array<i32>} : memref<8x8192xf32, #tpu.memory_space<vmem>>, vector<8x128xf32>,
        %gt3A_2801 = arith.cmpf ogt, %min3A_2797, %max3A_2650 : vector<8x128xf32>
        %add3A_2802 = arith.constant 1536 : i32
        %add3A_2803 = vector.broadcast %add3A_2802 : i32 to vector<8x128xi32>
        %add3A_2804 = arith.addi %iota3A, %add3A_2803 : vector<8x128xi32>
        %select_n3A_2805 = arith.select %gt3A_2801, %add3A_2804, %select_n3A_2649 : vector<8x128xi1>, vector<8x128xi32>
        %max3A_2806 = arith.maximumf %max3A_2650, %min3A_2797 : vector<8x128xf32>
        %get3A_2807 = arith.constant 0 : index
        %get3A_2808 = arith.constant 0 : index
        %get3A_2809 = arith.constant 1664 : index
        %get3A_2810 = vector.load %arg0[%get3A_2807, %get3A_2808, %get3A_2809] : memref<3x8x8192xf32, #tpu.memory_space<vmem>>, vector<1x8x128xf32>
        %get3A_2811 = vector.shape_cast %get3A_2810 : vector<1x8x128xf32> to vector<8x128xf32>
        %sub3A_2812 = vector.broadcast %broadcast_in_dim3A_2275 : vector<8x1xf32> to vector<8x128xf32>
        %sub3A_2813 = arith.subf %get3A_2811, %sub3A_2812 : vector<8x128xf32>
        %get3A_2814 = arith.constant 1 : index
        %get3A_2815 = arith.constant 0 : index
        %get3A_2816 = arith.constant 1664 : index
        %get3A_2817 = vector.load %arg0[%get3A_2814, %get3A_2815, %get3A_2816] : memref<3x8x8192xf32, #tpu.memory_space<vmem>>, vector<1x8x128xf32>
        %get3A_2818 = vector.shape_cast %get3A_2817 : vector<1x8x128xf32> to vector<8x128xf32>
        %sub3A_2819 = vector.broadcast %broadcast_in_dim3A_2281 : vector<8x1xf32> to vector<8x128xf32>
        %sub3A_2820 = arith.subf %get3A_2818, %sub3A_2819 : vector<8x128xf32>
        %get3A_2821 = arith.constant 2 : index
        %get3A_2822 = arith.constant 0 : index
        %get3A_2823 = arith.constant 1664 : index
        %get3A_2824 = vector.load %arg0[%get3A_2821, %get3A_2822, %get3A_2823] : memref<3x8x8192xf32, #tpu.memory_space<vmem>>, vector<1x8x128xf32>
        %get3A_2825 = vector.shape_cast %get3A_2824 : vector<1x8x128xf32> to vector<8x128xf32>
        %sub3A_2826 = vector.broadcast %broadcast_in_dim3A_2287 : vector<8x1xf32> to vector<8x128xf32>
        %sub3A_2827 = arith.subf %get3A_2825, %sub3A_2826 : vector<8x128xf32>
        %mul3A_2828 = arith.mulf %sub3A_2813, %sub3A_2813 : vector<8x128xf32>
        %mul3A_2829 = arith.mulf %sub3A_2827, %sub3A_2827 : vector<8x128xf32>
        %add3A_2830 = arith.addf %mul3A_2828, %mul3A_2829 : vector<8x128xf32>
        %mul3A_2831 = arith.mulf %sub3A_2820, %sub3A_2820 : vector<8x128xf32>
        %add3A_2832 = arith.addf %add3A_2830, %mul3A_2831 : vector<8x128xf32>
        %get3A_2833 = arith.constant 0 : index
        %get3A_2834 = arith.constant 1664 : index
        %get3A_2835 = vector.load %arg4[%get3A_2833, %get3A_2834] : memref<8x8192xf32, #tpu.memory_space<vmem>>, vector<8x128xf32>
        %min3A_2836 = arith.minimumf %get3A_2835, %add3A_2832 : vector<8x128xf32>
        %swap3A_2837 = arith.constant 0 : index
        %swap3A_2838 = arith.constant 1664 : index
        %swap3A_2839 = vector.load %arg4[%swap3A_2837, %swap3A_2838] : memref<8x8192xf32, #tpu.memory_space<vmem>>, vector<8x128xf32>
        tpu.vector_store %arg4[%swap3A_2837, %swap3A_2838], %min3A_2836 {strides = array<i32>} : memref<8x8192xf32, #tpu.memory_space<vmem>>, vector<8x128xf32>,
        %gt3A_2840 = arith.cmpf ogt, %min3A_2836, %max3A_2689 : vector<8x128xf32>
        %add3A_2841 = arith.constant 1664 : i32
        %add3A_2842 = vector.broadcast %add3A_2841 : i32 to vector<8x128xi32>
        %add3A_2843 = arith.addi %iota3A, %add3A_2842 : vector<8x128xi32>
        %select_n3A_2844 = arith.select %gt3A_2840, %add3A_2843, %select_n3A_2688 : vector<8x128xi1>, vector<8x128xi32>
        %max3A_2845 = arith.maximumf %max3A_2689, %min3A_2836 : vector<8x128xf32>
        %get3A_2846 = arith.constant 0 : index
        %get3A_2847 = arith.constant 0 : index
        %get3A_2848 = arith.constant 1792 : index
        %get3A_2849 = vector.load %arg0[%get3A_2846, %get3A_2847, %get3A_2848] : memref<3x8x8192xf32, #tpu.memory_space<vmem>>, vector<1x8x128xf32>
        %get3A_2850 = vector.shape_cast %get3A_2849 : vector<1x8x128xf32> to vector<8x128xf32>
        %sub3A_2851 = vector.broadcast %broadcast_in_dim3A_2275 : vector<8x1xf32> to vector<8x128xf32>
        %sub3A_2852 = arith.subf %get3A_2850, %sub3A_2851 : vector<8x128xf32>
        %get3A_2853 = arith.constant 1 : index
        %get3A_2854 = arith.constant 0 : index
        %get3A_2855 = arith.constant 1792 : index
        %get3A_2856 = vector.load %arg0[%get3A_2853, %get3A_2854, %get3A_2855] : memref<3x8x8192xf32, #tpu.memory_space<vmem>>, vector<1x8x128xf32>
        %get3A_2857 = vector.shape_cast %get3A_2856 : vector<1x8x128xf32> to vector<8x128xf32>
        %sub3A_2858 = vector.broadcast %broadcast_in_dim3A_2281 : vector<8x1xf32> to vector<8x128xf32>
        %sub3A_2859 = arith.subf %get3A_2857, %sub3A_2858 : vector<8x128xf32>
        %get3A_2860 = arith.constant 2 : index
        %get3A_2861 = arith.constant 0 : index
        %get3A_2862 = arith.constant 1792 : index
        %get3A_2863 = vector.load %arg0[%get3A_2860, %get3A_2861, %get3A_2862] : memref<3x8x8192xf32, #tpu.memory_space<vmem>>, vector<1x8x128xf32>
        %get3A_2864 = vector.shape_cast %get3A_2863 : vector<1x8x128xf32> to vector<8x128xf32>
        %sub3A_2865 = vector.broadcast %broadcast_in_dim3A_2287 : vector<8x1xf32> to vector<8x128xf32>
        %sub3A_2866 = arith.subf %get3A_2864, %sub3A_2865 : vector<8x128xf32>
        %mul3A_2867 = arith.mulf %sub3A_2852, %sub3A_2852 : vector<8x128xf32>
        %mul3A_2868 = arith.mulf %sub3A_2866, %sub3A_2866 : vector<8x128xf32>
        %add3A_2869 = arith.addf %mul3A_2867, %mul3A_2868 : vector<8x128xf32>
        %mul3A_2870 = arith.mulf %sub3A_2859, %sub3A_2859 : vector<8x128xf32>
        %add3A_2871 = arith.addf %add3A_2869, %mul3A_2870 : vector<8x128xf32>
        %get3A_2872 = arith.constant 0 : index
        %get3A_2873 = arith.constant 1792 : index
        %get3A_2874 = vector.load %arg4[%get3A_2872, %get3A_2873] : memref<8x8192xf32, #tpu.memory_space<vmem>>, vector<8x128xf32>
        %min3A_2875 = arith.minimumf %get3A_2874, %add3A_2871 : vector<8x128xf32>
        %swap3A_2876 = arith.constant 0 : index
        %swap3A_2877 = arith.constant 1792 : index
        %swap3A_2878 = vector.load %arg4[%swap3A_2876, %swap3A_2877] : memref<8x8192xf32, #tpu.memory_space<vmem>>, vector<8x128xf32>
        tpu.vector_store %arg4[%swap3A_2876, %swap3A_2877], %min3A_2875 {strides = array<i32>} : memref<8x8192xf32, #tpu.memory_space<vmem>>, vector<8x128xf32>,
        %gt3A_2879 = arith.cmpf ogt, %min3A_2875, %max3A_2728 : vector<8x128xf32>
        %add3A_2880 = arith.constant 1792 : i32
        %add3A_2881 = vector.broadcast %add3A_2880 : i32 to vector<8x128xi32>
        %add3A_2882 = arith.addi %iota3A, %add3A_2881 : vector<8x128xi32>
        %select_n3A_2883 = arith.select %gt3A_2879, %add3A_2882, %select_n3A_2727 : vector<8x128xi1>, vector<8x128xi32>
        %max3A_2884 = arith.maximumf %max3A_2728, %min3A_2875 : vector<8x128xf32>
        %get3A_2885 = arith.constant 0 : index
        %get3A_2886 = arith.constant 0 : index
        %get3A_2887 = arith.constant 1920 : index
        %get3A_2888 = vector.load %arg0[%get3A_2885, %get3A_2886, %get3A_2887] : memref<3x8x8192xf32, #tpu.memory_space<vmem>>, vector<1x8x128xf32>
        %get3A_2889 = vector.shape_cast %get3A_2888 : vector<1x8x128xf32> to vector<8x128xf32>
        %sub3A_2890 = vector.broadcast %broadcast_in_dim3A_2275 : vector<8x1xf32> to vector<8x128xf32>
        %sub3A_2891 = arith.subf %get3A_2889, %sub3A_2890 : vector<8x128xf32>
        %get3A_2892 = arith.constant 1 : index
        %get3A_2893 = arith.constant 0 : index
        %get3A_2894 = arith.constant 1920 : index
        %get3A_2895 = vector.load %arg0[%get3A_2892, %get3A_2893, %get3A_2894] : memref<3x8x8192xf32, #tpu.memory_space<vmem>>, vector<1x8x128xf32>
        %get3A_2896 = vector.shape_cast %get3A_2895 : vector<1x8x128xf32> to vector<8x128xf32>
        %sub3A_2897 = vector.broadcast %broadcast_in_dim3A_2281 : vector<8x1xf32> to vector<8x128xf32>
        %sub3A_2898 = arith.subf %get3A_2896, %sub3A_2897 : vector<8x128xf32>
        %get3A_2899 = arith.constant 2 : index
        %get3A_2900 = arith.constant 0 : index
        %get3A_2901 = arith.constant 1920 : index
        %get3A_2902 = vector.load %arg0[%get3A_2899, %get3A_2900, %get3A_2901] : memref<3x8x8192xf32, #tpu.memory_space<vmem>>, vector<1x8x128xf32>
        %get3A_2903 = vector.shape_cast %get3A_2902 : vector<1x8x128xf32> to vector<8x128xf32>
        %sub3A_2904 = vector.broadcast %broadcast_in_dim3A_2287 : vector<8x1xf32> to vector<8x128xf32>
        %sub3A_2905 = arith.subf %get3A_2903, %sub3A_2904 : vector<8x128xf32>
        %mul3A_2906 = arith.mulf %sub3A_2891, %sub3A_2891 : vector<8x128xf32>
        %mul3A_2907 = arith.mulf %sub3A_2905, %sub3A_2905 : vector<8x128xf32>
        %add3A_2908 = arith.addf %mul3A_2906, %mul3A_2907 : vector<8x128xf32>
        %mul3A_2909 = arith.mulf %sub3A_2898, %sub3A_2898 : vector<8x128xf32>
        %add3A_2910 = arith.addf %add3A_2908, %mul3A_2909 : vector<8x128xf32>
        %get3A_2911 = arith.constant 0 : index
        %get3A_2912 = arith.constant 1920 : index
        %get3A_2913 = vector.load %arg4[%get3A_2911, %get3A_2912] : memref<8x8192xf32, #tpu.memory_space<vmem>>, vector<8x128xf32>
        %min3A_2914 = arith.minimumf %get3A_2913, %add3A_2910 : vector<8x128xf32>
        %swap3A_2915 = arith.constant 0 : index
        %swap3A_2916 = arith.constant 1920 : index
        %swap3A_2917 = vector.load %arg4[%swap3A_2915, %swap3A_2916] : memref<8x8192xf32, #tpu.memory_space<vmem>>, vector<8x128xf32>
        tpu.vector_store %arg4[%swap3A_2915, %swap3A_2916], %min3A_2914 {strides = array<i32>} : memref<8x8192xf32, #tpu.memory_space<vmem>>, vector<8x128xf32>,
        %gt3A_2918 = arith.cmpf ogt, %min3A_2914, %max3A_2767 : vector<8x128xf32>
        %add3A_2919 = arith.constant 1920 : i32
        %add3A_2920 = vector.broadcast %add3A_2919 : i32 to vector<8x128xi32>
        %add3A_2921 = arith.addi %iota3A, %add3A_2920 : vector<8x128xi32>
        %select_n3A_2922 = arith.select %gt3A_2918, %add3A_2921, %select_n3A_2766 : vector<8x128xi1>, vector<8x128xi32>
        %max3A_2923 = arith.maximumf %max3A_2767, %min3A_2914 : vector<8x128xf32>
        %get3A_2924 = arith.constant 0 : index
        %get3A_2925 = arith.constant 0 : index
        %get3A_2926 = arith.constant 2048 : index
        %get3A_2927 = vector.load %arg0[%get3A_2924, %get3A_2925, %get3A_2926] : memref<3x8x8192xf32, #tpu.memory_space<vmem>>, vector<1x8x128xf32>
        %get3A_2928 = vector.shape_cast %get3A_2927 : vector<1x8x128xf32> to vector<8x128xf32>
        %sub3A_2929 = vector.broadcast %broadcast_in_dim3A_2275 : vector<8x1xf32> to vector<8x128xf32>
        %sub3A_2930 = arith.subf %get3A_2928, %sub3A_2929 : vector<8x128xf32>
        %get3A_2931 = arith.constant 1 : index
        %get3A_2932 = arith.constant 0 : index
        %get3A_2933 = arith.constant 2048 : index
        %get3A_2934 = vector.load %arg0[%get3A_2931, %get3A_2932, %get3A_2933] : memref<3x8x8192xf32, #tpu.memory_space<vmem>>, vector<1x8x128xf32>
        %get3A_2935 = vector.shape_cast %get3A_2934 : vector<1x8x128xf32> to vector<8x128xf32>
        %sub3A_2936 = vector.broadcast %broadcast_in_dim3A_2281 : vector<8x1xf32> to vector<8x128xf32>
        %sub3A_2937 = arith.subf %get3A_2935, %sub3A_2936 : vector<8x128xf32>
        %get3A_2938 = arith.constant 2 : index
        %get3A_2939 = arith.constant 0 : index
        %get3A_2940 = arith.constant 2048 : index
        %get3A_2941 = vector.load %arg0[%get3A_2938, %get3A_2939, %get3A_2940] : memref<3x8x8192xf32, #tpu.memory_space<vmem>>, vector<1x8x128xf32>
        %get3A_2942 = vector.shape_cast %get3A_2941 : vector<1x8x128xf32> to vector<8x128xf32>
        %sub3A_2943 = vector.broadcast %broadcast_in_dim3A_2287 : vector<8x1xf32> to vector<8x128xf32>
        %sub3A_2944 = arith.subf %get3A_2942, %sub3A_2943 : vector<8x128xf32>
        %mul3A_2945 = arith.mulf %sub3A_2930, %sub3A_2930 : vector<8x128xf32>
        %mul3A_2946 = arith.mulf %sub3A_2944, %sub3A_2944 : vector<8x128xf32>
        %add3A_2947 = arith.addf %mul3A_2945, %mul3A_2946 : vector<8x128xf32>
        %mul3A_2948 = arith.mulf %sub3A_2937, %sub3A_2937 : vector<8x128xf32>
        %add3A_2949 = arith.addf %add3A_2947, %mul3A_2948 : vector<8x128xf32>
        %get3A_2950 = arith.constant 0 : index
        %get3A_2951 = arith.constant 2048 : index
        %get3A_2952 = vector.load %arg4[%get3A_2950, %get3A_2951] : memref<8x8192xf32, #tpu.memory_space<vmem>>, vector<8x128xf32>
        %min3A_2953 = arith.minimumf %get3A_2952, %add3A_2949 : vector<8x128xf32>
        %swap3A_2954 = arith.constant 0 : index
        %swap3A_2955 = arith.constant 2048 : index
        %swap3A_2956 = vector.load %arg4[%swap3A_2954, %swap3A_2955] : memref<8x8192xf32, #tpu.memory_space<vmem>>, vector<8x128xf32>
        tpu.vector_store %arg4[%swap3A_2954, %swap3A_2955], %min3A_2953 {strides = array<i32>} : memref<8x8192xf32, #tpu.memory_space<vmem>>, vector<8x128xf32>,
        %gt3A_2957 = arith.cmpf ogt, %min3A_2953, %max3A_2806 : vector<8x128xf32>
        %add3A_2958 = arith.constant 2048 : i32
        %add3A_2959 = vector.broadcast %add3A_2958 : i32 to vector<8x128xi32>
        %add3A_2960 = arith.addi %iota3A, %add3A_2959 : vector<8x128xi32>
        %select_n3A_2961 = arith.select %gt3A_2957, %add3A_2960, %select_n3A_2805 : vector<8x128xi1>, vector<8x128xi32>
        %max3A_2962 = arith.maximumf %max3A_2806, %min3A_2953 : vector<8x128xf32>
        %get3A_2963 = arith.constant 0 : index
        %get3A_2964 = arith.constant 0 : index
        %get3A_2965 = arith.constant 2176 : index
        %get3A_2966 = vector.load %arg0[%get3A_2963, %get3A_2964, %get3A_2965] : memref<3x8x8192xf32, #tpu.memory_space<vmem>>, vector<1x8x128xf32>
        %get3A_2967 = vector.shape_cast %get3A_2966 : vector<1x8x128xf32> to vector<8x128xf32>
        %sub3A_2968 = vector.broadcast %broadcast_in_dim3A_2275 : vector<8x1xf32> to vector<8x128xf32>
        %sub3A_2969 = arith.subf %get3A_2967, %sub3A_2968 : vector<8x128xf32>
        %get3A_2970 = arith.constant 1 : index
        %get3A_2971 = arith.constant 0 : index
        %get3A_2972 = arith.constant 2176 : index
        %get3A_2973 = vector.load %arg0[%get3A_2970, %get3A_2971, %get3A_2972] : memref<3x8x8192xf32, #tpu.memory_space<vmem>>, vector<1x8x128xf32>
        %get3A_2974 = vector.shape_cast %get3A_2973 : vector<1x8x128xf32> to vector<8x128xf32>
        %sub3A_2975 = vector.broadcast %broadcast_in_dim3A_2281 : vector<8x1xf32> to vector<8x128xf32>
        %sub3A_2976 = arith.subf %get3A_2974, %sub3A_2975 : vector<8x128xf32>
        %get3A_2977 = arith.constant 2 : index
        %get3A_2978 = arith.constant 0 : index
        %get3A_2979 = arith.constant 2176 : index
        %get3A_2980 = vector.load %arg0[%get3A_2977, %get3A_2978, %get3A_2979] : memref<3x8x8192xf32, #tpu.memory_space<vmem>>, vector<1x8x128xf32>
        %get3A_2981 = vector.shape_cast %get3A_2980 : vector<1x8x128xf32> to vector<8x128xf32>
        %sub3A_2982 = vector.broadcast %broadcast_in_dim3A_2287 : vector<8x1xf32> to vector<8x128xf32>
        %sub3A_2983 = arith.subf %get3A_2981, %sub3A_2982 : vector<8x128xf32>
        %mul3A_2984 = arith.mulf %sub3A_2969, %sub3A_2969 : vector<8x128xf32>
        %mul3A_2985 = arith.mulf %sub3A_2983, %sub3A_2983 : vector<8x128xf32>
        %add3A_2986 = arith.addf %mul3A_2984, %mul3A_2985 : vector<8x128xf32>
        %mul3A_2987 = arith.mulf %sub3A_2976, %sub3A_2976 : vector<8x128xf32>
        %add3A_2988 = arith.addf %add3A_2986, %mul3A_2987 : vector<8x128xf32>
        %get3A_2989 = arith.constant 0 : index
        %get3A_2990 = arith.constant 2176 : index
        %get3A_2991 = vector.load %arg4[%get3A_2989, %get3A_2990] : memref<8x8192xf32, #tpu.memory_space<vmem>>, vector<8x128xf32>
        %min3A_2992 = arith.minimumf %get3A_2991, %add3A_2988 : vector<8x128xf32>
        %swap3A_2993 = arith.constant 0 : index
        %swap3A_2994 = arith.constant 2176 : index
        %swap3A_2995 = vector.load %arg4[%swap3A_2993, %swap3A_2994] : memref<8x8192xf32, #tpu.memory_space<vmem>>, vector<8x128xf32>
        tpu.vector_store %arg4[%swap3A_2993, %swap3A_2994], %min3A_2992 {strides = array<i32>} : memref<8x8192xf32, #tpu.memory_space<vmem>>, vector<8x128xf32>,
        %gt3A_2996 = arith.cmpf ogt, %min3A_2992, %max3A_2845 : vector<8x128xf32>
        %add3A_2997 = arith.constant 2176 : i32
        %add3A_2998 = vector.broadcast %add3A_2997 : i32 to vector<8x128xi32>
        %add3A_2999 = arith.addi %iota3A, %add3A_2998 : vector<8x128xi32>
        %select_n3A_3000 = arith.select %gt3A_2996, %add3A_2999, %select_n3A_2844 : vector<8x128xi1>, vector<8x128xi32>
        %max3A_3001 = arith.maximumf %max3A_2845, %min3A_2992 : vector<8x128xf32>
        %get3A_3002 = arith.constant 0 : index
        %get3A_3003 = arith.constant 0 : index
        %get3A_3004 = arith.constant 2304 : index
        %get3A_3005 = vector.load %arg0[%get3A_3002, %get3A_3003, %get3A_3004] : memref<3x8x8192xf32, #tpu.memory_space<vmem>>, vector<1x8x128xf32>
        %get3A_3006 = vector.shape_cast %get3A_3005 : vector<1x8x128xf32> to vector<8x128xf32>
        %sub3A_3007 = vector.broadcast %broadcast_in_dim3A_2275 : vector<8x1xf32> to vector<8x128xf32>
        %sub3A_3008 = arith.subf %get3A_3006, %sub3A_3007 : vector<8x128xf32>
        %get3A_3009 = arith.constant 1 : index
        %get3A_3010 = arith.constant 0 : index
        %get3A_3011 = arith.constant 2304 : index
        %get3A_3012 = vector.load %arg0[%get3A_3009, %get3A_3010, %get3A_3011] : memref<3x8x8192xf32, #tpu.memory_space<vmem>>, vector<1x8x128xf32>
        %get3A_3013 = vector.shape_cast %get3A_3012 : vector<1x8x128xf32> to vector<8x128xf32>
        %sub3A_3014 = vector.broadcast %broadcast_in_dim3A_2281 : vector<8x1xf32> to vector<8x128xf32>
        %sub3A_3015 = arith.subf %get3A_3013, %sub3A_3014 : vector<8x128xf32>
        %get3A_3016 = arith.constant 2 : index
        %get3A_3017 = arith.constant 0 : index
        %get3A_3018 = arith.constant 2304 : index
        %get3A_3019 = vector.load %arg0[%get3A_3016, %get3A_3017, %get3A_3018] : memref<3x8x8192xf32, #tpu.memory_space<vmem>>, vector<1x8x128xf32>
        %get3A_3020 = vector.shape_cast %get3A_3019 : vector<1x8x128xf32> to vector<8x128xf32>
        %sub3A_3021 = vector.broadcast %broadcast_in_dim3A_2287 : vector<8x1xf32> to vector<8x128xf32>
        %sub3A_3022 = arith.subf %get3A_3020, %sub3A_3021 : vector<8x128xf32>
        %mul3A_3023 = arith.mulf %sub3A_3008, %sub3A_3008 : vector<8x128xf32>
        %mul3A_3024 = arith.mulf %sub3A_3022, %sub3A_3022 : vector<8x128xf32>
        %add3A_3025 = arith.addf %mul3A_3023, %mul3A_3024 : vector<8x128xf32>
        %mul3A_3026 = arith.mulf %sub3A_3015, %sub3A_3015 : vector<8x128xf32>
        %add3A_3027 = arith.addf %add3A_3025, %mul3A_3026 : vector<8x128xf32>
        %get3A_3028 = arith.constant 0 : index
        %get3A_3029 = arith.constant 2304 : index
        %get3A_3030 = vector.load %arg4[%get3A_3028, %get3A_3029] : memref<8x8192xf32, #tpu.memory_space<vmem>>, vector<8x128xf32>
        %min3A_3031 = arith.minimumf %get3A_3030, %add3A_3027 : vector<8x128xf32>
        %swap3A_3032 = arith.constant 0 : index
        %swap3A_3033 = arith.constant 2304 : index
        %swap3A_3034 = vector.load %arg4[%swap3A_3032, %swap3A_3033] : memref<8x8192xf32, #tpu.memory_space<vmem>>, vector<8x128xf32>
        tpu.vector_store %arg4[%swap3A_3032, %swap3A_3033], %min3A_3031 {strides = array<i32>} : memref<8x8192xf32, #tpu.memory_space<vmem>>, vector<8x128xf32>,
        %gt3A_3035 = arith.cmpf ogt, %min3A_3031, %max3A_2884 : vector<8x128xf32>
        %add3A_3036 = arith.constant 2304 : i32
        %add3A_3037 = vector.broadcast %add3A_3036 : i32 to vector<8x128xi32>
        %add3A_3038 = arith.addi %iota3A, %add3A_3037 : vector<8x128xi32>
        %select_n3A_3039 = arith.select %gt3A_3035, %add3A_3038, %select_n3A_2883 : vector<8x128xi1>, vector<8x128xi32>
        %max3A_3040 = arith.maximumf %max3A_2884, %min3A_3031 : vector<8x128xf32>
        %get3A_3041 = arith.constant 0 : index
        %get3A_3042 = arith.constant 0 : index
        %get3A_3043 = arith.constant 2432 : index
        %get3A_3044 = vector.load %arg0[%get3A_3041, %get3A_3042, %get3A_3043] : memref<3x8x8192xf32, #tpu.memory_space<vmem>>, vector<1x8x128xf32>
        %get3A_3045 = vector.shape_cast %get3A_3044 : vector<1x8x128xf32> to vector<8x128xf32>
        %sub3A_3046 = vector.broadcast %broadcast_in_dim3A_2275 : vector<8x1xf32> to vector<8x128xf32>
        %sub3A_3047 = arith.subf %get3A_3045, %sub3A_3046 : vector<8x128xf32>
        %get3A_3048 = arith.constant 1 : index
        %get3A_3049 = arith.constant 0 : index
        %get3A_3050 = arith.constant 2432 : index
        %get3A_3051 = vector.load %arg0[%get3A_3048, %get3A_3049, %get3A_3050] : memref<3x8x8192xf32, #tpu.memory_space<vmem>>, vector<1x8x128xf32>
        %get3A_3052 = vector.shape_cast %get3A_3051 : vector<1x8x128xf32> to vector<8x128xf32>
        %sub3A_3053 = vector.broadcast %broadcast_in_dim3A_2281 : vector<8x1xf32> to vector<8x128xf32>
        %sub3A_3054 = arith.subf %get3A_3052, %sub3A_3053 : vector<8x128xf32>
        %get3A_3055 = arith.constant 2 : index
        %get3A_3056 = arith.constant 0 : index
        %get3A_3057 = arith.constant 2432 : index
        %get3A_3058 = vector.load %arg0[%get3A_3055, %get3A_3056, %get3A_3057] : memref<3x8x8192xf32, #tpu.memory_space<vmem>>, vector<1x8x128xf32>
        %get3A_3059 = vector.shape_cast %get3A_3058 : vector<1x8x128xf32> to vector<8x128xf32>
        %sub3A_3060 = vector.broadcast %broadcast_in_dim3A_2287 : vector<8x1xf32> to vector<8x128xf32>
        %sub3A_3061 = arith.subf %get3A_3059, %sub3A_3060 : vector<8x128xf32>
        %mul3A_3062 = arith.mulf %sub3A_3047, %sub3A_3047 : vector<8x128xf32>
        %mul3A_3063 = arith.mulf %sub3A_3061, %sub3A_3061 : vector<8x128xf32>
        %add3A_3064 = arith.addf %mul3A_3062, %mul3A_3063 : vector<8x128xf32>
        %mul3A_3065 = arith.mulf %sub3A_3054, %sub3A_3054 : vector<8x128xf32>
        %add3A_3066 = arith.addf %add3A_3064, %mul3A_3065 : vector<8x128xf32>
        %get3A_3067 = arith.constant 0 : index
        %get3A_3068 = arith.constant 2432 : index
        %get3A_3069 = vector.load %arg4[%get3A_3067, %get3A_3068] : memref<8x8192xf32, #tpu.memory_space<vmem>>, vector<8x128xf32>
        %min3A_3070 = arith.minimumf %get3A_3069, %add3A_3066 : vector<8x128xf32>
        %swap3A_3071 = arith.constant 0 : index
        %swap3A_3072 = arith.constant 2432 : index
        %swap3A_3073 = vector.load %arg4[%swap3A_3071, %swap3A_3072] : memref<8x8192xf32, #tpu.memory_space<vmem>>, vector<8x128xf32>
        tpu.vector_store %arg4[%swap3A_3071, %swap3A_3072], %min3A_3070 {strides = array<i32>} : memref<8x8192xf32, #tpu.memory_space<vmem>>, vector<8x128xf32>,
        %gt3A_3074 = arith.cmpf ogt, %min3A_3070, %max3A_2923 : vector<8x128xf32>
        %add3A_3075 = arith.constant 2432 : i32
        %add3A_3076 = vector.broadcast %add3A_3075 : i32 to vector<8x128xi32>
        %add3A_3077 = arith.addi %iota3A, %add3A_3076 : vector<8x128xi32>
        %select_n3A_3078 = arith.select %gt3A_3074, %add3A_3077, %select_n3A_2922 : vector<8x128xi1>, vector<8x128xi32>
        %max3A_3079 = arith.maximumf %max3A_2923, %min3A_3070 : vector<8x128xf32>
        %get3A_3080 = arith.constant 0 : index
        %get3A_3081 = arith.constant 0 : index
        %get3A_3082 = arith.constant 2560 : index
        %get3A_3083 = vector.load %arg0[%get3A_3080, %get3A_3081, %get3A_3082] : memref<3x8x8192xf32, #tpu.memory_space<vmem>>, vector<1x8x128xf32>
        %get3A_3084 = vector.shape_cast %get3A_3083 : vector<1x8x128xf32> to vector<8x128xf32>
        %sub3A_3085 = vector.broadcast %broadcast_in_dim3A_2275 : vector<8x1xf32> to vector<8x128xf32>
        %sub3A_3086 = arith.subf %get3A_3084, %sub3A_3085 : vector<8x128xf32>
        %get3A_3087 = arith.constant 1 : index
        %get3A_3088 = arith.constant 0 : index
        %get3A_3089 = arith.constant 2560 : index
        %get3A_3090 = vector.load %arg0[%get3A_3087, %get3A_3088, %get3A_3089] : memref<3x8x8192xf32, #tpu.memory_space<vmem>>, vector<1x8x128xf32>
        %get3A_3091 = vector.shape_cast %get3A_3090 : vector<1x8x128xf32> to vector<8x128xf32>
        %sub3A_3092 = vector.broadcast %broadcast_in_dim3A_2281 : vector<8x1xf32> to vector<8x128xf32>
        %sub3A_3093 = arith.subf %get3A_3091, %sub3A_3092 : vector<8x128xf32>
        %get3A_3094 = arith.constant 2 : index
        %get3A_3095 = arith.constant 0 : index
        %get3A_3096 = arith.constant 2560 : index
        %get3A_3097 = vector.load %arg0[%get3A_3094, %get3A_3095, %get3A_3096] : memref<3x8x8192xf32, #tpu.memory_space<vmem>>, vector<1x8x128xf32>
        %get3A_3098 = vector.shape_cast %get3A_3097 : vector<1x8x128xf32> to vector<8x128xf32>
        %sub3A_3099 = vector.broadcast %broadcast_in_dim3A_2287 : vector<8x1xf32> to vector<8x128xf32>
        %sub3A_3100 = arith.subf %get3A_3098, %sub3A_3099 : vector<8x128xf32>
        %mul3A_3101 = arith.mulf %sub3A_3086, %sub3A_3086 : vector<8x128xf32>
        %mul3A_3102 = arith.mulf %sub3A_3100, %sub3A_3100 : vector<8x128xf32>
        %add3A_3103 = arith.addf %mul3A_3101, %mul3A_3102 : vector<8x128xf32>
        %mul3A_3104 = arith.mulf %sub3A_3093, %sub3A_3093 : vector<8x128xf32>
        %add3A_3105 = arith.addf %add3A_3103, %mul3A_3104 : vector<8x128xf32>
        %get3A_3106 = arith.constant 0 : index
        %get3A_3107 = arith.constant 2560 : index
        %get3A_3108 = vector.load %arg4[%get3A_3106, %get3A_3107] : memref<8x8192xf32, #tpu.memory_space<vmem>>, vector<8x128xf32>
        %min3A_3109 = arith.minimumf %get3A_3108, %add3A_3105 : vector<8x128xf32>
        %swap3A_3110 = arith.constant 0 : index
        %swap3A_3111 = arith.constant 2560 : index
        %swap3A_3112 = vector.load %arg4[%swap3A_3110, %swap3A_3111] : memref<8x8192xf32, #tpu.memory_space<vmem>>, vector<8x128xf32>
        tpu.vector_store %arg4[%swap3A_3110, %swap3A_3111], %min3A_3109 {strides = array<i32>} : memref<8x8192xf32, #tpu.memory_space<vmem>>, vector<8x128xf32>,
        %gt3A_3113 = arith.cmpf ogt, %min3A_3109, %max3A_2962 : vector<8x128xf32>
        %add3A_3114 = arith.constant 2560 : i32
        %add3A_3115 = vector.broadcast %add3A_3114 : i32 to vector<8x128xi32>
        %add3A_3116 = arith.addi %iota3A, %add3A_3115 : vector<8x128xi32>
        %select_n3A_3117 = arith.select %gt3A_3113, %add3A_3116, %select_n3A_2961 : vector<8x128xi1>, vector<8x128xi32>
        %max3A_3118 = arith.maximumf %max3A_2962, %min3A_3109 : vector<8x128xf32>
        %get3A_3119 = arith.constant 0 : index
        %get3A_3120 = arith.constant 0 : index
        %get3A_3121 = arith.constant 2688 : index
        %get3A_3122 = vector.load %arg0[%get3A_3119, %get3A_3120, %get3A_3121] : memref<3x8x8192xf32, #tpu.memory_space<vmem>>, vector<1x8x128xf32>
        %get3A_3123 = vector.shape_cast %get3A_3122 : vector<1x8x128xf32> to vector<8x128xf32>
        %sub3A_3124 = vector.broadcast %broadcast_in_dim3A_2275 : vector<8x1xf32> to vector<8x128xf32>
        %sub3A_3125 = arith.subf %get3A_3123, %sub3A_3124 : vector<8x128xf32>
        %get3A_3126 = arith.constant 1 : index
        %get3A_3127 = arith.constant 0 : index
        %get3A_3128 = arith.constant 2688 : index
        %get3A_3129 = vector.load %arg0[%get3A_3126, %get3A_3127, %get3A_3128] : memref<3x8x8192xf32, #tpu.memory_space<vmem>>, vector<1x8x128xf32>
        %get3A_3130 = vector.shape_cast %get3A_3129 : vector<1x8x128xf32> to vector<8x128xf32>
        %sub3A_3131 = vector.broadcast %broadcast_in_dim3A_2281 : vector<8x1xf32> to vector<8x128xf32>
        %sub3A_3132 = arith.subf %get3A_3130, %sub3A_3131 : vector<8x128xf32>
        %get3A_3133 = arith.constant 2 : index
        %get3A_3134 = arith.constant 0 : index
        %get3A_3135 = arith.constant 2688 : index
        %get3A_3136 = vector.load %arg0[%get3A_3133, %get3A_3134, %get3A_3135] : memref<3x8x8192xf32, #tpu.memory_space<vmem>>, vector<1x8x128xf32>
        %get3A_3137 = vector.shape_cast %get3A_3136 : vector<1x8x128xf32> to vector<8x128xf32>
        %sub3A_3138 = vector.broadcast %broadcast_in_dim3A_2287 : vector<8x1xf32> to vector<8x128xf32>
        %sub3A_3139 = arith.subf %get3A_3137, %sub3A_3138 : vector<8x128xf32>
        %mul3A_3140 = arith.mulf %sub3A_3125, %sub3A_3125 : vector<8x128xf32>
        %mul3A_3141 = arith.mulf %sub3A_3139, %sub3A_3139 : vector<8x128xf32>
        %add3A_3142 = arith.addf %mul3A_3140, %mul3A_3141 : vector<8x128xf32>
        %mul3A_3143 = arith.mulf %sub3A_3132, %sub3A_3132 : vector<8x128xf32>
        %add3A_3144 = arith.addf %add3A_3142, %mul3A_3143 : vector<8x128xf32>
        %get3A_3145 = arith.constant 0 : index
        %get3A_3146 = arith.constant 2688 : index
        %get3A_3147 = vector.load %arg4[%get3A_3145, %get3A_3146] : memref<8x8192xf32, #tpu.memory_space<vmem>>, vector<8x128xf32>
        %min3A_3148 = arith.minimumf %get3A_3147, %add3A_3144 : vector<8x128xf32>
        %swap3A_3149 = arith.constant 0 : index
        %swap3A_3150 = arith.constant 2688 : index
        %swap3A_3151 = vector.load %arg4[%swap3A_3149, %swap3A_3150] : memref<8x8192xf32, #tpu.memory_space<vmem>>, vector<8x128xf32>
        tpu.vector_store %arg4[%swap3A_3149, %swap3A_3150], %min3A_3148 {strides = array<i32>} : memref<8x8192xf32, #tpu.memory_space<vmem>>, vector<8x128xf32>,
        %gt3A_3152 = arith.cmpf ogt, %min3A_3148, %max3A_3001 : vector<8x128xf32>
        %add3A_3153 = arith.constant 2688 : i32
        %add3A_3154 = vector.broadcast %add3A_3153 : i32 to vector<8x128xi32>
        %add3A_3155 = arith.addi %iota3A, %add3A_3154 : vector<8x128xi32>
        %select_n3A_3156 = arith.select %gt3A_3152, %add3A_3155, %select_n3A_3000 : vector<8x128xi1>, vector<8x128xi32>
        %max3A_3157 = arith.maximumf %max3A_3001, %min3A_3148 : vector<8x128xf32>
        %get3A_3158 = arith.constant 0 : index
        %get3A_3159 = arith.constant 0 : index
        %get3A_3160 = arith.constant 2816 : index
        %get3A_3161 = vector.load %arg0[%get3A_3158, %get3A_3159, %get3A_3160] : memref<3x8x8192xf32, #tpu.memory_space<vmem>>, vector<1x8x128xf32>
        %get3A_3162 = vector.shape_cast %get3A_3161 : vector<1x8x128xf32> to vector<8x128xf32>
        %sub3A_3163 = vector.broadcast %broadcast_in_dim3A_2275 : vector<8x1xf32> to vector<8x128xf32>
        %sub3A_3164 = arith.subf %get3A_3162, %sub3A_3163 : vector<8x128xf32>
        %get3A_3165 = arith.constant 1 : index
        %get3A_3166 = arith.constant 0 : index
        %get3A_3167 = arith.constant 2816 : index
        %get3A_3168 = vector.load %arg0[%get3A_3165, %get3A_3166, %get3A_3167] : memref<3x8x8192xf32, #tpu.memory_space<vmem>>, vector<1x8x128xf32>
        %get3A_3169 = vector.shape_cast %get3A_3168 : vector<1x8x128xf32> to vector<8x128xf32>
        %sub3A_3170 = vector.broadcast %broadcast_in_dim3A_2281 : vector<8x1xf32> to vector<8x128xf32>
        %sub3A_3171 = arith.subf %get3A_3169, %sub3A_3170 : vector<8x128xf32>
        %get3A_3172 = arith.constant 2 : index
        %get3A_3173 = arith.constant 0 : index
        %get3A_3174 = arith.constant 2816 : index
        %get3A_3175 = vector.load %arg0[%get3A_3172, %get3A_3173, %get3A_3174] : memref<3x8x8192xf32, #tpu.memory_space<vmem>>, vector<1x8x128xf32>
        %get3A_3176 = vector.shape_cast %get3A_3175 : vector<1x8x128xf32> to vector<8x128xf32>
        %sub3A_3177 = vector.broadcast %broadcast_in_dim3A_2287 : vector<8x1xf32> to vector<8x128xf32>
        %sub3A_3178 = arith.subf %get3A_3176, %sub3A_3177 : vector<8x128xf32>
        %mul3A_3179 = arith.mulf %sub3A_3164, %sub3A_3164 : vector<8x128xf32>
        %mul3A_3180 = arith.mulf %sub3A_3178, %sub3A_3178 : vector<8x128xf32>
        %add3A_3181 = arith.addf %mul3A_3179, %mul3A_3180 : vector<8x128xf32>
        %mul3A_3182 = arith.mulf %sub3A_3171, %sub3A_3171 : vector<8x128xf32>
        %add3A_3183 = arith.addf %add3A_3181, %mul3A_3182 : vector<8x128xf32>
        %get3A_3184 = arith.constant 0 : index
        %get3A_3185 = arith.constant 2816 : index
        %get3A_3186 = vector.load %arg4[%get3A_3184, %get3A_3185] : memref<8x8192xf32, #tpu.memory_space<vmem>>, vector<8x128xf32>
        %min3A_3187 = arith.minimumf %get3A_3186, %add3A_3183 : vector<8x128xf32>
        %swap3A_3188 = arith.constant 0 : index
        %swap3A_3189 = arith.constant 2816 : index
        %swap3A_3190 = vector.load %arg4[%swap3A_3188, %swap3A_3189] : memref<8x8192xf32, #tpu.memory_space<vmem>>, vector<8x128xf32>
        tpu.vector_store %arg4[%swap3A_3188, %swap3A_3189], %min3A_3187 {strides = array<i32>} : memref<8x8192xf32, #tpu.memory_space<vmem>>, vector<8x128xf32>,
        %gt3A_3191 = arith.cmpf ogt, %min3A_3187, %max3A_3040 : vector<8x128xf32>
        %add3A_3192 = arith.constant 2816 : i32
        %add3A_3193 = vector.broadcast %add3A_3192 : i32 to vector<8x128xi32>
        %add3A_3194 = arith.addi %iota3A, %add3A_3193 : vector<8x128xi32>
        %select_n3A_3195 = arith.select %gt3A_3191, %add3A_3194, %select_n3A_3039 : vector<8x128xi1>, vector<8x128xi32>
        %max3A_3196 = arith.maximumf %max3A_3040, %min3A_3187 : vector<8x128xf32>
        %get3A_3197 = arith.constant 0 : index
        %get3A_3198 = arith.constant 0 : index
        %get3A_3199 = arith.constant 2944 : index
        %get3A_3200 = vector.load %arg0[%get3A_3197, %get3A_3198, %get3A_3199] : memref<3x8x8192xf32, #tpu.memory_space<vmem>>, vector<1x8x128xf32>
        %get3A_3201 = vector.shape_cast %get3A_3200 : vector<1x8x128xf32> to vector<8x128xf32>
        %sub3A_3202 = vector.broadcast %broadcast_in_dim3A_2275 : vector<8x1xf32> to vector<8x128xf32>
        %sub3A_3203 = arith.subf %get3A_3201, %sub3A_3202 : vector<8x128xf32>
        %get3A_3204 = arith.constant 1 : index
        %get3A_3205 = arith.constant 0 : index
        %get3A_3206 = arith.constant 2944 : index
        %get3A_3207 = vector.load %arg0[%get3A_3204, %get3A_3205, %get3A_3206] : memref<3x8x8192xf32, #tpu.memory_space<vmem>>, vector<1x8x128xf32>
        %get3A_3208 = vector.shape_cast %get3A_3207 : vector<1x8x128xf32> to vector<8x128xf32>
        %sub3A_3209 = vector.broadcast %broadcast_in_dim3A_2281 : vector<8x1xf32> to vector<8x128xf32>
        %sub3A_3210 = arith.subf %get3A_3208, %sub3A_3209 : vector<8x128xf32>
        %get3A_3211 = arith.constant 2 : index
        %get3A_3212 = arith.constant 0 : index
        %get3A_3213 = arith.constant 2944 : index
        %get3A_3214 = vector.load %arg0[%get3A_3211, %get3A_3212, %get3A_3213] : memref<3x8x8192xf32, #tpu.memory_space<vmem>>, vector<1x8x128xf32>
        %get3A_3215 = vector.shape_cast %get3A_3214 : vector<1x8x128xf32> to vector<8x128xf32>
        %sub3A_3216 = vector.broadcast %broadcast_in_dim3A_2287 : vector<8x1xf32> to vector<8x128xf32>
        %sub3A_3217 = arith.subf %get3A_3215, %sub3A_3216 : vector<8x128xf32>
        %mul3A_3218 = arith.mulf %sub3A_3203, %sub3A_3203 : vector<8x128xf32>
        %mul3A_3219 = arith.mulf %sub3A_3217, %sub3A_3217 : vector<8x128xf32>
        %add3A_3220 = arith.addf %mul3A_3218, %mul3A_3219 : vector<8x128xf32>
        %mul3A_3221 = arith.mulf %sub3A_3210, %sub3A_3210 : vector<8x128xf32>
        %add3A_3222 = arith.addf %add3A_3220, %mul3A_3221 : vector<8x128xf32>
        %get3A_3223 = arith.constant 0 : index
        %get3A_3224 = arith.constant 2944 : index
        %get3A_3225 = vector.load %arg4[%get3A_3223, %get3A_3224] : memref<8x8192xf32, #tpu.memory_space<vmem>>, vector<8x128xf32>
        %min3A_3226 = arith.minimumf %get3A_3225, %add3A_3222 : vector<8x128xf32>
        %swap3A_3227 = arith.constant 0 : index
        %swap3A_3228 = arith.constant 2944 : index
        %swap3A_3229 = vector.load %arg4[%swap3A_3227, %swap3A_3228] : memref<8x8192xf32, #tpu.memory_space<vmem>>, vector<8x128xf32>
        tpu.vector_store %arg4[%swap3A_3227, %swap3A_3228], %min3A_3226 {strides = array<i32>} : memref<8x8192xf32, #tpu.memory_space<vmem>>, vector<8x128xf32>,
        %gt3A_3230 = arith.cmpf ogt, %min3A_3226, %max3A_3079 : vector<8x128xf32>
        %add3A_3231 = arith.constant 2944 : i32
        %add3A_3232 = vector.broadcast %add3A_3231 : i32 to vector<8x128xi32>
        %add3A_3233 = arith.addi %iota3A, %add3A_3232 : vector<8x128xi32>
        %select_n3A_3234 = arith.select %gt3A_3230, %add3A_3233, %select_n3A_3078 : vector<8x128xi1>, vector<8x128xi32>
        %max3A_3235 = arith.maximumf %max3A_3079, %min3A_3226 : vector<8x128xf32>
        %get3A_3236 = arith.constant 0 : index
        %get3A_3237 = arith.constant 0 : index
        %get3A_3238 = arith.constant 3072 : index
        %get3A_3239 = vector.load %arg0[%get3A_3236, %get3A_3237, %get3A_3238] : memref<3x8x8192xf32, #tpu.memory_space<vmem>>, vector<1x8x128xf32>
        %get3A_3240 = vector.shape_cast %get3A_3239 : vector<1x8x128xf32> to vector<8x128xf32>
        %sub3A_3241 = vector.broadcast %broadcast_in_dim3A_2275 : vector<8x1xf32> to vector<8x128xf32>
        %sub3A_3242 = arith.subf %get3A_3240, %sub3A_3241 : vector<8x128xf32>
        %get3A_3243 = arith.constant 1 : index
        %get3A_3244 = arith.constant 0 : index
        %get3A_3245 = arith.constant 3072 : index
        %get3A_3246 = vector.load %arg0[%get3A_3243, %get3A_3244, %get3A_3245] : memref<3x8x8192xf32, #tpu.memory_space<vmem>>, vector<1x8x128xf32>
        %get3A_3247 = vector.shape_cast %get3A_3246 : vector<1x8x128xf32> to vector<8x128xf32>
        %sub3A_3248 = vector.broadcast %broadcast_in_dim3A_2281 : vector<8x1xf32> to vector<8x128xf32>
        %sub3A_3249 = arith.subf %get3A_3247, %sub3A_3248 : vector<8x128xf32>
        %get3A_3250 = arith.constant 2 : index
        %get3A_3251 = arith.constant 0 : index
        %get3A_3252 = arith.constant 3072 : index
        %get3A_3253 = vector.load %arg0[%get3A_3250, %get3A_3251, %get3A_3252] : memref<3x8x8192xf32, #tpu.memory_space<vmem>>, vector<1x8x128xf32>
        %get3A_3254 = vector.shape_cast %get3A_3253 : vector<1x8x128xf32> to vector<8x128xf32>
        %sub3A_3255 = vector.broadcast %broadcast_in_dim3A_2287 : vector<8x1xf32> to vector<8x128xf32>
        %sub3A_3256 = arith.subf %get3A_3254, %sub3A_3255 : vector<8x128xf32>
        %mul3A_3257 = arith.mulf %sub3A_3242, %sub3A_3242 : vector<8x128xf32>
        %mul3A_3258 = arith.mulf %sub3A_3256, %sub3A_3256 : vector<8x128xf32>
        %add3A_3259 = arith.addf %mul3A_3257, %mul3A_3258 : vector<8x128xf32>
        %mul3A_3260 = arith.mulf %sub3A_3249, %sub3A_3249 : vector<8x128xf32>
        %add3A_3261 = arith.addf %add3A_3259, %mul3A_3260 : vector<8x128xf32>
        %get3A_3262 = arith.constant 0 : index
        %get3A_3263 = arith.constant 3072 : index
        %get3A_3264 = vector.load %arg4[%get3A_3262, %get3A_3263] : memref<8x8192xf32, #tpu.memory_space<vmem>>, vector<8x128xf32>
        %min3A_3265 = arith.minimumf %get3A_3264, %add3A_3261 : vector<8x128xf32>
        %swap3A_3266 = arith.constant 0 : index
        %swap3A_3267 = arith.constant 3072 : index
        %swap3A_3268 = vector.load %arg4[%swap3A_3266, %swap3A_3267] : memref<8x8192xf32, #tpu.memory_space<vmem>>, vector<8x128xf32>
        tpu.vector_store %arg4[%swap3A_3266, %swap3A_3267], %min3A_3265 {strides = array<i32>} : memref<8x8192xf32, #tpu.memory_space<vmem>>, vector<8x128xf32>,
        %gt3A_3269 = arith.cmpf ogt, %min3A_3265, %max3A_3118 : vector<8x128xf32>
        %add3A_3270 = arith.constant 3072 : i32
        %add3A_3271 = vector.broadcast %add3A_3270 : i32 to vector<8x128xi32>
        %add3A_3272 = arith.addi %iota3A, %add3A_3271 : vector<8x128xi32>
        %select_n3A_3273 = arith.select %gt3A_3269, %add3A_3272, %select_n3A_3117 : vector<8x128xi1>, vector<8x128xi32>
        %max3A_3274 = arith.maximumf %max3A_3118, %min3A_3265 : vector<8x128xf32>
        %get3A_3275 = arith.constant 0 : index
        %get3A_3276 = arith.constant 0 : index
        %get3A_3277 = arith.constant 3200 : index
        %get3A_3278 = vector.load %arg0[%get3A_3275, %get3A_3276, %get3A_3277] : memref<3x8x8192xf32, #tpu.memory_space<vmem>>, vector<1x8x128xf32>
        %get3A_3279 = vector.shape_cast %get3A_3278 : vector<1x8x128xf32> to vector<8x128xf32>
        %sub3A_3280 = vector.broadcast %broadcast_in_dim3A_2275 : vector<8x1xf32> to vector<8x128xf32>
        %sub3A_3281 = arith.subf %get3A_3279, %sub3A_3280 : vector<8x128xf32>
        %get3A_3282 = arith.constant 1 : index
        %get3A_3283 = arith.constant 0 : index
        %get3A_3284 = arith.constant 3200 : index
        %get3A_3285 = vector.load %arg0[%get3A_3282, %get3A_3283, %get3A_3284] : memref<3x8x8192xf32, #tpu.memory_space<vmem>>, vector<1x8x128xf32>
        %get3A_3286 = vector.shape_cast %get3A_3285 : vector<1x8x128xf32> to vector<8x128xf32>
        %sub3A_3287 = vector.broadcast %broadcast_in_dim3A_2281 : vector<8x1xf32> to vector<8x128xf32>
        %sub3A_3288 = arith.subf %get3A_3286, %sub3A_3287 : vector<8x128xf32>
        %get3A_3289 = arith.constant 2 : index
        %get3A_3290 = arith.constant 0 : index
        %get3A_3291 = arith.constant 3200 : index
        %get3A_3292 = vector.load %arg0[%get3A_3289, %get3A_3290, %get3A_3291] : memref<3x8x8192xf32, #tpu.memory_space<vmem>>, vector<1x8x128xf32>
        %get3A_3293 = vector.shape_cast %get3A_3292 : vector<1x8x128xf32> to vector<8x128xf32>
        %sub3A_3294 = vector.broadcast %broadcast_in_dim3A_2287 : vector<8x1xf32> to vector<8x128xf32>
        %sub3A_3295 = arith.subf %get3A_3293, %sub3A_3294 : vector<8x128xf32>
        %mul3A_3296 = arith.mulf %sub3A_3281, %sub3A_3281 : vector<8x128xf32>
        %mul3A_3297 = arith.mulf %sub3A_3295, %sub3A_3295 : vector<8x128xf32>
        %add3A_3298 = arith.addf %mul3A_3296, %mul3A_3297 : vector<8x128xf32>
        %mul3A_3299 = arith.mulf %sub3A_3288, %sub3A_3288 : vector<8x128xf32>
        %add3A_3300 = arith.addf %add3A_3298, %mul3A_3299 : vector<8x128xf32>
        %get3A_3301 = arith.constant 0 : index
        %get3A_3302 = arith.constant 3200 : index
        %get3A_3303 = vector.load %arg4[%get3A_3301, %get3A_3302] : memref<8x8192xf32, #tpu.memory_space<vmem>>, vector<8x128xf32>
        %min3A_3304 = arith.minimumf %get3A_3303, %add3A_3300 : vector<8x128xf32>
        %swap3A_3305 = arith.constant 0 : index
        %swap3A_3306 = arith.constant 3200 : index
        %swap3A_3307 = vector.load %arg4[%swap3A_3305, %swap3A_3306] : memref<8x8192xf32, #tpu.memory_space<vmem>>, vector<8x128xf32>
        tpu.vector_store %arg4[%swap3A_3305, %swap3A_3306], %min3A_3304 {strides = array<i32>} : memref<8x8192xf32, #tpu.memory_space<vmem>>, vector<8x128xf32>,
        %gt3A_3308 = arith.cmpf ogt, %min3A_3304, %max3A_3157 : vector<8x128xf32>
        %add3A_3309 = arith.constant 3200 : i32
        %add3A_3310 = vector.broadcast %add3A_3309 : i32 to vector<8x128xi32>
        %add3A_3311 = arith.addi %iota3A, %add3A_3310 : vector<8x128xi32>
        %select_n3A_3312 = arith.select %gt3A_3308, %add3A_3311, %select_n3A_3156 : vector<8x128xi1>, vector<8x128xi32>
        %max3A_3313 = arith.maximumf %max3A_3157, %min3A_3304 : vector<8x128xf32>
        %get3A_3314 = arith.constant 0 : index
        %get3A_3315 = arith.constant 0 : index
        %get3A_3316 = arith.constant 3328 : index
        %get3A_3317 = vector.load %arg0[%get3A_3314, %get3A_3315, %get3A_3316] : memref<3x8x8192xf32, #tpu.memory_space<vmem>>, vector<1x8x128xf32>
        %get3A_3318 = vector.shape_cast %get3A_3317 : vector<1x8x128xf32> to vector<8x128xf32>
        %sub3A_3319 = vector.broadcast %broadcast_in_dim3A_2275 : vector<8x1xf32> to vector<8x128xf32>
        %sub3A_3320 = arith.subf %get3A_3318, %sub3A_3319 : vector<8x128xf32>
        %get3A_3321 = arith.constant 1 : index
        %get3A_3322 = arith.constant 0 : index
        %get3A_3323 = arith.constant 3328 : index
        %get3A_3324 = vector.load %arg0[%get3A_3321, %get3A_3322, %get3A_3323] : memref<3x8x8192xf32, #tpu.memory_space<vmem>>, vector<1x8x128xf32>
        %get3A_3325 = vector.shape_cast %get3A_3324 : vector<1x8x128xf32> to vector<8x128xf32>
        %sub3A_3326 = vector.broadcast %broadcast_in_dim3A_2281 : vector<8x1xf32> to vector<8x128xf32>
        %sub3A_3327 = arith.subf %get3A_3325, %sub3A_3326 : vector<8x128xf32>
        %get3A_3328 = arith.constant 2 : index
        %get3A_3329 = arith.constant 0 : index
        %get3A_3330 = arith.constant 3328 : index
        %get3A_3331 = vector.load %arg0[%get3A_3328, %get3A_3329, %get3A_3330] : memref<3x8x8192xf32, #tpu.memory_space<vmem>>, vector<1x8x128xf32>
        %get3A_3332 = vector.shape_cast %get3A_3331 : vector<1x8x128xf32> to vector<8x128xf32>
        %sub3A_3333 = vector.broadcast %broadcast_in_dim3A_2287 : vector<8x1xf32> to vector<8x128xf32>
        %sub3A_3334 = arith.subf %get3A_3332, %sub3A_3333 : vector<8x128xf32>
        %mul3A_3335 = arith.mulf %sub3A_3320, %sub3A_3320 : vector<8x128xf32>
        %mul3A_3336 = arith.mulf %sub3A_3334, %sub3A_3334 : vector<8x128xf32>
        %add3A_3337 = arith.addf %mul3A_3335, %mul3A_3336 : vector<8x128xf32>
        %mul3A_3338 = arith.mulf %sub3A_3327, %sub3A_3327 : vector<8x128xf32>
        %add3A_3339 = arith.addf %add3A_3337, %mul3A_3338 : vector<8x128xf32>
        %get3A_3340 = arith.constant 0 : index
        %get3A_3341 = arith.constant 3328 : index
        %get3A_3342 = vector.load %arg4[%get3A_3340, %get3A_3341] : memref<8x8192xf32, #tpu.memory_space<vmem>>, vector<8x128xf32>
        %min3A_3343 = arith.minimumf %get3A_3342, %add3A_3339 : vector<8x128xf32>
        %swap3A_3344 = arith.constant 0 : index
        %swap3A_3345 = arith.constant 3328 : index
        %swap3A_3346 = vector.load %arg4[%swap3A_3344, %swap3A_3345] : memref<8x8192xf32, #tpu.memory_space<vmem>>, vector<8x128xf32>
        tpu.vector_store %arg4[%swap3A_3344, %swap3A_3345], %min3A_3343 {strides = array<i32>} : memref<8x8192xf32, #tpu.memory_space<vmem>>, vector<8x128xf32>,
        %gt3A_3347 = arith.cmpf ogt, %min3A_3343, %max3A_3196 : vector<8x128xf32>
        %add3A_3348 = arith.constant 3328 : i32
        %add3A_3349 = vector.broadcast %add3A_3348 : i32 to vector<8x128xi32>
        %add3A_3350 = arith.addi %iota3A, %add3A_3349 : vector<8x128xi32>
        %select_n3A_3351 = arith.select %gt3A_3347, %add3A_3350, %select_n3A_3195 : vector<8x128xi1>, vector<8x128xi32>
        %max3A_3352 = arith.maximumf %max3A_3196, %min3A_3343 : vector<8x128xf32>
        %get3A_3353 = arith.constant 0 : index
        %get3A_3354 = arith.constant 0 : index
        %get3A_3355 = arith.constant 3456 : index
        %get3A_3356 = vector.load %arg0[%get3A_3353, %get3A_3354, %get3A_3355] : memref<3x8x8192xf32, #tpu.memory_space<vmem>>, vector<1x8x128xf32>
        %get3A_3357 = vector.shape_cast %get3A_3356 : vector<1x8x128xf32> to vector<8x128xf32>
        %sub3A_3358 = vector.broadcast %broadcast_in_dim3A_2275 : vector<8x1xf32> to vector<8x128xf32>
        %sub3A_3359 = arith.subf %get3A_3357, %sub3A_3358 : vector<8x128xf32>
        %get3A_3360 = arith.constant 1 : index
        %get3A_3361 = arith.constant 0 : index
        %get3A_3362 = arith.constant 3456 : index
        %get3A_3363 = vector.load %arg0[%get3A_3360, %get3A_3361, %get3A_3362] : memref<3x8x8192xf32, #tpu.memory_space<vmem>>, vector<1x8x128xf32>
        %get3A_3364 = vector.shape_cast %get3A_3363 : vector<1x8x128xf32> to vector<8x128xf32>
        %sub3A_3365 = vector.broadcast %broadcast_in_dim3A_2281 : vector<8x1xf32> to vector<8x128xf32>
        %sub3A_3366 = arith.subf %get3A_3364, %sub3A_3365 : vector<8x128xf32>
        %get3A_3367 = arith.constant 2 : index
        %get3A_3368 = arith.constant 0 : index
        %get3A_3369 = arith.constant 3456 : index
        %get3A_3370 = vector.load %arg0[%get3A_3367, %get3A_3368, %get3A_3369] : memref<3x8x8192xf32, #tpu.memory_space<vmem>>, vector<1x8x128xf32>
        %get3A_3371 = vector.shape_cast %get3A_3370 : vector<1x8x128xf32> to vector<8x128xf32>
        %sub3A_3372 = vector.broadcast %broadcast_in_dim3A_2287 : vector<8x1xf32> to vector<8x128xf32>
        %sub3A_3373 = arith.subf %get3A_3371, %sub3A_3372 : vector<8x128xf32>
        %mul3A_3374 = arith.mulf %sub3A_3359, %sub3A_3359 : vector<8x128xf32>
        %mul3A_3375 = arith.mulf %sub3A_3373, %sub3A_3373 : vector<8x128xf32>
        %add3A_3376 = arith.addf %mul3A_3374, %mul3A_3375 : vector<8x128xf32>
        %mul3A_3377 = arith.mulf %sub3A_3366, %sub3A_3366 : vector<8x128xf32>
        %add3A_3378 = arith.addf %add3A_3376, %mul3A_3377 : vector<8x128xf32>
        %get3A_3379 = arith.constant 0 : index
        %get3A_3380 = arith.constant 3456 : index
        %get3A_3381 = vector.load %arg4[%get3A_3379, %get3A_3380] : memref<8x8192xf32, #tpu.memory_space<vmem>>, vector<8x128xf32>
        %min3A_3382 = arith.minimumf %get3A_3381, %add3A_3378 : vector<8x128xf32>
        %swap3A_3383 = arith.constant 0 : index
        %swap3A_3384 = arith.constant 3456 : index
        %swap3A_3385 = vector.load %arg4[%swap3A_3383, %swap3A_3384] : memref<8x8192xf32, #tpu.memory_space<vmem>>, vector<8x128xf32>
        tpu.vector_store %arg4[%swap3A_3383, %swap3A_3384], %min3A_3382 {strides = array<i32>} : memref<8x8192xf32, #tpu.memory_space<vmem>>, vector<8x128xf32>,
        %gt3A_3386 = arith.cmpf ogt, %min3A_3382, %max3A_3235 : vector<8x128xf32>
        %add3A_3387 = arith.constant 3456 : i32
        %add3A_3388 = vector.broadcast %add3A_3387 : i32 to vector<8x128xi32>
        %add3A_3389 = arith.addi %iota3A, %add3A_3388 : vector<8x128xi32>
        %select_n3A_3390 = arith.select %gt3A_3386, %add3A_3389, %select_n3A_3234 : vector<8x128xi1>, vector<8x128xi32>
        %max3A_3391 = arith.maximumf %max3A_3235, %min3A_3382 : vector<8x128xf32>
        %get3A_3392 = arith.constant 0 : index
        %get3A_3393 = arith.constant 0 : index
        %get3A_3394 = arith.constant 3584 : index
        %get3A_3395 = vector.load %arg0[%get3A_3392, %get3A_3393, %get3A_3394] : memref<3x8x8192xf32, #tpu.memory_space<vmem>>, vector<1x8x128xf32>
        %get3A_3396 = vector.shape_cast %get3A_3395 : vector<1x8x128xf32> to vector<8x128xf32>
        %sub3A_3397 = vector.broadcast %broadcast_in_dim3A_2275 : vector<8x1xf32> to vector<8x128xf32>
        %sub3A_3398 = arith.subf %get3A_3396, %sub3A_3397 : vector<8x128xf32>
        %get3A_3399 = arith.constant 1 : index
        %get3A_3400 = arith.constant 0 : index
        %get3A_3401 = arith.constant 3584 : index
        %get3A_3402 = vector.load %arg0[%get3A_3399, %get3A_3400, %get3A_3401] : memref<3x8x8192xf32, #tpu.memory_space<vmem>>, vector<1x8x128xf32>
        %get3A_3403 = vector.shape_cast %get3A_3402 : vector<1x8x128xf32> to vector<8x128xf32>
        %sub3A_3404 = vector.broadcast %broadcast_in_dim3A_2281 : vector<8x1xf32> to vector<8x128xf32>
        %sub3A_3405 = arith.subf %get3A_3403, %sub3A_3404 : vector<8x128xf32>
        %get3A_3406 = arith.constant 2 : index
        %get3A_3407 = arith.constant 0 : index
        %get3A_3408 = arith.constant 3584 : index
        %get3A_3409 = vector.load %arg0[%get3A_3406, %get3A_3407, %get3A_3408] : memref<3x8x8192xf32, #tpu.memory_space<vmem>>, vector<1x8x128xf32>
        %get3A_3410 = vector.shape_cast %get3A_3409 : vector<1x8x128xf32> to vector<8x128xf32>
        %sub3A_3411 = vector.broadcast %broadcast_in_dim3A_2287 : vector<8x1xf32> to vector<8x128xf32>
        %sub3A_3412 = arith.subf %get3A_3410, %sub3A_3411 : vector<8x128xf32>
        %mul3A_3413 = arith.mulf %sub3A_3398, %sub3A_3398 : vector<8x128xf32>
        %mul3A_3414 = arith.mulf %sub3A_3412, %sub3A_3412 : vector<8x128xf32>
        %add3A_3415 = arith.addf %mul3A_3413, %mul3A_3414 : vector<8x128xf32>
        %mul3A_3416 = arith.mulf %sub3A_3405, %sub3A_3405 : vector<8x128xf32>
        %add3A_3417 = arith.addf %add3A_3415, %mul3A_3416 : vector<8x128xf32>
        %get3A_3418 = arith.constant 0 : index
        %get3A_3419 = arith.constant 3584 : index
        %get3A_3420 = vector.load %arg4[%get3A_3418, %get3A_3419] : memref<8x8192xf32, #tpu.memory_space<vmem>>, vector<8x128xf32>
        %min3A_3421 = arith.minimumf %get3A_3420, %add3A_3417 : vector<8x128xf32>
        %swap3A_3422 = arith.constant 0 : index
        %swap3A_3423 = arith.constant 3584 : index
        %swap3A_3424 = vector.load %arg4[%swap3A_3422, %swap3A_3423] : memref<8x8192xf32, #tpu.memory_space<vmem>>, vector<8x128xf32>
        tpu.vector_store %arg4[%swap3A_3422, %swap3A_3423], %min3A_3421 {strides = array<i32>} : memref<8x8192xf32, #tpu.memory_space<vmem>>, vector<8x128xf32>,
        %gt3A_3425 = arith.cmpf ogt, %min3A_3421, %max3A_3274 : vector<8x128xf32>
        %add3A_3426 = arith.constant 3584 : i32
        %add3A_3427 = vector.broadcast %add3A_3426 : i32 to vector<8x128xi32>
        %add3A_3428 = arith.addi %iota3A, %add3A_3427 : vector<8x128xi32>
        %select_n3A_3429 = arith.select %gt3A_3425, %add3A_3428, %select_n3A_3273 : vector<8x128xi1>, vector<8x128xi32>
        %max3A_3430 = arith.maximumf %max3A_3274, %min3A_3421 : vector<8x128xf32>
        %get3A_3431 = arith.constant 0 : index
        %get3A_3432 = arith.constant 0 : index
        %get3A_3433 = arith.constant 3712 : index
        %get3A_3434 = vector.load %arg0[%get3A_3431, %get3A_3432, %get3A_3433] : memref<3x8x8192xf32, #tpu.memory_space<vmem>>, vector<1x8x128xf32>
        %get3A_3435 = vector.shape_cast %get3A_3434 : vector<1x8x128xf32> to vector<8x128xf32>
        %sub3A_3436 = vector.broadcast %broadcast_in_dim3A_2275 : vector<8x1xf32> to vector<8x128xf32>
        %sub3A_3437 = arith.subf %get3A_3435, %sub3A_3436 : vector<8x128xf32>
        %get3A_3438 = arith.constant 1 : index
        %get3A_3439 = arith.constant 0 : index
        %get3A_3440 = arith.constant 3712 : index
        %get3A_3441 = vector.load %arg0[%get3A_3438, %get3A_3439, %get3A_3440] : memref<3x8x8192xf32, #tpu.memory_space<vmem>>, vector<1x8x128xf32>
        %get3A_3442 = vector.shape_cast %get3A_3441 : vector<1x8x128xf32> to vector<8x128xf32>
        %sub3A_3443 = vector.broadcast %broadcast_in_dim3A_2281 : vector<8x1xf32> to vector<8x128xf32>
        %sub3A_3444 = arith.subf %get3A_3442, %sub3A_3443 : vector<8x128xf32>
        %get3A_3445 = arith.constant 2 : index
        %get3A_3446 = arith.constant 0 : index
        %get3A_3447 = arith.constant 3712 : index
        %get3A_3448 = vector.load %arg0[%get3A_3445, %get3A_3446, %get3A_3447] : memref<3x8x8192xf32, #tpu.memory_space<vmem>>, vector<1x8x128xf32>
        %get3A_3449 = vector.shape_cast %get3A_3448 : vector<1x8x128xf32> to vector<8x128xf32>
        %sub3A_3450 = vector.broadcast %broadcast_in_dim3A_2287 : vector<8x1xf32> to vector<8x128xf32>
        %sub3A_3451 = arith.subf %get3A_3449, %sub3A_3450 : vector<8x128xf32>
        %mul3A_3452 = arith.mulf %sub3A_3437, %sub3A_3437 : vector<8x128xf32>
        %mul3A_3453 = arith.mulf %sub3A_3451, %sub3A_3451 : vector<8x128xf32>
        %add3A_3454 = arith.addf %mul3A_3452, %mul3A_3453 : vector<8x128xf32>
        %mul3A_3455 = arith.mulf %sub3A_3444, %sub3A_3444 : vector<8x128xf32>
        %add3A_3456 = arith.addf %add3A_3454, %mul3A_3455 : vector<8x128xf32>
        %get3A_3457 = arith.constant 0 : index
        %get3A_3458 = arith.constant 3712 : index
        %get3A_3459 = vector.load %arg4[%get3A_3457, %get3A_3458] : memref<8x8192xf32, #tpu.memory_space<vmem>>, vector<8x128xf32>
        %min3A_3460 = arith.minimumf %get3A_3459, %add3A_3456 : vector<8x128xf32>
        %swap3A_3461 = arith.constant 0 : index
        %swap3A_3462 = arith.constant 3712 : index
        %swap3A_3463 = vector.load %arg4[%swap3A_3461, %swap3A_3462] : memref<8x8192xf32, #tpu.memory_space<vmem>>, vector<8x128xf32>
        tpu.vector_store %arg4[%swap3A_3461, %swap3A_3462], %min3A_3460 {strides = array<i32>} : memref<8x8192xf32, #tpu.memory_space<vmem>>, vector<8x128xf32>,
        %gt3A_3464 = arith.cmpf ogt, %min3A_3460, %max3A_3313 : vector<8x128xf32>
        %add3A_3465 = arith.constant 3712 : i32
        %add3A_3466 = vector.broadcast %add3A_3465 : i32 to vector<8x128xi32>
        %add3A_3467 = arith.addi %iota3A, %add3A_3466 : vector<8x128xi32>
        %select_n3A_3468 = arith.select %gt3A_3464, %add3A_3467, %select_n3A_3312 : vector<8x128xi1>, vector<8x128xi32>
        %max3A_3469 = arith.maximumf %max3A_3313, %min3A_3460 : vector<8x128xf32>
        %get3A_3470 = arith.constant 0 : index
        %get3A_3471 = arith.constant 0 : index
        %get3A_3472 = arith.constant 3840 : index
        %get3A_3473 = vector.load %arg0[%get3A_3470, %get3A_3471, %get3A_3472] : memref<3x8x8192xf32, #tpu.memory_space<vmem>>, vector<1x8x128xf32>
        %get3A_3474 = vector.shape_cast %get3A_3473 : vector<1x8x128xf32> to vector<8x128xf32>
        %sub3A_3475 = vector.broadcast %broadcast_in_dim3A_2275 : vector<8x1xf32> to vector<8x128xf32>
        %sub3A_3476 = arith.subf %get3A_3474, %sub3A_3475 : vector<8x128xf32>
        %get3A_3477 = arith.constant 1 : index
        %get3A_3478 = arith.constant 0 : index
        %get3A_3479 = arith.constant 3840 : index
        %get3A_3480 = vector.load %arg0[%get3A_3477, %get3A_3478, %get3A_3479] : memref<3x8x8192xf32, #tpu.memory_space<vmem>>, vector<1x8x128xf32>
        %get3A_3481 = vector.shape_cast %get3A_3480 : vector<1x8x128xf32> to vector<8x128xf32>
        %sub3A_3482 = vector.broadcast %broadcast_in_dim3A_2281 : vector<8x1xf32> to vector<8x128xf32>
        %sub3A_3483 = arith.subf %get3A_3481, %sub3A_3482 : vector<8x128xf32>
        %get3A_3484 = arith.constant 2 : index
        %get3A_3485 = arith.constant 0 : index
        %get3A_3486 = arith.constant 3840 : index
        %get3A_3487 = vector.load %arg0[%get3A_3484, %get3A_3485, %get3A_3486] : memref<3x8x8192xf32, #tpu.memory_space<vmem>>, vector<1x8x128xf32>
        %get3A_3488 = vector.shape_cast %get3A_3487 : vector<1x8x128xf32> to vector<8x128xf32>
        %sub3A_3489 = vector.broadcast %broadcast_in_dim3A_2287 : vector<8x1xf32> to vector<8x128xf32>
        %sub3A_3490 = arith.subf %get3A_3488, %sub3A_3489 : vector<8x128xf32>
        %mul3A_3491 = arith.mulf %sub3A_3476, %sub3A_3476 : vector<8x128xf32>
        %mul3A_3492 = arith.mulf %sub3A_3490, %sub3A_3490 : vector<8x128xf32>
        %add3A_3493 = arith.addf %mul3A_3491, %mul3A_3492 : vector<8x128xf32>
        %mul3A_3494 = arith.mulf %sub3A_3483, %sub3A_3483 : vector<8x128xf32>
        %add3A_3495 = arith.addf %add3A_3493, %mul3A_3494 : vector<8x128xf32>
        %get3A_3496 = arith.constant 0 : index
        %get3A_3497 = arith.constant 3840 : index
        %get3A_3498 = vector.load %arg4[%get3A_3496, %get3A_3497] : memref<8x8192xf32, #tpu.memory_space<vmem>>, vector<8x128xf32>
        %min3A_3499 = arith.minimumf %get3A_3498, %add3A_3495 : vector<8x128xf32>
        %swap3A_3500 = arith.constant 0 : index
        %swap3A_3501 = arith.constant 3840 : index
        %swap3A_3502 = vector.load %arg4[%swap3A_3500, %swap3A_3501] : memref<8x8192xf32, #tpu.memory_space<vmem>>, vector<8x128xf32>
        tpu.vector_store %arg4[%swap3A_3500, %swap3A_3501], %min3A_3499 {strides = array<i32>} : memref<8x8192xf32, #tpu.memory_space<vmem>>, vector<8x128xf32>,
        %gt3A_3503 = arith.cmpf ogt, %min3A_3499, %max3A_3352 : vector<8x128xf32>
        %add3A_3504 = arith.constant 3840 : i32
        %add3A_3505 = vector.broadcast %add3A_3504 : i32 to vector<8x128xi32>
        %add3A_3506 = arith.addi %iota3A, %add3A_3505 : vector<8x128xi32>
        %select_n3A_3507 = arith.select %gt3A_3503, %add3A_3506, %select_n3A_3351 : vector<8x128xi1>, vector<8x128xi32>
        %max3A_3508 = arith.maximumf %max3A_3352, %min3A_3499 : vector<8x128xf32>
        %get3A_3509 = arith.constant 0 : index
        %get3A_3510 = arith.constant 0 : index
        %get3A_3511 = arith.constant 3968 : index
        %get3A_3512 = vector.load %arg0[%get3A_3509, %get3A_3510, %get3A_3511] : memref<3x8x8192xf32, #tpu.memory_space<vmem>>, vector<1x8x128xf32>
        %get3A_3513 = vector.shape_cast %get3A_3512 : vector<1x8x128xf32> to vector<8x128xf32>
        %sub3A_3514 = vector.broadcast %broadcast_in_dim3A_2275 : vector<8x1xf32> to vector<8x128xf32>
        %sub3A_3515 = arith.subf %get3A_3513, %sub3A_3514 : vector<8x128xf32>
        %get3A_3516 = arith.constant 1 : index
        %get3A_3517 = arith.constant 0 : index
        %get3A_3518 = arith.constant 3968 : index
        %get3A_3519 = vector.load %arg0[%get3A_3516, %get3A_3517, %get3A_3518] : memref<3x8x8192xf32, #tpu.memory_space<vmem>>, vector<1x8x128xf32>
        %get3A_3520 = vector.shape_cast %get3A_3519 : vector<1x8x128xf32> to vector<8x128xf32>
        %sub3A_3521 = vector.broadcast %broadcast_in_dim3A_2281 : vector<8x1xf32> to vector<8x128xf32>
        %sub3A_3522 = arith.subf %get3A_3520, %sub3A_3521 : vector<8x128xf32>
        %get3A_3523 = arith.constant 2 : index
        %get3A_3524 = arith.constant 0 : index
        %get3A_3525 = arith.constant 3968 : index
        %get3A_3526 = vector.load %arg0[%get3A_3523, %get3A_3524, %get3A_3525] : memref<3x8x8192xf32, #tpu.memory_space<vmem>>, vector<1x8x128xf32>
        %get3A_3527 = vector.shape_cast %get3A_3526 : vector<1x8x128xf32> to vector<8x128xf32>
        %sub3A_3528 = vector.broadcast %broadcast_in_dim3A_2287 : vector<8x1xf32> to vector<8x128xf32>
        %sub3A_3529 = arith.subf %get3A_3527, %sub3A_3528 : vector<8x128xf32>
        %mul3A_3530 = arith.mulf %sub3A_3515, %sub3A_3515 : vector<8x128xf32>
        %mul3A_3531 = arith.mulf %sub3A_3529, %sub3A_3529 : vector<8x128xf32>
        %add3A_3532 = arith.addf %mul3A_3530, %mul3A_3531 : vector<8x128xf32>
        %mul3A_3533 = arith.mulf %sub3A_3522, %sub3A_3522 : vector<8x128xf32>
        %add3A_3534 = arith.addf %add3A_3532, %mul3A_3533 : vector<8x128xf32>
        %get3A_3535 = arith.constant 0 : index
        %get3A_3536 = arith.constant 3968 : index
        %get3A_3537 = vector.load %arg4[%get3A_3535, %get3A_3536] : memref<8x8192xf32, #tpu.memory_space<vmem>>, vector<8x128xf32>
        %min3A_3538 = arith.minimumf %get3A_3537, %add3A_3534 : vector<8x128xf32>
        %swap3A_3539 = arith.constant 0 : index
        %swap3A_3540 = arith.constant 3968 : index
        %swap3A_3541 = vector.load %arg4[%swap3A_3539, %swap3A_3540] : memref<8x8192xf32, #tpu.memory_space<vmem>>, vector<8x128xf32>
        tpu.vector_store %arg4[%swap3A_3539, %swap3A_3540], %min3A_3538 {strides = array<i32>} : memref<8x8192xf32, #tpu.memory_space<vmem>>, vector<8x128xf32>,
        %gt3A_3542 = arith.cmpf ogt, %min3A_3538, %max3A_3391 : vector<8x128xf32>
        %add3A_3543 = arith.constant 3968 : i32
        %add3A_3544 = vector.broadcast %add3A_3543 : i32 to vector<8x128xi32>
        %add3A_3545 = arith.addi %iota3A, %add3A_3544 : vector<8x128xi32>
        %select_n3A_3546 = arith.select %gt3A_3542, %add3A_3545, %select_n3A_3390 : vector<8x128xi1>, vector<8x128xi32>
        %max3A_3547 = arith.maximumf %max3A_3391, %min3A_3538 : vector<8x128xf32>
        %get3A_3548 = arith.constant 0 : index
        %get3A_3549 = arith.constant 0 : index
        %get3A_3550 = arith.constant 4096 : index
        %get3A_3551 = vector.load %arg0[%get3A_3548, %get3A_3549, %get3A_3550] : memref<3x8x8192xf32, #tpu.memory_space<vmem>>, vector<1x8x128xf32>
        %get3A_3552 = vector.shape_cast %get3A_3551 : vector<1x8x128xf32> to vector<8x128xf32>
        %sub3A_3553 = vector.broadcast %broadcast_in_dim3A_2275 : vector<8x1xf32> to vector<8x128xf32>
        %sub3A_3554 = arith.subf %get3A_3552, %sub3A_3553 : vector<8x128xf32>
        %get3A_3555 = arith.constant 1 : index
        %get3A_3556 = arith.constant 0 : index
        %get3A_3557 = arith.constant 4096 : index
        %get3A_3558 = vector.load %arg0[%get3A_3555, %get3A_3556, %get3A_3557] : memref<3x8x8192xf32, #tpu.memory_space<vmem>>, vector<1x8x128xf32>
        %get3A_3559 = vector.shape_cast %get3A_3558 : vector<1x8x128xf32> to vector<8x128xf32>
        %sub3A_3560 = vector.broadcast %broadcast_in_dim3A_2281 : vector<8x1xf32> to vector<8x128xf32>
        %sub3A_3561 = arith.subf %get3A_3559, %sub3A_3560 : vector<8x128xf32>
        %get3A_3562 = arith.constant 2 : index
        %get3A_3563 = arith.constant 0 : index
        %get3A_3564 = arith.constant 4096 : index
        %get3A_3565 = vector.load %arg0[%get3A_3562, %get3A_3563, %get3A_3564] : memref<3x8x8192xf32, #tpu.memory_space<vmem>>, vector<1x8x128xf32>
        %get3A_3566 = vector.shape_cast %get3A_3565 : vector<1x8x128xf32> to vector<8x128xf32>
        %sub3A_3567 = vector.broadcast %broadcast_in_dim3A_2287 : vector<8x1xf32> to vector<8x128xf32>
        %sub3A_3568 = arith.subf %get3A_3566, %sub3A_3567 : vector<8x128xf32>
        %mul3A_3569 = arith.mulf %sub3A_3554, %sub3A_3554 : vector<8x128xf32>
        %mul3A_3570 = arith.mulf %sub3A_3568, %sub3A_3568 : vector<8x128xf32>
        %add3A_3571 = arith.addf %mul3A_3569, %mul3A_3570 : vector<8x128xf32>
        %mul3A_3572 = arith.mulf %sub3A_3561, %sub3A_3561 : vector<8x128xf32>
        %add3A_3573 = arith.addf %add3A_3571, %mul3A_3572 : vector<8x128xf32>
        %get3A_3574 = arith.constant 0 : index
        %get3A_3575 = arith.constant 4096 : index
        %get3A_3576 = vector.load %arg4[%get3A_3574, %get3A_3575] : memref<8x8192xf32, #tpu.memory_space<vmem>>, vector<8x128xf32>
        %min3A_3577 = arith.minimumf %get3A_3576, %add3A_3573 : vector<8x128xf32>
        %swap3A_3578 = arith.constant 0 : index
        %swap3A_3579 = arith.constant 4096 : index
        %swap3A_3580 = vector.load %arg4[%swap3A_3578, %swap3A_3579] : memref<8x8192xf32, #tpu.memory_space<vmem>>, vector<8x128xf32>
        tpu.vector_store %arg4[%swap3A_3578, %swap3A_3579], %min3A_3577 {strides = array<i32>} : memref<8x8192xf32, #tpu.memory_space<vmem>>, vector<8x128xf32>,
        %gt3A_3581 = arith.cmpf ogt, %min3A_3577, %max3A_3430 : vector<8x128xf32>
        %add3A_3582 = arith.constant 4096 : i32
        %add3A_3583 = vector.broadcast %add3A_3582 : i32 to vector<8x128xi32>
        %add3A_3584 = arith.addi %iota3A, %add3A_3583 : vector<8x128xi32>
        %select_n3A_3585 = arith.select %gt3A_3581, %add3A_3584, %select_n3A_3429 : vector<8x128xi1>, vector<8x128xi32>
        %max3A_3586 = arith.maximumf %max3A_3430, %min3A_3577 : vector<8x128xf32>
        %get3A_3587 = arith.constant 0 : index
        %get3A_3588 = arith.constant 0 : index
        %get3A_3589 = arith.constant 4224 : index
        %get3A_3590 = vector.load %arg0[%get3A_3587, %get3A_3588, %get3A_3589] : memref<3x8x8192xf32, #tpu.memory_space<vmem>>, vector<1x8x128xf32>
        %get3A_3591 = vector.shape_cast %get3A_3590 : vector<1x8x128xf32> to vector<8x128xf32>
        %sub3A_3592 = vector.broadcast %broadcast_in_dim3A_2275 : vector<8x1xf32> to vector<8x128xf32>
        %sub3A_3593 = arith.subf %get3A_3591, %sub3A_3592 : vector<8x128xf32>
        %get3A_3594 = arith.constant 1 : index
        %get3A_3595 = arith.constant 0 : index
        %get3A_3596 = arith.constant 4224 : index
        %get3A_3597 = vector.load %arg0[%get3A_3594, %get3A_3595, %get3A_3596] : memref<3x8x8192xf32, #tpu.memory_space<vmem>>, vector<1x8x128xf32>
        %get3A_3598 = vector.shape_cast %get3A_3597 : vector<1x8x128xf32> to vector<8x128xf32>
        %sub3A_3599 = vector.broadcast %broadcast_in_dim3A_2281 : vector<8x1xf32> to vector<8x128xf32>
        %sub3A_3600 = arith.subf %get3A_3598, %sub3A_3599 : vector<8x128xf32>
        %get3A_3601 = arith.constant 2 : index
        %get3A_3602 = arith.constant 0 : index
        %get3A_3603 = arith.constant 4224 : index
        %get3A_3604 = vector.load %arg0[%get3A_3601, %get3A_3602, %get3A_3603] : memref<3x8x8192xf32, #tpu.memory_space<vmem>>, vector<1x8x128xf32>
        %get3A_3605 = vector.shape_cast %get3A_3604 : vector<1x8x128xf32> to vector<8x128xf32>
        %sub3A_3606 = vector.broadcast %broadcast_in_dim3A_2287 : vector<8x1xf32> to vector<8x128xf32>
        %sub3A_3607 = arith.subf %get3A_3605, %sub3A_3606 : vector<8x128xf32>
        %mul3A_3608 = arith.mulf %sub3A_3593, %sub3A_3593 : vector<8x128xf32>
        %mul3A_3609 = arith.mulf %sub3A_3607, %sub3A_3607 : vector<8x128xf32>
        %add3A_3610 = arith.addf %mul3A_3608, %mul3A_3609 : vector<8x128xf32>
        %mul3A_3611 = arith.mulf %sub3A_3600, %sub3A_3600 : vector<8x128xf32>
        %add3A_3612 = arith.addf %add3A_3610, %mul3A_3611 : vector<8x128xf32>
        %get3A_3613 = arith.constant 0 : index
        %get3A_3614 = arith.constant 4224 : index
        %get3A_3615 = vector.load %arg4[%get3A_3613, %get3A_3614] : memref<8x8192xf32, #tpu.memory_space<vmem>>, vector<8x128xf32>
        %min3A_3616 = arith.minimumf %get3A_3615, %add3A_3612 : vector<8x128xf32>
        %swap3A_3617 = arith.constant 0 : index
        %swap3A_3618 = arith.constant 4224 : index
        %swap3A_3619 = vector.load %arg4[%swap3A_3617, %swap3A_3618] : memref<8x8192xf32, #tpu.memory_space<vmem>>, vector<8x128xf32>
        tpu.vector_store %arg4[%swap3A_3617, %swap3A_3618], %min3A_3616 {strides = array<i32>} : memref<8x8192xf32, #tpu.memory_space<vmem>>, vector<8x128xf32>,
        %gt3A_3620 = arith.cmpf ogt, %min3A_3616, %max3A_3469 : vector<8x128xf32>
        %add3A_3621 = arith.constant 4224 : i32
        %add3A_3622 = vector.broadcast %add3A_3621 : i32 to vector<8x128xi32>
        %add3A_3623 = arith.addi %iota3A, %add3A_3622 : vector<8x128xi32>
        %select_n3A_3624 = arith.select %gt3A_3620, %add3A_3623, %select_n3A_3468 : vector<8x128xi1>, vector<8x128xi32>
        %max3A_3625 = arith.maximumf %max3A_3469, %min3A_3616 : vector<8x128xf32>
        %get3A_3626 = arith.constant 0 : index
        %get3A_3627 = arith.constant 0 : index
        %get3A_3628 = arith.constant 4352 : index
        %get3A_3629 = vector.load %arg0[%get3A_3626, %get3A_3627, %get3A_3628] : memref<3x8x8192xf32, #tpu.memory_space<vmem>>, vector<1x8x128xf32>
        %get3A_3630 = vector.shape_cast %get3A_3629 : vector<1x8x128xf32> to vector<8x128xf32>
        %sub3A_3631 = vector.broadcast %broadcast_in_dim3A_2275 : vector<8x1xf32> to vector<8x128xf32>
        %sub3A_3632 = arith.subf %get3A_3630, %sub3A_3631 : vector<8x128xf32>
        %get3A_3633 = arith.constant 1 : index
        %get3A_3634 = arith.constant 0 : index
        %get3A_3635 = arith.constant 4352 : index
        %get3A_3636 = vector.load %arg0[%get3A_3633, %get3A_3634, %get3A_3635] : memref<3x8x8192xf32, #tpu.memory_space<vmem>>, vector<1x8x128xf32>
        %get3A_3637 = vector.shape_cast %get3A_3636 : vector<1x8x128xf32> to vector<8x128xf32>
        %sub3A_3638 = vector.broadcast %broadcast_in_dim3A_2281 : vector<8x1xf32> to vector<8x128xf32>
        %sub3A_3639 = arith.subf %get3A_3637, %sub3A_3638 : vector<8x128xf32>
        %get3A_3640 = arith.constant 2 : index
        %get3A_3641 = arith.constant 0 : index
        %get3A_3642 = arith.constant 4352 : index
        %get3A_3643 = vector.load %arg0[%get3A_3640, %get3A_3641, %get3A_3642] : memref<3x8x8192xf32, #tpu.memory_space<vmem>>, vector<1x8x128xf32>
        %get3A_3644 = vector.shape_cast %get3A_3643 : vector<1x8x128xf32> to vector<8x128xf32>
        %sub3A_3645 = vector.broadcast %broadcast_in_dim3A_2287 : vector<8x1xf32> to vector<8x128xf32>
        %sub3A_3646 = arith.subf %get3A_3644, %sub3A_3645 : vector<8x128xf32>
        %mul3A_3647 = arith.mulf %sub3A_3632, %sub3A_3632 : vector<8x128xf32>
        %mul3A_3648 = arith.mulf %sub3A_3646, %sub3A_3646 : vector<8x128xf32>
        %add3A_3649 = arith.addf %mul3A_3647, %mul3A_3648 : vector<8x128xf32>
        %mul3A_3650 = arith.mulf %sub3A_3639, %sub3A_3639 : vector<8x128xf32>
        %add3A_3651 = arith.addf %add3A_3649, %mul3A_3650 : vector<8x128xf32>
        %get3A_3652 = arith.constant 0 : index
        %get3A_3653 = arith.constant 4352 : index
        %get3A_3654 = vector.load %arg4[%get3A_3652, %get3A_3653] : memref<8x8192xf32, #tpu.memory_space<vmem>>, vector<8x128xf32>
        %min3A_3655 = arith.minimumf %get3A_3654, %add3A_3651 : vector<8x128xf32>
        %swap3A_3656 = arith.constant 0 : index
        %swap3A_3657 = arith.constant 4352 : index
        %swap3A_3658 = vector.load %arg4[%swap3A_3656, %swap3A_3657] : memref<8x8192xf32, #tpu.memory_space<vmem>>, vector<8x128xf32>
        tpu.vector_store %arg4[%swap3A_3656, %swap3A_3657], %min3A_3655 {strides = array<i32>} : memref<8x8192xf32, #tpu.memory_space<vmem>>, vector<8x128xf32>,
        %gt3A_3659 = arith.cmpf ogt, %min3A_3655, %max3A_3508 : vector<8x128xf32>
        %add3A_3660 = arith.constant 4352 : i32
        %add3A_3661 = vector.broadcast %add3A_3660 : i32 to vector<8x128xi32>
        %add3A_3662 = arith.addi %iota3A, %add3A_3661 : vector<8x128xi32>
        %select_n3A_3663 = arith.select %gt3A_3659, %add3A_3662, %select_n3A_3507 : vector<8x128xi1>, vector<8x128xi32>
        %max3A_3664 = arith.maximumf %max3A_3508, %min3A_3655 : vector<8x128xf32>
        %get3A_3665 = arith.constant 0 : index
        %get3A_3666 = arith.constant 0 : index
        %get3A_3667 = arith.constant 4480 : index
        %get3A_3668 = vector.load %arg0[%get3A_3665, %get3A_3666, %get3A_3667] : memref<3x8x8192xf32, #tpu.memory_space<vmem>>, vector<1x8x128xf32>
        %get3A_3669 = vector.shape_cast %get3A_3668 : vector<1x8x128xf32> to vector<8x128xf32>
        %sub3A_3670 = vector.broadcast %broadcast_in_dim3A_2275 : vector<8x1xf32> to vector<8x128xf32>
        %sub3A_3671 = arith.subf %get3A_3669, %sub3A_3670 : vector<8x128xf32>
        %get3A_3672 = arith.constant 1 : index
        %get3A_3673 = arith.constant 0 : index
        %get3A_3674 = arith.constant 4480 : index
        %get3A_3675 = vector.load %arg0[%get3A_3672, %get3A_3673, %get3A_3674] : memref<3x8x8192xf32, #tpu.memory_space<vmem>>, vector<1x8x128xf32>
        %get3A_3676 = vector.shape_cast %get3A_3675 : vector<1x8x128xf32> to vector<8x128xf32>
        %sub3A_3677 = vector.broadcast %broadcast_in_dim3A_2281 : vector<8x1xf32> to vector<8x128xf32>
        %sub3A_3678 = arith.subf %get3A_3676, %sub3A_3677 : vector<8x128xf32>
        %get3A_3679 = arith.constant 2 : index
        %get3A_3680 = arith.constant 0 : index
        %get3A_3681 = arith.constant 4480 : index
        %get3A_3682 = vector.load %arg0[%get3A_3679, %get3A_3680, %get3A_3681] : memref<3x8x8192xf32, #tpu.memory_space<vmem>>, vector<1x8x128xf32>
        %get3A_3683 = vector.shape_cast %get3A_3682 : vector<1x8x128xf32> to vector<8x128xf32>
        %sub3A_3684 = vector.broadcast %broadcast_in_dim3A_2287 : vector<8x1xf32> to vector<8x128xf32>
        %sub3A_3685 = arith.subf %get3A_3683, %sub3A_3684 : vector<8x128xf32>
        %mul3A_3686 = arith.mulf %sub3A_3671, %sub3A_3671 : vector<8x128xf32>
        %mul3A_3687 = arith.mulf %sub3A_3685, %sub3A_3685 : vector<8x128xf32>
        %add3A_3688 = arith.addf %mul3A_3686, %mul3A_3687 : vector<8x128xf32>
        %mul3A_3689 = arith.mulf %sub3A_3678, %sub3A_3678 : vector<8x128xf32>
        %add3A_3690 = arith.addf %add3A_3688, %mul3A_3689 : vector<8x128xf32>
        %get3A_3691 = arith.constant 0 : index
        %get3A_3692 = arith.constant 4480 : index
        %get3A_3693 = vector.load %arg4[%get3A_3691, %get3A_3692] : memref<8x8192xf32, #tpu.memory_space<vmem>>, vector<8x128xf32>
        %min3A_3694 = arith.minimumf %get3A_3693, %add3A_3690 : vector<8x128xf32>
        %swap3A_3695 = arith.constant 0 : index
        %swap3A_3696 = arith.constant 4480 : index
        %swap3A_3697 = vector.load %arg4[%swap3A_3695, %swap3A_3696] : memref<8x8192xf32, #tpu.memory_space<vmem>>, vector<8x128xf32>
        tpu.vector_store %arg4[%swap3A_3695, %swap3A_3696], %min3A_3694 {strides = array<i32>} : memref<8x8192xf32, #tpu.memory_space<vmem>>, vector<8x128xf32>,
        %gt3A_3698 = arith.cmpf ogt, %min3A_3694, %max3A_3547 : vector<8x128xf32>
        %add3A_3699 = arith.constant 4480 : i32
        %add3A_3700 = vector.broadcast %add3A_3699 : i32 to vector<8x128xi32>
        %add3A_3701 = arith.addi %iota3A, %add3A_3700 : vector<8x128xi32>
        %select_n3A_3702 = arith.select %gt3A_3698, %add3A_3701, %select_n3A_3546 : vector<8x128xi1>, vector<8x128xi32>
        %max3A_3703 = arith.maximumf %max3A_3547, %min3A_3694 : vector<8x128xf32>
        %get3A_3704 = arith.constant 0 : index
        %get3A_3705 = arith.constant 0 : index
        %get3A_3706 = arith.constant 4608 : index
        %get3A_3707 = vector.load %arg0[%get3A_3704, %get3A_3705, %get3A_3706] : memref<3x8x8192xf32, #tpu.memory_space<vmem>>, vector<1x8x128xf32>
        %get3A_3708 = vector.shape_cast %get3A_3707 : vector<1x8x128xf32> to vector<8x128xf32>
        %sub3A_3709 = vector.broadcast %broadcast_in_dim3A_2275 : vector<8x1xf32> to vector<8x128xf32>
        %sub3A_3710 = arith.subf %get3A_3708, %sub3A_3709 : vector<8x128xf32>
        %get3A_3711 = arith.constant 1 : index
        %get3A_3712 = arith.constant 0 : index
        %get3A_3713 = arith.constant 4608 : index
        %get3A_3714 = vector.load %arg0[%get3A_3711, %get3A_3712, %get3A_3713] : memref<3x8x8192xf32, #tpu.memory_space<vmem>>, vector<1x8x128xf32>
        %get3A_3715 = vector.shape_cast %get3A_3714 : vector<1x8x128xf32> to vector<8x128xf32>
        %sub3A_3716 = vector.broadcast %broadcast_in_dim3A_2281 : vector<8x1xf32> to vector<8x128xf32>
        %sub3A_3717 = arith.subf %get3A_3715, %sub3A_3716 : vector<8x128xf32>
        %get3A_3718 = arith.constant 2 : index
        %get3A_3719 = arith.constant 0 : index
        %get3A_3720 = arith.constant 4608 : index
        %get3A_3721 = vector.load %arg0[%get3A_3718, %get3A_3719, %get3A_3720] : memref<3x8x8192xf32, #tpu.memory_space<vmem>>, vector<1x8x128xf32>
        %get3A_3722 = vector.shape_cast %get3A_3721 : vector<1x8x128xf32> to vector<8x128xf32>
        %sub3A_3723 = vector.broadcast %broadcast_in_dim3A_2287 : vector<8x1xf32> to vector<8x128xf32>
        %sub3A_3724 = arith.subf %get3A_3722, %sub3A_3723 : vector<8x128xf32>
        %mul3A_3725 = arith.mulf %sub3A_3710, %sub3A_3710 : vector<8x128xf32>
        %mul3A_3726 = arith.mulf %sub3A_3724, %sub3A_3724 : vector<8x128xf32>
        %add3A_3727 = arith.addf %mul3A_3725, %mul3A_3726 : vector<8x128xf32>
        %mul3A_3728 = arith.mulf %sub3A_3717, %sub3A_3717 : vector<8x128xf32>
        %add3A_3729 = arith.addf %add3A_3727, %mul3A_3728 : vector<8x128xf32>
        %get3A_3730 = arith.constant 0 : index
        %get3A_3731 = arith.constant 4608 : index
        %get3A_3732 = vector.load %arg4[%get3A_3730, %get3A_3731] : memref<8x8192xf32, #tpu.memory_space<vmem>>, vector<8x128xf32>
        %min3A_3733 = arith.minimumf %get3A_3732, %add3A_3729 : vector<8x128xf32>
        %swap3A_3734 = arith.constant 0 : index
        %swap3A_3735 = arith.constant 4608 : index
        %swap3A_3736 = vector.load %arg4[%swap3A_3734, %swap3A_3735] : memref<8x8192xf32, #tpu.memory_space<vmem>>, vector<8x128xf32>
        tpu.vector_store %arg4[%swap3A_3734, %swap3A_3735], %min3A_3733 {strides = array<i32>} : memref<8x8192xf32, #tpu.memory_space<vmem>>, vector<8x128xf32>,
        %gt3A_3737 = arith.cmpf ogt, %min3A_3733, %max3A_3586 : vector<8x128xf32>
        %add3A_3738 = arith.constant 4608 : i32
        %add3A_3739 = vector.broadcast %add3A_3738 : i32 to vector<8x128xi32>
        %add3A_3740 = arith.addi %iota3A, %add3A_3739 : vector<8x128xi32>
        %select_n3A_3741 = arith.select %gt3A_3737, %add3A_3740, %select_n3A_3585 : vector<8x128xi1>, vector<8x128xi32>
        %max3A_3742 = arith.maximumf %max3A_3586, %min3A_3733 : vector<8x128xf32>
        %get3A_3743 = arith.constant 0 : index
        %get3A_3744 = arith.constant 0 : index
        %get3A_3745 = arith.constant 4736 : index
        %get3A_3746 = vector.load %arg0[%get3A_3743, %get3A_3744, %get3A_3745] : memref<3x8x8192xf32, #tpu.memory_space<vmem>>, vector<1x8x128xf32>
        %get3A_3747 = vector.shape_cast %get3A_3746 : vector<1x8x128xf32> to vector<8x128xf32>
        %sub3A_3748 = vector.broadcast %broadcast_in_dim3A_2275 : vector<8x1xf32> to vector<8x128xf32>
        %sub3A_3749 = arith.subf %get3A_3747, %sub3A_3748 : vector<8x128xf32>
        %get3A_3750 = arith.constant 1 : index
        %get3A_3751 = arith.constant 0 : index
        %get3A_3752 = arith.constant 4736 : index
        %get3A_3753 = vector.load %arg0[%get3A_3750, %get3A_3751, %get3A_3752] : memref<3x8x8192xf32, #tpu.memory_space<vmem>>, vector<1x8x128xf32>
        %get3A_3754 = vector.shape_cast %get3A_3753 : vector<1x8x128xf32> to vector<8x128xf32>
        %sub3A_3755 = vector.broadcast %broadcast_in_dim3A_2281 : vector<8x1xf32> to vector<8x128xf32>
        %sub3A_3756 = arith.subf %get3A_3754, %sub3A_3755 : vector<8x128xf32>
        %get3A_3757 = arith.constant 2 : index
        %get3A_3758 = arith.constant 0 : index
        %get3A_3759 = arith.constant 4736 : index
        %get3A_3760 = vector.load %arg0[%get3A_3757, %get3A_3758, %get3A_3759] : memref<3x8x8192xf32, #tpu.memory_space<vmem>>, vector<1x8x128xf32>
        %get3A_3761 = vector.shape_cast %get3A_3760 : vector<1x8x128xf32> to vector<8x128xf32>
        %sub3A_3762 = vector.broadcast %broadcast_in_dim3A_2287 : vector<8x1xf32> to vector<8x128xf32>
        %sub3A_3763 = arith.subf %get3A_3761, %sub3A_3762 : vector<8x128xf32>
        %mul3A_3764 = arith.mulf %sub3A_3749, %sub3A_3749 : vector<8x128xf32>
        %mul3A_3765 = arith.mulf %sub3A_3763, %sub3A_3763 : vector<8x128xf32>
        %add3A_3766 = arith.addf %mul3A_3764, %mul3A_3765 : vector<8x128xf32>
        %mul3A_3767 = arith.mulf %sub3A_3756, %sub3A_3756 : vector<8x128xf32>
        %add3A_3768 = arith.addf %add3A_3766, %mul3A_3767 : vector<8x128xf32>
        %get3A_3769 = arith.constant 0 : index
        %get3A_3770 = arith.constant 4736 : index
        %get3A_3771 = vector.load %arg4[%get3A_3769, %get3A_3770] : memref<8x8192xf32, #tpu.memory_space<vmem>>, vector<8x128xf32>
        %min3A_3772 = arith.minimumf %get3A_3771, %add3A_3768 : vector<8x128xf32>
        %swap3A_3773 = arith.constant 0 : index
        %swap3A_3774 = arith.constant 4736 : index
        %swap3A_3775 = vector.load %arg4[%swap3A_3773, %swap3A_3774] : memref<8x8192xf32, #tpu.memory_space<vmem>>, vector<8x128xf32>
        tpu.vector_store %arg4[%swap3A_3773, %swap3A_3774], %min3A_3772 {strides = array<i32>} : memref<8x8192xf32, #tpu.memory_space<vmem>>, vector<8x128xf32>,
        %gt3A_3776 = arith.cmpf ogt, %min3A_3772, %max3A_3625 : vector<8x128xf32>
        %add3A_3777 = arith.constant 4736 : i32
        %add3A_3778 = vector.broadcast %add3A_3777 : i32 to vector<8x128xi32>
        %add3A_3779 = arith.addi %iota3A, %add3A_3778 : vector<8x128xi32>
        %select_n3A_3780 = arith.select %gt3A_3776, %add3A_3779, %select_n3A_3624 : vector<8x128xi1>, vector<8x128xi32>
        %max3A_3781 = arith.maximumf %max3A_3625, %min3A_3772 : vector<8x128xf32>
        %get3A_3782 = arith.constant 0 : index
        %get3A_3783 = arith.constant 0 : index
        %get3A_3784 = arith.constant 4864 : index
        %get3A_3785 = vector.load %arg0[%get3A_3782, %get3A_3783, %get3A_3784] : memref<3x8x8192xf32, #tpu.memory_space<vmem>>, vector<1x8x128xf32>
        %get3A_3786 = vector.shape_cast %get3A_3785 : vector<1x8x128xf32> to vector<8x128xf32>
        %sub3A_3787 = vector.broadcast %broadcast_in_dim3A_2275 : vector<8x1xf32> to vector<8x128xf32>
        %sub3A_3788 = arith.subf %get3A_3786, %sub3A_3787 : vector<8x128xf32>
        %get3A_3789 = arith.constant 1 : index
        %get3A_3790 = arith.constant 0 : index
        %get3A_3791 = arith.constant 4864 : index
        %get3A_3792 = vector.load %arg0[%get3A_3789, %get3A_3790, %get3A_3791] : memref<3x8x8192xf32, #tpu.memory_space<vmem>>, vector<1x8x128xf32>
        %get3A_3793 = vector.shape_cast %get3A_3792 : vector<1x8x128xf32> to vector<8x128xf32>
        %sub3A_3794 = vector.broadcast %broadcast_in_dim3A_2281 : vector<8x1xf32> to vector<8x128xf32>
        %sub3A_3795 = arith.subf %get3A_3793, %sub3A_3794 : vector<8x128xf32>
        %get3A_3796 = arith.constant 2 : index
        %get3A_3797 = arith.constant 0 : index
        %get3A_3798 = arith.constant 4864 : index
        %get3A_3799 = vector.load %arg0[%get3A_3796, %get3A_3797, %get3A_3798] : memref<3x8x8192xf32, #tpu.memory_space<vmem>>, vector<1x8x128xf32>
        %get3A_3800 = vector.shape_cast %get3A_3799 : vector<1x8x128xf32> to vector<8x128xf32>
        %sub3A_3801 = vector.broadcast %broadcast_in_dim3A_2287 : vector<8x1xf32> to vector<8x128xf32>
        %sub3A_3802 = arith.subf %get3A_3800, %sub3A_3801 : vector<8x128xf32>
        %mul3A_3803 = arith.mulf %sub3A_3788, %sub3A_3788 : vector<8x128xf32>
        %mul3A_3804 = arith.mulf %sub3A_3802, %sub3A_3802 : vector<8x128xf32>
        %add3A_3805 = arith.addf %mul3A_3803, %mul3A_3804 : vector<8x128xf32>
        %mul3A_3806 = arith.mulf %sub3A_3795, %sub3A_3795 : vector<8x128xf32>
        %add3A_3807 = arith.addf %add3A_3805, %mul3A_3806 : vector<8x128xf32>
        %get3A_3808 = arith.constant 0 : index
        %get3A_3809 = arith.constant 4864 : index
        %get3A_3810 = vector.load %arg4[%get3A_3808, %get3A_3809] : memref<8x8192xf32, #tpu.memory_space<vmem>>, vector<8x128xf32>
        %min3A_3811 = arith.minimumf %get3A_3810, %add3A_3807 : vector<8x128xf32>
        %swap3A_3812 = arith.constant 0 : index
        %swap3A_3813 = arith.constant 4864 : index
        %swap3A_3814 = vector.load %arg4[%swap3A_3812, %swap3A_3813] : memref<8x8192xf32, #tpu.memory_space<vmem>>, vector<8x128xf32>
        tpu.vector_store %arg4[%swap3A_3812, %swap3A_3813], %min3A_3811 {strides = array<i32>} : memref<8x8192xf32, #tpu.memory_space<vmem>>, vector<8x128xf32>,
        %gt3A_3815 = arith.cmpf ogt, %min3A_3811, %max3A_3664 : vector<8x128xf32>
        %add3A_3816 = arith.constant 4864 : i32
        %add3A_3817 = vector.broadcast %add3A_3816 : i32 to vector<8x128xi32>
        %add3A_3818 = arith.addi %iota3A, %add3A_3817 : vector<8x128xi32>
        %select_n3A_3819 = arith.select %gt3A_3815, %add3A_3818, %select_n3A_3663 : vector<8x128xi1>, vector<8x128xi32>
        %max3A_3820 = arith.maximumf %max3A_3664, %min3A_3811 : vector<8x128xf32>
        %get3A_3821 = arith.constant 0 : index
        %get3A_3822 = arith.constant 0 : index
        %get3A_3823 = arith.constant 4992 : index
        %get3A_3824 = vector.load %arg0[%get3A_3821, %get3A_3822, %get3A_3823] : memref<3x8x8192xf32, #tpu.memory_space<vmem>>, vector<1x8x128xf32>
        %get3A_3825 = vector.shape_cast %get3A_3824 : vector<1x8x128xf32> to vector<8x128xf32>
        %sub3A_3826 = vector.broadcast %broadcast_in_dim3A_2275 : vector<8x1xf32> to vector<8x128xf32>
        %sub3A_3827 = arith.subf %get3A_3825, %sub3A_3826 : vector<8x128xf32>
        %get3A_3828 = arith.constant 1 : index
        %get3A_3829 = arith.constant 0 : index
        %get3A_3830 = arith.constant 4992 : index
        %get3A_3831 = vector.load %arg0[%get3A_3828, %get3A_3829, %get3A_3830] : memref<3x8x8192xf32, #tpu.memory_space<vmem>>, vector<1x8x128xf32>
        %get3A_3832 = vector.shape_cast %get3A_3831 : vector<1x8x128xf32> to vector<8x128xf32>
        %sub3A_3833 = vector.broadcast %broadcast_in_dim3A_2281 : vector<8x1xf32> to vector<8x128xf32>
        %sub3A_3834 = arith.subf %get3A_3832, %sub3A_3833 : vector<8x128xf32>
        %get3A_3835 = arith.constant 2 : index
        %get3A_3836 = arith.constant 0 : index
        %get3A_3837 = arith.constant 4992 : index
        %get3A_3838 = vector.load %arg0[%get3A_3835, %get3A_3836, %get3A_3837] : memref<3x8x8192xf32, #tpu.memory_space<vmem>>, vector<1x8x128xf32>
        %get3A_3839 = vector.shape_cast %get3A_3838 : vector<1x8x128xf32> to vector<8x128xf32>
        %sub3A_3840 = vector.broadcast %broadcast_in_dim3A_2287 : vector<8x1xf32> to vector<8x128xf32>
        %sub3A_3841 = arith.subf %get3A_3839, %sub3A_3840 : vector<8x128xf32>
        %mul3A_3842 = arith.mulf %sub3A_3827, %sub3A_3827 : vector<8x128xf32>
        %mul3A_3843 = arith.mulf %sub3A_3841, %sub3A_3841 : vector<8x128xf32>
        %add3A_3844 = arith.addf %mul3A_3842, %mul3A_3843 : vector<8x128xf32>
        %mul3A_3845 = arith.mulf %sub3A_3834, %sub3A_3834 : vector<8x128xf32>
        %add3A_3846 = arith.addf %add3A_3844, %mul3A_3845 : vector<8x128xf32>
        %get3A_3847 = arith.constant 0 : index
        %get3A_3848 = arith.constant 4992 : index
        %get3A_3849 = vector.load %arg4[%get3A_3847, %get3A_3848] : memref<8x8192xf32, #tpu.memory_space<vmem>>, vector<8x128xf32>
        %min3A_3850 = arith.minimumf %get3A_3849, %add3A_3846 : vector<8x128xf32>
        %swap3A_3851 = arith.constant 0 : index
        %swap3A_3852 = arith.constant 4992 : index
        %swap3A_3853 = vector.load %arg4[%swap3A_3851, %swap3A_3852] : memref<8x8192xf32, #tpu.memory_space<vmem>>, vector<8x128xf32>
        tpu.vector_store %arg4[%swap3A_3851, %swap3A_3852], %min3A_3850 {strides = array<i32>} : memref<8x8192xf32, #tpu.memory_space<vmem>>, vector<8x128xf32>,
        %gt3A_3854 = arith.cmpf ogt, %min3A_3850, %max3A_3703 : vector<8x128xf32>
        %add3A_3855 = arith.constant 4992 : i32
        %add3A_3856 = vector.broadcast %add3A_3855 : i32 to vector<8x128xi32>
        %add3A_3857 = arith.addi %iota3A, %add3A_3856 : vector<8x128xi32>
        %select_n3A_3858 = arith.select %gt3A_3854, %add3A_3857, %select_n3A_3702 : vector<8x128xi1>, vector<8x128xi32>
        %max3A_3859 = arith.maximumf %max3A_3703, %min3A_3850 : vector<8x128xf32>
        %get3A_3860 = arith.constant 0 : index
        %get3A_3861 = arith.constant 0 : index
        %get3A_3862 = arith.constant 5120 : index
        %get3A_3863 = vector.load %arg0[%get3A_3860, %get3A_3861, %get3A_3862] : memref<3x8x8192xf32, #tpu.memory_space<vmem>>, vector<1x8x128xf32>
        %get3A_3864 = vector.shape_cast %get3A_3863 : vector<1x8x128xf32> to vector<8x128xf32>
        %sub3A_3865 = vector.broadcast %broadcast_in_dim3A_2275 : vector<8x1xf32> to vector<8x128xf32>
        %sub3A_3866 = arith.subf %get3A_3864, %sub3A_3865 : vector<8x128xf32>
        %get3A_3867 = arith.constant 1 : index
        %get3A_3868 = arith.constant 0 : index
        %get3A_3869 = arith.constant 5120 : index
        %get3A_3870 = vector.load %arg0[%get3A_3867, %get3A_3868, %get3A_3869] : memref<3x8x8192xf32, #tpu.memory_space<vmem>>, vector<1x8x128xf32>
        %get3A_3871 = vector.shape_cast %get3A_3870 : vector<1x8x128xf32> to vector<8x128xf32>
        %sub3A_3872 = vector.broadcast %broadcast_in_dim3A_2281 : vector<8x1xf32> to vector<8x128xf32>
        %sub3A_3873 = arith.subf %get3A_3871, %sub3A_3872 : vector<8x128xf32>
        %get3A_3874 = arith.constant 2 : index
        %get3A_3875 = arith.constant 0 : index
        %get3A_3876 = arith.constant 5120 : index
        %get3A_3877 = vector.load %arg0[%get3A_3874, %get3A_3875, %get3A_3876] : memref<3x8x8192xf32, #tpu.memory_space<vmem>>, vector<1x8x128xf32>
        %get3A_3878 = vector.shape_cast %get3A_3877 : vector<1x8x128xf32> to vector<8x128xf32>
        %sub3A_3879 = vector.broadcast %broadcast_in_dim3A_2287 : vector<8x1xf32> to vector<8x128xf32>
        %sub3A_3880 = arith.subf %get3A_3878, %sub3A_3879 : vector<8x128xf32>
        %mul3A_3881 = arith.mulf %sub3A_3866, %sub3A_3866 : vector<8x128xf32>
        %mul3A_3882 = arith.mulf %sub3A_3880, %sub3A_3880 : vector<8x128xf32>
        %add3A_3883 = arith.addf %mul3A_3881, %mul3A_3882 : vector<8x128xf32>
        %mul3A_3884 = arith.mulf %sub3A_3873, %sub3A_3873 : vector<8x128xf32>
        %add3A_3885 = arith.addf %add3A_3883, %mul3A_3884 : vector<8x128xf32>
        %get3A_3886 = arith.constant 0 : index
        %get3A_3887 = arith.constant 5120 : index
        %get3A_3888 = vector.load %arg4[%get3A_3886, %get3A_3887] : memref<8x8192xf32, #tpu.memory_space<vmem>>, vector<8x128xf32>
        %min3A_3889 = arith.minimumf %get3A_3888, %add3A_3885 : vector<8x128xf32>
        %swap3A_3890 = arith.constant 0 : index
        %swap3A_3891 = arith.constant 5120 : index
        %swap3A_3892 = vector.load %arg4[%swap3A_3890, %swap3A_3891] : memref<8x8192xf32, #tpu.memory_space<vmem>>, vector<8x128xf32>
        tpu.vector_store %arg4[%swap3A_3890, %swap3A_3891], %min3A_3889 {strides = array<i32>} : memref<8x8192xf32, #tpu.memory_space<vmem>>, vector<8x128xf32>,
        %gt3A_3893 = arith.cmpf ogt, %min3A_3889, %max3A_3742 : vector<8x128xf32>
        %add3A_3894 = arith.constant 5120 : i32
        %add3A_3895 = vector.broadcast %add3A_3894 : i32 to vector<8x128xi32>
        %add3A_3896 = arith.addi %iota3A, %add3A_3895 : vector<8x128xi32>
        %select_n3A_3897 = arith.select %gt3A_3893, %add3A_3896, %select_n3A_3741 : vector<8x128xi1>, vector<8x128xi32>
        %max3A_3898 = arith.maximumf %max3A_3742, %min3A_3889 : vector<8x128xf32>
        %get3A_3899 = arith.constant 0 : index
        %get3A_3900 = arith.constant 0 : index
        %get3A_3901 = arith.constant 5248 : index
        %get3A_3902 = vector.load %arg0[%get3A_3899, %get3A_3900, %get3A_3901] : memref<3x8x8192xf32, #tpu.memory_space<vmem>>, vector<1x8x128xf32>
        %get3A_3903 = vector.shape_cast %get3A_3902 : vector<1x8x128xf32> to vector<8x128xf32>
        %sub3A_3904 = vector.broadcast %broadcast_in_dim3A_2275 : vector<8x1xf32> to vector<8x128xf32>
        %sub3A_3905 = arith.subf %get3A_3903, %sub3A_3904 : vector<8x128xf32>
        %get3A_3906 = arith.constant 1 : index
        %get3A_3907 = arith.constant 0 : index
        %get3A_3908 = arith.constant 5248 : index
        %get3A_3909 = vector.load %arg0[%get3A_3906, %get3A_3907, %get3A_3908] : memref<3x8x8192xf32, #tpu.memory_space<vmem>>, vector<1x8x128xf32>
        %get3A_3910 = vector.shape_cast %get3A_3909 : vector<1x8x128xf32> to vector<8x128xf32>
        %sub3A_3911 = vector.broadcast %broadcast_in_dim3A_2281 : vector<8x1xf32> to vector<8x128xf32>
        %sub3A_3912 = arith.subf %get3A_3910, %sub3A_3911 : vector<8x128xf32>
        %get3A_3913 = arith.constant 2 : index
        %get3A_3914 = arith.constant 0 : index
        %get3A_3915 = arith.constant 5248 : index
        %get3A_3916 = vector.load %arg0[%get3A_3913, %get3A_3914, %get3A_3915] : memref<3x8x8192xf32, #tpu.memory_space<vmem>>, vector<1x8x128xf32>
        %get3A_3917 = vector.shape_cast %get3A_3916 : vector<1x8x128xf32> to vector<8x128xf32>
        %sub3A_3918 = vector.broadcast %broadcast_in_dim3A_2287 : vector<8x1xf32> to vector<8x128xf32>
        %sub3A_3919 = arith.subf %get3A_3917, %sub3A_3918 : vector<8x128xf32>
        %mul3A_3920 = arith.mulf %sub3A_3905, %sub3A_3905 : vector<8x128xf32>
        %mul3A_3921 = arith.mulf %sub3A_3919, %sub3A_3919 : vector<8x128xf32>
        %add3A_3922 = arith.addf %mul3A_3920, %mul3A_3921 : vector<8x128xf32>
        %mul3A_3923 = arith.mulf %sub3A_3912, %sub3A_3912 : vector<8x128xf32>
        %add3A_3924 = arith.addf %add3A_3922, %mul3A_3923 : vector<8x128xf32>
        %get3A_3925 = arith.constant 0 : index
        %get3A_3926 = arith.constant 5248 : index
        %get3A_3927 = vector.load %arg4[%get3A_3925, %get3A_3926] : memref<8x8192xf32, #tpu.memory_space<vmem>>, vector<8x128xf32>
        %min3A_3928 = arith.minimumf %get3A_3927, %add3A_3924 : vector<8x128xf32>
        %swap3A_3929 = arith.constant 0 : index
        %swap3A_3930 = arith.constant 5248 : index
        %swap3A_3931 = vector.load %arg4[%swap3A_3929, %swap3A_3930] : memref<8x8192xf32, #tpu.memory_space<vmem>>, vector<8x128xf32>
        tpu.vector_store %arg4[%swap3A_3929, %swap3A_3930], %min3A_3928 {strides = array<i32>} : memref<8x8192xf32, #tpu.memory_space<vmem>>, vector<8x128xf32>,
        %gt3A_3932 = arith.cmpf ogt, %min3A_3928, %max3A_3781 : vector<8x128xf32>
        %add3A_3933 = arith.constant 5248 : i32
        %add3A_3934 = vector.broadcast %add3A_3933 : i32 to vector<8x128xi32>
        %add3A_3935 = arith.addi %iota3A, %add3A_3934 : vector<8x128xi32>
        %select_n3A_3936 = arith.select %gt3A_3932, %add3A_3935, %select_n3A_3780 : vector<8x128xi1>, vector<8x128xi32>
        %max3A_3937 = arith.maximumf %max3A_3781, %min3A_3928 : vector<8x128xf32>
        %get3A_3938 = arith.constant 0 : index
        %get3A_3939 = arith.constant 0 : index
        %get3A_3940 = arith.constant 5376 : index
        %get3A_3941 = vector.load %arg0[%get3A_3938, %get3A_3939, %get3A_3940] : memref<3x8x8192xf32, #tpu.memory_space<vmem>>, vector<1x8x128xf32>
        %get3A_3942 = vector.shape_cast %get3A_3941 : vector<1x8x128xf32> to vector<8x128xf32>
        %sub3A_3943 = vector.broadcast %broadcast_in_dim3A_2275 : vector<8x1xf32> to vector<8x128xf32>
        %sub3A_3944 = arith.subf %get3A_3942, %sub3A_3943 : vector<8x128xf32>
        %get3A_3945 = arith.constant 1 : index
        %get3A_3946 = arith.constant 0 : index
        %get3A_3947 = arith.constant 5376 : index
        %get3A_3948 = vector.load %arg0[%get3A_3945, %get3A_3946, %get3A_3947] : memref<3x8x8192xf32, #tpu.memory_space<vmem>>, vector<1x8x128xf32>
        %get3A_3949 = vector.shape_cast %get3A_3948 : vector<1x8x128xf32> to vector<8x128xf32>
        %sub3A_3950 = vector.broadcast %broadcast_in_dim3A_2281 : vector<8x1xf32> to vector<8x128xf32>
        %sub3A_3951 = arith.subf %get3A_3949, %sub3A_3950 : vector<8x128xf32>
        %get3A_3952 = arith.constant 2 : index
        %get3A_3953 = arith.constant 0 : index
        %get3A_3954 = arith.constant 5376 : index
        %get3A_3955 = vector.load %arg0[%get3A_3952, %get3A_3953, %get3A_3954] : memref<3x8x8192xf32, #tpu.memory_space<vmem>>, vector<1x8x128xf32>
        %get3A_3956 = vector.shape_cast %get3A_3955 : vector<1x8x128xf32> to vector<8x128xf32>
        %sub3A_3957 = vector.broadcast %broadcast_in_dim3A_2287 : vector<8x1xf32> to vector<8x128xf32>
        %sub3A_3958 = arith.subf %get3A_3956, %sub3A_3957 : vector<8x128xf32>
        %mul3A_3959 = arith.mulf %sub3A_3944, %sub3A_3944 : vector<8x128xf32>
        %mul3A_3960 = arith.mulf %sub3A_3958, %sub3A_3958 : vector<8x128xf32>
        %add3A_3961 = arith.addf %mul3A_3959, %mul3A_3960 : vector<8x128xf32>
        %mul3A_3962 = arith.mulf %sub3A_3951, %sub3A_3951 : vector<8x128xf32>
        %add3A_3963 = arith.addf %add3A_3961, %mul3A_3962 : vector<8x128xf32>
        %get3A_3964 = arith.constant 0 : index
        %get3A_3965 = arith.constant 5376 : index
        %get3A_3966 = vector.load %arg4[%get3A_3964, %get3A_3965] : memref<8x8192xf32, #tpu.memory_space<vmem>>, vector<8x128xf32>
        %min3A_3967 = arith.minimumf %get3A_3966, %add3A_3963 : vector<8x128xf32>
        %swap3A_3968 = arith.constant 0 : index
        %swap3A_3969 = arith.constant 5376 : index
        %swap3A_3970 = vector.load %arg4[%swap3A_3968, %swap3A_3969] : memref<8x8192xf32, #tpu.memory_space<vmem>>, vector<8x128xf32>
        tpu.vector_store %arg4[%swap3A_3968, %swap3A_3969], %min3A_3967 {strides = array<i32>} : memref<8x8192xf32, #tpu.memory_space<vmem>>, vector<8x128xf32>,
        %gt3A_3971 = arith.cmpf ogt, %min3A_3967, %max3A_3820 : vector<8x128xf32>
        %add3A_3972 = arith.constant 5376 : i32
        %add3A_3973 = vector.broadcast %add3A_3972 : i32 to vector<8x128xi32>
        %add3A_3974 = arith.addi %iota3A, %add3A_3973 : vector<8x128xi32>
        %select_n3A_3975 = arith.select %gt3A_3971, %add3A_3974, %select_n3A_3819 : vector<8x128xi1>, vector<8x128xi32>
        %max3A_3976 = arith.maximumf %max3A_3820, %min3A_3967 : vector<8x128xf32>
        %get3A_3977 = arith.constant 0 : index
        %get3A_3978 = arith.constant 0 : index
        %get3A_3979 = arith.constant 5504 : index
        %get3A_3980 = vector.load %arg0[%get3A_3977, %get3A_3978, %get3A_3979] : memref<3x8x8192xf32, #tpu.memory_space<vmem>>, vector<1x8x128xf32>
        %get3A_3981 = vector.shape_cast %get3A_3980 : vector<1x8x128xf32> to vector<8x128xf32>
        %sub3A_3982 = vector.broadcast %broadcast_in_dim3A_2275 : vector<8x1xf32> to vector<8x128xf32>
        %sub3A_3983 = arith.subf %get3A_3981, %sub3A_3982 : vector<8x128xf32>
        %get3A_3984 = arith.constant 1 : index
        %get3A_3985 = arith.constant 0 : index
        %get3A_3986 = arith.constant 5504 : index
        %get3A_3987 = vector.load %arg0[%get3A_3984, %get3A_3985, %get3A_3986] : memref<3x8x8192xf32, #tpu.memory_space<vmem>>, vector<1x8x128xf32>
        %get3A_3988 = vector.shape_cast %get3A_3987 : vector<1x8x128xf32> to vector<8x128xf32>
        %sub3A_3989 = vector.broadcast %broadcast_in_dim3A_2281 : vector<8x1xf32> to vector<8x128xf32>
        %sub3A_3990 = arith.subf %get3A_3988, %sub3A_3989 : vector<8x128xf32>
        %get3A_3991 = arith.constant 2 : index
        %get3A_3992 = arith.constant 0 : index
        %get3A_3993 = arith.constant 5504 : index
        %get3A_3994 = vector.load %arg0[%get3A_3991, %get3A_3992, %get3A_3993] : memref<3x8x8192xf32, #tpu.memory_space<vmem>>, vector<1x8x128xf32>
        %get3A_3995 = vector.shape_cast %get3A_3994 : vector<1x8x128xf32> to vector<8x128xf32>
        %sub3A_3996 = vector.broadcast %broadcast_in_dim3A_2287 : vector<8x1xf32> to vector<8x128xf32>
        %sub3A_3997 = arith.subf %get3A_3995, %sub3A_3996 : vector<8x128xf32>
        %mul3A_3998 = arith.mulf %sub3A_3983, %sub3A_3983 : vector<8x128xf32>
        %mul3A_3999 = arith.mulf %sub3A_3997, %sub3A_3997 : vector<8x128xf32>
        %add3A_4000 = arith.addf %mul3A_3998, %mul3A_3999 : vector<8x128xf32>
        %mul3A_4001 = arith.mulf %sub3A_3990, %sub3A_3990 : vector<8x128xf32>
        %add3A_4002 = arith.addf %add3A_4000, %mul3A_4001 : vector<8x128xf32>
        %get3A_4003 = arith.constant 0 : index
        %get3A_4004 = arith.constant 5504 : index
        %get3A_4005 = vector.load %arg4[%get3A_4003, %get3A_4004] : memref<8x8192xf32, #tpu.memory_space<vmem>>, vector<8x128xf32>
        %min3A_4006 = arith.minimumf %get3A_4005, %add3A_4002 : vector<8x128xf32>
        %swap3A_4007 = arith.constant 0 : index
        %swap3A_4008 = arith.constant 5504 : index
        %swap3A_4009 = vector.load %arg4[%swap3A_4007, %swap3A_4008] : memref<8x8192xf32, #tpu.memory_space<vmem>>, vector<8x128xf32>
        tpu.vector_store %arg4[%swap3A_4007, %swap3A_4008], %min3A_4006 {strides = array<i32>} : memref<8x8192xf32, #tpu.memory_space<vmem>>, vector<8x128xf32>,
        %gt3A_4010 = arith.cmpf ogt, %min3A_4006, %max3A_3859 : vector<8x128xf32>
        %add3A_4011 = arith.constant 5504 : i32
        %add3A_4012 = vector.broadcast %add3A_4011 : i32 to vector<8x128xi32>
        %add3A_4013 = arith.addi %iota3A, %add3A_4012 : vector<8x128xi32>
        %select_n3A_4014 = arith.select %gt3A_4010, %add3A_4013, %select_n3A_3858 : vector<8x128xi1>, vector<8x128xi32>
        %max3A_4015 = arith.maximumf %max3A_3859, %min3A_4006 : vector<8x128xf32>
        %get3A_4016 = arith.constant 0 : index
        %get3A_4017 = arith.constant 0 : index
        %get3A_4018 = arith.constant 5632 : index
        %get3A_4019 = vector.load %arg0[%get3A_4016, %get3A_4017, %get3A_4018] : memref<3x8x8192xf32, #tpu.memory_space<vmem>>, vector<1x8x128xf32>
        %get3A_4020 = vector.shape_cast %get3A_4019 : vector<1x8x128xf32> to vector<8x128xf32>
        %sub3A_4021 = vector.broadcast %broadcast_in_dim3A_2275 : vector<8x1xf32> to vector<8x128xf32>
        %sub3A_4022 = arith.subf %get3A_4020, %sub3A_4021 : vector<8x128xf32>
        %get3A_4023 = arith.constant 1 : index
        %get3A_4024 = arith.constant 0 : index
        %get3A_4025 = arith.constant 5632 : index
        %get3A_4026 = vector.load %arg0[%get3A_4023, %get3A_4024, %get3A_4025] : memref<3x8x8192xf32, #tpu.memory_space<vmem>>, vector<1x8x128xf32>
        %get3A_4027 = vector.shape_cast %get3A_4026 : vector<1x8x128xf32> to vector<8x128xf32>
        %sub3A_4028 = vector.broadcast %broadcast_in_dim3A_2281 : vector<8x1xf32> to vector<8x128xf32>
        %sub3A_4029 = arith.subf %get3A_4027, %sub3A_4028 : vector<8x128xf32>
        %get3A_4030 = arith.constant 2 : index
        %get3A_4031 = arith.constant 0 : index
        %get3A_4032 = arith.constant 5632 : index
        %get3A_4033 = vector.load %arg0[%get3A_4030, %get3A_4031, %get3A_4032] : memref<3x8x8192xf32, #tpu.memory_space<vmem>>, vector<1x8x128xf32>
        %get3A_4034 = vector.shape_cast %get3A_4033 : vector<1x8x128xf32> to vector<8x128xf32>
        %sub3A_4035 = vector.broadcast %broadcast_in_dim3A_2287 : vector<8x1xf32> to vector<8x128xf32>
        %sub3A_4036 = arith.subf %get3A_4034, %sub3A_4035 : vector<8x128xf32>
        %mul3A_4037 = arith.mulf %sub3A_4022, %sub3A_4022 : vector<8x128xf32>
        %mul3A_4038 = arith.mulf %sub3A_4036, %sub3A_4036 : vector<8x128xf32>
        %add3A_4039 = arith.addf %mul3A_4037, %mul3A_4038 : vector<8x128xf32>
        %mul3A_4040 = arith.mulf %sub3A_4029, %sub3A_4029 : vector<8x128xf32>
        %add3A_4041 = arith.addf %add3A_4039, %mul3A_4040 : vector<8x128xf32>
        %get3A_4042 = arith.constant 0 : index
        %get3A_4043 = arith.constant 5632 : index
        %get3A_4044 = vector.load %arg4[%get3A_4042, %get3A_4043] : memref<8x8192xf32, #tpu.memory_space<vmem>>, vector<8x128xf32>
        %min3A_4045 = arith.minimumf %get3A_4044, %add3A_4041 : vector<8x128xf32>
        %swap3A_4046 = arith.constant 0 : index
        %swap3A_4047 = arith.constant 5632 : index
        %swap3A_4048 = vector.load %arg4[%swap3A_4046, %swap3A_4047] : memref<8x8192xf32, #tpu.memory_space<vmem>>, vector<8x128xf32>
        tpu.vector_store %arg4[%swap3A_4046, %swap3A_4047], %min3A_4045 {strides = array<i32>} : memref<8x8192xf32, #tpu.memory_space<vmem>>, vector<8x128xf32>,
        %gt3A_4049 = arith.cmpf ogt, %min3A_4045, %max3A_3898 : vector<8x128xf32>
        %add3A_4050 = arith.constant 5632 : i32
        %add3A_4051 = vector.broadcast %add3A_4050 : i32 to vector<8x128xi32>
        %add3A_4052 = arith.addi %iota3A, %add3A_4051 : vector<8x128xi32>
        %select_n3A_4053 = arith.select %gt3A_4049, %add3A_4052, %select_n3A_3897 : vector<8x128xi1>, vector<8x128xi32>
        %max3A_4054 = arith.maximumf %max3A_3898, %min3A_4045 : vector<8x128xf32>
        %get3A_4055 = arith.constant 0 : index
        %get3A_4056 = arith.constant 0 : index
        %get3A_4057 = arith.constant 5760 : index
        %get3A_4058 = vector.load %arg0[%get3A_4055, %get3A_4056, %get3A_4057] : memref<3x8x8192xf32, #tpu.memory_space<vmem>>, vector<1x8x128xf32>
        %get3A_4059 = vector.shape_cast %get3A_4058 : vector<1x8x128xf32> to vector<8x128xf32>
        %sub3A_4060 = vector.broadcast %broadcast_in_dim3A_2275 : vector<8x1xf32> to vector<8x128xf32>
        %sub3A_4061 = arith.subf %get3A_4059, %sub3A_4060 : vector<8x128xf32>
        %get3A_4062 = arith.constant 1 : index
        %get3A_4063 = arith.constant 0 : index
        %get3A_4064 = arith.constant 5760 : index
        %get3A_4065 = vector.load %arg0[%get3A_4062, %get3A_4063, %get3A_4064] : memref<3x8x8192xf32, #tpu.memory_space<vmem>>, vector<1x8x128xf32>
        %get3A_4066 = vector.shape_cast %get3A_4065 : vector<1x8x128xf32> to vector<8x128xf32>
        %sub3A_4067 = vector.broadcast %broadcast_in_dim3A_2281 : vector<8x1xf32> to vector<8x128xf32>
        %sub3A_4068 = arith.subf %get3A_4066, %sub3A_4067 : vector<8x128xf32>
        %get3A_4069 = arith.constant 2 : index
        %get3A_4070 = arith.constant 0 : index
        %get3A_4071 = arith.constant 5760 : index
        %get3A_4072 = vector.load %arg0[%get3A_4069, %get3A_4070, %get3A_4071] : memref<3x8x8192xf32, #tpu.memory_space<vmem>>, vector<1x8x128xf32>
        %get3A_4073 = vector.shape_cast %get3A_4072 : vector<1x8x128xf32> to vector<8x128xf32>
        %sub3A_4074 = vector.broadcast %broadcast_in_dim3A_2287 : vector<8x1xf32> to vector<8x128xf32>
        %sub3A_4075 = arith.subf %get3A_4073, %sub3A_4074 : vector<8x128xf32>
        %mul3A_4076 = arith.mulf %sub3A_4061, %sub3A_4061 : vector<8x128xf32>
        %mul3A_4077 = arith.mulf %sub3A_4075, %sub3A_4075 : vector<8x128xf32>
        %add3A_4078 = arith.addf %mul3A_4076, %mul3A_4077 : vector<8x128xf32>
        %mul3A_4079 = arith.mulf %sub3A_4068, %sub3A_4068 : vector<8x128xf32>
        %add3A_4080 = arith.addf %add3A_4078, %mul3A_4079 : vector<8x128xf32>
        %get3A_4081 = arith.constant 0 : index
        %get3A_4082 = arith.constant 5760 : index
        %get3A_4083 = vector.load %arg4[%get3A_4081, %get3A_4082] : memref<8x8192xf32, #tpu.memory_space<vmem>>, vector<8x128xf32>
        %min3A_4084 = arith.minimumf %get3A_4083, %add3A_4080 : vector<8x128xf32>
        %swap3A_4085 = arith.constant 0 : index
        %swap3A_4086 = arith.constant 5760 : index
        %swap3A_4087 = vector.load %arg4[%swap3A_4085, %swap3A_4086] : memref<8x8192xf32, #tpu.memory_space<vmem>>, vector<8x128xf32>
        tpu.vector_store %arg4[%swap3A_4085, %swap3A_4086], %min3A_4084 {strides = array<i32>} : memref<8x8192xf32, #tpu.memory_space<vmem>>, vector<8x128xf32>,
        %gt3A_4088 = arith.cmpf ogt, %min3A_4084, %max3A_3937 : vector<8x128xf32>
        %add3A_4089 = arith.constant 5760 : i32
        %add3A_4090 = vector.broadcast %add3A_4089 : i32 to vector<8x128xi32>
        %add3A_4091 = arith.addi %iota3A, %add3A_4090 : vector<8x128xi32>
        %select_n3A_4092 = arith.select %gt3A_4088, %add3A_4091, %select_n3A_3936 : vector<8x128xi1>, vector<8x128xi32>
        %max3A_4093 = arith.maximumf %max3A_3937, %min3A_4084 : vector<8x128xf32>
        %get3A_4094 = arith.constant 0 : index
        %get3A_4095 = arith.constant 0 : index
        %get3A_4096 = arith.constant 5888 : index
        %get3A_4097 = vector.load %arg0[%get3A_4094, %get3A_4095, %get3A_4096] : memref<3x8x8192xf32, #tpu.memory_space<vmem>>, vector<1x8x128xf32>
        %get3A_4098 = vector.shape_cast %get3A_4097 : vector<1x8x128xf32> to vector<8x128xf32>
        %sub3A_4099 = vector.broadcast %broadcast_in_dim3A_2275 : vector<8x1xf32> to vector<8x128xf32>
        %sub3A_4100 = arith.subf %get3A_4098, %sub3A_4099 : vector<8x128xf32>
        %get3A_4101 = arith.constant 1 : index
        %get3A_4102 = arith.constant 0 : index
        %get3A_4103 = arith.constant 5888 : index
        %get3A_4104 = vector.load %arg0[%get3A_4101, %get3A_4102, %get3A_4103] : memref<3x8x8192xf32, #tpu.memory_space<vmem>>, vector<1x8x128xf32>
        %get3A_4105 = vector.shape_cast %get3A_4104 : vector<1x8x128xf32> to vector<8x128xf32>
        %sub3A_4106 = vector.broadcast %broadcast_in_dim3A_2281 : vector<8x1xf32> to vector<8x128xf32>
        %sub3A_4107 = arith.subf %get3A_4105, %sub3A_4106 : vector<8x128xf32>
        %get3A_4108 = arith.constant 2 : index
        %get3A_4109 = arith.constant 0 : index
        %get3A_4110 = arith.constant 5888 : index
        %get3A_4111 = vector.load %arg0[%get3A_4108, %get3A_4109, %get3A_4110] : memref<3x8x8192xf32, #tpu.memory_space<vmem>>, vector<1x8x128xf32>
        %get3A_4112 = vector.shape_cast %get3A_4111 : vector<1x8x128xf32> to vector<8x128xf32>
        %sub3A_4113 = vector.broadcast %broadcast_in_dim3A_2287 : vector<8x1xf32> to vector<8x128xf32>
        %sub3A_4114 = arith.subf %get3A_4112, %sub3A_4113 : vector<8x128xf32>
        %mul3A_4115 = arith.mulf %sub3A_4100, %sub3A_4100 : vector<8x128xf32>
        %mul3A_4116 = arith.mulf %sub3A_4114, %sub3A_4114 : vector<8x128xf32>
        %add3A_4117 = arith.addf %mul3A_4115, %mul3A_4116 : vector<8x128xf32>
        %mul3A_4118 = arith.mulf %sub3A_4107, %sub3A_4107 : vector<8x128xf32>
        %add3A_4119 = arith.addf %add3A_4117, %mul3A_4118 : vector<8x128xf32>
        %get3A_4120 = arith.constant 0 : index
        %get3A_4121 = arith.constant 5888 : index
        %get3A_4122 = vector.load %arg4[%get3A_4120, %get3A_4121] : memref<8x8192xf32, #tpu.memory_space<vmem>>, vector<8x128xf32>
        %min3A_4123 = arith.minimumf %get3A_4122, %add3A_4119 : vector<8x128xf32>
        %swap3A_4124 = arith.constant 0 : index
        %swap3A_4125 = arith.constant 5888 : index
        %swap3A_4126 = vector.load %arg4[%swap3A_4124, %swap3A_4125] : memref<8x8192xf32, #tpu.memory_space<vmem>>, vector<8x128xf32>
        tpu.vector_store %arg4[%swap3A_4124, %swap3A_4125], %min3A_4123 {strides = array<i32>} : memref<8x8192xf32, #tpu.memory_space<vmem>>, vector<8x128xf32>,
        %gt3A_4127 = arith.cmpf ogt, %min3A_4123, %max3A_3976 : vector<8x128xf32>
        %add3A_4128 = arith.constant 5888 : i32
        %add3A_4129 = vector.broadcast %add3A_4128 : i32 to vector<8x128xi32>
        %add3A_4130 = arith.addi %iota3A, %add3A_4129 : vector<8x128xi32>
        %select_n3A_4131 = arith.select %gt3A_4127, %add3A_4130, %select_n3A_3975 : vector<8x128xi1>, vector<8x128xi32>
        %max3A_4132 = arith.maximumf %max3A_3976, %min3A_4123 : vector<8x128xf32>
        %get3A_4133 = arith.constant 0 : index
        %get3A_4134 = arith.constant 0 : index
        %get3A_4135 = arith.constant 6016 : index
        %get3A_4136 = vector.load %arg0[%get3A_4133, %get3A_4134, %get3A_4135] : memref<3x8x8192xf32, #tpu.memory_space<vmem>>, vector<1x8x128xf32>
        %get3A_4137 = vector.shape_cast %get3A_4136 : vector<1x8x128xf32> to vector<8x128xf32>
        %sub3A_4138 = vector.broadcast %broadcast_in_dim3A_2275 : vector<8x1xf32> to vector<8x128xf32>
        %sub3A_4139 = arith.subf %get3A_4137, %sub3A_4138 : vector<8x128xf32>
        %get3A_4140 = arith.constant 1 : index
        %get3A_4141 = arith.constant 0 : index
        %get3A_4142 = arith.constant 6016 : index
        %get3A_4143 = vector.load %arg0[%get3A_4140, %get3A_4141, %get3A_4142] : memref<3x8x8192xf32, #tpu.memory_space<vmem>>, vector<1x8x128xf32>
        %get3A_4144 = vector.shape_cast %get3A_4143 : vector<1x8x128xf32> to vector<8x128xf32>
        %sub3A_4145 = vector.broadcast %broadcast_in_dim3A_2281 : vector<8x1xf32> to vector<8x128xf32>
        %sub3A_4146 = arith.subf %get3A_4144, %sub3A_4145 : vector<8x128xf32>
        %get3A_4147 = arith.constant 2 : index
        %get3A_4148 = arith.constant 0 : index
        %get3A_4149 = arith.constant 6016 : index
        %get3A_4150 = vector.load %arg0[%get3A_4147, %get3A_4148, %get3A_4149] : memref<3x8x8192xf32, #tpu.memory_space<vmem>>, vector<1x8x128xf32>
        %get3A_4151 = vector.shape_cast %get3A_4150 : vector<1x8x128xf32> to vector<8x128xf32>
        %sub3A_4152 = vector.broadcast %broadcast_in_dim3A_2287 : vector<8x1xf32> to vector<8x128xf32>
        %sub3A_4153 = arith.subf %get3A_4151, %sub3A_4152 : vector<8x128xf32>
        %mul3A_4154 = arith.mulf %sub3A_4139, %sub3A_4139 : vector<8x128xf32>
        %mul3A_4155 = arith.mulf %sub3A_4153, %sub3A_4153 : vector<8x128xf32>
        %add3A_4156 = arith.addf %mul3A_4154, %mul3A_4155 : vector<8x128xf32>
        %mul3A_4157 = arith.mulf %sub3A_4146, %sub3A_4146 : vector<8x128xf32>
        %add3A_4158 = arith.addf %add3A_4156, %mul3A_4157 : vector<8x128xf32>
        %get3A_4159 = arith.constant 0 : index
        %get3A_4160 = arith.constant 6016 : index
        %get3A_4161 = vector.load %arg4[%get3A_4159, %get3A_4160] : memref<8x8192xf32, #tpu.memory_space<vmem>>, vector<8x128xf32>
        %min3A_4162 = arith.minimumf %get3A_4161, %add3A_4158 : vector<8x128xf32>
        %swap3A_4163 = arith.constant 0 : index
        %swap3A_4164 = arith.constant 6016 : index
        %swap3A_4165 = vector.load %arg4[%swap3A_4163, %swap3A_4164] : memref<8x8192xf32, #tpu.memory_space<vmem>>, vector<8x128xf32>
        tpu.vector_store %arg4[%swap3A_4163, %swap3A_4164], %min3A_4162 {strides = array<i32>} : memref<8x8192xf32, #tpu.memory_space<vmem>>, vector<8x128xf32>,
        %gt3A_4166 = arith.cmpf ogt, %min3A_4162, %max3A_4015 : vector<8x128xf32>
        %add3A_4167 = arith.constant 6016 : i32
        %add3A_4168 = vector.broadcast %add3A_4167 : i32 to vector<8x128xi32>
        %add3A_4169 = arith.addi %iota3A, %add3A_4168 : vector<8x128xi32>
        %select_n3A_4170 = arith.select %gt3A_4166, %add3A_4169, %select_n3A_4014 : vector<8x128xi1>, vector<8x128xi32>
        %max3A_4171 = arith.maximumf %max3A_4015, %min3A_4162 : vector<8x128xf32>
        %get3A_4172 = arith.constant 0 : index
        %get3A_4173 = arith.constant 0 : index
        %get3A_4174 = arith.constant 6144 : index
        %get3A_4175 = vector.load %arg0[%get3A_4172, %get3A_4173, %get3A_4174] : memref<3x8x8192xf32, #tpu.memory_space<vmem>>, vector<1x8x128xf32>
        %get3A_4176 = vector.shape_cast %get3A_4175 : vector<1x8x128xf32> to vector<8x128xf32>
        %sub3A_4177 = vector.broadcast %broadcast_in_dim3A_2275 : vector<8x1xf32> to vector<8x128xf32>
        %sub3A_4178 = arith.subf %get3A_4176, %sub3A_4177 : vector<8x128xf32>
        %get3A_4179 = arith.constant 1 : index
        %get3A_4180 = arith.constant 0 : index
        %get3A_4181 = arith.constant 6144 : index
        %get3A_4182 = vector.load %arg0[%get3A_4179, %get3A_4180, %get3A_4181] : memref<3x8x8192xf32, #tpu.memory_space<vmem>>, vector<1x8x128xf32>
        %get3A_4183 = vector.shape_cast %get3A_4182 : vector<1x8x128xf32> to vector<8x128xf32>
        %sub3A_4184 = vector.broadcast %broadcast_in_dim3A_2281 : vector<8x1xf32> to vector<8x128xf32>
        %sub3A_4185 = arith.subf %get3A_4183, %sub3A_4184 : vector<8x128xf32>
        %get3A_4186 = arith.constant 2 : index
        %get3A_4187 = arith.constant 0 : index
        %get3A_4188 = arith.constant 6144 : index
        %get3A_4189 = vector.load %arg0[%get3A_4186, %get3A_4187, %get3A_4188] : memref<3x8x8192xf32, #tpu.memory_space<vmem>>, vector<1x8x128xf32>
        %get3A_4190 = vector.shape_cast %get3A_4189 : vector<1x8x128xf32> to vector<8x128xf32>
        %sub3A_4191 = vector.broadcast %broadcast_in_dim3A_2287 : vector<8x1xf32> to vector<8x128xf32>
        %sub3A_4192 = arith.subf %get3A_4190, %sub3A_4191 : vector<8x128xf32>
        %mul3A_4193 = arith.mulf %sub3A_4178, %sub3A_4178 : vector<8x128xf32>
        %mul3A_4194 = arith.mulf %sub3A_4192, %sub3A_4192 : vector<8x128xf32>
        %add3A_4195 = arith.addf %mul3A_4193, %mul3A_4194 : vector<8x128xf32>
        %mul3A_4196 = arith.mulf %sub3A_4185, %sub3A_4185 : vector<8x128xf32>
        %add3A_4197 = arith.addf %add3A_4195, %mul3A_4196 : vector<8x128xf32>
        %get3A_4198 = arith.constant 0 : index
        %get3A_4199 = arith.constant 6144 : index
        %get3A_4200 = vector.load %arg4[%get3A_4198, %get3A_4199] : memref<8x8192xf32, #tpu.memory_space<vmem>>, vector<8x128xf32>
        %min3A_4201 = arith.minimumf %get3A_4200, %add3A_4197 : vector<8x128xf32>
        %swap3A_4202 = arith.constant 0 : index
        %swap3A_4203 = arith.constant 6144 : index
        %swap3A_4204 = vector.load %arg4[%swap3A_4202, %swap3A_4203] : memref<8x8192xf32, #tpu.memory_space<vmem>>, vector<8x128xf32>
        tpu.vector_store %arg4[%swap3A_4202, %swap3A_4203], %min3A_4201 {strides = array<i32>} : memref<8x8192xf32, #tpu.memory_space<vmem>>, vector<8x128xf32>,
        %gt3A_4205 = arith.cmpf ogt, %min3A_4201, %max3A_4054 : vector<8x128xf32>
        %add3A_4206 = arith.constant 6144 : i32
        %add3A_4207 = vector.broadcast %add3A_4206 : i32 to vector<8x128xi32>
        %add3A_4208 = arith.addi %iota3A, %add3A_4207 : vector<8x128xi32>
        %select_n3A_4209 = arith.select %gt3A_4205, %add3A_4208, %select_n3A_4053 : vector<8x128xi1>, vector<8x128xi32>
        %max3A_4210 = arith.maximumf %max3A_4054, %min3A_4201 : vector<8x128xf32>
        %get3A_4211 = arith.constant 0 : index
        %get3A_4212 = arith.constant 0 : index
        %get3A_4213 = arith.constant 6272 : index
        %get3A_4214 = vector.load %arg0[%get3A_4211, %get3A_4212, %get3A_4213] : memref<3x8x8192xf32, #tpu.memory_space<vmem>>, vector<1x8x128xf32>
        %get3A_4215 = vector.shape_cast %get3A_4214 : vector<1x8x128xf32> to vector<8x128xf32>
        %sub3A_4216 = vector.broadcast %broadcast_in_dim3A_2275 : vector<8x1xf32> to vector<8x128xf32>
        %sub3A_4217 = arith.subf %get3A_4215, %sub3A_4216 : vector<8x128xf32>
        %get3A_4218 = arith.constant 1 : index
        %get3A_4219 = arith.constant 0 : index
        %get3A_4220 = arith.constant 6272 : index
        %get3A_4221 = vector.load %arg0[%get3A_4218, %get3A_4219, %get3A_4220] : memref<3x8x8192xf32, #tpu.memory_space<vmem>>, vector<1x8x128xf32>
        %get3A_4222 = vector.shape_cast %get3A_4221 : vector<1x8x128xf32> to vector<8x128xf32>
        %sub3A_4223 = vector.broadcast %broadcast_in_dim3A_2281 : vector<8x1xf32> to vector<8x128xf32>
        %sub3A_4224 = arith.subf %get3A_4222, %sub3A_4223 : vector<8x128xf32>
        %get3A_4225 = arith.constant 2 : index
        %get3A_4226 = arith.constant 0 : index
        %get3A_4227 = arith.constant 6272 : index
        %get3A_4228 = vector.load %arg0[%get3A_4225, %get3A_4226, %get3A_4227] : memref<3x8x8192xf32, #tpu.memory_space<vmem>>, vector<1x8x128xf32>
        %get3A_4229 = vector.shape_cast %get3A_4228 : vector<1x8x128xf32> to vector<8x128xf32>
        %sub3A_4230 = vector.broadcast %broadcast_in_dim3A_2287 : vector<8x1xf32> to vector<8x128xf32>
        %sub3A_4231 = arith.subf %get3A_4229, %sub3A_4230 : vector<8x128xf32>
        %mul3A_4232 = arith.mulf %sub3A_4217, %sub3A_4217 : vector<8x128xf32>
        %mul3A_4233 = arith.mulf %sub3A_4231, %sub3A_4231 : vector<8x128xf32>
        %add3A_4234 = arith.addf %mul3A_4232, %mul3A_4233 : vector<8x128xf32>
        %mul3A_4235 = arith.mulf %sub3A_4224, %sub3A_4224 : vector<8x128xf32>
        %add3A_4236 = arith.addf %add3A_4234, %mul3A_4235 : vector<8x128xf32>
        %get3A_4237 = arith.constant 0 : index
        %get3A_4238 = arith.constant 6272 : index
        %get3A_4239 = vector.load %arg4[%get3A_4237, %get3A_4238] : memref<8x8192xf32, #tpu.memory_space<vmem>>, vector<8x128xf32>
        %min3A_4240 = arith.minimumf %get3A_4239, %add3A_4236 : vector<8x128xf32>
        %swap3A_4241 = arith.constant 0 : index
        %swap3A_4242 = arith.constant 6272 : index
        %swap3A_4243 = vector.load %arg4[%swap3A_4241, %swap3A_4242] : memref<8x8192xf32, #tpu.memory_space<vmem>>, vector<8x128xf32>
        tpu.vector_store %arg4[%swap3A_4241, %swap3A_4242], %min3A_4240 {strides = array<i32>} : memref<8x8192xf32, #tpu.memory_space<vmem>>, vector<8x128xf32>,
        %gt3A_4244 = arith.cmpf ogt, %min3A_4240, %max3A_4093 : vector<8x128xf32>
        %add3A_4245 = arith.constant 6272 : i32
        %add3A_4246 = vector.broadcast %add3A_4245 : i32 to vector<8x128xi32>
        %add3A_4247 = arith.addi %iota3A, %add3A_4246 : vector<8x128xi32>
        %select_n3A_4248 = arith.select %gt3A_4244, %add3A_4247, %select_n3A_4092 : vector<8x128xi1>, vector<8x128xi32>
        %max3A_4249 = arith.maximumf %max3A_4093, %min3A_4240 : vector<8x128xf32>
        %get3A_4250 = arith.constant 0 : index
        %get3A_4251 = arith.constant 0 : index
        %get3A_4252 = arith.constant 6400 : index
        %get3A_4253 = vector.load %arg0[%get3A_4250, %get3A_4251, %get3A_4252] : memref<3x8x8192xf32, #tpu.memory_space<vmem>>, vector<1x8x128xf32>
        %get3A_4254 = vector.shape_cast %get3A_4253 : vector<1x8x128xf32> to vector<8x128xf32>
        %sub3A_4255 = vector.broadcast %broadcast_in_dim3A_2275 : vector<8x1xf32> to vector<8x128xf32>
        %sub3A_4256 = arith.subf %get3A_4254, %sub3A_4255 : vector<8x128xf32>
        %get3A_4257 = arith.constant 1 : index
        %get3A_4258 = arith.constant 0 : index
        %get3A_4259 = arith.constant 6400 : index
        %get3A_4260 = vector.load %arg0[%get3A_4257, %get3A_4258, %get3A_4259] : memref<3x8x8192xf32, #tpu.memory_space<vmem>>, vector<1x8x128xf32>
        %get3A_4261 = vector.shape_cast %get3A_4260 : vector<1x8x128xf32> to vector<8x128xf32>
        %sub3A_4262 = vector.broadcast %broadcast_in_dim3A_2281 : vector<8x1xf32> to vector<8x128xf32>
        %sub3A_4263 = arith.subf %get3A_4261, %sub3A_4262 : vector<8x128xf32>
        %get3A_4264 = arith.constant 2 : index
        %get3A_4265 = arith.constant 0 : index
        %get3A_4266 = arith.constant 6400 : index
        %get3A_4267 = vector.load %arg0[%get3A_4264, %get3A_4265, %get3A_4266] : memref<3x8x8192xf32, #tpu.memory_space<vmem>>, vector<1x8x128xf32>
        %get3A_4268 = vector.shape_cast %get3A_4267 : vector<1x8x128xf32> to vector<8x128xf32>
        %sub3A_4269 = vector.broadcast %broadcast_in_dim3A_2287 : vector<8x1xf32> to vector<8x128xf32>
        %sub3A_4270 = arith.subf %get3A_4268, %sub3A_4269 : vector<8x128xf32>
        %mul3A_4271 = arith.mulf %sub3A_4256, %sub3A_4256 : vector<8x128xf32>
        %mul3A_4272 = arith.mulf %sub3A_4270, %sub3A_4270 : vector<8x128xf32>
        %add3A_4273 = arith.addf %mul3A_4271, %mul3A_4272 : vector<8x128xf32>
        %mul3A_4274 = arith.mulf %sub3A_4263, %sub3A_4263 : vector<8x128xf32>
        %add3A_4275 = arith.addf %add3A_4273, %mul3A_4274 : vector<8x128xf32>
        %get3A_4276 = arith.constant 0 : index
        %get3A_4277 = arith.constant 6400 : index
        %get3A_4278 = vector.load %arg4[%get3A_4276, %get3A_4277] : memref<8x8192xf32, #tpu.memory_space<vmem>>, vector<8x128xf32>
        %min3A_4279 = arith.minimumf %get3A_4278, %add3A_4275 : vector<8x128xf32>
        %swap3A_4280 = arith.constant 0 : index
        %swap3A_4281 = arith.constant 6400 : index
        %swap3A_4282 = vector.load %arg4[%swap3A_4280, %swap3A_4281] : memref<8x8192xf32, #tpu.memory_space<vmem>>, vector<8x128xf32>
        tpu.vector_store %arg4[%swap3A_4280, %swap3A_4281], %min3A_4279 {strides = array<i32>} : memref<8x8192xf32, #tpu.memory_space<vmem>>, vector<8x128xf32>,
        %gt3A_4283 = arith.cmpf ogt, %min3A_4279, %max3A_4132 : vector<8x128xf32>
        %add3A_4284 = arith.constant 6400 : i32
        %add3A_4285 = vector.broadcast %add3A_4284 : i32 to vector<8x128xi32>
        %add3A_4286 = arith.addi %iota3A, %add3A_4285 : vector<8x128xi32>
        %select_n3A_4287 = arith.select %gt3A_4283, %add3A_4286, %select_n3A_4131 : vector<8x128xi1>, vector<8x128xi32>
        %max3A_4288 = arith.maximumf %max3A_4132, %min3A_4279 : vector<8x128xf32>
        %get3A_4289 = arith.constant 0 : index
        %get3A_4290 = arith.constant 0 : index
        %get3A_4291 = arith.constant 6528 : index
        %get3A_4292 = vector.load %arg0[%get3A_4289, %get3A_4290, %get3A_4291] : memref<3x8x8192xf32, #tpu.memory_space<vmem>>, vector<1x8x128xf32>
        %get3A_4293 = vector.shape_cast %get3A_4292 : vector<1x8x128xf32> to vector<8x128xf32>
        %sub3A_4294 = vector.broadcast %broadcast_in_dim3A_2275 : vector<8x1xf32> to vector<8x128xf32>
        %sub3A_4295 = arith.subf %get3A_4293, %sub3A_4294 : vector<8x128xf32>
        %get3A_4296 = arith.constant 1 : index
        %get3A_4297 = arith.constant 0 : index
        %get3A_4298 = arith.constant 6528 : index
        %get3A_4299 = vector.load %arg0[%get3A_4296, %get3A_4297, %get3A_4298] : memref<3x8x8192xf32, #tpu.memory_space<vmem>>, vector<1x8x128xf32>
        %get3A_4300 = vector.shape_cast %get3A_4299 : vector<1x8x128xf32> to vector<8x128xf32>
        %sub3A_4301 = vector.broadcast %broadcast_in_dim3A_2281 : vector<8x1xf32> to vector<8x128xf32>
        %sub3A_4302 = arith.subf %get3A_4300, %sub3A_4301 : vector<8x128xf32>
        %get3A_4303 = arith.constant 2 : index
        %get3A_4304 = arith.constant 0 : index
        %get3A_4305 = arith.constant 6528 : index
        %get3A_4306 = vector.load %arg0[%get3A_4303, %get3A_4304, %get3A_4305] : memref<3x8x8192xf32, #tpu.memory_space<vmem>>, vector<1x8x128xf32>
        %get3A_4307 = vector.shape_cast %get3A_4306 : vector<1x8x128xf32> to vector<8x128xf32>
        %sub3A_4308 = vector.broadcast %broadcast_in_dim3A_2287 : vector<8x1xf32> to vector<8x128xf32>
        %sub3A_4309 = arith.subf %get3A_4307, %sub3A_4308 : vector<8x128xf32>
        %mul3A_4310 = arith.mulf %sub3A_4295, %sub3A_4295 : vector<8x128xf32>
        %mul3A_4311 = arith.mulf %sub3A_4309, %sub3A_4309 : vector<8x128xf32>
        %add3A_4312 = arith.addf %mul3A_4310, %mul3A_4311 : vector<8x128xf32>
        %mul3A_4313 = arith.mulf %sub3A_4302, %sub3A_4302 : vector<8x128xf32>
        %add3A_4314 = arith.addf %add3A_4312, %mul3A_4313 : vector<8x128xf32>
        %get3A_4315 = arith.constant 0 : index
        %get3A_4316 = arith.constant 6528 : index
        %get3A_4317 = vector.load %arg4[%get3A_4315, %get3A_4316] : memref<8x8192xf32, #tpu.memory_space<vmem>>, vector<8x128xf32>
        %min3A_4318 = arith.minimumf %get3A_4317, %add3A_4314 : vector<8x128xf32>
        %swap3A_4319 = arith.constant 0 : index
        %swap3A_4320 = arith.constant 6528 : index
        %swap3A_4321 = vector.load %arg4[%swap3A_4319, %swap3A_4320] : memref<8x8192xf32, #tpu.memory_space<vmem>>, vector<8x128xf32>
        tpu.vector_store %arg4[%swap3A_4319, %swap3A_4320], %min3A_4318 {strides = array<i32>} : memref<8x8192xf32, #tpu.memory_space<vmem>>, vector<8x128xf32>,
        %gt3A_4322 = arith.cmpf ogt, %min3A_4318, %max3A_4171 : vector<8x128xf32>
        %add3A_4323 = arith.constant 6528 : i32
        %add3A_4324 = vector.broadcast %add3A_4323 : i32 to vector<8x128xi32>
        %add3A_4325 = arith.addi %iota3A, %add3A_4324 : vector<8x128xi32>
        %select_n3A_4326 = arith.select %gt3A_4322, %add3A_4325, %select_n3A_4170 : vector<8x128xi1>, vector<8x128xi32>
        %max3A_4327 = arith.maximumf %max3A_4171, %min3A_4318 : vector<8x128xf32>
        %get3A_4328 = arith.constant 0 : index
        %get3A_4329 = arith.constant 0 : index
        %get3A_4330 = arith.constant 6656 : index
        %get3A_4331 = vector.load %arg0[%get3A_4328, %get3A_4329, %get3A_4330] : memref<3x8x8192xf32, #tpu.memory_space<vmem>>, vector<1x8x128xf32>
        %get3A_4332 = vector.shape_cast %get3A_4331 : vector<1x8x128xf32> to vector<8x128xf32>
        %sub3A_4333 = vector.broadcast %broadcast_in_dim3A_2275 : vector<8x1xf32> to vector<8x128xf32>
        %sub3A_4334 = arith.subf %get3A_4332, %sub3A_4333 : vector<8x128xf32>
        %get3A_4335 = arith.constant 1 : index
        %get3A_4336 = arith.constant 0 : index
        %get3A_4337 = arith.constant 6656 : index
        %get3A_4338 = vector.load %arg0[%get3A_4335, %get3A_4336, %get3A_4337] : memref<3x8x8192xf32, #tpu.memory_space<vmem>>, vector<1x8x128xf32>
        %get3A_4339 = vector.shape_cast %get3A_4338 : vector<1x8x128xf32> to vector<8x128xf32>
        %sub3A_4340 = vector.broadcast %broadcast_in_dim3A_2281 : vector<8x1xf32> to vector<8x128xf32>
        %sub3A_4341 = arith.subf %get3A_4339, %sub3A_4340 : vector<8x128xf32>
        %get3A_4342 = arith.constant 2 : index
        %get3A_4343 = arith.constant 0 : index
        %get3A_4344 = arith.constant 6656 : index
        %get3A_4345 = vector.load %arg0[%get3A_4342, %get3A_4343, %get3A_4344] : memref<3x8x8192xf32, #tpu.memory_space<vmem>>, vector<1x8x128xf32>
        %get3A_4346 = vector.shape_cast %get3A_4345 : vector<1x8x128xf32> to vector<8x128xf32>
        %sub3A_4347 = vector.broadcast %broadcast_in_dim3A_2287 : vector<8x1xf32> to vector<8x128xf32>
        %sub3A_4348 = arith.subf %get3A_4346, %sub3A_4347 : vector<8x128xf32>
        %mul3A_4349 = arith.mulf %sub3A_4334, %sub3A_4334 : vector<8x128xf32>
        %mul3A_4350 = arith.mulf %sub3A_4348, %sub3A_4348 : vector<8x128xf32>
        %add3A_4351 = arith.addf %mul3A_4349, %mul3A_4350 : vector<8x128xf32>
        %mul3A_4352 = arith.mulf %sub3A_4341, %sub3A_4341 : vector<8x128xf32>
        %add3A_4353 = arith.addf %add3A_4351, %mul3A_4352 : vector<8x128xf32>
        %get3A_4354 = arith.constant 0 : index
        %get3A_4355 = arith.constant 6656 : index
        %get3A_4356 = vector.load %arg4[%get3A_4354, %get3A_4355] : memref<8x8192xf32, #tpu.memory_space<vmem>>, vector<8x128xf32>
        %min3A_4357 = arith.minimumf %get3A_4356, %add3A_4353 : vector<8x128xf32>
        %swap3A_4358 = arith.constant 0 : index
        %swap3A_4359 = arith.constant 6656 : index
        %swap3A_4360 = vector.load %arg4[%swap3A_4358, %swap3A_4359] : memref<8x8192xf32, #tpu.memory_space<vmem>>, vector<8x128xf32>
        tpu.vector_store %arg4[%swap3A_4358, %swap3A_4359], %min3A_4357 {strides = array<i32>} : memref<8x8192xf32, #tpu.memory_space<vmem>>, vector<8x128xf32>,
        %gt3A_4361 = arith.cmpf ogt, %min3A_4357, %max3A_4210 : vector<8x128xf32>
        %add3A_4362 = arith.constant 6656 : i32
        %add3A_4363 = vector.broadcast %add3A_4362 : i32 to vector<8x128xi32>
        %add3A_4364 = arith.addi %iota3A, %add3A_4363 : vector<8x128xi32>
        %select_n3A_4365 = arith.select %gt3A_4361, %add3A_4364, %select_n3A_4209 : vector<8x128xi1>, vector<8x128xi32>
        %max3A_4366 = arith.maximumf %max3A_4210, %min3A_4357 : vector<8x128xf32>
        %get3A_4367 = arith.constant 0 : index
        %get3A_4368 = arith.constant 0 : index
        %get3A_4369 = arith.constant 6784 : index
        %get3A_4370 = vector.load %arg0[%get3A_4367, %get3A_4368, %get3A_4369] : memref<3x8x8192xf32, #tpu.memory_space<vmem>>, vector<1x8x128xf32>
        %get3A_4371 = vector.shape_cast %get3A_4370 : vector<1x8x128xf32> to vector<8x128xf32>
        %sub3A_4372 = vector.broadcast %broadcast_in_dim3A_2275 : vector<8x1xf32> to vector<8x128xf32>
        %sub3A_4373 = arith.subf %get3A_4371, %sub3A_4372 : vector<8x128xf32>
        %get3A_4374 = arith.constant 1 : index
        %get3A_4375 = arith.constant 0 : index
        %get3A_4376 = arith.constant 6784 : index
        %get3A_4377 = vector.load %arg0[%get3A_4374, %get3A_4375, %get3A_4376] : memref<3x8x8192xf32, #tpu.memory_space<vmem>>, vector<1x8x128xf32>
        %get3A_4378 = vector.shape_cast %get3A_4377 : vector<1x8x128xf32> to vector<8x128xf32>
        %sub3A_4379 = vector.broadcast %broadcast_in_dim3A_2281 : vector<8x1xf32> to vector<8x128xf32>
        %sub3A_4380 = arith.subf %get3A_4378, %sub3A_4379 : vector<8x128xf32>
        %get3A_4381 = arith.constant 2 : index
        %get3A_4382 = arith.constant 0 : index
        %get3A_4383 = arith.constant 6784 : index
        %get3A_4384 = vector.load %arg0[%get3A_4381, %get3A_4382, %get3A_4383] : memref<3x8x8192xf32, #tpu.memory_space<vmem>>, vector<1x8x128xf32>
        %get3A_4385 = vector.shape_cast %get3A_4384 : vector<1x8x128xf32> to vector<8x128xf32>
        %sub3A_4386 = vector.broadcast %broadcast_in_dim3A_2287 : vector<8x1xf32> to vector<8x128xf32>
        %sub3A_4387 = arith.subf %get3A_4385, %sub3A_4386 : vector<8x128xf32>
        %mul3A_4388 = arith.mulf %sub3A_4373, %sub3A_4373 : vector<8x128xf32>
        %mul3A_4389 = arith.mulf %sub3A_4387, %sub3A_4387 : vector<8x128xf32>
        %add3A_4390 = arith.addf %mul3A_4388, %mul3A_4389 : vector<8x128xf32>
        %mul3A_4391 = arith.mulf %sub3A_4380, %sub3A_4380 : vector<8x128xf32>
        %add3A_4392 = arith.addf %add3A_4390, %mul3A_4391 : vector<8x128xf32>
        %get3A_4393 = arith.constant 0 : index
        %get3A_4394 = arith.constant 6784 : index
        %get3A_4395 = vector.load %arg4[%get3A_4393, %get3A_4394] : memref<8x8192xf32, #tpu.memory_space<vmem>>, vector<8x128xf32>
        %min3A_4396 = arith.minimumf %get3A_4395, %add3A_4392 : vector<8x128xf32>
        %swap3A_4397 = arith.constant 0 : index
        %swap3A_4398 = arith.constant 6784 : index
        %swap3A_4399 = vector.load %arg4[%swap3A_4397, %swap3A_4398] : memref<8x8192xf32, #tpu.memory_space<vmem>>, vector<8x128xf32>
        tpu.vector_store %arg4[%swap3A_4397, %swap3A_4398], %min3A_4396 {strides = array<i32>} : memref<8x8192xf32, #tpu.memory_space<vmem>>, vector<8x128xf32>,
        %gt3A_4400 = arith.cmpf ogt, %min3A_4396, %max3A_4249 : vector<8x128xf32>
        %add3A_4401 = arith.constant 6784 : i32
        %add3A_4402 = vector.broadcast %add3A_4401 : i32 to vector<8x128xi32>
        %add3A_4403 = arith.addi %iota3A, %add3A_4402 : vector<8x128xi32>
        %select_n3A_4404 = arith.select %gt3A_4400, %add3A_4403, %select_n3A_4248 : vector<8x128xi1>, vector<8x128xi32>
        %max3A_4405 = arith.maximumf %max3A_4249, %min3A_4396 : vector<8x128xf32>
        %get3A_4406 = arith.constant 0 : index
        %get3A_4407 = arith.constant 0 : index
        %get3A_4408 = arith.constant 6912 : index
        %get3A_4409 = vector.load %arg0[%get3A_4406, %get3A_4407, %get3A_4408] : memref<3x8x8192xf32, #tpu.memory_space<vmem>>, vector<1x8x128xf32>
        %get3A_4410 = vector.shape_cast %get3A_4409 : vector<1x8x128xf32> to vector<8x128xf32>
        %sub3A_4411 = vector.broadcast %broadcast_in_dim3A_2275 : vector<8x1xf32> to vector<8x128xf32>
        %sub3A_4412 = arith.subf %get3A_4410, %sub3A_4411 : vector<8x128xf32>
        %get3A_4413 = arith.constant 1 : index
        %get3A_4414 = arith.constant 0 : index
        %get3A_4415 = arith.constant 6912 : index
        %get3A_4416 = vector.load %arg0[%get3A_4413, %get3A_4414, %get3A_4415] : memref<3x8x8192xf32, #tpu.memory_space<vmem>>, vector<1x8x128xf32>
        %get3A_4417 = vector.shape_cast %get3A_4416 : vector<1x8x128xf32> to vector<8x128xf32>
        %sub3A_4418 = vector.broadcast %broadcast_in_dim3A_2281 : vector<8x1xf32> to vector<8x128xf32>
        %sub3A_4419 = arith.subf %get3A_4417, %sub3A_4418 : vector<8x128xf32>
        %get3A_4420 = arith.constant 2 : index
        %get3A_4421 = arith.constant 0 : index
        %get3A_4422 = arith.constant 6912 : index
        %get3A_4423 = vector.load %arg0[%get3A_4420, %get3A_4421, %get3A_4422] : memref<3x8x8192xf32, #tpu.memory_space<vmem>>, vector<1x8x128xf32>
        %get3A_4424 = vector.shape_cast %get3A_4423 : vector<1x8x128xf32> to vector<8x128xf32>
        %sub3A_4425 = vector.broadcast %broadcast_in_dim3A_2287 : vector<8x1xf32> to vector<8x128xf32>
        %sub3A_4426 = arith.subf %get3A_4424, %sub3A_4425 : vector<8x128xf32>
        %mul3A_4427 = arith.mulf %sub3A_4412, %sub3A_4412 : vector<8x128xf32>
        %mul3A_4428 = arith.mulf %sub3A_4426, %sub3A_4426 : vector<8x128xf32>
        %add3A_4429 = arith.addf %mul3A_4427, %mul3A_4428 : vector<8x128xf32>
        %mul3A_4430 = arith.mulf %sub3A_4419, %sub3A_4419 : vector<8x128xf32>
        %add3A_4431 = arith.addf %add3A_4429, %mul3A_4430 : vector<8x128xf32>
        %get3A_4432 = arith.constant 0 : index
        %get3A_4433 = arith.constant 6912 : index
        %get3A_4434 = vector.load %arg4[%get3A_4432, %get3A_4433] : memref<8x8192xf32, #tpu.memory_space<vmem>>, vector<8x128xf32>
        %min3A_4435 = arith.minimumf %get3A_4434, %add3A_4431 : vector<8x128xf32>
        %swap3A_4436 = arith.constant 0 : index
        %swap3A_4437 = arith.constant 6912 : index
        %swap3A_4438 = vector.load %arg4[%swap3A_4436, %swap3A_4437] : memref<8x8192xf32, #tpu.memory_space<vmem>>, vector<8x128xf32>
        tpu.vector_store %arg4[%swap3A_4436, %swap3A_4437], %min3A_4435 {strides = array<i32>} : memref<8x8192xf32, #tpu.memory_space<vmem>>, vector<8x128xf32>,
        %gt3A_4439 = arith.cmpf ogt, %min3A_4435, %max3A_4288 : vector<8x128xf32>
        %add3A_4440 = arith.constant 6912 : i32
        %add3A_4441 = vector.broadcast %add3A_4440 : i32 to vector<8x128xi32>
        %add3A_4442 = arith.addi %iota3A, %add3A_4441 : vector<8x128xi32>
        %select_n3A_4443 = arith.select %gt3A_4439, %add3A_4442, %select_n3A_4287 : vector<8x128xi1>, vector<8x128xi32>
        %max3A_4444 = arith.maximumf %max3A_4288, %min3A_4435 : vector<8x128xf32>
        %get3A_4445 = arith.constant 0 : index
        %get3A_4446 = arith.constant 0 : index
        %get3A_4447 = arith.constant 7040 : index
        %get3A_4448 = vector.load %arg0[%get3A_4445, %get3A_4446, %get3A_4447] : memref<3x8x8192xf32, #tpu.memory_space<vmem>>, vector<1x8x128xf32>
        %get3A_4449 = vector.shape_cast %get3A_4448 : vector<1x8x128xf32> to vector<8x128xf32>
        %sub3A_4450 = vector.broadcast %broadcast_in_dim3A_2275 : vector<8x1xf32> to vector<8x128xf32>
        %sub3A_4451 = arith.subf %get3A_4449, %sub3A_4450 : vector<8x128xf32>
        %get3A_4452 = arith.constant 1 : index
        %get3A_4453 = arith.constant 0 : index
        %get3A_4454 = arith.constant 7040 : index
        %get3A_4455 = vector.load %arg0[%get3A_4452, %get3A_4453, %get3A_4454] : memref<3x8x8192xf32, #tpu.memory_space<vmem>>, vector<1x8x128xf32>
        %get3A_4456 = vector.shape_cast %get3A_4455 : vector<1x8x128xf32> to vector<8x128xf32>
        %sub3A_4457 = vector.broadcast %broadcast_in_dim3A_2281 : vector<8x1xf32> to vector<8x128xf32>
        %sub3A_4458 = arith.subf %get3A_4456, %sub3A_4457 : vector<8x128xf32>
        %get3A_4459 = arith.constant 2 : index
        %get3A_4460 = arith.constant 0 : index
        %get3A_4461 = arith.constant 7040 : index
        %get3A_4462 = vector.load %arg0[%get3A_4459, %get3A_4460, %get3A_4461] : memref<3x8x8192xf32, #tpu.memory_space<vmem>>, vector<1x8x128xf32>
        %get3A_4463 = vector.shape_cast %get3A_4462 : vector<1x8x128xf32> to vector<8x128xf32>
        %sub3A_4464 = vector.broadcast %broadcast_in_dim3A_2287 : vector<8x1xf32> to vector<8x128xf32>
        %sub3A_4465 = arith.subf %get3A_4463, %sub3A_4464 : vector<8x128xf32>
        %mul3A_4466 = arith.mulf %sub3A_4451, %sub3A_4451 : vector<8x128xf32>
        %mul3A_4467 = arith.mulf %sub3A_4465, %sub3A_4465 : vector<8x128xf32>
        %add3A_4468 = arith.addf %mul3A_4466, %mul3A_4467 : vector<8x128xf32>
        %mul3A_4469 = arith.mulf %sub3A_4458, %sub3A_4458 : vector<8x128xf32>
        %add3A_4470 = arith.addf %add3A_4468, %mul3A_4469 : vector<8x128xf32>
        %get3A_4471 = arith.constant 0 : index
        %get3A_4472 = arith.constant 7040 : index
        %get3A_4473 = vector.load %arg4[%get3A_4471, %get3A_4472] : memref<8x8192xf32, #tpu.memory_space<vmem>>, vector<8x128xf32>
        %min3A_4474 = arith.minimumf %get3A_4473, %add3A_4470 : vector<8x128xf32>
        %swap3A_4475 = arith.constant 0 : index
        %swap3A_4476 = arith.constant 7040 : index
        %swap3A_4477 = vector.load %arg4[%swap3A_4475, %swap3A_4476] : memref<8x8192xf32, #tpu.memory_space<vmem>>, vector<8x128xf32>
        tpu.vector_store %arg4[%swap3A_4475, %swap3A_4476], %min3A_4474 {strides = array<i32>} : memref<8x8192xf32, #tpu.memory_space<vmem>>, vector<8x128xf32>,
        %gt3A_4478 = arith.cmpf ogt, %min3A_4474, %max3A_4327 : vector<8x128xf32>
        %add3A_4479 = arith.constant 7040 : i32
        %add3A_4480 = vector.broadcast %add3A_4479 : i32 to vector<8x128xi32>
        %add3A_4481 = arith.addi %iota3A, %add3A_4480 : vector<8x128xi32>
        %select_n3A_4482 = arith.select %gt3A_4478, %add3A_4481, %select_n3A_4326 : vector<8x128xi1>, vector<8x128xi32>
        %max3A_4483 = arith.maximumf %max3A_4327, %min3A_4474 : vector<8x128xf32>
        %get3A_4484 = arith.constant 0 : index
        %get3A_4485 = arith.constant 0 : index
        %get3A_4486 = arith.constant 7168 : index
        %get3A_4487 = vector.load %arg0[%get3A_4484, %get3A_4485, %get3A_4486] : memref<3x8x8192xf32, #tpu.memory_space<vmem>>, vector<1x8x128xf32>
        %get3A_4488 = vector.shape_cast %get3A_4487 : vector<1x8x128xf32> to vector<8x128xf32>
        %sub3A_4489 = vector.broadcast %broadcast_in_dim3A_2275 : vector<8x1xf32> to vector<8x128xf32>
        %sub3A_4490 = arith.subf %get3A_4488, %sub3A_4489 : vector<8x128xf32>
        %get3A_4491 = arith.constant 1 : index
        %get3A_4492 = arith.constant 0 : index
        %get3A_4493 = arith.constant 7168 : index
        %get3A_4494 = vector.load %arg0[%get3A_4491, %get3A_4492, %get3A_4493] : memref<3x8x8192xf32, #tpu.memory_space<vmem>>, vector<1x8x128xf32>
        %get3A_4495 = vector.shape_cast %get3A_4494 : vector<1x8x128xf32> to vector<8x128xf32>
        %sub3A_4496 = vector.broadcast %broadcast_in_dim3A_2281 : vector<8x1xf32> to vector<8x128xf32>
        %sub3A_4497 = arith.subf %get3A_4495, %sub3A_4496 : vector<8x128xf32>
        %get3A_4498 = arith.constant 2 : index
        %get3A_4499 = arith.constant 0 : index
        %get3A_4500 = arith.constant 7168 : index
        %get3A_4501 = vector.load %arg0[%get3A_4498, %get3A_4499, %get3A_4500] : memref<3x8x8192xf32, #tpu.memory_space<vmem>>, vector<1x8x128xf32>
        %get3A_4502 = vector.shape_cast %get3A_4501 : vector<1x8x128xf32> to vector<8x128xf32>
        %sub3A_4503 = vector.broadcast %broadcast_in_dim3A_2287 : vector<8x1xf32> to vector<8x128xf32>
        %sub3A_4504 = arith.subf %get3A_4502, %sub3A_4503 : vector<8x128xf32>
        %mul3A_4505 = arith.mulf %sub3A_4490, %sub3A_4490 : vector<8x128xf32>
        %mul3A_4506 = arith.mulf %sub3A_4504, %sub3A_4504 : vector<8x128xf32>
        %add3A_4507 = arith.addf %mul3A_4505, %mul3A_4506 : vector<8x128xf32>
        %mul3A_4508 = arith.mulf %sub3A_4497, %sub3A_4497 : vector<8x128xf32>
        %add3A_4509 = arith.addf %add3A_4507, %mul3A_4508 : vector<8x128xf32>
        %get3A_4510 = arith.constant 0 : index
        %get3A_4511 = arith.constant 7168 : index
        %get3A_4512 = vector.load %arg4[%get3A_4510, %get3A_4511] : memref<8x8192xf32, #tpu.memory_space<vmem>>, vector<8x128xf32>
        %min3A_4513 = arith.minimumf %get3A_4512, %add3A_4509 : vector<8x128xf32>
        %swap3A_4514 = arith.constant 0 : index
        %swap3A_4515 = arith.constant 7168 : index
        %swap3A_4516 = vector.load %arg4[%swap3A_4514, %swap3A_4515] : memref<8x8192xf32, #tpu.memory_space<vmem>>, vector<8x128xf32>
        tpu.vector_store %arg4[%swap3A_4514, %swap3A_4515], %min3A_4513 {strides = array<i32>} : memref<8x8192xf32, #tpu.memory_space<vmem>>, vector<8x128xf32>,
        %gt3A_4517 = arith.cmpf ogt, %min3A_4513, %max3A_4366 : vector<8x128xf32>
        %add3A_4518 = arith.constant 7168 : i32
        %add3A_4519 = vector.broadcast %add3A_4518 : i32 to vector<8x128xi32>
        %add3A_4520 = arith.addi %iota3A, %add3A_4519 : vector<8x128xi32>
        %select_n3A_4521 = arith.select %gt3A_4517, %add3A_4520, %select_n3A_4365 : vector<8x128xi1>, vector<8x128xi32>
        %max3A_4522 = arith.maximumf %max3A_4366, %min3A_4513 : vector<8x128xf32>
        %get3A_4523 = arith.constant 0 : index
        %get3A_4524 = arith.constant 0 : index
        %get3A_4525 = arith.constant 7296 : index
        %get3A_4526 = vector.load %arg0[%get3A_4523, %get3A_4524, %get3A_4525] : memref<3x8x8192xf32, #tpu.memory_space<vmem>>, vector<1x8x128xf32>
        %get3A_4527 = vector.shape_cast %get3A_4526 : vector<1x8x128xf32> to vector<8x128xf32>
        %sub3A_4528 = vector.broadcast %broadcast_in_dim3A_2275 : vector<8x1xf32> to vector<8x128xf32>
        %sub3A_4529 = arith.subf %get3A_4527, %sub3A_4528 : vector<8x128xf32>
        %get3A_4530 = arith.constant 1 : index
        %get3A_4531 = arith.constant 0 : index
        %get3A_4532 = arith.constant 7296 : index
        %get3A_4533 = vector.load %arg0[%get3A_4530, %get3A_4531, %get3A_4532] : memref<3x8x8192xf32, #tpu.memory_space<vmem>>, vector<1x8x128xf32>
        %get3A_4534 = vector.shape_cast %get3A_4533 : vector<1x8x128xf32> to vector<8x128xf32>
        %sub3A_4535 = vector.broadcast %broadcast_in_dim3A_2281 : vector<8x1xf32> to vector<8x128xf32>
        %sub3A_4536 = arith.subf %get3A_4534, %sub3A_4535 : vector<8x128xf32>
        %get3A_4537 = arith.constant 2 : index
        %get3A_4538 = arith.constant 0 : index
        %get3A_4539 = arith.constant 7296 : index
        %get3A_4540 = vector.load %arg0[%get3A_4537, %get3A_4538, %get3A_4539] : memref<3x8x8192xf32, #tpu.memory_space<vmem>>, vector<1x8x128xf32>
        %get3A_4541 = vector.shape_cast %get3A_4540 : vector<1x8x128xf32> to vector<8x128xf32>
        %sub3A_4542 = vector.broadcast %broadcast_in_dim3A_2287 : vector<8x1xf32> to vector<8x128xf32>
        %sub3A_4543 = arith.subf %get3A_4541, %sub3A_4542 : vector<8x128xf32>
        %mul3A_4544 = arith.mulf %sub3A_4529, %sub3A_4529 : vector<8x128xf32>
        %mul3A_4545 = arith.mulf %sub3A_4543, %sub3A_4543 : vector<8x128xf32>
        %add3A_4546 = arith.addf %mul3A_4544, %mul3A_4545 : vector<8x128xf32>
        %mul3A_4547 = arith.mulf %sub3A_4536, %sub3A_4536 : vector<8x128xf32>
        %add3A_4548 = arith.addf %add3A_4546, %mul3A_4547 : vector<8x128xf32>
        %get3A_4549 = arith.constant 0 : index
        %get3A_4550 = arith.constant 7296 : index
        %get3A_4551 = vector.load %arg4[%get3A_4549, %get3A_4550] : memref<8x8192xf32, #tpu.memory_space<vmem>>, vector<8x128xf32>
        %min3A_4552 = arith.minimumf %get3A_4551, %add3A_4548 : vector<8x128xf32>
        %swap3A_4553 = arith.constant 0 : index
        %swap3A_4554 = arith.constant 7296 : index
        %swap3A_4555 = vector.load %arg4[%swap3A_4553, %swap3A_4554] : memref<8x8192xf32, #tpu.memory_space<vmem>>, vector<8x128xf32>
        tpu.vector_store %arg4[%swap3A_4553, %swap3A_4554], %min3A_4552 {strides = array<i32>} : memref<8x8192xf32, #tpu.memory_space<vmem>>, vector<8x128xf32>,
        %gt3A_4556 = arith.cmpf ogt, %min3A_4552, %max3A_4405 : vector<8x128xf32>
        %add3A_4557 = arith.constant 7296 : i32
        %add3A_4558 = vector.broadcast %add3A_4557 : i32 to vector<8x128xi32>
        %add3A_4559 = arith.addi %iota3A, %add3A_4558 : vector<8x128xi32>
        %select_n3A_4560 = arith.select %gt3A_4556, %add3A_4559, %select_n3A_4404 : vector<8x128xi1>, vector<8x128xi32>
        %max3A_4561 = arith.maximumf %max3A_4405, %min3A_4552 : vector<8x128xf32>
        %get3A_4562 = arith.constant 0 : index
        %get3A_4563 = arith.constant 0 : index
        %get3A_4564 = arith.constant 7424 : index
        %get3A_4565 = vector.load %arg0[%get3A_4562, %get3A_4563, %get3A_4564] : memref<3x8x8192xf32, #tpu.memory_space<vmem>>, vector<1x8x128xf32>
        %get3A_4566 = vector.shape_cast %get3A_4565 : vector<1x8x128xf32> to vector<8x128xf32>
        %sub3A_4567 = vector.broadcast %broadcast_in_dim3A_2275 : vector<8x1xf32> to vector<8x128xf32>
        %sub3A_4568 = arith.subf %get3A_4566, %sub3A_4567 : vector<8x128xf32>
        %get3A_4569 = arith.constant 1 : index
        %get3A_4570 = arith.constant 0 : index
        %get3A_4571 = arith.constant 7424 : index
        %get3A_4572 = vector.load %arg0[%get3A_4569, %get3A_4570, %get3A_4571] : memref<3x8x8192xf32, #tpu.memory_space<vmem>>, vector<1x8x128xf32>
        %get3A_4573 = vector.shape_cast %get3A_4572 : vector<1x8x128xf32> to vector<8x128xf32>
        %sub3A_4574 = vector.broadcast %broadcast_in_dim3A_2281 : vector<8x1xf32> to vector<8x128xf32>
        %sub3A_4575 = arith.subf %get3A_4573, %sub3A_4574 : vector<8x128xf32>
        %get3A_4576 = arith.constant 2 : index
        %get3A_4577 = arith.constant 0 : index
        %get3A_4578 = arith.constant 7424 : index
        %get3A_4579 = vector.load %arg0[%get3A_4576, %get3A_4577, %get3A_4578] : memref<3x8x8192xf32, #tpu.memory_space<vmem>>, vector<1x8x128xf32>
        %get3A_4580 = vector.shape_cast %get3A_4579 : vector<1x8x128xf32> to vector<8x128xf32>
        %sub3A_4581 = vector.broadcast %broadcast_in_dim3A_2287 : vector<8x1xf32> to vector<8x128xf32>
        %sub3A_4582 = arith.subf %get3A_4580, %sub3A_4581 : vector<8x128xf32>
        %mul3A_4583 = arith.mulf %sub3A_4568, %sub3A_4568 : vector<8x128xf32>
        %mul3A_4584 = arith.mulf %sub3A_4582, %sub3A_4582 : vector<8x128xf32>
        %add3A_4585 = arith.addf %mul3A_4583, %mul3A_4584 : vector<8x128xf32>
        %mul3A_4586 = arith.mulf %sub3A_4575, %sub3A_4575 : vector<8x128xf32>
        %add3A_4587 = arith.addf %add3A_4585, %mul3A_4586 : vector<8x128xf32>
        %get3A_4588 = arith.constant 0 : index
        %get3A_4589 = arith.constant 7424 : index
        %get3A_4590 = vector.load %arg4[%get3A_4588, %get3A_4589] : memref<8x8192xf32, #tpu.memory_space<vmem>>, vector<8x128xf32>
        %min3A_4591 = arith.minimumf %get3A_4590, %add3A_4587 : vector<8x128xf32>
        %swap3A_4592 = arith.constant 0 : index
        %swap3A_4593 = arith.constant 7424 : index
        %swap3A_4594 = vector.load %arg4[%swap3A_4592, %swap3A_4593] : memref<8x8192xf32, #tpu.memory_space<vmem>>, vector<8x128xf32>
        tpu.vector_store %arg4[%swap3A_4592, %swap3A_4593], %min3A_4591 {strides = array<i32>} : memref<8x8192xf32, #tpu.memory_space<vmem>>, vector<8x128xf32>,
        %gt3A_4595 = arith.cmpf ogt, %min3A_4591, %max3A_4444 : vector<8x128xf32>
        %add3A_4596 = arith.constant 7424 : i32
        %add3A_4597 = vector.broadcast %add3A_4596 : i32 to vector<8x128xi32>
        %add3A_4598 = arith.addi %iota3A, %add3A_4597 : vector<8x128xi32>
        %select_n3A_4599 = arith.select %gt3A_4595, %add3A_4598, %select_n3A_4443 : vector<8x128xi1>, vector<8x128xi32>
        %max3A_4600 = arith.maximumf %max3A_4444, %min3A_4591 : vector<8x128xf32>
        %get3A_4601 = arith.constant 0 : index
        %get3A_4602 = arith.constant 0 : index
        %get3A_4603 = arith.constant 7552 : index
        %get3A_4604 = vector.load %arg0[%get3A_4601, %get3A_4602, %get3A_4603] : memref<3x8x8192xf32, #tpu.memory_space<vmem>>, vector<1x8x128xf32>
        %get3A_4605 = vector.shape_cast %get3A_4604 : vector<1x8x128xf32> to vector<8x128xf32>
        %sub3A_4606 = vector.broadcast %broadcast_in_dim3A_2275 : vector<8x1xf32> to vector<8x128xf32>
        %sub3A_4607 = arith.subf %get3A_4605, %sub3A_4606 : vector<8x128xf32>
        %get3A_4608 = arith.constant 1 : index
        %get3A_4609 = arith.constant 0 : index
        %get3A_4610 = arith.constant 7552 : index
        %get3A_4611 = vector.load %arg0[%get3A_4608, %get3A_4609, %get3A_4610] : memref<3x8x8192xf32, #tpu.memory_space<vmem>>, vector<1x8x128xf32>
        %get3A_4612 = vector.shape_cast %get3A_4611 : vector<1x8x128xf32> to vector<8x128xf32>
        %sub3A_4613 = vector.broadcast %broadcast_in_dim3A_2281 : vector<8x1xf32> to vector<8x128xf32>
        %sub3A_4614 = arith.subf %get3A_4612, %sub3A_4613 : vector<8x128xf32>
        %get3A_4615 = arith.constant 2 : index
        %get3A_4616 = arith.constant 0 : index
        %get3A_4617 = arith.constant 7552 : index
        %get3A_4618 = vector.load %arg0[%get3A_4615, %get3A_4616, %get3A_4617] : memref<3x8x8192xf32, #tpu.memory_space<vmem>>, vector<1x8x128xf32>
        %get3A_4619 = vector.shape_cast %get3A_4618 : vector<1x8x128xf32> to vector<8x128xf32>
        %sub3A_4620 = vector.broadcast %broadcast_in_dim3A_2287 : vector<8x1xf32> to vector<8x128xf32>
        %sub3A_4621 = arith.subf %get3A_4619, %sub3A_4620 : vector<8x128xf32>
        %mul3A_4622 = arith.mulf %sub3A_4607, %sub3A_4607 : vector<8x128xf32>
        %mul3A_4623 = arith.mulf %sub3A_4621, %sub3A_4621 : vector<8x128xf32>
        %add3A_4624 = arith.addf %mul3A_4622, %mul3A_4623 : vector<8x128xf32>
        %mul3A_4625 = arith.mulf %sub3A_4614, %sub3A_4614 : vector<8x128xf32>
        %add3A_4626 = arith.addf %add3A_4624, %mul3A_4625 : vector<8x128xf32>
        %get3A_4627 = arith.constant 0 : index
        %get3A_4628 = arith.constant 7552 : index
        %get3A_4629 = vector.load %arg4[%get3A_4627, %get3A_4628] : memref<8x8192xf32, #tpu.memory_space<vmem>>, vector<8x128xf32>
        %min3A_4630 = arith.minimumf %get3A_4629, %add3A_4626 : vector<8x128xf32>
        %swap3A_4631 = arith.constant 0 : index
        %swap3A_4632 = arith.constant 7552 : index
        %swap3A_4633 = vector.load %arg4[%swap3A_4631, %swap3A_4632] : memref<8x8192xf32, #tpu.memory_space<vmem>>, vector<8x128xf32>
        tpu.vector_store %arg4[%swap3A_4631, %swap3A_4632], %min3A_4630 {strides = array<i32>} : memref<8x8192xf32, #tpu.memory_space<vmem>>, vector<8x128xf32>,
        %gt3A_4634 = arith.cmpf ogt, %min3A_4630, %max3A_4483 : vector<8x128xf32>
        %add3A_4635 = arith.constant 7552 : i32
        %add3A_4636 = vector.broadcast %add3A_4635 : i32 to vector<8x128xi32>
        %add3A_4637 = arith.addi %iota3A, %add3A_4636 : vector<8x128xi32>
        %select_n3A_4638 = arith.select %gt3A_4634, %add3A_4637, %select_n3A_4482 : vector<8x128xi1>, vector<8x128xi32>
        %max3A_4639 = arith.maximumf %max3A_4483, %min3A_4630 : vector<8x128xf32>
        %get3A_4640 = arith.constant 0 : index
        %get3A_4641 = arith.constant 0 : index
        %get3A_4642 = arith.constant 7680 : index
        %get3A_4643 = vector.load %arg0[%get3A_4640, %get3A_4641, %get3A_4642] : memref<3x8x8192xf32, #tpu.memory_space<vmem>>, vector<1x8x128xf32>
        %get3A_4644 = vector.shape_cast %get3A_4643 : vector<1x8x128xf32> to vector<8x128xf32>
        %sub3A_4645 = vector.broadcast %broadcast_in_dim3A_2275 : vector<8x1xf32> to vector<8x128xf32>
        %sub3A_4646 = arith.subf %get3A_4644, %sub3A_4645 : vector<8x128xf32>
        %get3A_4647 = arith.constant 1 : index
        %get3A_4648 = arith.constant 0 : index
        %get3A_4649 = arith.constant 7680 : index
        %get3A_4650 = vector.load %arg0[%get3A_4647, %get3A_4648, %get3A_4649] : memref<3x8x8192xf32, #tpu.memory_space<vmem>>, vector<1x8x128xf32>
        %get3A_4651 = vector.shape_cast %get3A_4650 : vector<1x8x128xf32> to vector<8x128xf32>
        %sub3A_4652 = vector.broadcast %broadcast_in_dim3A_2281 : vector<8x1xf32> to vector<8x128xf32>
        %sub3A_4653 = arith.subf %get3A_4651, %sub3A_4652 : vector<8x128xf32>
        %get3A_4654 = arith.constant 2 : index
        %get3A_4655 = arith.constant 0 : index
        %get3A_4656 = arith.constant 7680 : index
        %get3A_4657 = vector.load %arg0[%get3A_4654, %get3A_4655, %get3A_4656] : memref<3x8x8192xf32, #tpu.memory_space<vmem>>, vector<1x8x128xf32>
        %get3A_4658 = vector.shape_cast %get3A_4657 : vector<1x8x128xf32> to vector<8x128xf32>
        %sub3A_4659 = vector.broadcast %broadcast_in_dim3A_2287 : vector<8x1xf32> to vector<8x128xf32>
        %sub3A_4660 = arith.subf %get3A_4658, %sub3A_4659 : vector<8x128xf32>
        %mul3A_4661 = arith.mulf %sub3A_4646, %sub3A_4646 : vector<8x128xf32>
        %mul3A_4662 = arith.mulf %sub3A_4660, %sub3A_4660 : vector<8x128xf32>
        %add3A_4663 = arith.addf %mul3A_4661, %mul3A_4662 : vector<8x128xf32>
        %mul3A_4664 = arith.mulf %sub3A_4653, %sub3A_4653 : vector<8x128xf32>
        %add3A_4665 = arith.addf %add3A_4663, %mul3A_4664 : vector<8x128xf32>
        %get3A_4666 = arith.constant 0 : index
        %get3A_4667 = arith.constant 7680 : index
        %get3A_4668 = vector.load %arg4[%get3A_4666, %get3A_4667] : memref<8x8192xf32, #tpu.memory_space<vmem>>, vector<8x128xf32>
        %min3A_4669 = arith.minimumf %get3A_4668, %add3A_4665 : vector<8x128xf32>
        %swap3A_4670 = arith.constant 0 : index
        %swap3A_4671 = arith.constant 7680 : index
        %swap3A_4672 = vector.load %arg4[%swap3A_4670, %swap3A_4671] : memref<8x8192xf32, #tpu.memory_space<vmem>>, vector<8x128xf32>
        tpu.vector_store %arg4[%swap3A_4670, %swap3A_4671], %min3A_4669 {strides = array<i32>} : memref<8x8192xf32, #tpu.memory_space<vmem>>, vector<8x128xf32>,
        %gt3A_4673 = arith.cmpf ogt, %min3A_4669, %max3A_4522 : vector<8x128xf32>
        %add3A_4674 = arith.constant 7680 : i32
        %add3A_4675 = vector.broadcast %add3A_4674 : i32 to vector<8x128xi32>
        %add3A_4676 = arith.addi %iota3A, %add3A_4675 : vector<8x128xi32>
        %select_n3A_4677 = arith.select %gt3A_4673, %add3A_4676, %select_n3A_4521 : vector<8x128xi1>, vector<8x128xi32>
        %max3A_4678 = arith.maximumf %max3A_4522, %min3A_4669 : vector<8x128xf32>
        %get3A_4679 = arith.constant 0 : index
        %get3A_4680 = arith.constant 0 : index
        %get3A_4681 = arith.constant 7808 : index
        %get3A_4682 = vector.load %arg0[%get3A_4679, %get3A_4680, %get3A_4681] : memref<3x8x8192xf32, #tpu.memory_space<vmem>>, vector<1x8x128xf32>
        %get3A_4683 = vector.shape_cast %get3A_4682 : vector<1x8x128xf32> to vector<8x128xf32>
        %sub3A_4684 = vector.broadcast %broadcast_in_dim3A_2275 : vector<8x1xf32> to vector<8x128xf32>
        %sub3A_4685 = arith.subf %get3A_4683, %sub3A_4684 : vector<8x128xf32>
        %get3A_4686 = arith.constant 1 : index
        %get3A_4687 = arith.constant 0 : index
        %get3A_4688 = arith.constant 7808 : index
        %get3A_4689 = vector.load %arg0[%get3A_4686, %get3A_4687, %get3A_4688] : memref<3x8x8192xf32, #tpu.memory_space<vmem>>, vector<1x8x128xf32>
        %get3A_4690 = vector.shape_cast %get3A_4689 : vector<1x8x128xf32> to vector<8x128xf32>
        %sub3A_4691 = vector.broadcast %broadcast_in_dim3A_2281 : vector<8x1xf32> to vector<8x128xf32>
        %sub3A_4692 = arith.subf %get3A_4690, %sub3A_4691 : vector<8x128xf32>
        %get3A_4693 = arith.constant 2 : index
        %get3A_4694 = arith.constant 0 : index
        %get3A_4695 = arith.constant 7808 : index
        %get3A_4696 = vector.load %arg0[%get3A_4693, %get3A_4694, %get3A_4695] : memref<3x8x8192xf32, #tpu.memory_space<vmem>>, vector<1x8x128xf32>
        %get3A_4697 = vector.shape_cast %get3A_4696 : vector<1x8x128xf32> to vector<8x128xf32>
        %sub3A_4698 = vector.broadcast %broadcast_in_dim3A_2287 : vector<8x1xf32> to vector<8x128xf32>
        %sub3A_4699 = arith.subf %get3A_4697, %sub3A_4698 : vector<8x128xf32>
        %mul3A_4700 = arith.mulf %sub3A_4685, %sub3A_4685 : vector<8x128xf32>
        %mul3A_4701 = arith.mulf %sub3A_4699, %sub3A_4699 : vector<8x128xf32>
        %add3A_4702 = arith.addf %mul3A_4700, %mul3A_4701 : vector<8x128xf32>
        %mul3A_4703 = arith.mulf %sub3A_4692, %sub3A_4692 : vector<8x128xf32>
        %add3A_4704 = arith.addf %add3A_4702, %mul3A_4703 : vector<8x128xf32>
        %get3A_4705 = arith.constant 0 : index
        %get3A_4706 = arith.constant 7808 : index
        %get3A_4707 = vector.load %arg4[%get3A_4705, %get3A_4706] : memref<8x8192xf32, #tpu.memory_space<vmem>>, vector<8x128xf32>
        %min3A_4708 = arith.minimumf %get3A_4707, %add3A_4704 : vector<8x128xf32>
        %swap3A_4709 = arith.constant 0 : index
        %swap3A_4710 = arith.constant 7808 : index
        %swap3A_4711 = vector.load %arg4[%swap3A_4709, %swap3A_4710] : memref<8x8192xf32, #tpu.memory_space<vmem>>, vector<8x128xf32>
        tpu.vector_store %arg4[%swap3A_4709, %swap3A_4710], %min3A_4708 {strides = array<i32>} : memref<8x8192xf32, #tpu.memory_space<vmem>>, vector<8x128xf32>,
        %gt3A_4712 = arith.cmpf ogt, %min3A_4708, %max3A_4561 : vector<8x128xf32>
        %add3A_4713 = arith.constant 7808 : i32
        %add3A_4714 = vector.broadcast %add3A_4713 : i32 to vector<8x128xi32>
        %add3A_4715 = arith.addi %iota3A, %add3A_4714 : vector<8x128xi32>
        %select_n3A_4716 = arith.select %gt3A_4712, %add3A_4715, %select_n3A_4560 : vector<8x128xi1>, vector<8x128xi32>
        %max3A_4717 = arith.maximumf %max3A_4561, %min3A_4708 : vector<8x128xf32>
        %get3A_4718 = arith.constant 0 : index
        %get3A_4719 = arith.constant 0 : index
        %get3A_4720 = arith.constant 7936 : index
        %get3A_4721 = vector.load %arg0[%get3A_4718, %get3A_4719, %get3A_4720] : memref<3x8x8192xf32, #tpu.memory_space<vmem>>, vector<1x8x128xf32>
        %get3A_4722 = vector.shape_cast %get3A_4721 : vector<1x8x128xf32> to vector<8x128xf32>
        %sub3A_4723 = vector.broadcast %broadcast_in_dim3A_2275 : vector<8x1xf32> to vector<8x128xf32>
        %sub3A_4724 = arith.subf %get3A_4722, %sub3A_4723 : vector<8x128xf32>
        %get3A_4725 = arith.constant 1 : index
        %get3A_4726 = arith.constant 0 : index
        %get3A_4727 = arith.constant 7936 : index
        %get3A_4728 = vector.load %arg0[%get3A_4725, %get3A_4726, %get3A_4727] : memref<3x8x8192xf32, #tpu.memory_space<vmem>>, vector<1x8x128xf32>
        %get3A_4729 = vector.shape_cast %get3A_4728 : vector<1x8x128xf32> to vector<8x128xf32>
        %sub3A_4730 = vector.broadcast %broadcast_in_dim3A_2281 : vector<8x1xf32> to vector<8x128xf32>
        %sub3A_4731 = arith.subf %get3A_4729, %sub3A_4730 : vector<8x128xf32>
        %get3A_4732 = arith.constant 2 : index
        %get3A_4733 = arith.constant 0 : index
        %get3A_4734 = arith.constant 7936 : index
        %get3A_4735 = vector.load %arg0[%get3A_4732, %get3A_4733, %get3A_4734] : memref<3x8x8192xf32, #tpu.memory_space<vmem>>, vector<1x8x128xf32>
        %get3A_4736 = vector.shape_cast %get3A_4735 : vector<1x8x128xf32> to vector<8x128xf32>
        %sub3A_4737 = vector.broadcast %broadcast_in_dim3A_2287 : vector<8x1xf32> to vector<8x128xf32>
        %sub3A_4738 = arith.subf %get3A_4736, %sub3A_4737 : vector<8x128xf32>
        %mul3A_4739 = arith.mulf %sub3A_4724, %sub3A_4724 : vector<8x128xf32>
        %mul3A_4740 = arith.mulf %sub3A_4738, %sub3A_4738 : vector<8x128xf32>
        %add3A_4741 = arith.addf %mul3A_4739, %mul3A_4740 : vector<8x128xf32>
        %mul3A_4742 = arith.mulf %sub3A_4731, %sub3A_4731 : vector<8x128xf32>
        %add3A_4743 = arith.addf %add3A_4741, %mul3A_4742 : vector<8x128xf32>
        %get3A_4744 = arith.constant 0 : index
        %get3A_4745 = arith.constant 7936 : index
        %get3A_4746 = vector.load %arg4[%get3A_4744, %get3A_4745] : memref<8x8192xf32, #tpu.memory_space<vmem>>, vector<8x128xf32>
        %min3A_4747 = arith.minimumf %get3A_4746, %add3A_4743 : vector<8x128xf32>
        %swap3A_4748 = arith.constant 0 : index
        %swap3A_4749 = arith.constant 7936 : index
        %swap3A_4750 = vector.load %arg4[%swap3A_4748, %swap3A_4749] : memref<8x8192xf32, #tpu.memory_space<vmem>>, vector<8x128xf32>
        tpu.vector_store %arg4[%swap3A_4748, %swap3A_4749], %min3A_4747 {strides = array<i32>} : memref<8x8192xf32, #tpu.memory_space<vmem>>, vector<8x128xf32>,
        %gt3A_4751 = arith.cmpf ogt, %min3A_4747, %max3A_4600 : vector<8x128xf32>
        %add3A_4752 = arith.constant 7936 : i32
        %add3A_4753 = vector.broadcast %add3A_4752 : i32 to vector<8x128xi32>
        %add3A_4754 = arith.addi %iota3A, %add3A_4753 : vector<8x128xi32>
        %select_n3A_4755 = arith.select %gt3A_4751, %add3A_4754, %select_n3A_4599 : vector<8x128xi1>, vector<8x128xi32>
        %max3A_4756 = arith.maximumf %max3A_4600, %min3A_4747 : vector<8x128xf32>
        %get3A_4757 = arith.constant 0 : index
        %get3A_4758 = arith.constant 0 : index
        %get3A_4759 = arith.constant 8064 : index
        %get3A_4760 = vector.load %arg0[%get3A_4757, %get3A_4758, %get3A_4759] : memref<3x8x8192xf32, #tpu.memory_space<vmem>>, vector<1x8x128xf32>
        %get3A_4761 = vector.shape_cast %get3A_4760 : vector<1x8x128xf32> to vector<8x128xf32>
        %sub3A_4762 = vector.broadcast %broadcast_in_dim3A_2275 : vector<8x1xf32> to vector<8x128xf32>
        %sub3A_4763 = arith.subf %get3A_4761, %sub3A_4762 : vector<8x128xf32>
        %get3A_4764 = arith.constant 1 : index
        %get3A_4765 = arith.constant 0 : index
        %get3A_4766 = arith.constant 8064 : index
        %get3A_4767 = vector.load %arg0[%get3A_4764, %get3A_4765, %get3A_4766] : memref<3x8x8192xf32, #tpu.memory_space<vmem>>, vector<1x8x128xf32>
        %get3A_4768 = vector.shape_cast %get3A_4767 : vector<1x8x128xf32> to vector<8x128xf32>
        %sub3A_4769 = vector.broadcast %broadcast_in_dim3A_2281 : vector<8x1xf32> to vector<8x128xf32>
        %sub3A_4770 = arith.subf %get3A_4768, %sub3A_4769 : vector<8x128xf32>
        %get3A_4771 = arith.constant 2 : index
        %get3A_4772 = arith.constant 0 : index
        %get3A_4773 = arith.constant 8064 : index
        %get3A_4774 = vector.load %arg0[%get3A_4771, %get3A_4772, %get3A_4773] : memref<3x8x8192xf32, #tpu.memory_space<vmem>>, vector<1x8x128xf32>
        %get3A_4775 = vector.shape_cast %get3A_4774 : vector<1x8x128xf32> to vector<8x128xf32>
        %sub3A_4776 = vector.broadcast %broadcast_in_dim3A_2287 : vector<8x1xf32> to vector<8x128xf32>
        %sub3A_4777 = arith.subf %get3A_4775, %sub3A_4776 : vector<8x128xf32>
        %mul3A_4778 = arith.mulf %sub3A_4763, %sub3A_4763 : vector<8x128xf32>
        %mul3A_4779 = arith.mulf %sub3A_4777, %sub3A_4777 : vector<8x128xf32>
        %add3A_4780 = arith.addf %mul3A_4778, %mul3A_4779 : vector<8x128xf32>
        %mul3A_4781 = arith.mulf %sub3A_4770, %sub3A_4770 : vector<8x128xf32>
        %add3A_4782 = arith.addf %add3A_4780, %mul3A_4781 : vector<8x128xf32>
        %get3A_4783 = arith.constant 0 : index
        %get3A_4784 = arith.constant 8064 : index
        %get3A_4785 = vector.load %arg4[%get3A_4783, %get3A_4784] : memref<8x8192xf32, #tpu.memory_space<vmem>>, vector<8x128xf32>
        %min3A_4786 = arith.minimumf %get3A_4785, %add3A_4782 : vector<8x128xf32>
        %swap3A_4787 = arith.constant 0 : index
        %swap3A_4788 = arith.constant 8064 : index
        %swap3A_4789 = vector.load %arg4[%swap3A_4787, %swap3A_4788] : memref<8x8192xf32, #tpu.memory_space<vmem>>, vector<8x128xf32>
        tpu.vector_store %arg4[%swap3A_4787, %swap3A_4788], %min3A_4786 {strides = array<i32>} : memref<8x8192xf32, #tpu.memory_space<vmem>>, vector<8x128xf32>,
        %gt3A_4790 = arith.cmpf ogt, %min3A_4786, %max3A_4639 : vector<8x128xf32>
        %add3A_4791 = arith.constant 8064 : i32
        %add3A_4792 = vector.broadcast %add3A_4791 : i32 to vector<8x128xi32>
        %add3A_4793 = arith.addi %iota3A, %add3A_4792 : vector<8x128xi32>
        %select_n3A_4794 = arith.select %gt3A_4790, %add3A_4793, %select_n3A_4638 : vector<8x128xi1>, vector<8x128xi32>
        %max3A_4795 = arith.maximumf %max3A_4639, %min3A_4786 : vector<8x128xf32>
        %max3A_4796 = arith.maximumf %max3A_4678, %max3A_4717 : vector<8x128xf32>
        %max3A_4797 = arith.maximumf %max3A_4756, %max3A_4795 : vector<8x128xf32>
        %max3A_4798 = arith.maximumf %max3A_4796, %max3A_4797 : vector<8x128xf32>
        %reduce_max3A = arith.constant dense<0xFF800000> : vector<8xf32>
        %reduce_max3A_4799 = vector.multi_reduction <maximumf>, %max3A_4798, %reduce_max3A [1] : vector<8x128xf32> to vector<8xf32>
        %broadcast_in_dim3A_4800 = vector.shape_cast %reduce_max3A_4799 : vector<8xf32> to vector<8x1xf32>
        %eq3A_4801 = vector.broadcast %broadcast_in_dim3A_4800 : vector<8x1xf32> to vector<8x128xf32>
        %eq3A_4802 = arith.cmpf oeq, %max3A_4678, %eq3A_4801 : vector<8x128xf32>
        %jit3A_4803 = arith.constant 8192 : i32
        %broadcast_in_dim3A_4804 = vector.broadcast %jit3A_4803 : i32 to vector<8x128xi32>
        %select_n3A_4805 = arith.select %eq3A_4802, %select_n3A_4677, %broadcast_in_dim3A_4804 : vector<8x128xi1>, vector<8x128xi32>
        %eq3A_4806 = vector.broadcast %broadcast_in_dim3A_4800 : vector<8x1xf32> to vector<8x128xf32>
        %eq3A_4807 = arith.cmpf oeq, %max3A_4717, %eq3A_4806 : vector<8x128xf32>
        %jit3A_4808 = arith.constant 8192 : i32
        %broadcast_in_dim3A_4809 = vector.broadcast %jit3A_4808 : i32 to vector<8x128xi32>
        %select_n3A_4810 = arith.select %eq3A_4807, %select_n3A_4716, %broadcast_in_dim3A_4809 : vector<8x128xi1>, vector<8x128xi32>
        %eq3A_4811 = vector.broadcast %broadcast_in_dim3A_4800 : vector<8x1xf32> to vector<8x128xf32>
        %eq3A_4812 = arith.cmpf oeq, %max3A_4756, %eq3A_4811 : vector<8x128xf32>
        %jit3A_4813 = arith.constant 8192 : i32
        %broadcast_in_dim3A_4814 = vector.broadcast %jit3A_4813 : i32 to vector<8x128xi32>
        %select_n3A_4815 = arith.select %eq3A_4812, %select_n3A_4755, %broadcast_in_dim3A_4814 : vector<8x128xi1>, vector<8x128xi32>
        %eq3A_4816 = vector.broadcast %broadcast_in_dim3A_4800 : vector<8x1xf32> to vector<8x128xf32>
        %eq3A_4817 = arith.cmpf oeq, %max3A_4795, %eq3A_4816 : vector<8x128xf32>
        %jit3A_4818 = arith.constant 8192 : i32
        %broadcast_in_dim3A_4819 = vector.broadcast %jit3A_4818 : i32 to vector<8x128xi32>
        %select_n3A_4820 = arith.select %eq3A_4817, %select_n3A_4794, %broadcast_in_dim3A_4819 : vector<8x128xi1>, vector<8x128xi32>
        %min3A_4821 = arith.minsi %select_n3A_4805, %select_n3A_4810 : vector<8x128xi32>
        %min3A_4822 = arith.minsi %select_n3A_4815, %select_n3A_4820 : vector<8x128xi32>
        %min3A_4823 = arith.minsi %min3A_4821, %min3A_4822 : vector<8x128xi32>
        %reduce_min3A = arith.constant dense<2147483647> : vector<8xi32>
        %reduce_min3A_4824 = vector.multi_reduction <minsi>, %min3A_4823, %reduce_min3A [1] : vector<8x128xi32> to vector<8xi32>
        %broadcast_in_dim3A_4825 = vector.shape_cast %reduce_min3A_4824 : vector<8xi32> to vector<8x1xi32>
        scf.yield %broadcast_in_dim3A_4825, %select_n3A_2292, %select_n3A_2295, %select_n3A_2298 : vector<8x1xi32>, vector<8x128xf32>, vector<8x128xf32>, vector<8x128xf32>
      }
      %scan3A_211 = arith.constant 128 : i32
      %mul3A = arith.constant 128 : i32
      %mul3A_212 = arith.muli %scan3A_201, %mul3A : i32
      %multiple_of3A = tpu.assume_multiple %mul3A_212, 128 : i32
      %swap3A_213 = arith.constant 0 : index
      %swap3A_214 = arith.index_cast %multiple_of3A : i32 to index
      %swap3A_215 = vector.load %arg1[%swap3A_213, %swap3A_214] : memref<8x1024xf32, #tpu.memory_space<vmem>>, vector<8x128xf32>
      tpu.vector_store %arg1[%swap3A_213, %swap3A_214], %scan3A_210#1 {strides = array<i32>} : memref<8x1024xf32, #tpu.memory_space<vmem>>, vector<8x128xf32>,
      %swap3A_216 = arith.constant 0 : index
      %swap3A_217 = arith.index_cast %multiple_of3A : i32 to index
      %swap3A_218 = vector.load %arg2[%swap3A_216, %swap3A_217] : memref<8x1024xf32, #tpu.memory_space<vmem>>, vector<8x128xf32>
      tpu.vector_store %arg2[%swap3A_216, %swap3A_217], %scan3A_210#2 {strides = array<i32>} : memref<8x1024xf32, #tpu.memory_space<vmem>>, vector<8x128xf32>,
      %swap3A_219 = arith.constant 0 : index
      %swap3A_220 = arith.index_cast %multiple_of3A : i32 to index
      %swap3A_221 = vector.load %arg3[%swap3A_219, %swap3A_220] : memref<8x1024xf32, #tpu.memory_space<vmem>>, vector<8x128xf32>
      tpu.vector_store %arg3[%swap3A_219, %swap3A_220], %scan3A_210#3 {strides = array<i32>} : memref<8x1024xf32, #tpu.memory_space<vmem>>, vector<8x128xf32>,
      scf.yield %scan3A_210#0, %scan3A_210#1, %scan3A_210#2, %scan3A_210#3 : vector<8x1xi32>, vector<8x128xf32>, vector<8x128xf32>, vector<8x128xf32>
    }
    %scan3A_200 = arith.constant 8 : i32
    return
  }
}

</mosaic_0001>

<sc_bundles>
// kernel: kernel.5.cloned.1.call-start
scs
__scs_entry_jumppad:
0x0: {  	(pc) =	sbr.rel $0x88, $3  }
0x1: {  	(tag) =	ssettag $0x0;
	lr =	simm.s32 $0x1  }
0x2: {  	[smem:$0x3F9B] =	sst lr;
	_ =	strace $0xD0000000  }
0x3: {  	_ = 	snop  }
0x4: {  	_ = 	snop  }
0x5: {  	_ = 	snop  }
0x6: {  	_ = 	snop  }
0x7: {  	_ = 	snop  }
__scs_overlays_trampoline_lowered:
0x8: {  	[smem:$0x3FAA] =	sst s0  }
0x9: {  	[smem:$0x3FAB] =	sst s1  }
0xa: {  	[smem:$0x3FAC] =	sst s2  }
0xb: {  	[smem:$0x3FAD] =	sst s3  }
0xc: {  	[smem:$0x3FAE] =	sst s4  }
0xd: {  	[smem:$0x3FAF] =	sst s5  }
0xe: {  	[smem:$0x3FB0] =	sst s6  }
0xf: {  	[smem:$0x3FB1] =	sst s7  }
0x10: {  	[smem:$0x3FB2] =	sst s8  }
0x11: {  	[smem:$0x3FB3] =	sst s9;
	s0 =	simm.s32 @!p0 $0x0  }
0x12: {  	s1 =	sld [smem:$0x3F99];
	s0 =	simm.s32 @p0 $0x1  }
0x13: {  	[smem:$0x3FB4] =	sst s0;
	s0 =	simm.s32 @!p1 $0x0  }
0x14: {  	s2 =	sld [smem:$0x3F98];
	s0 =	simm.s32 @p1 $0x1  }
0x15: {  	[smem:$0x3FB5] =	sst s0;
	s0 =	simm.s32 @!p2 $0x0  }
0x16: {  	s3 =	sld [smem:$0x3FDB];
	s0 =	simm.s32 @p2 $0x1  }
0x17: {  	s4 =	simm.s32 $0x1BF5;
	[smem:$0x3FB7] =	sst s0  }
0x18: {  	s0 =	sld [smem:$0x3F9A];
	_ =	swait.ge [sflag:s4], $0x0  }
0x19: {  	s7 =	sld [smem:$0x3F9B]  }
0x1a: {  	s8 =	sadd.s32 $0xFFFFE003, lr  }
0x1b: {  	s9 =	sadd.s32 $0xFFFFFEF7, lr;
	s5 =	simm.s32 $0xFFFFFFFF;
	p2 =	slt.u32 s8, $0xFFFFF086  }
0x1c: {  	p1 =	slt.u32 s9, $0xF7A;
	s5 =	simm.s32 @!p2 $0x0  }
0x1d: {  	s5 =	simm.s32 @p1 $0x1;
	p0 =	seq.s32 s7, s2  }
0x1e: {  	s7 =	smul.u32 @!p0 $0xF7A, s2;
	p2 =	seq.s32 @!p0 s5, $0x0  }
0x1f: {  	s9 =	smul.u32 $0xF7A, s1;
	s8 =	simm.s32 @!p0 $0x1BF5;
	p2 =	por !p2, p0  }
0x20: {  	[sflag:s8] =	ssyncset.s32 @!p0 $0xFFFFF086;
	s6 =	sadd.s32 @!p0 s3, s7;
	s7 =	simm.s32 @!p0 $0x108  }
0x21: {  	s3 =	sadd.s32 s3, s9;
	s6 =	sadd.s32 @!p0 $0x88, s6;
	s7 =	simm.s32 @p2 $0x1082  }
0x22: {  	[simem:s7], [sflag:s8] =	dma.local @!p0 [hbm:s6], $0xF7A  }
0x23: {  	s9 =	sor.u32 $0xD0000000, s2;
	s6 =	simm.s32 $0x108;
	_ =	swait.ge @!p0 [sflag:s8], $0x0  }
0x24: {  	s3 =	sadd.s32 $0x88, s3;
	s6 =	simm.s32 @!p1 $0x1082;
	[sflag:s4] =	ssyncset.s32 $0xFFFFF086  }
0x25: {  	[simem:s6], [sflag:s4] =	dma.local [hbm:s3], $0xF7A  }
0x26: {  	[smem:$0x3F9B] =	sst s1;
	(tag) =	ssettag s2;
	_ =	strace s9  }
0x27: {  	s1 =	sld [smem:$0x3FAB]  }
0x28: {  	s2 =	sld [smem:$0x3FAC]  }
0x29: {  	s4 =	sld [smem:$0x3FAE]  }
0x2a: {  	p0 =	seq.s32 s5, $0x0;
	s5 =	sld [smem:$0x3FAF]  }
0x2b: {  	s6 =	sld [smem:$0x3FB0]  }
0x2c: {  	s7 =	sld [smem:$0x3FB1]  }
0x2d: {  	s3 =	simm.s32 $0x108;
	s8 =	sld [smem:$0x3FB2]  }
0x2e: {  	s3 =	simm.s32 @!p0 $0x1082;
	s9 =	sld [smem:$0x3FB3]  }
0x2f: {  	lr =	sadd.s32 s0, s3;
	s0 =	sld [smem:$0x3FAA]  }
0x30: {  	s3 =	sld [smem:$0x3FAD]  }
0x31: {  	[smem:$0x3FB6] =	sst s10  }
0x32: {  	s10 =	sld [smem:$0x3FB4];
	_ =	sdelay $0x3  }
0x33: {  	p0 =	seq.s32 s10, $0x1;
	s10 =	sld [smem:$0x3FB6];
	_ =	sdelay $0x3  }
0x34: {  	[smem:$0x3FB6] =	sst s10  }
0x35: {  	s10 =	sld [smem:$0x3FB5];
	_ =	sdelay $0x3  }
0x36: {  	p1 =	seq.s32 s10, $0x1;
	s10 =	sld [smem:$0x3FB6];
	_ =	sdelay $0x3  }
0x37: {  	[smem:$0x3FB6] =	sst s10  }
0x38: {  	s10 =	sld [smem:$0x3FB7]  }
0x39: {  	_ = 	snop;
	(pc) =	sbr.ind lr, $3  }
0x3a: {  	_ = 	snop  }
0x3b: {  	_ = 	snop  }
0x3c: {  	p2 =	seq.s32 s10, $0x1;
	s10 =	sld [smem:$0x3FB6]  }
0x3d: {  	_ =	shalt  }
0x3e: {  	_ =	shalt  }
0x3f: {  	_ =	shalt  }
0x40: {  	_ =	shalt  }
0x41: {  	_ =	shalt  }
0x42: {  	_ =	shalt  }
0x43: {  	_ =	shalt  }
0x44: {  	_ =	shalt  }
0x45: {  	_ =	shalt  }
0x46: {  	_ =	shalt  }
0x47: {  	_ =	shalt  }
0x48: {  	_ =	shalt  }
0x49: {  	_ =	shalt  }
0x4a: {  	_ =	shalt  }
0x4b: {  	_ =	shalt  }
0x4c: {  	_ =	shalt  }
0x4d: {  	_ =	shalt  }
0x4e: {  	_ =	shalt  }
0x4f: {  	_ =	shalt  }
0x50: {  	_ =	shalt  }
0x51: {  	_ =	shalt  }
0x52: {  	_ =	shalt  }
0x53: {  	_ =	shalt  }
0x54: {  	_ =	shalt  }
0x55: {  	_ =	shalt  }
0x56: {  	_ =	shalt  }
0x57: {  	_ =	shalt  }
0x58: {  	_ =	shalt  }
0x59: {  	_ =	shalt  }
0x5a: {  	_ =	shalt  }
0x5b: {  	_ =	shalt  }
0x5c: {  	_ =	shalt  }
0x5d: {  	_ =	shalt  }
0x5e: {  	_ =	shalt  }
0x5f: {  	_ =	shalt  }
0x60: {  	_ =	shalt  }
0x61: {  	_ =	shalt  }
0x62: {  	_ =	shalt  }
0x63: {  	_ =	shalt  }
0x64: {  	_ =	shalt  }
0x65: {  	_ =	shalt  }
0x66: {  	_ =	shalt  }
0x67: {  	_ =	shalt  }
0x68: {  	_ =	shalt  }
0x69: {  	_ =	shalt  }
0x6a: {  	_ =	shalt  }
0x6b: {  	_ =	shalt  }
0x6c: {  	_ =	shalt  }
0x6d: {  	_ =	shalt  }
0x6e: {  	_ =	shalt  }
0x6f: {  	_ =	shalt  }
0x70: {  	_ =	shalt  }
0x71: {  	_ =	shalt  }
0x72: {  	_ =	shalt  }
0x73: {  	_ =	shalt  }
0x74: {  	_ =	shalt  }
0x75: {  	_ =	shalt  }
0x76: {  	_ =	shalt  }
0x77: {  	_ =	shalt  }
0x78: {  	_ =	shalt  }
0x79: {  	_ =	shalt  }
0x7a: {  	_ =	shalt  }
0x7b: {  	_ =	shalt  }
0x7c: {  	_ =	shalt  }
0x7d: {  	_ =	shalt  }
0x7e: {  	_ =	shalt  }
0x7f: {  	_ =	shalt  }
0x80: {  	_ =	shalt  }
0x81: {  	_ =	shalt  }
0x82: {  	_ =	shalt  }
0x83: {  	_ =	shalt  }
0x84: {  	_ =	shalt  }
0x85: {  	_ =	shalt  }
0x86: {  	_ =	shalt  }
0x87: {  	_ =	shalt  }
.Lfunc_end0:
.L_simem_size_0:
called_computation_lowered:
.L_overlay_start_0:
0x88: {  	s2 =	sld [smem:$0x3FD9]  }
0x89: {  	s3 =	sld [smem:$0x3FFE];
	_ =	sdelay $0x1  }
0x8a: {  	s1 =	srdreg.scid  }
0x8b: {  	s0 =	sand.u32 $0x1, s1  }
0x8c: {  	s14 =	sshll.u32 s0, $0xA;
	s2 =	sadd.s32 s3, s2  }
0x8d: {  	s2 =	sadd.s32 s2, s14  }
0x8e: {  	[smem:$0x3FC2] =	sst s2  }
0x8f: {  	_ = 	snop  }
0x90: {  	s2 =	sld [smem:$0x3FD0];
	_ =	sdelay $0x2  }
0x91: {  	s15 =	simm.s32 $0xA;
	s4 =	simm.s32 $0x10  }
0x92: {  	[smem:s4], [sflag:s15] =	dma.local [hbm:s2], $0x1  }
0x93: {  	_ =	swait.eq [sflag:s15], $0x1  }
0x94: {  	[sflag:s15] =	ssyncset.done $0x0  }
0x95: {  	[sflag:s15] =	ssyncadd.s32 $0xFFFFFFFF  }
0x96: {  	s16 =	sld [smem:$0x11];
	(tm) =	ssettm $0x1  }
0x97: {  	s17 =	sld [smem:$0x3FFB];
	_ =	sdelay $0x3  }
0x98: {  	_ =	strace s17  }
0x99: {  	s3 =	sld [smem:$0x3FFC];
	_ =	sdelay $0x3  }
0x9a: {  	_ =	strace s3  }
0x9b: {  	s3 =	sld [smem:$0x3FFD];
	_ =	sdelay $0x3  }
0x9c: {  	_ =	strace s3  }
0x9d: {  	_ =	strace $0x8FFFFFFF  }
0x9e: {  	s18 =	sld [smem:$0x3FDB];
	_ =	sdelay $0x1  }
0x9f: {  	s19 =	simm.s32 $_scs_section_size  }
0xa0: {  	s5 =	simm.s32 $_size__tile_overlayer_lowered;
	s6 =	simm.s32 $_tile_overlayer_lowered  }
0xa1: {  	s22 =	simm.s32 $0x1BFF;
	s21 =	sshll.u32 s6, $0x1;
	s3 =	sadd.s32 s19, s18  }
0xa2: {  	s7 =	simm.s32 $0x0;
	s20 =	sshll.u32 s5, $0x1;
	s5 =	sadd.s32 s21, s3  }
0xa3: {  	[timem:s7], [sflag:s22] =	dma.local [hbm:s5], s20  }
0xa4: {  	_ =	swait.ge [sflag:s22], s20  }
0xa5: {  	s4 =	ssub.s32 $0x0, s20;
	[sflag:s22] =	ssyncset.done $0x0  }
0xa6: {  	[sflag:s22] =	ssyncadd.s32 s4;
	_ =	sdelay $0x1  }
0xa7: {  	s23 =	simm.s32 $0x1B8B  }
0xa8: {  	_ =	swait.ge [sflag:s23], $0x1  }
0xa9: {  	[sflag:s23] =	ssyncset.done $0x0  }
0xaa: {  	s25 =	simm.s32 $0x1B8E;
	s24 =	sld [smem:$0x3FFE];
	[sflag:s23] =	ssyncadd.s32 $0xFFFFFFFF  }
0xab: {  	s26 =	simm.s32 $execute0_lowered;
	[smem:$0x3FD2] =	sst s25  }
0xac: {  	s5 =	sshll.u32 s26, $0x1;
	_ =	strace $0x80000046;
	[dreg:$0x1] =	wrdreg $0xFFFFFFFF  }
0xad: {  	s28 =	simm.s32 $_size_execute0_lowered;
	s3 =	sadd.s32 s3, s5;
	[dreg:$0x0] =	wrdreg $0x0  }
0xae: {  	s5 =	sshll.u32 s28, $0x1;
	[dreg:$0x2] =	wrdreg s3  }
0xaf: {  	[dreg:$0x3] =	wrdreg s5  }
0xb0: {  	[dreg:$0x4] =	wrdreg $0xC0  }
0xb1: {  	_ =	task [dreg:s7], $0x5FFFF  }
0xb2: {  	[dreg:$0x1] =	wrdreg $0xFFFFFFFF  }
0xb3: {  	[dreg:$0x0] =	wrdreg $0x60  }
0xb4: {  	[dreg:$0x2] =	wrdreg s16  }
0xb5: {  	[dreg:$0x3] =	wrdreg s24  }
0xb6: {  	[dreg:$0x4] =	wrdreg $0x9  }
0xb7: {  	_ =	task.clear_ibuf [dreg:s7], $0x5FFFF;
	_ =	strace $0x90000046  }
0xb8: {  	s29 =	simm.s32 $0x9;
	_ =	strace $0x80000048  }
0xb9: {  	_ =	swait.ge [sflag:s29], $0x1  }
0xba: {  	[sflag:s29] =	ssyncadd.s32 $0xFFFFFFFF  }
0xbb: {  	_ =	strace $0x90000048  }
0xbc: {  	_ =	sfence  }
0xbd: {  	s30 =	sld [smem:$0x0];
	_ =	sdelay $0x2  }
0xbe: {  	s31 =	sshll.u32 s1, $0xD;
	s1 =	sshrl.u32 s1, $0x2  }
0xbf: {  	s3 =	sand.u32 $0x4000, s31;
	s1 =	sadd.s32 s1, s30  }
0xc0: {  	s0 =	sor.u32 s3, s0;
	s1 =	sshll.u32 s1, $0x11  }
0xc1: {  	s0 =	sor.u32 s1, s0  }
0xc2: {  	s0 =	sadd.s32 $0x8F2B, s0  }
0xc3: {  	[sflag:s0] =	ssyncadd.remote.s32 $0x1  }
0xc4: {  	_ =	sfence.sel $0xFFFF  }
0xc5: {  	[dreg:$0x0] =	wrdreg $0xFFFFFFFF;
	(pc) =	sbr.abs _section_cstart, $3  }
0xc6: {  	[dreg:$0x1] =	wrdreg $0xFFFFFFFF  }
0xc7: {  	_ =	task.clear_ibuf [dreg:s7], $0x2FFFF;
	_ =	strace $0x9FFFFFFF  }
0xc8: {  	(tm) =	ssettm $0x7FFFFFFF  }
0xc9: {  	_ =	shalt  }
tec
execute0_lowered:
.L_overlay_start_1:
0x0: {  	(tag) =	ssettag $0x1  }
0x1: {  	s0 =	rddreg [dreg:$0x0]  }
0x2: {  	s1 =	rddreg [dreg:$0x1]  }
0x3: {  	s2 =	simm.s32 $0x0;
	s11 =	stileid.u32;
	s3 =	srdreg.scid  }
0x4: {  	s15 =	simm.s32 $0x5;
	s16 =	simm.s32 $0x2000;
	s17 =	simm.s32 $0x4000  }
0x5: {  	s18 =	simm.s32 $0x6000;
	s28 =	simm.s32 $0x1;
	[smem:$0x7FF] =	sst s2  }
0x6: {  	s6 =	sshrl.u32 s11, $0x1;
	s5 =	sand.u32 $0x1, s3;
	s3 =	sadd.s32 $0x107400, s1  }
0x7: {  	s19 =	sshll.u32 s11, $0x1;
	_ =	strace $0x80000047;
	s7 =	sshll.u32 s6, $0xA  }
0x8: {  	s4 =	sshll.u32 s6, $0x7;
	s10 =	ssub.s32 $0x2, s5;
	s12 =	sand.u32 $0x2, s19  }
0x9: {  	s6 =	sshll.u32 s6, $0xD;
	s19 =	simm.s32 $0x6400;
	s8 =	sadd.s32 s7, s1  }
0xa: {  	s9 =	sadd.s32 s4, s1;
	s20 =	sshrl.u32 s10, $0x1;
	s4 =	sadd.s32 $0x207400, s1  }
0xb: {  	s5 =	sor.u32 s5, s12;
	s0 =	sadd.s32 s0, s7;
	v2 =	vmov s6;
	s6 =	simm.s32 $0x0  }
0xc: {  	s21 =	ssub.s32 s10, s20;
	[dreg:$0x3] =	wrdreg s0;
	s22 =	sadd.s32 $0x2C00, s8  }
0xd: {  	s7 =	sor.u32 s5, s7;
	s23 =	sadd.s32 $0x4C00, s8;
	[dreg:$0x4] =	wrdreg s22  }
0xe: {  	s25 =	sadd.s32 $0x2800, s9;
	s26 =	sadd.s32 $0x107000, s9;
	[dreg:$0x5] =	wrdreg s23  }
0xf: {  	s29 =	sadd.s32 $0x106C00, s9;
	s30 =	sor.u32 $0x7C, s5;
	[dreg:$0x6] =	wrdreg s25  }
0x10: {  	v0 =	vlaneseq.u32;
	s20 =	simm.s32 $0x6800;
	s24 =	sshll.u32 s7, $0x9;
	[dreg:$0x7] =	wrdreg s26;
	v1 =	vmov s30  }
0x11: {  	[dreg:$0x8] =	wrdreg s29;
	s31 =	smax.u32 s21, $0x1;
	s21 =	simm.s32 $0x6C00;
	v3 =	vor.u32 $0x380, v1;
	v1 =	vmul.u32 $0x80, v0  }
0x12: {  	v4 =	vimm.s32 $0x0;
	v5 =	vor.u32 $0x10, v0;
	s22 =	simm.s32 $0x20;
	s23 =	simm.s32 $0x6C80;
	s0 =	sadd.s32 s24, s4  }
0x13: {  	s25 =	simm.s32 $0x6D00;
	[dreg:$0xa] =	wrdreg s31;
	s0 =	sadd.s32 $0x7F800, s0;
	v3 =	vbroadcast v3, $0x0;
	v6 =	vor.u32 $0x1, v1;
	v7 =	vor.u32 $0x2, v1  }
0x14: {  	s26 =	simm.s32 $0x7D80;
	s24 =	simm.s32 $0x6D80;
	[dreg:$0x9] =	wrdreg s0;
	v8 =	vor.u32 $0x800, v1;
	v9 =	vor.u32 $0x801, v1;
	v10 =	vor.u32 $0x802, v1  }
.LBB2_1:
0x15: {  	[dreg:$0xb] =	wrdreg s6  }
0x16: {  	s0 =	rddreg [dreg:$0x3]  }
0x17: {  	[tilespmem:s2], [sflag:$0x5] =	stream.linear.gather [hbm4b:s0+s2], $0x2000, $0x38;
	[tilespmem:$0x8D80] =	vst v63  }
0x18: {  	_ =	swait.ge [sflag:s15], $0x2000  }
0x19: {  	[sflag:s15] =	ssyncset.done $0x0  }
0x1a: {  	s13 =	rddreg [dreg:$0x4];
	[sflag:s15] =	ssyncadd.s32 $0xFFFFE000  }
0x1b: {  	[tilespmem:s16], [sflag:$0x5] =	stream.linear.gather [hbm4b:s13+s2], $0x2000, $0x38;
	[tilespmem:$0x8D80] =	vst v63  }
0x1c: {  	_ =	swait.ge [sflag:s15], $0x2000  }
0x1d: {  	[sflag:s15] =	ssyncset.done $0x0  }
0x1e: {  	s14 =	rddreg [dreg:$0x5];
	[sflag:s15] =	ssyncadd.s32 $0xFFFFE000  }
0x1f: {  	[tilespmem:s17], [sflag:$0x5] =	stream.linear.gather [hbm4b:s14+s2], $0x2000, $0x38;
	[tilespmem:$0x8D80] =	vst v63  }
0x20: {  	_ =	swait.ge [sflag:s15], $0x2000  }
0x21: {  	[sflag:s15] =	ssyncset.done $0x0  }
0x22: {  	s29 =	rddreg [dreg:$0x6];
	[sflag:s15] =	ssyncadd.s32 $0xFFFFE000  }
0x23: {  	[tilespmem:s18], [sflag:$0x5] =	stream.linear.gather [hbm4b:s29+s2], $0x400, $0x38;
	[tilespmem:$0x8D80] =	vst v63  }
0x24: {  	_ =	swait.ge [sflag:s15], $0x400  }
0x25: {  	[sflag:s15] =	ssyncset.done $0x0  }
0x26: {  	s30 =	rddreg [dreg:$0x7];
	[sflag:s15] =	ssyncadd.s32 $0xFFFFFC00  }
0x27: {  	[tilespmem:s19], [sflag:$0x5] =	stream.linear.gather [hbm4b:s30+s2], $0x400, $0x38;
	[tilespmem:$0x8D80] =	vst v63  }
0x28: {  	_ =	swait.ge [sflag:s15], $0x400  }
0x29: {  	[sflag:s15] =	ssyncset.done $0x0  }
0x2a: {  	s31 =	rddreg [dreg:$0x8];
	[sflag:s15] =	ssyncadd.s32 $0xFFFFFC00  }
0x2b: {  	[tilespmem:s20], [sflag:$0x5] =	stream.linear.gather [hbm4b:s31+s2], $0x400, $0x38;
	[tilespmem:$0x8D80] =	vst v63  }
0x2c: {  	_ =	swait.ge [sflag:s15], $0x400  }
0x2d: {  	[sflag:s15] =	ssyncset.done $0x0  }
0x2e: {  	s1 =	simm.s32 $0x0;
	[sflag:s15] =	ssyncadd.s32 $0xFFFFFC00  }
.LBB2_2:
0x2f: {  	s6 =	sshll.u32 s1, $0x3  }
0x30: {  	s8 =	sor.u32 s5, s6  }
0x31: {  	v11 =	vmov s8  }
0x32: {  	v11 =	vbroadcast v11, $0x0;
	_ =	sdelay $0x5  }
0x33: {  	v12 =	vld.idx.msk [tilespmem:v11+s18+$0x0], $0xffff  }
0x34: {  	s14 =	simm.s32 $0x0;
	s10 =	simm.s32 $0x20;
	s11 =	simm.s32 $0x2020;
	v13 =	vld.idx.msk [tilespmem:v11+s19+$0x0], $0xffff  }
0x35: {  	s12 =	simm.s32 $0x4020;
	s13 =	simm.s32 $0x0;
	s9 =	simm.s32 $0x0;
	v14 =	vld.idx.msk [tilespmem:v11+s20+$0x0], $0xffff;
	[tilespmem:$0x6C00] =	vst v4  }
.LBB2_3:
0x36: {  	v15 =	vld [tilespmem:s10+$0xFFFFFFE0]  }
0x37: {  	v16 =	vld [tilespmem:s12+$0xFFFFFFE0]  }
0x38: {  	v17 =	vld [tilespmem:s10+$0xFFFFFFF0]  }
0x39: {  	v18 =	vld [tilespmem:s12+$0xFFFFFFF0]  }
0x3a: {  	v19 =	vld [tilespmem:s11+$0xFFFFFFE0]  }
0x3b: {  	v20 =	vld [tilespmem:s11+$0xFFFFFFF0]  }
0x3c: {  	v21 =	vld [tilespmem:s10+$0x0]  }
0x3d: {  	v22 =	vld [tilespmem:s12+$0x0]  }
0x3e: {  	v23 =	vld [tilespmem:s10+$0x10]  }
0x3f: {  	v24 =	vld [tilespmem:s12+$0x10];
	v15 =	vsub.f32 v15, v12;
	v16 =	vsub.f32 v16, v14  }
0x40: {  	v25 =	vld [tilespmem:s11+$0x0];
	v17 =	vsub.f32 v17, v12;
	v18 =	vsub.f32 v18, v14  }
0x41: {  	v19 =	vsub.f32 v19, v13;
	v53 =	vsub.f32 v20, v13  }
0x42: {  	v52 =	vld [tilespmem:s11+$0x10];
	v54 =	vsub.f32 v21, v12;
	v55 =	vsub.f32 v22, v14;
	v15 =	vmul.f32 v15, v15  }
0x43: {  	v56 =	vsub.f32 v23, v12;
	v16 =	vmul.f32 v16, v16;
	v17 =	vmul.f32 v17, v17  }
0x44: {  	v57 =	vsub.f32 v24, v14;
	v18 =	vmul.f32 v18, v18;
	v19 =	vmul.f32 v19, v19  }
0x45: {  	v58 =	vsub.f32 v25, v13;
	v20 =	vmul.f32 v54, v54;
	v21 =	vmul.f32 v55, v55  }
0x46: {  	v22 =	vmul.f32 v56, v56;
	v23 =	vmul.f32 v57, v57;
	v15 =	vadd.f32 v16, v15  }
0x47: {  	v17 =	vadd.f32 v18, v17;
	v18 =	vmul.f32 v53, v53;
	v16 =	vsub.f32 v52, v13  }
0x48: {  	v60 =	vmul.f32 v58, v58;
	v59 =	vadd.f32 v21, v20;
	v15 =	vadd.f32 v15, v19  }
0x49: {  	v61 =	vadd.f32 v23, v22;
	v17 =	vadd.f32 v17, v18;
	v16 =	vmul.f32 v16, v16  }
0x4a: {  	vm3 =	vle.f32 v15, $3.999999910e-02;
	v15 =	vadd.f32 v59, v60  }
0x4b: {  	vm2 =	vle.f32 v17, $3.999999910e-02;
	v16 =	vadd.f32 v61, v16;
	v62 =	vsel vm3, $0x1, v4  }
0x4c: {  	vm1 =	vle.f32 v15, $3.999999910e-02;
	(xrf0) =	vadd.scan.msk.s32 $0xffff, v62;
	v15 =	vsel vm2, $0x1, v4  }
0x4d: {  	vm0 =	vle.f32 v16, $3.999999910e-02;
	(xrf0) =	vadd.scan.msk.s32 $0xffff, v15;
	v15 =	vsel vm1, $0x1, v4  }
0x4e: {  	(xrf0) =	vadd.scan.msk.s32 $0xffff, v15;
	v15 =	vsel vm0, $0x1, v4  }
0x4f: {  	(xrf0) =	vadd.scan.msk.s32 $0xffff, v15;
	_ =	sdelay $0x2  }
0x50: {  	v15, _, _ =	vpop (xrf0)  }
0x51: {  	v63, _, _ =	vpop (xrf0);
	(v2sf) =	vpush v15, $0xF  }
0x52: {  	v15, _, _ =	vpop (xrf0);
	(v2sf) =	vpush v63, $0xF  }
0x53: {  	(v2sf) =	vpush v15, $0xF;
	v15, _, _ =	vpop (xrf0)  }
0x54: {  	(v2sf) =	vpush v15, $0xF;
	_ =	sdelay $0xb  }
0x55: {  	s29 =	spop (v2sf)  }
0x56: {  	s30 =	spop (v2sf);
	s29 =	sadd.s32 s9, s29  }
0x57: {  	v15 =	vor.u32 s13, v0;
	s31 =	spop (v2sf);
	s30 =	sadd.s32 s29, s30  }
0x58: {  	[tilespmem:s9+$0x6C00] =	vst.msk vm3, v15;
	s31 =	sadd.s32 s30, s31;
	s9 =	spop (v2sf)  }
0x59: {  	s9 =	sadd.s32 s31, s9  }
0x5a: {  	p0 =	sgt.s32 s9, $0x1F  }
0x5b: {  	p1 =	slt.u32 @!p0 s14, $0x7F  }
0x5c: {  	p0 =	por p0, !p1  }
.Ltmp0:
0x5d: {  	s0 =	sadd.s32 $0x10, s13;
	(pc) =	sbr.rel @!p0 .LBB2_3-.Ltmp0, $4  }
0x5e: {  	v15 =	vor.u32 s0, v0;
	s0 =	sadd.s32 $0x20, s13  }
0x5f: {  	[tilespmem:s29+$0x6C00] =	vst.msk vm2, v15;
	s29 =	sadd.s32 $0x30, s13;
	v15 =	vor.u32 s0, v0  }
0x60: {  	s10 =	sadd.s32 $0x40, s10;
	s11 =	sadd.s32 $0x40, s11;
	[tilespmem:s30+$0x6C00] =	vst.msk vm1, v15;
	v15 =	vor.u32 s29, v0  }
0x61: {  	s12 =	sadd.s32 $0x40, s12;
	s13 =	sadd.s32 $0x40, s13;
	[tilespmem:s31+$0x6C00] =	vst.msk vm0, v15;
	s14 =	sadd.s32 $0x1, s14  }
0x62: {  	p0 =	seq.s32 s1, $0x0  }
0x63: {  	s0 =	simm.s32 @!p0 $0x3  }
0x64: {  	_ =	swait.ge @!p0 [sflag:s0], $0x1000  }
0x65: {  	[sflag:s0] =	ssyncset.done @!p0 $0x0  }
0x66: {  	[sflag:s0] =	ssyncadd.s32 @!p0 $0xFFFFF000  }
0x67: {  	v12 =	vld.msk [tilespmem:s21+$0x0], $0xffff  }
0x68: {  	v13 =	vld [tilespmem:$0x6C00]  }
0x69: {  	v14 =	vld [tilespmem:$0x6C10];
	_ =	sdelay $0x1  }
0x6a: {  	v15 =	vmov s9  }
0x6b: {  	vm0 =	vgt.s32 v15, v0  }
0x6c: {  	vm15 =	vgt.s32 v15, v5;
	v13 =	vsel vm0, v13, v12  }
0x6d: {  	v12 =	vsel vm15, v14, v12;
	v13 =	vadd.s32 v2, v13  }
0x6e: {  	v12 =	vadd.s32 v2, v12;
	[tilespmem:$0x6C80] =	vst v13  }
0x6f: {  	s0 =	simm.s32 @!p0 $0x2;
	[tilespmem:$0x6C90] =	vst v12  }
0x70: {  	[tilespmem:s24], [sflag:$0x1] =	stream.indirect.gather [hbm4b:s3+s22], $0x80, s23, s22, $0xb8;
	[tilespmem:$0x8D80] =	vst v63  }
0x71: {  	_ =	swait.ge @!p0 [sflag:s0], $0x1000  }
0x72: {  	[sflag:s0] =	ssyncset.done @!p0 $0x0  }
0x73: {  	[sflag:s0] =	ssyncadd.s32 @!p0 $0xFFFFF000  }
0x74: {  	v12 =	vld @!p0 [tilespmem:$0x6D00];
	_ =	sdelay $0x1  }
0x75: {  	s0 =	sadd.s32 @!p0 $0xFFFFFFFC, s6  }
0x76: {  	s9 =	sor.u32 @!p0 s5, s0  }
0x77: {  	v13 =	vmov @!p0 s9  }
0x78: {  	v14 =	vsub.s32 @!p0 v12, v2  }
0x79: {  	v12 =	vand.u32 @!p0 $0x7F, v12;
	v14 =	vand.u32 @!p0 $0xFFFFFF80, v14  }
0x7a: {  	v12 =	vor.u32 @!p0 v12, v14  }
0x7b: {  	s9 =	simm.s32 @!p0 $0x6000  }
0x7c: {  	v14 =	vld.idx.msk @!p0 [tilespmem:v13+s9+$0x0], $0xffff;
	s9 =	simm.s32 @!p0 $0x6400  }
0x7d: {  	v15 =	vld.idx.msk @!p0 [tilespmem:v13+s9+$0x0], $0xffff;
	s9 =	simm.s32 @!p0 $0x6800  }
0x7e: {  	v13 =	vld.idx.msk @!p0 [tilespmem:v13+s9+$0x0], $0xffff;
	s9 =	simm.s32 @!p0 $0x0  }
0x7f: {  	s10 =	simm.s32 @!p0 $0x2000;
	v17 =	vlaneseq.u32 @!p0;
	v16 =	vld.idx.msk @!p0 [tilespmem:v12+s9+$0x0], $0xffff  }
0x80: {  	s11 =	simm.s32 @!p0 $0x4000;
	v17 =	vmul.u32 @!p0 $0x80, v17;
	v18 =	vld.idx.msk @!p0 [tilespmem:v12+s10+$0x0], $0xffff  }
0x81: {  	v12 =	vld.idx.msk @!p0 [tilespmem:v12+s11+$0x0], $0xffff  }
0x82: {  	v19 =	vor.u32 @!p0 $0x1, v17  }
0x83: {  	v20 =	vor.u32 @!p0 $0x2, v17  }
0x84: {  	v16 =	vsub.f32 @!p0 v16, v14  }
0x85: {  	s12 =	simm.s32 @!p0 $0x7D80;
	v18 =	vsub.f32 @!p0 v18, v15  }
0x86: {  	v12 =	vsub.f32 @!p0 v12, v13;
	[tilespmem:v17+s12+$0x0] =	vst.idx.msk @!p0 $0xffff, v16  }
0x87: {  	[tilespmem:v19+s12+$0x0] =	vst.idx.msk @!p0 $0xffff, v18  }
0x88: {  	[tilespmem:v20+s12+$0x0] =	vst.idx.msk @!p0 $0xffff, v12  }
0x89: {  	v12 =	vld @!p0 [tilespmem:$0x6D10];
	_ =	sdelay $0x4  }
0x8a: {  	v16 =	vsub.s32 @!p0 v12, v2  }
0x8b: {  	v12 =	vand.u32 @!p0 $0x7F, v12;
	v16 =	vand.u32 @!p0 $0xFFFFFF80, v16  }
0x8c: {  	v12 =	vor.u32 @!p0 v12, v16;
	_ =	sdelay $0x4  }
0x8d: {  	v16 =	vld.idx.msk @!p0 [tilespmem:v12+s9+$0x0], $0xffff  }
0x8e: {  	v18 =	vld.idx.msk @!p0 [tilespmem:v12+s10+$0x0], $0xffff  }
0x8f: {  	v19 =	vor.u32 @!p0 $0x800, v17;
	v12 =	vld.idx.msk @!p0 [tilespmem:v12+s11+$0x0], $0xffff  }
0x90: {  	v20 =	vor.u32 @!p0 $0x801, v17  }
0x91: {  	v17 =	vor.u32 @!p0 $0x802, v17  }
0x92: {  	s8 =	sor.u32 $0x4, s8;
	v14 =	vsub.f32 @!p0 v16, v14  }
0x93: {  	v63 =	vmov s8;
	s0 =	sadd.s32 @!p0 s7, s0;
	v15 =	vsub.f32 @!p0 v18, v15  }
0x94: {  	s0 =	sshll.u32 @!p0 s0, $0x9;
	v12 =	vsub.f32 @!p0 v12, v13;
	[tilespmem:v19+s12+$0x0] =	vst.idx.msk @!p0 $0xffff, v14  }
0x95: {  	s0 =	sand.u32 @!p0 $0x1FFFFE00, s0;
	[tilespmem:v20+s12+$0x0] =	vst.idx.msk @!p0 $0xffff, v15  }
0x96: {  	s0 =	sadd.s32 @!p0 s4, s0;
	[tilespmem:v17+s12+$0x0] =	vst.idx.msk @!p0 $0xffff, v12  }
0x97: {  	[hbm4b:s0+s9] =	stream.linear.scatter @!p0 [tilespmem:s12], [sflag:$0x4], $0x1000, $0x38;
	[tilespmem:$0x8D80] =	vst v63  }
0x98: {  	v12 =	vld.idx.msk [tilespmem:v63+s18+$0x0], $0xffff  }
0x99: {  	s13 =	simm.s32 $0x0;
	s8 =	simm.s32 $0x20;
	s10 =	simm.s32 $0x2020;
	v13 =	vld.idx.msk [tilespmem:v63+s19+$0x0], $0xffff  }
0x9a: {  	s11 =	simm.s32 $0x4020;
	s12 =	simm.s32 $0x0;
	s9 =	simm.s32 $0x0;
	v14 =	vld.idx.msk [tilespmem:v63+s20+$0x0], $0xffff;
	[tilespmem:$0x6C00] =	vst v4  }
.LBB2_5:
0x9b: {  	v15 =	vld [tilespmem:s8+$0xFFFFFFE0]  }
0x9c: {  	v16 =	vld [tilespmem:s11+$0xFFFFFFE0]  }
0x9d: {  	v17 =	vld [tilespmem:s8+$0xFFFFFFF0]  }
0x9e: {  	v18 =	vld [tilespmem:s11+$0xFFFFFFF0]  }
0x9f: {  	v19 =	vld [tilespmem:s10+$0xFFFFFFE0]  }
0xa0: {  	v20 =	vld [tilespmem:s10+$0xFFFFFFF0]  }
0xa1: {  	v21 =	vld [tilespmem:s8+$0x0]  }
0xa2: {  	v22 =	vld [tilespmem:s11+$0x0]  }
0xa3: {  	v23 =	vld [tilespmem:s8+$0x10]  }
0xa4: {  	v24 =	vld [tilespmem:s11+$0x10];
	v15 =	vsub.f32 v15, v12;
	v16 =	vsub.f32 v16, v14  }
0xa5: {  	v25 =	vld [tilespmem:s10+$0x0];
	v17 =	vsub.f32 v17, v12;
	v18 =	vsub.f32 v18, v14  }
0xa6: {  	v19 =	vsub.f32 v19, v13;
	v53 =	vsub.f32 v20, v13  }
0xa7: {  	v52 =	vld [tilespmem:s10+$0x10];
	v54 =	vsub.f32 v21, v12;
	v55 =	vsub.f32 v22, v14;
	v15 =	vmul.f32 v15, v15  }
0xa8: {  	v56 =	vsub.f32 v23, v12;
	v16 =	vmul.f32 v16, v16;
	v17 =	vmul.f32 v17, v17  }
0xa9: {  	v57 =	vsub.f32 v24, v14;
	v18 =	vmul.f32 v18, v18;
	v19 =	vmul.f32 v19, v19  }
0xaa: {  	v58 =	vsub.f32 v25, v13;
	v20 =	vmul.f32 v54, v54;
	v21 =	vmul.f32 v55, v55  }
0xab: {  	v22 =	vmul.f32 v56, v56;
	v23 =	vmul.f32 v57, v57;
	v15 =	vadd.f32 v16, v15  }
0xac: {  	v17 =	vadd.f32 v18, v17;
	v18 =	vmul.f32 v53, v53;
	v16 =	vsub.f32 v52, v13  }
0xad: {  	v60 =	vmul.f32 v58, v58;
	v59 =	vadd.f32 v21, v20;
	v15 =	vadd.f32 v15, v19  }
0xae: {  	v61 =	vadd.f32 v23, v22;
	v17 =	vadd.f32 v17, v18;
	v16 =	vmul.f32 v16, v16  }
0xaf: {  	vm3 =	vle.f32 v15, $3.999999910e-02;
	v15 =	vadd.f32 v59, v60  }
0xb0: {  	vm2 =	vle.f32 v17, $3.999999910e-02;
	v16 =	vadd.f32 v61, v16;
	v62 =	vsel vm3, $0x1, v4  }
0xb1: {  	vm1 =	vle.f32 v15, $3.999999910e-02;
	(xrf0) =	vadd.scan.msk.s32 $0xffff, v62;
	v15 =	vsel vm2, $0x1, v4  }
0xb2: {  	vm0 =	vle.f32 v16, $3.999999910e-02;
	(xrf0) =	vadd.scan.msk.s32 $0xffff, v15;
	v15 =	vsel vm1, $0x1, v4  }
0xb3: {  	(xrf0) =	vadd.scan.msk.s32 $0xffff, v15;
	v15 =	vsel vm0, $0x1, v4  }
0xb4: {  	(xrf0) =	vadd.scan.msk.s32 $0xffff, v15;
	_ =	sdelay $0x2  }
0xb5: {  	v15, _, _ =	vpop (xrf0)  }
0xb6: {  	v63, _, _ =	vpop (xrf0);
	(v2sf) =	vpush v15, $0xF  }
0xb7: {  	v15, _, _ =	vpop (xrf0);
	(v2sf) =	vpush v63, $0xF  }
0xb8: {  	(v2sf) =	vpush v15, $0xF;
	v15, _, _ =	vpop (xrf0)  }
0xb9: {  	(v2sf) =	vpush v15, $0xF;
	_ =	sdelay $0xb  }
0xba: {  	s0 =	spop (v2sf)  }
0xbb: {  	s14 =	spop (v2sf);
	s0 =	sadd.s32 s9, s0  }
0xbc: {  	s29 =	spop (v2sf);
	s14 =	sadd.s32 s0, s14  }
0xbd: {  	v15 =	vor.u32 s12, v0;
	s29 =	sadd.s32 s14, s29;
	s31 =	spop (v2sf)  }
0xbe: {  	[tilespmem:s9+$0x6C00] =	vst.msk vm3, v15;
	s9 =	sadd.s32 s29, s31  }
0xbf: {  	p1 =	sgt.s32 s9, $0x1F  }
0xc0: {  	p2 =	slt.u32 @!p1 s13, $0x7F  }
0xc1: {  	p1 =	por p1, !p2  }
.Ltmp1:
0xc2: {  	s30 =	sadd.s32 $0x10, s12;
	(pc) =	sbr.rel @!p1 .LBB2_5-.Ltmp1, $4  }
0xc3: {  	v15 =	vor.u32 s30, v0;
	s30 =	sadd.s32 $0x20, s12  }
0xc4: {  	[tilespmem:s0+$0x6C00] =	vst.msk vm2, v15;
	v15 =	vor.u32 s30, v0;
	s31 =	sadd.s32 $0x30, s12  }
0xc5: {  	s8 =	sadd.s32 $0x40, s8;
	s10 =	sadd.s32 $0x40, s10;
	[tilespmem:s14+$0x6C00] =	vst.msk vm1, v15;
	v15 =	vor.u32 s31, v0  }
0xc6: {  	s11 =	sadd.s32 $0x40, s11;
	s12 =	sadd.s32 $0x40, s12;
	s13 =	sadd.s32 $0x1, s13;
	[tilespmem:s29+$0x6C00] =	vst.msk vm0, v15  }
0xc7: {  	s0 =	simm.s32 @!p0 $0x4  }
0xc8: {  	_ =	swait.ge @!p0 [sflag:s0], $0x1000  }
0xc9: {  	[sflag:s0] =	ssyncset.done @!p0 $0x0  }
0xca: {  	[sflag:s0] =	ssyncadd.s32 @!p0 $0xFFFFF000  }
0xcb: {  	v12 =	vld.msk [tilespmem:s21+$0x0], $0xffff  }
0xcc: {  	v13 =	vld [tilespmem:$0x6C00]  }
0xcd: {  	v14 =	vld [tilespmem:$0x6C10];
	_ =	sdelay $0x1  }
0xce: {  	v15 =	vmov s9  }
0xcf: {  	vm0 =	vgt.s32 v15, v0  }
0xd0: {  	vm15 =	vgt.s32 v15, v5;
	v13 =	vsel vm0, v13, v12  }
0xd1: {  	v12 =	vsel vm15, v14, v12;
	v13 =	vadd.s32 v2, v13  }
0xd2: {  	v12 =	vadd.s32 v2, v12;
	[tilespmem:$0x6D00] =	vst v13  }
0xd3: {  	[tilespmem:$0x6D10] =	vst v12  }
0xd4: {  	[tilespmem:s26], [sflag:$0x2] =	stream.indirect.gather [hbm4b:s3+s22], $0x80, s25, s22, $0xb8;
	[tilespmem:$0x8D80] =	vst v63  }
0xd5: {  	_ =	swait.ge [sflag:s28], $0x1000  }
0xd6: {  	[sflag:s28] =	ssyncset.done $0x0  }
0xd7: {  	[sflag:s28] =	ssyncadd.s32 $0xFFFFF000  }
0xd8: {  	v58 =	vld [tilespmem:$0x6C80];
	_ =	sdelay $0x4  }
0xd9: {  	v59 =	vsub.s32 v58, v2  }
0xda: {  	v12 =	vand.u32 $0x7F, v58;
	v13 =	vand.u32 $0xFFFFFF80, v59  }
0xdb: {  	v12 =	vor.u32 v12, v13;
	_ =	sdelay $0x1  }
0xdc: {  	v60 =	vld.idx.msk [tilespmem:v11+s18+$0x0], $0xffff  }
0xdd: {  	v61 =	vld.idx.msk [tilespmem:v11+s19+$0x0], $0xffff  }
0xde: {  	v11 =	vld.idx.msk [tilespmem:v11+s20+$0x0], $0xffff  }
0xdf: {  	v62 =	vld.idx.msk [tilespmem:v12+s2+$0x0], $0xffff  }
0xe0: {  	v16 =	vld.idx.msk [tilespmem:v12+s16+$0x0], $0xffff  }
0xe1: {  	v12 =	vld.idx.msk [tilespmem:v12+s17+$0x0], $0xffff;
	_ =	sdelay $0x2  }
0xe2: {  	v15 =	vsub.f32 v62, v60  }
0xe3: {  	v16 =	vsub.f32 v16, v61  }
0xe4: {  	v12 =	vsub.f32 v12, v11;
	[tilespmem:v1+s24+$0x0] =	vst.idx.msk $0xffff, v15  }
0xe5: {  	[tilespmem:v6+s24+$0x0] =	vst.idx.msk $0xffff, v16  }
0xe6: {  	[tilespmem:v7+s24+$0x0] =	vst.idx.msk $0xffff, v12  }
0xe7: {  	v12 =	vld [tilespmem:$0x6C90];
	_ =	sdelay $0x4  }
0xe8: {  	v63 =	vsub.s32 v12, v2  }
0xe9: {  	v12 =	vand.u32 $0x7F, v12;
	v15 =	vand.u32 $0xFFFFFF80, v63  }
0xea: {  	v12 =	vor.u32 v12, v15;
	_ =	sdelay $0x4  }
0xeb: {  	v15 =	vld.idx.msk [tilespmem:v12+s2+$0x0], $0xffff  }
0xec: {  	v16 =	vld.idx.msk [tilespmem:v12+s16+$0x0], $0xffff  }
0xed: {  	v12 =	vld.idx.msk [tilespmem:v12+s17+$0x0], $0xffff;
	_ =	sdelay $0x1  }
0xee: {  	s1 =	sadd.s32 $0x1, s1  }
0xef: {  	p0 =	sne.s32 s1, $0x80;
	v13 =	vsub.f32 v15, v60  }
.Ltmp2:
0xf0: {  	s31 =	sor.u32 s7, s6;
	v14 =	vsub.f32 v16, v61;
	(pc) =	sbr.rel @p0 .LBB2_2-.Ltmp2, $4  }
0xf1: {  	s0 =	sshll.u32 s31, $0x9;
	v11 =	vsub.f32 v12, v11;
	[tilespmem:v8+s24+$0x0] =	vst.idx.msk $0xffff, v13  }
0xf2: {  	s0 =	sand.u32 $0x1FFFF600, s0;
	[tilespmem:v9+s24+$0x0] =	vst.idx.msk $0xffff, v14  }
0xf3: {  	s0 =	sadd.s32 s4, s0;
	[tilespmem:v10+s24+$0x0] =	vst.idx.msk $0xffff, v11  }
0xf4: {  	[hbm4b:s0+s2] =	stream.linear.scatter [tilespmem:s24], [sflag:$0x3], $0x1000, $0x38;
	[tilespmem:$0x8D80] =	vst v63  }
0xf5: {  	s0 =	simm.s32 $0x2  }
0xf6: {  	_ =	swait.ge [sflag:s0], $0x1000  }
0xf7: {  	[sflag:s0] =	ssyncset.done $0x0  }
0xf8: {  	[sflag:s0] =	ssyncadd.s32 $0xFFFFF000  }
0xf9: {  	v11 =	vld [tilespmem:$0x6D00];
	_ =	sdelay $0x4  }
0xfa: {  	v12 =	vsub.s32 v11, v2  }
0xfb: {  	v11 =	vand.u32 $0x7F, v11;
	v12 =	vand.u32 $0xFFFFFF80, v12  }
0xfc: {  	v11 =	vor.u32 v11, v12;
	_ =	sdelay $0x1  }
0xfd: {  	v62 =	vld.idx.msk [tilespmem:v3+s18+$0x0], $0xffff  }
0xfe: {  	v13 =	vld.idx.msk [tilespmem:v3+s19+$0x0], $0xffff  }
0xff: {  	v14 =	vld.idx.msk [tilespmem:v3+s20+$0x0], $0xffff  }
0x100: {  	v15 =	vld.idx.msk [tilespmem:v11+s2+$0x0], $0xffff  }
0x101: {  	v16 =	vld.idx.msk [tilespmem:v11+s16+$0x0], $0xffff  }
0x102: {  	v11 =	vld.idx.msk [tilespmem:v11+s17+$0x0], $0xffff;
	_ =	sdelay $0x2  }
0x103: {  	v15 =	vsub.f32 v15, v62  }
0x104: {  	v16 =	vsub.f32 v16, v13  }
0x105: {  	v11 =	vsub.f32 v11, v14;
	[tilespmem:v1+s26+$0x0] =	vst.idx.msk $0xffff, v15  }
0x106: {  	[tilespmem:v6+s26+$0x0] =	vst.idx.msk $0xffff, v16  }
0x107: {  	[tilespmem:v7+s26+$0x0] =	vst.idx.msk $0xffff, v11  }
0x108: {  	v11 =	vld [tilespmem:$0x6D10];
	_ =	sdelay $0x4  }
0x109: {  	v63 =	vsub.s32 v11, v2  }
0x10a: {  	v11 =	vand.u32 $0x7F, v11;
	v15 =	vand.u32 $0xFFFFFF80, v63  }
0x10b: {  	v11 =	vor.u32 v11, v15;
	_ =	sdelay $0x4  }
0x10c: {  	v15 =	vld.idx.msk [tilespmem:v11+s2+$0x0], $0xffff  }
0x10d: {  	v16 =	vld.idx.msk [tilespmem:v11+s16+$0x0], $0xffff  }
0x10e: {  	v11 =	vld.idx.msk [tilespmem:v11+s17+$0x0], $0xffff;
	_ =	sdelay $0x2  }
0x10f: {  	v12 =	vsub.f32 v15, v62  }
0x110: {  	v13 =	vsub.f32 v16, v13  }
0x111: {  	v11 =	vsub.f32 v11, v14;
	[tilespmem:v8+s26+$0x0] =	vst.idx.msk $0xffff, v12  }
0x112: {  	[tilespmem:v9+s26+$0x0] =	vst.idx.msk $0xffff, v13  }
0x113: {  	s30 =	simm.s32 $0x3;
	s29 =	rddreg [dreg:$0x9];
	[tilespmem:v10+s26+$0x0] =	vst.idx.msk $0xffff, v11  }
0x114: {  	[hbm4b:s29+s2] =	stream.linear.scatter [tilespmem:s26], [sflag:$0x4], $0x1000, $0x38;
	[tilespmem:$0x8D80] =	vst v63  }
0x115: {  	_ =	swait.ge [sflag:s30], $0x1000  }
0x116: {  	[sflag:s30] =	ssyncset.done $0x0  }
0x117: {  	s1 =	simm.s32 $0x4;
	[sflag:s30] =	ssyncadd.s32 $0xFFFFF000  }
0x118: {  	_ =	swait.ge [sflag:s1], $0x1000  }
0x119: {  	s6 =	rddreg [dreg:$0xb]  }
0x11a: {  	s31 =	rddreg [dreg:$0xa];
	s6 =	sadd.s32 $0x1, s6  }
0x11b: {  	p0 =	sne.s32 s6, s31  }
.Ltmp3:
0x11c: {  	_ = 	snop;
	(pc) =	sbr.rel @p0 .LBB2_1-.Ltmp3, $3  }
0x11d: {  	_ =	sdelay $0x1  }
0x11e: {  	[sflag:s1] =	ssyncset.done $0x0  }
0x11f: {  	[sflag:s1] =	ssyncadd.s32 $0xFFFFF000  }
0x120: {  	_ =	sfence.sel $0x180000  }
0x121: {  	[bflag:$0x0] =	sbarrier.arrive $0xFFFF  }
0x122: {  	_ =	strace $0x90000047  }
0x123: {  	s0 =	stileid.u32;
	[bflag:$0x2] =	sbarrier.arrive $0xFFFF  }
0x124: {  	p0 =	sne.s32 s0, $0x0;
	s0 =	rddreg [dreg:$0x2]  }
0x125: {  	s0 =	sadd.s32 @!p0 $0x100000, s0  }
0x126: {  	[sflag:s0] =	ssyncadd.tile.s32 @!p0 $0x1;
	_ =	shalt  }
.Lfunc_end2:
_tile_overlayer_lowered:
.L_overlay_start_2:
0x127: {  	(tag) =	ssettag $0x2  }
0x128: {  	s0 =	rddreg [dreg:$0x0];
	s2 =	stileid.u32  }
0x129: {  	s1 =	rddreg [dreg:$0x1];
	p0 =	sne.s32 s2, $0x0  }
0x12a: {  	s3 =	rddreg [dreg:$0x2];
	[bflag:$0x3] =	sbarrier.arrive $0xFFFF;
	s2 =	simm.s32 @!p0 $0x1C05  }
0x12b: {  	[timem:s3], [sflag:s2] =	dma.local @!p0 [hbm:s0], s1  }
0x12c: {  	s0 =	simm.s32 @!p0 $0x5  }
0x12d: {  	_ =	swait.ge @!p0 [sflag:s0], s1  }
0x12e: {  	s1 =	ssub.s32 @!p0 $0x0, s1;
	[sflag:s0] =	ssyncset.done @!p0 $0x0  }
0x12f: {  	[sflag:s0] =	ssyncadd.s32 @!p0 s1  }
0x130: {  	[bflag:$0x3] =	sbarrier.arrive $0xFFFF  }
0x131: {  	_ =	shalt  }

</sc_bundles>
